<compile_context>
chip_gen: v7x
topology: tpu7x:2x2x1
jax: 0.10.2.dev20260603
libtpu: 0.0.44.dev20260713+nightly
codegen_flags: <defaults>
</compile_context>

<pallas_src>
import functools

import jax
import jax.numpy as jnp
from jax import lax
from jax.experimental import pallas as pl
from jax.experimental.pallas import tpu as pltpu
from jax.experimental.pallas import tpu_sc as plsc

N = 10000
D = 128
R = 10240
NC = 2
NS = 16
NW = NC * NS
CH = 128
NCHUNK = 80
E_PAD = NW * NCHUNK * CH
TOT_CHUNK = E_PAD // CH
CPW0 = 152
CPW1 = 2 * NCHUNK - CPW0
ROWS_PER_TILE = R // NS

_MESH = plsc.VectorSubcoreMesh(
    core_axis_name="c", subcore_axis_name="s", num_cores=NC, num_subcores=NS)


_PH = 32


def _chunk_start(c, s):
  return jnp.where(c == 0, s * CPW0, NS * CPW0 + s * CPW1)


def _phase_sizes(cnt):
  sizes = [_PH] * (cnt // _PH)
  if cnt % _PH:
    sizes.append(cnt % _PH)
  return sizes


@functools.partial(
    pl.kernel,
    out_type=(
        jax.ShapeDtypeStruct((NW * R,), jnp.float32),
        jax.ShapeDtypeStruct((NW * R,), jnp.float32),
    ),
    mesh=_MESH,
    scratch_types=[
        pltpu.VMEM((_PH, CH), jnp.int32),
        pltpu.VMEM((_PH, CH), jnp.int32),
        pltpu.VMEM((R,), jnp.float32),
        pltpu.VMEM((R,), jnp.float32),
    ],
    compiler_params=pltpu.CompilerParams(needs_layout_passes=False),
)
def _deg_kernel(src_hbm, dst_hbm, od_out, id_out,
                src_v, dst_v, od_h, id_h):
  c = lax.axis_index("c")
  s = lax.axis_index("s")
  w = c * NS + s
  start = _chunk_start(c, s)

  zero = jnp.zeros((16,), jnp.float32)

  def zbody(i, carry):
    od_h[pl.ds(i * 16, 16)] = zero
    id_h[pl.ds(i * 16, 16)] = zero
    return carry

  lax.fori_loop(0, R // 16, zbody, 0)

  ones = jnp.ones((16,), jnp.float32)

  def hist_phases(cnt):
    done = 0
    for sz in _phase_sizes(cnt):
      base = start + done
      pltpu.sync_copy(src_hbm.at[pl.ds(base, sz)], src_v.at[pl.ds(0, sz)])
      pltpu.sync_copy(dst_hbm.at[pl.ds(base, sz)], dst_v.at[pl.ds(0, sz)])

      def ebody(j, carry):
        for k in range(CH // 16):
          sidx = src_v[j, pl.ds(k * 16, 16)]
          plsc.addupdate_scatter(od_h, [sidx], ones)
          didx = dst_v[j, pl.ds(k * 16, 16)]
          plsc.addupdate_scatter(id_h, [didx], ones)
        return carry

      lax.fori_loop(0, sz, ebody, 0)
      done += sz

  @pl.when(c == 0)
  def _():
    hist_phases(CPW0)

  @pl.when(c == 1)
  def _():
    hist_phases(CPW1)

  pltpu.sync_copy(od_h, od_out.at[pl.ds(w * R, R)])
  pltpu.sync_copy(id_h, id_out.at[pl.ds(w * R, R)])


@functools.partial(
    pl.kernel,
    out_type=jax.ShapeDtypeStruct((NC, R, D), jnp.float32),
    mesh=_MESH,
    scratch_types=[
        pltpu.VMEM((_PH, CH), jnp.int32),
        pltpu.VMEM((_PH, CH), jnp.int32),
        pltpu.VMEM((CH, D), jnp.float32),
        pltpu.VMEM((CH, D), jnp.float32),
        pltpu.VMEM_SHARED((R, D), jnp.float32),
        pltpu.SemaphoreType.DMA,
        pltpu.SemaphoreType.DMA,
        pltpu.SemaphoreType.DMA,
        pltpu.SemaphoreType.DMA,
    ],
    compiler_params=pltpu.CompilerParams(needs_layout_passes=False),
)
def _spmm_kernel(x_hbm, src_hbm, dst_hbm,
                 out_hbm,
                 src_v, dst_v, rows0_v, rows1_v, acc_s, sem0, sem1,
                 ssem0, ssem1):
  c = lax.axis_index("c")
  s = lax.axis_index("s")
  row0 = s * ROWS_PER_TILE
  start = _chunk_start(c, s)

  zero16 = jnp.zeros((16,), jnp.float32)

  def zb(j, carry):
    for k in range(D // 16):
      rows0_v[j, pl.ds(k * 16, 16)] = zero16
    return carry

  lax.fori_loop(0, CH, zb, 0)
  for t in range(ROWS_PER_TILE // CH):
    pltpu.sync_copy(rows0_v, acc_s.at[pl.ds(row0 + t * CH, CH)])
  plsc.subcore_barrier()

  def edge_phases(cnt):
    done = 0
    for sz in _phase_sizes(cnt):
      base = start + done
      pltpu.sync_copy(src_hbm.at[pl.ds(base, sz)], src_v.at[pl.ds(0, sz)])
      pltpu.sync_copy(dst_hbm.at[pl.ds(base, sz)], dst_v.at[pl.ds(0, sz)])
      pltpu.async_copy(x_hbm.at[src_v.at[0]], rows0_v, sem0)
      pltpu.async_copy(x_hbm.at[src_v.at[1]], rows1_v, sem1)

      def body(i, carry):
        j0 = 2 * i
        pltpu.make_async_copy(x_hbm.at[src_v.at[j0]], rows0_v, sem0).wait()
        pltpu.async_copy(rows0_v, acc_s.at[dst_v.at[j0]], ssem0, add=True)
        pltpu.make_async_copy(x_hbm.at[src_v.at[j0 + 1]], rows1_v, sem1).wait()
        pltpu.async_copy(rows1_v, acc_s.at[dst_v.at[j0 + 1]], ssem1, add=True)

        pltpu.make_async_copy(rows0_v, acc_s.at[dst_v.at[j0]], ssem0).wait()

        @pl.when(j0 + 2 < sz)
        def _():
          pltpu.async_copy(x_hbm.at[src_v.at[j0 + 2]], rows0_v, sem0)

        pltpu.make_async_copy(rows1_v, acc_s.at[dst_v.at[j0 + 1]],
                              ssem1).wait()

        @pl.when(j0 + 3 < sz)
        def _():
          pltpu.async_copy(x_hbm.at[src_v.at[j0 + 3]], rows1_v, sem1)

        return carry

      lax.fori_loop(0, sz // 2, body, 0)
      done += sz

  @pl.when(c == 0)
  def _():
    edge_phases(CPW0)

  @pl.when(c == 1)
  def _():
    edge_phases(CPW1)
  plsc.subcore_barrier()
  sl = pl.ds(row0, ROWS_PER_TILE)
  pltpu.sync_copy(acc_s.at[sl], out_hbm.at[c, sl])


_BLK = 2048
_NBLK = R // _BLK


def _colsum(ref):
  s = jnp.sum(ref[...], axis=0, keepdims=True)
  return lax.transpose(s, (1, 0))


def _layer1_body(h_ref, od_ref, mask_ref, w_ref, out_ref):
  od = _colsum(od_ref)
  ns = lax.rsqrt(jnp.maximum(od, 1.0)) * mask_ref[...]
  x = h_ref[...] * ns
  out_ref[...] = lax.dot_general(
      x, w_ref[...], (((1,), (0,)), ((), ())),
      preferred_element_type=jnp.float32)


def _tc_layer1(h_pad, od2d, mask, W1):
  return pl.pallas_call(
      _layer1_body,
      grid=(_NBLK,),
      in_specs=[
          pl.BlockSpec((_BLK, D), lambda i: (i, 0)),
          pl.BlockSpec((NW, _BLK), lambda i: (0, i)),
          pl.BlockSpec((_BLK, 1), lambda i: (i, 0)),
          pl.BlockSpec((D, D), lambda i: (0, 0)),
      ],
      out_specs=pl.BlockSpec((_BLK, D), lambda i: (i, 0)),
      out_shape=jax.ShapeDtypeStruct((R, D), jnp.float32),
  )(h_pad, od2d, mask, W1)


def _layer2_body(agg_ref, od_ref, id_ref, mask_ref, b_ref, w_ref, out_ref):
  a = agg_ref[0] + agg_ref[1]
  nd = lax.rsqrt(jnp.maximum(_colsum(id_ref), 1.0))
  y = jnp.maximum(a * nd + b_ref[...], 0.0)
  ns = lax.rsqrt(jnp.maximum(_colsum(od_ref), 1.0)) * mask_ref[...]
  out_ref[...] = lax.dot_general(
      y * ns, w_ref[...], (((1,), (0,)), ((), ())),
      preferred_element_type=jnp.float32)


def _tc_layer2(agg1, od2d, id2d, mask, b1, W2):
  return pl.pallas_call(
      _layer2_body,
      grid=(_NBLK,),
      in_specs=[
          pl.BlockSpec((NC, _BLK, D), lambda i: (0, i, 0)),
          pl.BlockSpec((NW, _BLK), lambda i: (0, i)),
          pl.BlockSpec((NW, _BLK), lambda i: (0, i)),
          pl.BlockSpec((_BLK, 1), lambda i: (i, 0)),
          pl.BlockSpec((1, D), lambda i: (0, 0)),
          pl.BlockSpec((D, D), lambda i: (0, 0)),
      ],
      out_specs=pl.BlockSpec((_BLK, D), lambda i: (i, 0)),
      out_shape=jax.ShapeDtypeStruct((R, D), jnp.float32),
  )(agg1, od2d, id2d, mask, b1, W2)


def _head_body(agg_ref, id_ref, mask_ref, b_ref, wfc_ref, bfc_ref, out_ref,
               acc_ref):
  i = pl.program_id(0)

  @pl.when(i == 0)
  def _():
    acc_ref[...] = jnp.zeros_like(acc_ref)

  a = agg_ref[0] + agg_ref[1]
  nd = lax.rsqrt(jnp.maximum(_colsum(id_ref), 1.0))
  y = jnp.maximum(a * nd + b_ref[...], 0.0) * mask_ref[...]
  acc_ref[...] += jnp.sum(y, axis=0, keepdims=True)

  @pl.when(i == _NBLK - 1)
  def _():
    pooled = acc_ref[...] * (1.0 / N)
    out_ref[...] = jnp.sum(pooled * wfc_ref[...], axis=1, keepdims=True) \
        + bfc_ref[...]


def _tc_head(agg2, id2d, mask, b2, wfcT, bfc):
  return pl.pallas_call(
      _head_body,
      grid=(_NBLK,),
      in_specs=[
          pl.BlockSpec((NC, _BLK, D), lambda i: (0, i, 0)),
          pl.BlockSpec((NW, _BLK), lambda i: (0, i)),
          pl.BlockSpec((_BLK, 1), lambda i: (i, 0)),
          pl.BlockSpec((1, D), lambda i: (0, 0)),
          pl.BlockSpec((1, D), lambda i: (0, 0)),
          pl.BlockSpec((1, 1), lambda i: (0, 0)),
      ],
      out_specs=pl.BlockSpec((1, 1), lambda i: (0, 0)),
      out_shape=jax.ShapeDtypeStruct((1, 1), jnp.float32),
      scratch_shapes=[pltpu.VMEM((1, D), jnp.float32)],
  )(agg2, id2d, mask, b2, wfcT, bfc)


def kernel(h, edge_index, W1, b1, W2, b2, Wfc, bfc):
  ei = edge_index.astype(jnp.int32)
  pad = jnp.full((E_PAD - ei.shape[1],), N, dtype=jnp.int32)
  src = jnp.concatenate([ei[0], pad]).reshape(TOT_CHUNK, CH)
  dst = jnp.concatenate([ei[1], pad]).reshape(TOT_CHUNK, CH)
  h_pad = jnp.pad(h, ((0, R - N), (0, 0)))
  mask = jnp.pad(jnp.ones((N, 1), jnp.float32), ((0, R - N), (0, 0)))

  od1, id1 = _deg_kernel(src, dst)
  od2d = od1.reshape(NW, R)
  id2d = id1.reshape(NW, R)

  xw1 = _tc_layer1(h_pad, od2d, mask, W1)
  agg1 = _spmm_kernel(xw1, src, dst)
  xw2 = _tc_layer2(agg1, od2d, id2d, mask, b1.reshape(1, D), W2)
  agg2 = _spmm_kernel(xw2, src, dst)
  out = _tc_head(agg2, id2d, mask, b2.reshape(1, D), Wfc.reshape(1, D),
                 bfc.reshape(1, 1))
  return out.reshape(1)

# --- scband reference (transcript-rebuilt; emitter-appended) ---
"""Pipeline reference for scband-simple-gnn-4655744549004 (READ-ONLY COPY).

The authoritative reference and input builder live on the scoring server;
editing this copy changes nothing except your own understanding.
"""

import jax, jax.numpy as jnp
import numpy as np

N_NODES = 10000
N_EDGES = 320000
IN_FEATS = 128
HIDDEN = 128


def setup_inputs(seed: int = 0) -> dict:
    key = jax.random.key(seed)
    k_h, k_e, k_w1, k_w2, k_wfc = jax.random.split(key, 5)
    h = jax.random.normal(k_h, (N_NODES, IN_FEATS), dtype=jnp.float32)
    edge_index = jax.random.randint(k_e, (2, N_EDGES), 0, N_NODES, dtype=jnp.int64)
    # GraphConv weights (Glorot-ish scale) and biases
    W1 = jax.random.normal(k_w1, (IN_FEATS, HIDDEN), dtype=jnp.float32) * (1.0 / np.sqrt(IN_FEATS))
    b1 = jnp.zeros((HIDDEN,), dtype=jnp.float32)
    W2 = jax.random.normal(k_w2, (HIDDEN, HIDDEN), dtype=jnp.float32) * (1.0 / np.sqrt(HIDDEN))
    b2 = jnp.zeros((HIDDEN,), dtype=jnp.float32)
    Wfc = jax.random.normal(k_wfc, (HIDDEN, 1), dtype=jnp.float32) * (1.0 / np.sqrt(HIDDEN))
    bfc = jnp.zeros((1,), dtype=jnp.float32)
    return {"h": h, "edge_index": edge_index, "W1": W1, "b1": b1, "W2": W2, "b2": b2, "Wfc": Wfc, "bfc": bfc}


def _graph_conv(h, edge_index, W, b):
    # DGL GraphConv with norm='both': D_out^{-1/2} applied at src, D_in^{-1/2} at dst
    n = h.shape[0]
    src = edge_index[0]
    dst = edge_index[1]
    ones = jnp.ones((edge_index.shape[1],), dtype=h.dtype)
    out_deg = jax.ops.segment_sum(ones, src, num_segments=n)
    in_deg = jax.ops.segment_sum(ones, dst, num_segments=n)
    norm_src = jax.lax.rsqrt(jnp.clip(out_deg, 1.0, None))
    norm_dst = jax.lax.rsqrt(jnp.clip(in_deg, 1.0, None))
    x = h * norm_src[:, None]
    x = x @ W  # mult-then-aggregate (in_feats >= out_feats path)
    msg = jnp.take(x, src, axis=0)
    agg = jax.ops.segment_sum(msg, dst, num_segments=n)
    return agg * norm_dst[:, None] + b


def reference(h, edge_index, W1, b1, W2, b2, Wfc, bfc):
    x = jax.nn.relu(_graph_conv(h, edge_index, W1, b1))
    x = jax.nn.relu(_graph_conv(x, edge_index, W2, b2))
    # AvgPooling over the (single) graph -> [1, hidden]
    pooled = jnp.mean(x, axis=0, keepdims=True)
    # dropout is identity in eval mode
    out = pooled @ Wfc + bfc  # [1, 1]
    return jnp.squeeze(out, axis=1)  # [1]

if __name__ == "__main__":
    import jax
    _d = setup_inputs()
    print(jax.jit(kernel)(*tuple(_d.values())))

</pallas_src>

<mosaic_0001>
#map = affine_map<(d0, d1) -> (0, 0)>
#map1 = affine_map<(d0, d1) -> (0, 0, 0)>
module attributes {stable_mosaic.version = 14 : i64} {
  func.func @_spmm_kernel(%arg0: i32, %arg1: i32, %arg2: memref<10240x128xf32, #tpu.memory_space<hbm>>, %arg3: memref<2560x128xi32, #tpu.memory_space<hbm>>, %arg4: memref<2560x128xi32, #tpu.memory_space<hbm>>, %arg5: memref<2x10240x128xf32, #tpu.memory_space<hbm>>, %arg6: memref<32x128xi32, #tpu.memory_space<vmem>>, %arg7: memref<32x128xi32, #tpu.memory_space<vmem>>, %arg8: memref<128x128xf32, #tpu.memory_space<vmem>>, %arg9: memref<128x128xf32, #tpu.memory_space<vmem>>, %arg10: memref<10240x128xf32, #tpu.memory_space<vmem_shared>>, %arg11: memref<!tpu.dma_semaphore, #tpu.memory_space<semaphore_mem>>, %arg12: memref<!tpu.dma_semaphore, #tpu.memory_space<semaphore_mem>>, %arg13: memref<!tpu.dma_semaphore, #tpu.memory_space<semaphore_mem>>, %arg14: memref<!tpu.dma_semaphore, #tpu.memory_space<semaphore_mem>>) attributes {dimension_semantics = [#tpu.dimension_semantics<core_parallel>, #tpu.dimension_semantics<subcore_parallel>], iteration_bounds = array<i64: 2, 16>, scalar_prefetch = 0 : i64, scratch_operands = 9 : i64, tpu.core_type = #tpu.core_type<sc_vector_subcore>, window_params = [{transform_indices = #map}, {transform_indices = #map}, {transform_indices = #map}, {transform_indices = #map1}]} {
    %mul3A = arith.constant 640 : i32
    %mul3A_0 = arith.muli %arg1, %mul3A : i32
    %eq3A = arith.constant 0 : i32
    %eq3A_1 = arith.cmpi eq, %arg0, %eq3A : i32
    %mul3A_2 = arith.constant 152 : i32
    %mul3A_3 = arith.muli %arg1, %mul3A_2 : i32
    %mul3A_4 = arith.constant 8 : i32
    %mul3A_5 = arith.muli %arg1, %mul3A_4 : i32
    %add3A = arith.constant 2432 : i32
    %add3A_6 = arith.addi %add3A, %mul3A_5 : i32
    %select_n3A = arith.select %eq3A_1, %mul3A_3, %add3A_6 : i32
    %broadcast_in_dim3A = arith.constant 0.000000e+00 : f32
    %broadcast_in_dim3A_7 = vector.broadcast %broadcast_in_dim3A : f32 to vector<16xf32>
    %scan3A = arith.constant 0 : i32
    %scan3A_8 = arith.constant 0 : i32
    %scan3A_9 = arith.constant 128 : i32
    %scan3A_10 = arith.addi %scan3A_8, %scan3A_9 : i32
    %scan3A_11 = arith.constant 1 : i32
    scf.for %scan3A_32 = %scan3A_8 to %scan3A_10 step %scan3A_11  : i32 {
      %swap3A = arith.index_cast %scan3A_32 : i32 to index
      %swap3A_33 = arith.constant 0 : index
      %swap3A_34 = tpu.vector_load %arg8[%swap3A, %swap3A_33] {strides = array<i32>} : memref<128x128xf32, #tpu.memory_space<vmem>>, vector<16xf32>,
      tpu.vector_store %arg8[%swap3A, %swap3A_33], %broadcast_in_dim3A_7 {strides = array<i32>} : memref<128x128xf32, #tpu.memory_space<vmem>>, vector<16xf32>,
      %swap3A_35 = arith.index_cast %scan3A_32 : i32 to index
      %swap3A_36 = arith.constant 16 : index
      %swap3A_37 = tpu.vector_load %arg8[%swap3A_35, %swap3A_36] {strides = array<i32>} : memref<128x128xf32, #tpu.memory_space<vmem>>, vector<16xf32>,
      tpu.vector_store %arg8[%swap3A_35, %swap3A_36], %broadcast_in_dim3A_7 {strides = array<i32>} : memref<128x128xf32, #tpu.memory_space<vmem>>, vector<16xf32>,
      %swap3A_38 = arith.index_cast %scan3A_32 : i32 to index
      %swap3A_39 = arith.constant 32 : index
      %swap3A_40 = tpu.vector_load %arg8[%swap3A_38, %swap3A_39] {strides = array<i32>} : memref<128x128xf32, #tpu.memory_space<vmem>>, vector<16xf32>,
      tpu.vector_store %arg8[%swap3A_38, %swap3A_39], %broadcast_in_dim3A_7 {strides = array<i32>} : memref<128x128xf32, #tpu.memory_space<vmem>>, vector<16xf32>,
      %swap3A_41 = arith.index_cast %scan3A_32 : i32 to index
      %swap3A_42 = arith.constant 48 : index
      %swap3A_43 = tpu.vector_load %arg8[%swap3A_41, %swap3A_42] {strides = array<i32>} : memref<128x128xf32, #tpu.memory_space<vmem>>, vector<16xf32>,
      tpu.vector_store %arg8[%swap3A_41, %swap3A_42], %broadcast_in_dim3A_7 {strides = array<i32>} : memref<128x128xf32, #tpu.memory_space<vmem>>, vector<16xf32>,
      %swap3A_44 = arith.index_cast %scan3A_32 : i32 to index
      %swap3A_45 = arith.constant 64 : index
      %swap3A_46 = tpu.vector_load %arg8[%swap3A_44, %swap3A_45] {strides = array<i32>} : memref<128x128xf32, #tpu.memory_space<vmem>>, vector<16xf32>,
      tpu.vector_store %arg8[%swap3A_44, %swap3A_45], %broadcast_in_dim3A_7 {strides = array<i32>} : memref<128x128xf32, #tpu.memory_space<vmem>>, vector<16xf32>,
      %swap3A_47 = arith.index_cast %scan3A_32 : i32 to index
      %swap3A_48 = arith.constant 80 : index
      %swap3A_49 = tpu.vector_load %arg8[%swap3A_47, %swap3A_48] {strides = array<i32>} : memref<128x128xf32, #tpu.memory_space<vmem>>, vector<16xf32>,
      tpu.vector_store %arg8[%swap3A_47, %swap3A_48], %broadcast_in_dim3A_7 {strides = array<i32>} : memref<128x128xf32, #tpu.memory_space<vmem>>, vector<16xf32>,
      %swap3A_50 = arith.index_cast %scan3A_32 : i32 to index
      %swap3A_51 = arith.constant 96 : index
      %swap3A_52 = tpu.vector_load %arg8[%swap3A_50, %swap3A_51] {strides = array<i32>} : memref<128x128xf32, #tpu.memory_space<vmem>>, vector<16xf32>,
      tpu.vector_store %arg8[%swap3A_50, %swap3A_51], %broadcast_in_dim3A_7 {strides = array<i32>} : memref<128x128xf32, #tpu.memory_space<vmem>>, vector<16xf32>,
      %swap3A_53 = arith.index_cast %scan3A_32 : i32 to index
      %swap3A_54 = arith.constant 112 : index
      %swap3A_55 = tpu.vector_load %arg8[%swap3A_53, %swap3A_54] {strides = array<i32>} : memref<128x128xf32, #tpu.memory_space<vmem>>, vector<16xf32>,
      tpu.vector_store %arg8[%swap3A_53, %swap3A_54], %broadcast_in_dim3A_7 {strides = array<i32>} : memref<128x128xf32, #tpu.memory_space<vmem>>, vector<16xf32>,
    }
    %scan3A_12 = arith.constant 128 : i32
    %add3A_13 = arith.constant 0 : i32
    %add3A_14 = arith.addi %mul3A_0, %add3A_13 : i32
    "tpu.region"() ({
      %run_scoped3A = tpu.sem_alloc : memref<!tpu.dma_semaphore, #tpu.memory_space<semaphore_mem>>
      %dma_start3A = arith.constant 0 : i32
      %dma_start3A_32 = tpu.memref_slice %arg10[%add3A_14, %dma_start3A] : memref<10240x128xf32, #tpu.memory_space<vmem_shared>> -> memref<128x128xf32, #tpu.memory_space<vmem_shared>>
      %dma_start3A_33 = arith.constant 0 : i32
      %dma_start3A_34 = tpu.memref_slice %arg10[%add3A_14, %dma_start3A_33] : memref<10240x128xf32, #tpu.memory_space<vmem_shared>> -> memref<128x128xf32, #tpu.memory_space<vmem_shared>>
      tpu.enqueue_dma source(%arg8 : memref<128x128xf32, #tpu.memory_space<vmem>>) target(%dma_start3A_34 : memref<128x128xf32, #tpu.memory_space<vmem_shared>>) target_semaphore(%run_scoped3A : memref<!tpu.dma_semaphore, #tpu.memory_space<semaphore_mem>>)
      %dma_wait3A = arith.constant 0 : i32
      %dma_wait3A_35 = tpu.memref_slice %arg10[%add3A_14, %dma_wait3A] : memref<10240x128xf32, #tpu.memory_space<vmem_shared>> -> memref<128x128xf32, #tpu.memory_space<vmem_shared>>
      %dma_wait3A_36 = arith.constant 0 : i32
      %dma_wait3A_37 = tpu.memref_slice %arg10[%add3A_14, %dma_wait3A_36] : memref<10240x128xf32, #tpu.memory_space<vmem_shared>> -> memref<128x128xf32, #tpu.memory_space<vmem_shared>>
      tpu.wait_dma2 semaphore(%run_scoped3A : memref<!tpu.dma_semaphore, #tpu.memory_space<semaphore_mem>>) src(%arg8 : memref<128x128xf32, #tpu.memory_space<vmem>>) dst(%dma_wait3A_37 : memref<128x128xf32, #tpu.memory_space<vmem_shared>>)
      tpu.yield
    }) : () -> ()
    %add3A_15 = arith.constant 128 : i32
    %add3A_16 = arith.addi %mul3A_0, %add3A_15 : i32
    "tpu.region"() ({
      %run_scoped3A = tpu.sem_alloc : memref<!tpu.dma_semaphore, #tpu.memory_space<semaphore_mem>>
      %dma_start3A = arith.constant 0 : i32
      %dma_start3A_32 = tpu.memref_slice %arg10[%add3A_16, %dma_start3A] : memref<10240x128xf32, #tpu.memory_space<vmem_shared>> -> memref<128x128xf32, #tpu.memory_space<vmem_shared>>
      %dma_start3A_33 = arith.constant 0 : i32
      %dma_start3A_34 = tpu.memref_slice %arg10[%add3A_16, %dma_start3A_33] : memref<10240x128xf32, #tpu.memory_space<vmem_shared>> -> memref<128x128xf32, #tpu.memory_space<vmem_shared>>
      tpu.enqueue_dma source(%arg8 : memref<128x128xf32, #tpu.memory_space<vmem>>) target(%dma_start3A_34 : memref<128x128xf32, #tpu.memory_space<vmem_shared>>) target_semaphore(%run_scoped3A : memref<!tpu.dma_semaphore, #tpu.memory_space<semaphore_mem>>)
      %dma_wait3A = arith.constant 0 : i32
      %dma_wait3A_35 = tpu.memref_slice %arg10[%add3A_16, %dma_wait3A] : memref<10240x128xf32, #tpu.memory_space<vmem_shared>> -> memref<128x128xf32, #tpu.memory_space<vmem_shared>>
      %dma_wait3A_36 = arith.constant 0 : i32
      %dma_wait3A_37 = tpu.memref_slice %arg10[%add3A_16, %dma_wait3A_36] : memref<10240x128xf32, #tpu.memory_space<vmem_shared>> -> memref<128x128xf32, #tpu.memory_space<vmem_shared>>
      tpu.wait_dma2 semaphore(%run_scoped3A : memref<!tpu.dma_semaphore, #tpu.memory_space<semaphore_mem>>) src(%arg8 : memref<128x128xf32, #tpu.memory_space<vmem>>) dst(%dma_wait3A_37 : memref<128x128xf32, #tpu.memory_space<vmem_shared>>)
      tpu.yield
    }) : () -> ()
    %add3A_17 = arith.constant 256 : i32
    %add3A_18 = arith.addi %mul3A_0, %add3A_17 : i32
    "tpu.region"() ({
      %run_scoped3A = tpu.sem_alloc : memref<!tpu.dma_semaphore, #tpu.memory_space<semaphore_mem>>
      %dma_start3A = arith.constant 0 : i32
      %dma_start3A_32 = tpu.memref_slice %arg10[%add3A_18, %dma_start3A] : memref<10240x128xf32, #tpu.memory_space<vmem_shared>> -> memref<128x128xf32, #tpu.memory_space<vmem_shared>>
      %dma_start3A_33 = arith.constant 0 : i32
      %dma_start3A_34 = tpu.memref_slice %arg10[%add3A_18, %dma_start3A_33] : memref<10240x128xf32, #tpu.memory_space<vmem_shared>> -> memref<128x128xf32, #tpu.memory_space<vmem_shared>>
      tpu.enqueue_dma source(%arg8 : memref<128x128xf32, #tpu.memory_space<vmem>>) target(%dma_start3A_34 : memref<128x128xf32, #tpu.memory_space<vmem_shared>>) target_semaphore(%run_scoped3A : memref<!tpu.dma_semaphore, #tpu.memory_space<semaphore_mem>>)
      %dma_wait3A = arith.constant 0 : i32
      %dma_wait3A_35 = tpu.memref_slice %arg10[%add3A_18, %dma_wait3A] : memref<10240x128xf32, #tpu.memory_space<vmem_shared>> -> memref<128x128xf32, #tpu.memory_space<vmem_shared>>
      %dma_wait3A_36 = arith.constant 0 : i32
      %dma_wait3A_37 = tpu.memref_slice %arg10[%add3A_18, %dma_wait3A_36] : memref<10240x128xf32, #tpu.memory_space<vmem_shared>> -> memref<128x128xf32, #tpu.memory_space<vmem_shared>>
      tpu.wait_dma2 semaphore(%run_scoped3A : memref<!tpu.dma_semaphore, #tpu.memory_space<semaphore_mem>>) src(%arg8 : memref<128x128xf32, #tpu.memory_space<vmem>>) dst(%dma_wait3A_37 : memref<128x128xf32, #tpu.memory_space<vmem_shared>>)
      tpu.yield
    }) : () -> ()
    %add3A_19 = arith.constant 384 : i32
    %add3A_20 = arith.addi %mul3A_0, %add3A_19 : i32
    "tpu.region"() ({
      %run_scoped3A = tpu.sem_alloc : memref<!tpu.dma_semaphore, #tpu.memory_space<semaphore_mem>>
      %dma_start3A = arith.constant 0 : i32
      %dma_start3A_32 = tpu.memref_slice %arg10[%add3A_20, %dma_start3A] : memref<10240x128xf32, #tpu.memory_space<vmem_shared>> -> memref<128x128xf32, #tpu.memory_space<vmem_shared>>
      %dma_start3A_33 = arith.constant 0 : i32
      %dma_start3A_34 = tpu.memref_slice %arg10[%add3A_20, %dma_start3A_33] : memref<10240x128xf32, #tpu.memory_space<vmem_shared>> -> memref<128x128xf32, #tpu.memory_space<vmem_shared>>
      tpu.enqueue_dma source(%arg8 : memref<128x128xf32, #tpu.memory_space<vmem>>) target(%dma_start3A_34 : memref<128x128xf32, #tpu.memory_space<vmem_shared>>) target_semaphore(%run_scoped3A : memref<!tpu.dma_semaphore, #tpu.memory_space<semaphore_mem>>)
      %dma_wait3A = arith.constant 0 : i32
      %dma_wait3A_35 = tpu.memref_slice %arg10[%add3A_20, %dma_wait3A] : memref<10240x128xf32, #tpu.memory_space<vmem_shared>> -> memref<128x128xf32, #tpu.memory_space<vmem_shared>>
      %dma_wait3A_36 = arith.constant 0 : i32
      %dma_wait3A_37 = tpu.memref_slice %arg10[%add3A_20, %dma_wait3A_36] : memref<10240x128xf32, #tpu.memory_space<vmem_shared>> -> memref<128x128xf32, #tpu.memory_space<vmem_shared>>
      tpu.wait_dma2 semaphore(%run_scoped3A : memref<!tpu.dma_semaphore, #tpu.memory_space<semaphore_mem>>) src(%arg8 : memref<128x128xf32, #tpu.memory_space<vmem>>) dst(%dma_wait3A_37 : memref<128x128xf32, #tpu.memory_space<vmem_shared>>)
      tpu.yield
    }) : () -> ()
    %add3A_21 = arith.constant 512 : i32
    %add3A_22 = arith.addi %mul3A_0, %add3A_21 : i32
    "tpu.region"() ({
      %run_scoped3A = tpu.sem_alloc : memref<!tpu.dma_semaphore, #tpu.memory_space<semaphore_mem>>
      %dma_start3A = arith.constant 0 : i32
      %dma_start3A_32 = tpu.memref_slice %arg10[%add3A_22, %dma_start3A] : memref<10240x128xf32, #tpu.memory_space<vmem_shared>> -> memref<128x128xf32, #tpu.memory_space<vmem_shared>>
      %dma_start3A_33 = arith.constant 0 : i32
      %dma_start3A_34 = tpu.memref_slice %arg10[%add3A_22, %dma_start3A_33] : memref<10240x128xf32, #tpu.memory_space<vmem_shared>> -> memref<128x128xf32, #tpu.memory_space<vmem_shared>>
      tpu.enqueue_dma source(%arg8 : memref<128x128xf32, #tpu.memory_space<vmem>>) target(%dma_start3A_34 : memref<128x128xf32, #tpu.memory_space<vmem_shared>>) target_semaphore(%run_scoped3A : memref<!tpu.dma_semaphore, #tpu.memory_space<semaphore_mem>>)
      %dma_wait3A = arith.constant 0 : i32
      %dma_wait3A_35 = tpu.memref_slice %arg10[%add3A_22, %dma_wait3A] : memref<10240x128xf32, #tpu.memory_space<vmem_shared>> -> memref<128x128xf32, #tpu.memory_space<vmem_shared>>
      %dma_wait3A_36 = arith.constant 0 : i32
      %dma_wait3A_37 = tpu.memref_slice %arg10[%add3A_22, %dma_wait3A_36] : memref<10240x128xf32, #tpu.memory_space<vmem_shared>> -> memref<128x128xf32, #tpu.memory_space<vmem_shared>>
      tpu.wait_dma2 semaphore(%run_scoped3A : memref<!tpu.dma_semaphore, #tpu.memory_space<semaphore_mem>>) src(%arg8 : memref<128x128xf32, #tpu.memory_space<vmem>>) dst(%dma_wait3A_37 : memref<128x128xf32, #tpu.memory_space<vmem_shared>>)
      tpu.yield
    }) : () -> ()
    %barrier3A = arith.constant 0 : index
    tpu.barrier barrier_id(%barrier3A)
    %eq3A_23 = arith.constant 0 : i32
    %eq3A_24 = arith.cmpi eq, %arg0, %eq3A_23 : i32
    %convert_element_type3A = arith.extui %eq3A_24 : i1 to i32
    %cond3A = arith.constant 0 : i32
    %cond3A_25 = arith.cmpi ne, %convert_element_type3A, %cond3A : i32
    scf.if %cond3A_25 {
      %add3A_32 = arith.constant 0 : i32
      %add3A_33 = arith.addi %select_n3A, %add3A_32 : i32
      "tpu.region"() ({
        %run_scoped3A = tpu.sem_alloc : memref<!tpu.dma_semaphore, #tpu.memory_space<semaphore_mem>>
        %dma_start3A_141 = arith.constant 0 : i32
        %dma_start3A_142 = arith.constant 0 : i32
        %dma_start3A_143 = tpu.memref_slice %arg6[%dma_start3A_141, %dma_start3A_142] : memref<32x128xi32, #tpu.memory_space<vmem>> -> memref<32x128xi32, #tpu.memory_space<vmem>>
        %dma_start3A_144 = arith.constant 0 : i32
        %dma_start3A_145 = tpu.memref_slice %arg3[%add3A_33, %dma_start3A_144] : memref<2560x128xi32, #tpu.memory_space<hbm>> -> memref<32x128xi32, #tpu.memory_space<hbm>>
        %dma_start3A_146 = arith.constant 0 : i32
        %dma_start3A_147 = arith.constant 0 : i32
        %dma_start3A_148 = tpu.memref_slice %arg6[%dma_start3A_146, %dma_start3A_147] : memref<32x128xi32, #tpu.memory_space<vmem>> -> memref<32x128xi32, #tpu.memory_space<vmem>>
        %dma_start3A_149 = arith.constant 0 : i32
        %dma_start3A_150 = tpu.memref_slice %arg3[%add3A_33, %dma_start3A_149] : memref<2560x128xi32, #tpu.memory_space<hbm>> -> memref<32x128xi32, #tpu.memory_space<hbm>>
        tpu.enqueue_dma source(%dma_start3A_150 : memref<32x128xi32, #tpu.memory_space<hbm>>) target(%dma_start3A_148 : memref<32x128xi32, #tpu.memory_space<vmem>>) target_semaphore(%run_scoped3A : memref<!tpu.dma_semaphore, #tpu.memory_space<semaphore_mem>>)
        %dma_wait3A = arith.constant 0 : i32
        %dma_wait3A_151 = arith.constant 0 : i32
        %dma_wait3A_152 = tpu.memref_slice %arg6[%dma_wait3A, %dma_wait3A_151] : memref<32x128xi32, #tpu.memory_space<vmem>> -> memref<32x128xi32, #tpu.memory_space<vmem>>
        %dma_wait3A_153 = arith.constant 0 : i32
        %dma_wait3A_154 = tpu.memref_slice %arg3[%add3A_33, %dma_wait3A_153] : memref<2560x128xi32, #tpu.memory_space<hbm>> -> memref<32x128xi32, #tpu.memory_space<hbm>>
        %dma_wait3A_155 = arith.constant 0 : i32
        %dma_wait3A_156 = arith.constant 0 : i32
        %dma_wait3A_157 = tpu.memref_slice %arg6[%dma_wait3A_155, %dma_wait3A_156] : memref<32x128xi32, #tpu.memory_space<vmem>> -> memref<32x128xi32, #tpu.memory_space<vmem>>
        %dma_wait3A_158 = arith.constant 0 : i32
        %dma_wait3A_159 = tpu.memref_slice %arg3[%add3A_33, %dma_wait3A_158] : memref<2560x128xi32, #tpu.memory_space<hbm>> -> memref<32x128xi32, #tpu.memory_space<hbm>>
        tpu.wait_dma2 semaphore(%run_scoped3A : memref<!tpu.dma_semaphore, #tpu.memory_space<semaphore_mem>>) src(%dma_wait3A_159 : memref<32x128xi32, #tpu.memory_space<hbm>>) dst(%dma_wait3A_157 : memref<32x128xi32, #tpu.memory_space<vmem>>)
        tpu.yield
      }) : () -> ()
      "tpu.region"() ({
        %run_scoped3A = tpu.sem_alloc : memref<!tpu.dma_semaphore, #tpu.memory_space<semaphore_mem>>
        %dma_start3A_141 = arith.constant 0 : i32
        %dma_start3A_142 = arith.constant 0 : i32
        %dma_start3A_143 = tpu.memref_slice %arg7[%dma_start3A_141, %dma_start3A_142] : memref<32x128xi32, #tpu.memory_space<vmem>> -> memref<32x128xi32, #tpu.memory_space<vmem>>
        %dma_start3A_144 = arith.constant 0 : i32
        %dma_start3A_145 = tpu.memref_slice %arg4[%add3A_33, %dma_start3A_144] : memref<2560x128xi32, #tpu.memory_space<hbm>> -> memref<32x128xi32, #tpu.memory_space<hbm>>
        %dma_start3A_146 = arith.constant 0 : i32
        %dma_start3A_147 = arith.constant 0 : i32
        %dma_start3A_148 = tpu.memref_slice %arg7[%dma_start3A_146, %dma_start3A_147] : memref<32x128xi32, #tpu.memory_space<vmem>> -> memref<32x128xi32, #tpu.memory_space<vmem>>
        %dma_start3A_149 = arith.constant 0 : i32
        %dma_start3A_150 = tpu.memref_slice %arg4[%add3A_33, %dma_start3A_149] : memref<2560x128xi32, #tpu.memory_space<hbm>> -> memref<32x128xi32, #tpu.memory_space<hbm>>
        tpu.enqueue_dma source(%dma_start3A_150 : memref<32x128xi32, #tpu.memory_space<hbm>>) target(%dma_start3A_148 : memref<32x128xi32, #tpu.memory_space<vmem>>) target_semaphore(%run_scoped3A : memref<!tpu.dma_semaphore, #tpu.memory_space<semaphore_mem>>)
        %dma_wait3A = arith.constant 0 : i32
        %dma_wait3A_151 = arith.constant 0 : i32
        %dma_wait3A_152 = tpu.memref_slice %arg7[%dma_wait3A, %dma_wait3A_151] : memref<32x128xi32, #tpu.memory_space<vmem>> -> memref<32x128xi32, #tpu.memory_space<vmem>>
        %dma_wait3A_153 = arith.constant 0 : i32
        %dma_wait3A_154 = tpu.memref_slice %arg4[%add3A_33, %dma_wait3A_153] : memref<2560x128xi32, #tpu.memory_space<hbm>> -> memref<32x128xi32, #tpu.memory_space<hbm>>
        %dma_wait3A_155 = arith.constant 0 : i32
        %dma_wait3A_156 = arith.constant 0 : i32
        %dma_wait3A_157 = tpu.memref_slice %arg7[%dma_wait3A_155, %dma_wait3A_156] : memref<32x128xi32, #tpu.memory_space<vmem>> -> memref<32x128xi32, #tpu.memory_space<vmem>>
        %dma_wait3A_158 = arith.constant 0 : i32
        %dma_wait3A_159 = tpu.memref_slice %arg4[%add3A_33, %dma_wait3A_158] : memref<2560x128xi32, #tpu.memory_space<hbm>> -> memref<32x128xi32, #tpu.memory_space<hbm>>
        tpu.wait_dma2 semaphore(%run_scoped3A : memref<!tpu.dma_semaphore, #tpu.memory_space<semaphore_mem>>) src(%dma_wait3A_159 : memref<32x128xi32, #tpu.memory_space<hbm>>) dst(%dma_wait3A_157 : memref<32x128xi32, #tpu.memory_space<vmem>>)
        tpu.yield
      }) : () -> ()
      %dma_start3A = arith.constant 0 : i32
      %dma_start3A_34 = arith.constant 0 : i32
      %dma_start3A_35 = tpu.memref_slice %arg6[%dma_start3A, %dma_start3A_34] : memref<32x128xi32, #tpu.memory_space<vmem>> -> memref<1x128xi32, #tpu.memory_space<vmem>>
      %dma_start3A_36 = tpu.memref_squeeze %dma_start3A_35 : memref<1x128xi32, #tpu.memory_space<vmem>> -> memref<128xi32, #tpu.memory_space<vmem>>
      %dma_start3A_37 = arith.constant 0 : i32
      %dma_start3A_38 = arith.constant 0 : i32
      %dma_start3A_39 = tpu.memref_slice %arg2[%dma_start3A_37, %dma_start3A_38] : memref<10240x128xf32, #tpu.memory_space<hbm>> -> memref<10240x128xf32, #tpu.memory_space<hbm>>
      tpu.enqueue_indirect_dma source(%dma_start3A_39 : memref<10240x128xf32, #tpu.memory_space<hbm>>) target(%arg8 : memref<128x128xf32, #tpu.memory_space<vmem>>) offsets(%dma_start3A_36 : memref<128xi32, #tpu.memory_space<vmem>>) semaphore(%arg11 : memref<!tpu.dma_semaphore, #tpu.memory_space<semaphore_mem>>)
      %dma_start3A_40 = arith.constant 1 : i32
      %dma_start3A_41 = arith.constant 0 : i32
      %dma_start3A_42 = tpu.memref_slice %arg6[%dma_start3A_40, %dma_start3A_41] : memref<32x128xi32, #tpu.memory_space<vmem>> -> memref<1x128xi32, #tpu.memory_space<vmem>>
      %dma_start3A_43 = tpu.memref_squeeze %dma_start3A_42 : memref<1x128xi32, #tpu.memory_space<vmem>> -> memref<128xi32, #tpu.memory_space<vmem>>
      %dma_start3A_44 = arith.constant 0 : i32
      %dma_start3A_45 = arith.constant 0 : i32
      %dma_start3A_46 = tpu.memref_slice %arg2[%dma_start3A_44, %dma_start3A_45] : memref<10240x128xf32, #tpu.memory_space<hbm>> -> memref<10240x128xf32, #tpu.memory_space<hbm>>
      tpu.enqueue_indirect_dma source(%dma_start3A_46 : memref<10240x128xf32, #tpu.memory_space<hbm>>) target(%arg9 : memref<128x128xf32, #tpu.memory_space<vmem>>) offsets(%dma_start3A_43 : memref<128xi32, #tpu.memory_space<vmem>>) semaphore(%arg12 : memref<!tpu.dma_semaphore, #tpu.memory_space<semaphore_mem>>)
      %scan3A_47 = arith.constant 0 : i32
      %scan3A_48 = arith.constant 0 : i32
      %scan3A_49 = arith.constant 16 : i32
      %scan3A_50 = arith.addi %scan3A_48, %scan3A_49 : i32
      %scan3A_51 = arith.constant 1 : i32
      scf.for %scan3A_141 = %scan3A_48 to %scan3A_50 step %scan3A_51  : i32 {
        %mul3A_142 = arith.constant 2 : i32
        %mul3A_143 = arith.muli %mul3A_142, %scan3A_141 : i32
        %dma_wait3A = arith.constant 0 : i32
        %dma_wait3A_144 = tpu.memref_slice %arg6[%mul3A_143, %dma_wait3A] : memref<32x128xi32, #tpu.memory_space<vmem>> -> memref<1x128xi32, #tpu.memory_space<vmem>>
        %dma_wait3A_145 = tpu.memref_squeeze %dma_wait3A_144 : memref<1x128xi32, #tpu.memory_space<vmem>> -> memref<128xi32, #tpu.memory_space<vmem>>
        %dma_wait3A_146 = arith.constant 0 : i32
        %dma_wait3A_147 = arith.constant 0 : i32
        %dma_wait3A_148 = tpu.memref_slice %arg2[%dma_wait3A_146, %dma_wait3A_147] : memref<10240x128xf32, #tpu.memory_space<hbm>> -> memref<10240x128xf32, #tpu.memory_space<hbm>>
        tpu.wait_indirect_dma semaphore(%arg11 : memref<!tpu.dma_semaphore, #tpu.memory_space<semaphore_mem>>) src(%dma_wait3A_148 : memref<10240x128xf32, #tpu.memory_space<hbm>>) dst(%arg8 : memref<128x128xf32, #tpu.memory_space<vmem>>)
        %dma_start3A_149 = arith.constant 0 : i32
        %dma_start3A_150 = tpu.memref_slice %arg7[%mul3A_143, %dma_start3A_149] : memref<32x128xi32, #tpu.memory_space<vmem>> -> memref<1x128xi32, #tpu.memory_space<vmem>>
        %dma_start3A_151 = tpu.memref_squeeze %dma_start3A_150 : memref<1x128xi32, #tpu.memory_space<vmem>> -> memref<128xi32, #tpu.memory_space<vmem>>
        %dma_start3A_152 = arith.constant 0 : i32
        %dma_start3A_153 = arith.constant 0 : i32
        %dma_start3A_154 = tpu.memref_slice %arg10[%dma_start3A_152, %dma_start3A_153] : memref<10240x128xf32, #tpu.memory_space<vmem_shared>> -> memref<10240x128xf32, #tpu.memory_space<vmem_shared>>
        tpu.enqueue_indirect_dma source(%arg8 : memref<128x128xf32, #tpu.memory_space<vmem>>) target(%dma_start3A_154 : memref<10240x128xf32, #tpu.memory_space<vmem_shared>>) offsets(%dma_start3A_151 : memref<128xi32, #tpu.memory_space<vmem>>) semaphore(%arg13 : memref<!tpu.dma_semaphore, #tpu.memory_space<semaphore_mem>>) {add = true}
        %add3A_155 = arith.constant 1 : i32
        %add3A_156 = arith.addi %mul3A_143, %add3A_155 : i32
        %dma_wait3A_157 = arith.constant 0 : i32
        %dma_wait3A_158 = tpu.memref_slice %arg6[%add3A_156, %dma_wait3A_157] : memref<32x128xi32, #tpu.memory_space<vmem>> -> memref<1x128xi32, #tpu.memory_space<vmem>>
        %dma_wait3A_159 = tpu.memref_squeeze %dma_wait3A_158 : memref<1x128xi32, #tpu.memory_space<vmem>> -> memref<128xi32, #tpu.memory_space<vmem>>
        %dma_wait3A_160 = arith.constant 0 : i32
        %dma_wait3A_161 = arith.constant 0 : i32
        %dma_wait3A_162 = tpu.memref_slice %arg2[%dma_wait3A_160, %dma_wait3A_161] : memref<10240x128xf32, #tpu.memory_space<hbm>> -> memref<10240x128xf32, #tpu.memory_space<hbm>>
        tpu.wait_indirect_dma semaphore(%arg12 : memref<!tpu.dma_semaphore, #tpu.memory_space<semaphore_mem>>) src(%dma_wait3A_162 : memref<10240x128xf32, #tpu.memory_space<hbm>>) dst(%arg9 : memref<128x128xf32, #tpu.memory_space<vmem>>)
        %add3A_163 = arith.constant 1 : i32
        %add3A_164 = arith.addi %mul3A_143, %add3A_163 : i32
        %dma_start3A_165 = arith.constant 0 : i32
        %dma_start3A_166 = tpu.memref_slice %arg7[%add3A_164, %dma_start3A_165] : memref<32x128xi32, #tpu.memory_space<vmem>> -> memref<1x128xi32, #tpu.memory_space<vmem>>
        %dma_start3A_167 = tpu.memref_squeeze %dma_start3A_166 : memref<1x128xi32, #tpu.memory_space<vmem>> -> memref<128xi32, #tpu.memory_space<vmem>>
        %dma_start3A_168 = arith.constant 0 : i32
        %dma_start3A_169 = arith.constant 0 : i32
        %dma_start3A_170 = tpu.memref_slice %arg10[%dma_start3A_168, %dma_start3A_169] : memref<10240x128xf32, #tpu.memory_space<vmem_shared>> -> memref<10240x128xf32, #tpu.memory_space<vmem_shared>>
        tpu.enqueue_indirect_dma source(%arg9 : memref<128x128xf32, #tpu.memory_space<vmem>>) target(%dma_start3A_170 : memref<10240x128xf32, #tpu.memory_space<vmem_shared>>) offsets(%dma_start3A_167 : memref<128xi32, #tpu.memory_space<vmem>>) semaphore(%arg14 : memref<!tpu.dma_semaphore, #tpu.memory_space<semaphore_mem>>) {add = true}
        %dma_wait3A_171 = arith.constant 0 : i32
        %dma_wait3A_172 = tpu.memref_slice %arg7[%mul3A_143, %dma_wait3A_171] : memref<32x128xi32, #tpu.memory_space<vmem>> -> memref<1x128xi32, #tpu.memory_space<vmem>>
        %dma_wait3A_173 = tpu.memref_squeeze %dma_wait3A_172 : memref<1x128xi32, #tpu.memory_space<vmem>> -> memref<128xi32, #tpu.memory_space<vmem>>
        %dma_wait3A_174 = arith.constant 0 : i32
        %dma_wait3A_175 = arith.constant 0 : i32
        %dma_wait3A_176 = tpu.memref_slice %arg10[%dma_wait3A_174, %dma_wait3A_175] : memref<10240x128xf32, #tpu.memory_space<vmem_shared>> -> memref<10240x128xf32, #tpu.memory_space<vmem_shared>>
        tpu.wait_indirect_dma semaphore(%arg13 : memref<!tpu.dma_semaphore, #tpu.memory_space<semaphore_mem>>) src(%arg8 : memref<128x128xf32, #tpu.memory_space<vmem>>) dst(%dma_wait3A_176 : memref<10240x128xf32, #tpu.memory_space<vmem_shared>>)
        %add3A_177 = arith.constant 2 : i32
        %add3A_178 = arith.addi %mul3A_143, %add3A_177 : i32
        %lt3A = arith.constant 32 : i32
        %lt3A_179 = arith.cmpi slt, %add3A_178, %lt3A : i32
        %convert_element_type3A_180 = arith.extui %lt3A_179 : i1 to i32
        %cond3A_181 = arith.constant 0 : i32
        %cond3A_182 = arith.cmpi ne, %convert_element_type3A_180, %cond3A_181 : i32
        scf.if %cond3A_182 {
          %add3A_198 = arith.constant 2 : i32
          %add3A_199 = arith.addi %mul3A_143, %add3A_198 : i32
          %dma_start3A_200 = arith.constant 0 : i32
          %dma_start3A_201 = tpu.memref_slice %arg6[%add3A_199, %dma_start3A_200] : memref<32x128xi32, #tpu.memory_space<vmem>> -> memref<1x128xi32, #tpu.memory_space<vmem>>
          %dma_start3A_202 = tpu.memref_squeeze %dma_start3A_201 : memref<1x128xi32, #tpu.memory_space<vmem>> -> memref<128xi32, #tpu.memory_space<vmem>>
          %dma_start3A_203 = arith.constant 0 : i32
          %dma_start3A_204 = arith.constant 0 : i32
          %dma_start3A_205 = tpu.memref_slice %arg2[%dma_start3A_203, %dma_start3A_204] : memref<10240x128xf32, #tpu.memory_space<hbm>> -> memref<10240x128xf32, #tpu.memory_space<hbm>>
          tpu.enqueue_indirect_dma source(%dma_start3A_205 : memref<10240x128xf32, #tpu.memory_space<hbm>>) target(%arg8 : memref<128x128xf32, #tpu.memory_space<vmem>>) offsets(%dma_start3A_202 : memref<128xi32, #tpu.memory_space<vmem>>) semaphore(%arg11 : memref<!tpu.dma_semaphore, #tpu.memory_space<semaphore_mem>>)
        } else {
        }
        %add3A_183 = arith.constant 1 : i32
        %add3A_184 = arith.addi %mul3A_143, %add3A_183 : i32
        %dma_wait3A_185 = arith.constant 0 : i32
        %dma_wait3A_186 = tpu.memref_slice %arg7[%add3A_184, %dma_wait3A_185] : memref<32x128xi32, #tpu.memory_space<vmem>> -> memref<1x128xi32, #tpu.memory_space<vmem>>
        %dma_wait3A_187 = tpu.memref_squeeze %dma_wait3A_186 : memref<1x128xi32, #tpu.memory_space<vmem>> -> memref<128xi32, #tpu.memory_space<vmem>>
        %dma_wait3A_188 = arith.constant 0 : i32
        %dma_wait3A_189 = arith.constant 0 : i32
        %dma_wait3A_190 = tpu.memref_slice %arg10[%dma_wait3A_188, %dma_wait3A_189] : memref<10240x128xf32, #tpu.memory_space<vmem_shared>> -> memref<10240x128xf32, #tpu.memory_space<vmem_shared>>
        tpu.wait_indirect_dma semaphore(%arg14 : memref<!tpu.dma_semaphore, #tpu.memory_space<semaphore_mem>>) src(%arg9 : memref<128x128xf32, #tpu.memory_space<vmem>>) dst(%dma_wait3A_190 : memref<10240x128xf32, #tpu.memory_space<vmem_shared>>)
        %add3A_191 = arith.constant 3 : i32
        %add3A_192 = arith.addi %mul3A_143, %add3A_191 : i32
        %lt3A_193 = arith.constant 32 : i32
        %lt3A_194 = arith.cmpi slt, %add3A_192, %lt3A_193 : i32
        %convert_element_type3A_195 = arith.extui %lt3A_194 : i1 to i32
        %cond3A_196 = arith.constant 0 : i32
        %cond3A_197 = arith.cmpi ne, %convert_element_type3A_195, %cond3A_196 : i32
        scf.if %cond3A_197 {
          %add3A_198 = arith.constant 3 : i32
          %add3A_199 = arith.addi %mul3A_143, %add3A_198 : i32
          %dma_start3A_200 = arith.constant 0 : i32
          %dma_start3A_201 = tpu.memref_slice %arg6[%add3A_199, %dma_start3A_200] : memref<32x128xi32, #tpu.memory_space<vmem>> -> memref<1x128xi32, #tpu.memory_space<vmem>>
          %dma_start3A_202 = tpu.memref_squeeze %dma_start3A_201 : memref<1x128xi32, #tpu.memory_space<vmem>> -> memref<128xi32, #tpu.memory_space<vmem>>
          %dma_start3A_203 = arith.constant 0 : i32
          %dma_start3A_204 = arith.constant 0 : i32
          %dma_start3A_205 = tpu.memref_slice %arg2[%dma_start3A_203, %dma_start3A_204] : memref<10240x128xf32, #tpu.memory_space<hbm>> -> memref<10240x128xf32, #tpu.memory_space<hbm>>
          tpu.enqueue_indirect_dma source(%dma_start3A_205 : memref<10240x128xf32, #tpu.memory_space<hbm>>) target(%arg9 : memref<128x128xf32, #tpu.memory_space<vmem>>) offsets(%dma_start3A_202 : memref<128xi32, #tpu.memory_space<vmem>>) semaphore(%arg12 : memref<!tpu.dma_semaphore, #tpu.memory_space<semaphore_mem>>)
        } else {
        }
      }
      %scan3A_52 = arith.constant 16 : i32
      %add3A_53 = arith.constant 32 : i32
      %add3A_54 = arith.addi %select_n3A, %add3A_53 : i32
      "tpu.region"() ({
        %run_scoped3A = tpu.sem_alloc : memref<!tpu.dma_semaphore, #tpu.memory_space<semaphore_mem>>
        %dma_start3A_141 = arith.constant 0 : i32
        %dma_start3A_142 = arith.constant 0 : i32
        %dma_start3A_143 = tpu.memref_slice %arg6[%dma_start3A_141, %dma_start3A_142] : memref<32x128xi32, #tpu.memory_space<vmem>> -> memref<32x128xi32, #tpu.memory_space<vmem>>
        %dma_start3A_144 = arith.constant 0 : i32
        %dma_start3A_145 = tpu.memref_slice %arg3[%add3A_54, %dma_start3A_144] : memref<2560x128xi32, #tpu.memory_space<hbm>> -> memref<32x128xi32, #tpu.memory_space<hbm>>
        %dma_start3A_146 = arith.constant 0 : i32
        %dma_start3A_147 = arith.constant 0 : i32
        %dma_start3A_148 = tpu.memref_slice %arg6[%dma_start3A_146, %dma_start3A_147] : memref<32x128xi32, #tpu.memory_space<vmem>> -> memref<32x128xi32, #tpu.memory_space<vmem>>
        %dma_start3A_149 = arith.constant 0 : i32
        %dma_start3A_150 = tpu.memref_slice %arg3[%add3A_54, %dma_start3A_149] : memref<2560x128xi32, #tpu.memory_space<hbm>> -> memref<32x128xi32, #tpu.memory_space<hbm>>
        tpu.enqueue_dma source(%dma_start3A_150 : memref<32x128xi32, #tpu.memory_space<hbm>>) target(%dma_start3A_148 : memref<32x128xi32, #tpu.memory_space<vmem>>) target_semaphore(%run_scoped3A : memref<!tpu.dma_semaphore, #tpu.memory_space<semaphore_mem>>)
        %dma_wait3A = arith.constant 0 : i32
        %dma_wait3A_151 = arith.constant 0 : i32
        %dma_wait3A_152 = tpu.memref_slice %arg6[%dma_wait3A, %dma_wait3A_151] : memref<32x128xi32, #tpu.memory_space<vmem>> -> memref<32x128xi32, #tpu.memory_space<vmem>>
        %dma_wait3A_153 = arith.constant 0 : i32
        %dma_wait3A_154 = tpu.memref_slice %arg3[%add3A_54, %dma_wait3A_153] : memref<2560x128xi32, #tpu.memory_space<hbm>> -> memref<32x128xi32, #tpu.memory_space<hbm>>
        %dma_wait3A_155 = arith.constant 0 : i32
        %dma_wait3A_156 = arith.constant 0 : i32
        %dma_wait3A_157 = tpu.memref_slice %arg6[%dma_wait3A_155, %dma_wait3A_156] : memref<32x128xi32, #tpu.memory_space<vmem>> -> memref<32x128xi32, #tpu.memory_space<vmem>>
        %dma_wait3A_158 = arith.constant 0 : i32
        %dma_wait3A_159 = tpu.memref_slice %arg3[%add3A_54, %dma_wait3A_158] : memref<2560x128xi32, #tpu.memory_space<hbm>> -> memref<32x128xi32, #tpu.memory_space<hbm>>
        tpu.wait_dma2 semaphore(%run_scoped3A : memref<!tpu.dma_semaphore, #tpu.memory_space<semaphore_mem>>) src(%dma_wait3A_159 : memref<32x128xi32, #tpu.memory_space<hbm>>) dst(%dma_wait3A_157 : memref<32x128xi32, #tpu.memory_space<vmem>>)
        tpu.yield
      }) : () -> ()
      "tpu.region"() ({
        %run_scoped3A = tpu.sem_alloc : memref<!tpu.dma_semaphore, #tpu.memory_space<semaphore_mem>>
        %dma_start3A_141 = arith.constant 0 : i32
        %dma_start3A_142 = arith.constant 0 : i32
        %dma_start3A_143 = tpu.memref_slice %arg7[%dma_start3A_141, %dma_start3A_142] : memref<32x128xi32, #tpu.memory_space<vmem>> -> memref<32x128xi32, #tpu.memory_space<vmem>>
        %dma_start3A_144 = arith.constant 0 : i32
        %dma_start3A_145 = tpu.memref_slice %arg4[%add3A_54, %dma_start3A_144] : memref<2560x128xi32, #tpu.memory_space<hbm>> -> memref<32x128xi32, #tpu.memory_space<hbm>>
        %dma_start3A_146 = arith.constant 0 : i32
        %dma_start3A_147 = arith.constant 0 : i32
        %dma_start3A_148 = tpu.memref_slice %arg7[%dma_start3A_146, %dma_start3A_147] : memref<32x128xi32, #tpu.memory_space<vmem>> -> memref<32x128xi32, #tpu.memory_space<vmem>>
        %dma_start3A_149 = arith.constant 0 : i32
        %dma_start3A_150 = tpu.memref_slice %arg4[%add3A_54, %dma_start3A_149] : memref<2560x128xi32, #tpu.memory_space<hbm>> -> memref<32x128xi32, #tpu.memory_space<hbm>>
        tpu.enqueue_dma source(%dma_start3A_150 : memref<32x128xi32, #tpu.memory_space<hbm>>) target(%dma_start3A_148 : memref<32x128xi32, #tpu.memory_space<vmem>>) target_semaphore(%run_scoped3A : memref<!tpu.dma_semaphore, #tpu.memory_space<semaphore_mem>>)
        %dma_wait3A = arith.constant 0 : i32
        %dma_wait3A_151 = arith.constant 0 : i32
        %dma_wait3A_152 = tpu.memref_slice %arg7[%dma_wait3A, %dma_wait3A_151] : memref<32x128xi32, #tpu.memory_space<vmem>> -> memref<32x128xi32, #tpu.memory_space<vmem>>
        %dma_wait3A_153 = arith.constant 0 : i32
        %dma_wait3A_154 = tpu.memref_slice %arg4[%add3A_54, %dma_wait3A_153] : memref<2560x128xi32, #tpu.memory_space<hbm>> -> memref<32x128xi32, #tpu.memory_space<hbm>>
        %dma_wait3A_155 = arith.constant 0 : i32
        %dma_wait3A_156 = arith.constant 0 : i32
        %dma_wait3A_157 = tpu.memref_slice %arg7[%dma_wait3A_155, %dma_wait3A_156] : memref<32x128xi32, #tpu.memory_space<vmem>> -> memref<32x128xi32, #tpu.memory_space<vmem>>
        %dma_wait3A_158 = arith.constant 0 : i32
        %dma_wait3A_159 = tpu.memref_slice %arg4[%add3A_54, %dma_wait3A_158] : memref<2560x128xi32, #tpu.memory_space<hbm>> -> memref<32x128xi32, #tpu.memory_space<hbm>>
        tpu.wait_dma2 semaphore(%run_scoped3A : memref<!tpu.dma_semaphore, #tpu.memory_space<semaphore_mem>>) src(%dma_wait3A_159 : memref<32x128xi32, #tpu.memory_space<hbm>>) dst(%dma_wait3A_157 : memref<32x128xi32, #tpu.memory_space<vmem>>)
        tpu.yield
      }) : () -> ()
      %dma_start3A_55 = arith.constant 0 : i32
      %dma_start3A_56 = arith.constant 0 : i32
      %dma_start3A_57 = tpu.memref_slice %arg6[%dma_start3A_55, %dma_start3A_56] : memref<32x128xi32, #tpu.memory_space<vmem>> -> memref<1x128xi32, #tpu.memory_space<vmem>>
      %dma_start3A_58 = tpu.memref_squeeze %dma_start3A_57 : memref<1x128xi32, #tpu.memory_space<vmem>> -> memref<128xi32, #tpu.memory_space<vmem>>
      %dma_start3A_59 = arith.constant 0 : i32
      %dma_start3A_60 = arith.constant 0 : i32
      %dma_start3A_61 = tpu.memref_slice %arg2[%dma_start3A_59, %dma_start3A_60] : memref<10240x128xf32, #tpu.memory_space<hbm>> -> memref<10240x128xf32, #tpu.memory_space<hbm>>
      tpu.enqueue_indirect_dma source(%dma_start3A_61 : memref<10240x128xf32, #tpu.memory_space<hbm>>) target(%arg8 : memref<128x128xf32, #tpu.memory_space<vmem>>) offsets(%dma_start3A_58 : memref<128xi32, #tpu.memory_space<vmem>>) semaphore(%arg11 : memref<!tpu.dma_semaphore, #tpu.memory_space<semaphore_mem>>)
      %dma_start3A_62 = arith.constant 1 : i32
      %dma_start3A_63 = arith.constant 0 : i32
      %dma_start3A_64 = tpu.memref_slice %arg6[%dma_start3A_62, %dma_start3A_63] : memref<32x128xi32, #tpu.memory_space<vmem>> -> memref<1x128xi32, #tpu.memory_space<vmem>>
      %dma_start3A_65 = tpu.memref_squeeze %dma_start3A_64 : memref<1x128xi32, #tpu.memory_space<vmem>> -> memref<128xi32, #tpu.memory_space<vmem>>
      %dma_start3A_66 = arith.constant 0 : i32
      %dma_start3A_67 = arith.constant 0 : i32
      %dma_start3A_68 = tpu.memref_slice %arg2[%dma_start3A_66, %dma_start3A_67] : memref<10240x128xf32, #tpu.memory_space<hbm>> -> memref<10240x128xf32, #tpu.memory_space<hbm>>
      tpu.enqueue_indirect_dma source(%dma_start3A_68 : memref<10240x128xf32, #tpu.memory_space<hbm>>) target(%arg9 : memref<128x128xf32, #tpu.memory_space<vmem>>) offsets(%dma_start3A_65 : memref<128xi32, #tpu.memory_space<vmem>>) semaphore(%arg12 : memref<!tpu.dma_semaphore, #tpu.memory_space<semaphore_mem>>)
      %scan3A_69 = arith.constant 0 : i32
      %scan3A_70 = arith.constant 0 : i32
      %scan3A_71 = arith.constant 16 : i32
      %scan3A_72 = arith.addi %scan3A_70, %scan3A_71 : i32
      %scan3A_73 = arith.constant 1 : i32
      scf.for %scan3A_141 = %scan3A_70 to %scan3A_72 step %scan3A_73  : i32 {
        %mul3A_142 = arith.constant 2 : i32
        %mul3A_143 = arith.muli %mul3A_142, %scan3A_141 : i32
        %dma_wait3A = arith.constant 0 : i32
        %dma_wait3A_144 = tpu.memref_slice %arg6[%mul3A_143, %dma_wait3A] : memref<32x128xi32, #tpu.memory_space<vmem>> -> memref<1x128xi32, #tpu.memory_space<vmem>>
        %dma_wait3A_145 = tpu.memref_squeeze %dma_wait3A_144 : memref<1x128xi32, #tpu.memory_space<vmem>> -> memref<128xi32, #tpu.memory_space<vmem>>
        %dma_wait3A_146 = arith.constant 0 : i32
        %dma_wait3A_147 = arith.constant 0 : i32
        %dma_wait3A_148 = tpu.memref_slice %arg2[%dma_wait3A_146, %dma_wait3A_147] : memref<10240x128xf32, #tpu.memory_space<hbm>> -> memref<10240x128xf32, #tpu.memory_space<hbm>>
        tpu.wait_indirect_dma semaphore(%arg11 : memref<!tpu.dma_semaphore, #tpu.memory_space<semaphore_mem>>) src(%dma_wait3A_148 : memref<10240x128xf32, #tpu.memory_space<hbm>>) dst(%arg8 : memref<128x128xf32, #tpu.memory_space<vmem>>)
        %dma_start3A_149 = arith.constant 0 : i32
        %dma_start3A_150 = tpu.memref_slice %arg7[%mul3A_143, %dma_start3A_149] : memref<32x128xi32, #tpu.memory_space<vmem>> -> memref<1x128xi32, #tpu.memory_space<vmem>>
        %dma_start3A_151 = tpu.memref_squeeze %dma_start3A_150 : memref<1x128xi32, #tpu.memory_space<vmem>> -> memref<128xi32, #tpu.memory_space<vmem>>
        %dma_start3A_152 = arith.constant 0 : i32
        %dma_start3A_153 = arith.constant 0 : i32
        %dma_start3A_154 = tpu.memref_slice %arg10[%dma_start3A_152, %dma_start3A_153] : memref<10240x128xf32, #tpu.memory_space<vmem_shared>> -> memref<10240x128xf32, #tpu.memory_space<vmem_shared>>
        tpu.enqueue_indirect_dma source(%arg8 : memref<128x128xf32, #tpu.memory_space<vmem>>) target(%dma_start3A_154 : memref<10240x128xf32, #tpu.memory_space<vmem_shared>>) offsets(%dma_start3A_151 : memref<128xi32, #tpu.memory_space<vmem>>) semaphore(%arg13 : memref<!tpu.dma_semaphore, #tpu.memory_space<semaphore_mem>>) {add = true}
        %add3A_155 = arith.constant 1 : i32
        %add3A_156 = arith.addi %mul3A_143, %add3A_155 : i32
        %dma_wait3A_157 = arith.constant 0 : i32
        %dma_wait3A_158 = tpu.memref_slice %arg6[%add3A_156, %dma_wait3A_157] : memref<32x128xi32, #tpu.memory_space<vmem>> -> memref<1x128xi32, #tpu.memory_space<vmem>>
        %dma_wait3A_159 = tpu.memref_squeeze %dma_wait3A_158 : memref<1x128xi32, #tpu.memory_space<vmem>> -> memref<128xi32, #tpu.memory_space<vmem>>
        %dma_wait3A_160 = arith.constant 0 : i32
        %dma_wait3A_161 = arith.constant 0 : i32
        %dma_wait3A_162 = tpu.memref_slice %arg2[%dma_wait3A_160, %dma_wait3A_161] : memref<10240x128xf32, #tpu.memory_space<hbm>> -> memref<10240x128xf32, #tpu.memory_space<hbm>>
        tpu.wait_indirect_dma semaphore(%arg12 : memref<!tpu.dma_semaphore, #tpu.memory_space<semaphore_mem>>) src(%dma_wait3A_162 : memref<10240x128xf32, #tpu.memory_space<hbm>>) dst(%arg9 : memref<128x128xf32, #tpu.memory_space<vmem>>)
        %add3A_163 = arith.constant 1 : i32
        %add3A_164 = arith.addi %mul3A_143, %add3A_163 : i32
        %dma_start3A_165 = arith.constant 0 : i32
        %dma_start3A_166 = tpu.memref_slice %arg7[%add3A_164, %dma_start3A_165] : memref<32x128xi32, #tpu.memory_space<vmem>> -> memref<1x128xi32, #tpu.memory_space<vmem>>
        %dma_start3A_167 = tpu.memref_squeeze %dma_start3A_166 : memref<1x128xi32, #tpu.memory_space<vmem>> -> memref<128xi32, #tpu.memory_space<vmem>>
        %dma_start3A_168 = arith.constant 0 : i32
        %dma_start3A_169 = arith.constant 0 : i32
        %dma_start3A_170 = tpu.memref_slice %arg10[%dma_start3A_168, %dma_start3A_169] : memref<10240x128xf32, #tpu.memory_space<vmem_shared>> -> memref<10240x128xf32, #tpu.memory_space<vmem_shared>>
        tpu.enqueue_indirect_dma source(%arg9 : memref<128x128xf32, #tpu.memory_space<vmem>>) target(%dma_start3A_170 : memref<10240x128xf32, #tpu.memory_space<vmem_shared>>) offsets(%dma_start3A_167 : memref<128xi32, #tpu.memory_space<vmem>>) semaphore(%arg14 : memref<!tpu.dma_semaphore, #tpu.memory_space<semaphore_mem>>) {add = true}
        %dma_wait3A_171 = arith.constant 0 : i32
        %dma_wait3A_172 = tpu.memref_slice %arg7[%mul3A_143, %dma_wait3A_171] : memref<32x128xi32, #tpu.memory_space<vmem>> -> memref<1x128xi32, #tpu.memory_space<vmem>>
        %dma_wait3A_173 = tpu.memref_squeeze %dma_wait3A_172 : memref<1x128xi32, #tpu.memory_space<vmem>> -> memref<128xi32, #tpu.memory_space<vmem>>
        %dma_wait3A_174 = arith.constant 0 : i32
        %dma_wait3A_175 = arith.constant 0 : i32
        %dma_wait3A_176 = tpu.memref_slice %arg10[%dma_wait3A_174, %dma_wait3A_175] : memref<10240x128xf32, #tpu.memory_space<vmem_shared>> -> memref<10240x128xf32, #tpu.memory_space<vmem_shared>>
        tpu.wait_indirect_dma semaphore(%arg13 : memref<!tpu.dma_semaphore, #tpu.memory_space<semaphore_mem>>) src(%arg8 : memref<128x128xf32, #tpu.memory_space<vmem>>) dst(%dma_wait3A_176 : memref<10240x128xf32, #tpu.memory_space<vmem_shared>>)
        %add3A_177 = arith.constant 2 : i32
        %add3A_178 = arith.addi %mul3A_143, %add3A_177 : i32
        %lt3A = arith.constant 32 : i32
        %lt3A_179 = arith.cmpi slt, %add3A_178, %lt3A : i32
        %convert_element_type3A_180 = arith.extui %lt3A_179 : i1 to i32
        %cond3A_181 = arith.constant 0 : i32
        %cond3A_182 = arith.cmpi ne, %convert_element_type3A_180, %cond3A_181 : i32
        scf.if %cond3A_182 {
          %add3A_198 = arith.constant 2 : i32
          %add3A_199 = arith.addi %mul3A_143, %add3A_198 : i32
          %dma_start3A_200 = arith.constant 0 : i32
          %dma_start3A_201 = tpu.memref_slice %arg6[%add3A_199, %dma_start3A_200] : memref<32x128xi32, #tpu.memory_space<vmem>> -> memref<1x128xi32, #tpu.memory_space<vmem>>
          %dma_start3A_202 = tpu.memref_squeeze %dma_start3A_201 : memref<1x128xi32, #tpu.memory_space<vmem>> -> memref<128xi32, #tpu.memory_space<vmem>>
          %dma_start3A_203 = arith.constant 0 : i32
          %dma_start3A_204 = arith.constant 0 : i32
          %dma_start3A_205 = tpu.memref_slice %arg2[%dma_start3A_203, %dma_start3A_204] : memref<10240x128xf32, #tpu.memory_space<hbm>> -> memref<10240x128xf32, #tpu.memory_space<hbm>>
          tpu.enqueue_indirect_dma source(%dma_start3A_205 : memref<10240x128xf32, #tpu.memory_space<hbm>>) target(%arg8 : memref<128x128xf32, #tpu.memory_space<vmem>>) offsets(%dma_start3A_202 : memref<128xi32, #tpu.memory_space<vmem>>) semaphore(%arg11 : memref<!tpu.dma_semaphore, #tpu.memory_space<semaphore_mem>>)
        } else {
        }
        %add3A_183 = arith.constant 1 : i32
        %add3A_184 = arith.addi %mul3A_143, %add3A_183 : i32
        %dma_wait3A_185 = arith.constant 0 : i32
        %dma_wait3A_186 = tpu.memref_slice %arg7[%add3A_184, %dma_wait3A_185] : memref<32x128xi32, #tpu.memory_space<vmem>> -> memref<1x128xi32, #tpu.memory_space<vmem>>
        %dma_wait3A_187 = tpu.memref_squeeze %dma_wait3A_186 : memref<1x128xi32, #tpu.memory_space<vmem>> -> memref<128xi32, #tpu.memory_space<vmem>>
        %dma_wait3A_188 = arith.constant 0 : i32
        %dma_wait3A_189 = arith.constant 0 : i32
        %dma_wait3A_190 = tpu.memref_slice %arg10[%dma_wait3A_188, %dma_wait3A_189] : memref<10240x128xf32, #tpu.memory_space<vmem_shared>> -> memref<10240x128xf32, #tpu.memory_space<vmem_shared>>
        tpu.wait_indirect_dma semaphore(%arg14 : memref<!tpu.dma_semaphore, #tpu.memory_space<semaphore_mem>>) src(%arg9 : memref<128x128xf32, #tpu.memory_space<vmem>>) dst(%dma_wait3A_190 : memref<10240x128xf32, #tpu.memory_space<vmem_shared>>)
        %add3A_191 = arith.constant 3 : i32
        %add3A_192 = arith.addi %mul3A_143, %add3A_191 : i32
        %lt3A_193 = arith.constant 32 : i32
        %lt3A_194 = arith.cmpi slt, %add3A_192, %lt3A_193 : i32
        %convert_element_type3A_195 = arith.extui %lt3A_194 : i1 to i32
        %cond3A_196 = arith.constant 0 : i32
        %cond3A_197 = arith.cmpi ne, %convert_element_type3A_195, %cond3A_196 : i32
        scf.if %cond3A_197 {
          %add3A_198 = arith.constant 3 : i32
          %add3A_199 = arith.addi %mul3A_143, %add3A_198 : i32
          %dma_start3A_200 = arith.constant 0 : i32
          %dma_start3A_201 = tpu.memref_slice %arg6[%add3A_199, %dma_start3A_200] : memref<32x128xi32, #tpu.memory_space<vmem>> -> memref<1x128xi32, #tpu.memory_space<vmem>>
          %dma_start3A_202 = tpu.memref_squeeze %dma_start3A_201 : memref<1x128xi32, #tpu.memory_space<vmem>> -> memref<128xi32, #tpu.memory_space<vmem>>
          %dma_start3A_203 = arith.constant 0 : i32
          %dma_start3A_204 = arith.constant 0 : i32
          %dma_start3A_205 = tpu.memref_slice %arg2[%dma_start3A_203, %dma_start3A_204] : memref<10240x128xf32, #tpu.memory_space<hbm>> -> memref<10240x128xf32, #tpu.memory_space<hbm>>
          tpu.enqueue_indirect_dma source(%dma_start3A_205 : memref<10240x128xf32, #tpu.memory_space<hbm>>) target(%arg9 : memref<128x128xf32, #tpu.memory_space<vmem>>) offsets(%dma_start3A_202 : memref<128xi32, #tpu.memory_space<vmem>>) semaphore(%arg12 : memref<!tpu.dma_semaphore, #tpu.memory_space<semaphore_mem>>)
        } else {
        }
      }
      %scan3A_74 = arith.constant 16 : i32
      %add3A_75 = arith.constant 64 : i32
      %add3A_76 = arith.addi %select_n3A, %add3A_75 : i32
      "tpu.region"() ({
        %run_scoped3A = tpu.sem_alloc : memref<!tpu.dma_semaphore, #tpu.memory_space<semaphore_mem>>
        %dma_start3A_141 = arith.constant 0 : i32
        %dma_start3A_142 = arith.constant 0 : i32
        %dma_start3A_143 = tpu.memref_slice %arg6[%dma_start3A_141, %dma_start3A_142] : memref<32x128xi32, #tpu.memory_space<vmem>> -> memref<32x128xi32, #tpu.memory_space<vmem>>
        %dma_start3A_144 = arith.constant 0 : i32
        %dma_start3A_145 = tpu.memref_slice %arg3[%add3A_76, %dma_start3A_144] : memref<2560x128xi32, #tpu.memory_space<hbm>> -> memref<32x128xi32, #tpu.memory_space<hbm>>
        %dma_start3A_146 = arith.constant 0 : i32
        %dma_start3A_147 = arith.constant 0 : i32
        %dma_start3A_148 = tpu.memref_slice %arg6[%dma_start3A_146, %dma_start3A_147] : memref<32x128xi32, #tpu.memory_space<vmem>> -> memref<32x128xi32, #tpu.memory_space<vmem>>
        %dma_start3A_149 = arith.constant 0 : i32
        %dma_start3A_150 = tpu.memref_slice %arg3[%add3A_76, %dma_start3A_149] : memref<2560x128xi32, #tpu.memory_space<hbm>> -> memref<32x128xi32, #tpu.memory_space<hbm>>
        tpu.enqueue_dma source(%dma_start3A_150 : memref<32x128xi32, #tpu.memory_space<hbm>>) target(%dma_start3A_148 : memref<32x128xi32, #tpu.memory_space<vmem>>) target_semaphore(%run_scoped3A : memref<!tpu.dma_semaphore, #tpu.memory_space<semaphore_mem>>)
        %dma_wait3A = arith.constant 0 : i32
        %dma_wait3A_151 = arith.constant 0 : i32
        %dma_wait3A_152 = tpu.memref_slice %arg6[%dma_wait3A, %dma_wait3A_151] : memref<32x128xi32, #tpu.memory_space<vmem>> -> memref<32x128xi32, #tpu.memory_space<vmem>>
        %dma_wait3A_153 = arith.constant 0 : i32
        %dma_wait3A_154 = tpu.memref_slice %arg3[%add3A_76, %dma_wait3A_153] : memref<2560x128xi32, #tpu.memory_space<hbm>> -> memref<32x128xi32, #tpu.memory_space<hbm>>
        %dma_wait3A_155 = arith.constant 0 : i32
        %dma_wait3A_156 = arith.constant 0 : i32
        %dma_wait3A_157 = tpu.memref_slice %arg6[%dma_wait3A_155, %dma_wait3A_156] : memref<32x128xi32, #tpu.memory_space<vmem>> -> memref<32x128xi32, #tpu.memory_space<vmem>>
        %dma_wait3A_158 = arith.constant 0 : i32
        %dma_wait3A_159 = tpu.memref_slice %arg3[%add3A_76, %dma_wait3A_158] : memref<2560x128xi32, #tpu.memory_space<hbm>> -> memref<32x128xi32, #tpu.memory_space<hbm>>
        tpu.wait_dma2 semaphore(%run_scoped3A : memref<!tpu.dma_semaphore, #tpu.memory_space<semaphore_mem>>) src(%dma_wait3A_159 : memref<32x128xi32, #tpu.memory_space<hbm>>) dst(%dma_wait3A_157 : memref<32x128xi32, #tpu.memory_space<vmem>>)
        tpu.yield
      }) : () -> ()
      "tpu.region"() ({
        %run_scoped3A = tpu.sem_alloc : memref<!tpu.dma_semaphore, #tpu.memory_space<semaphore_mem>>
        %dma_start3A_141 = arith.constant 0 : i32
        %dma_start3A_142 = arith.constant 0 : i32
        %dma_start3A_143 = tpu.memref_slice %arg7[%dma_start3A_141, %dma_start3A_142] : memref<32x128xi32, #tpu.memory_space<vmem>> -> memref<32x128xi32, #tpu.memory_space<vmem>>
        %dma_start3A_144 = arith.constant 0 : i32
        %dma_start3A_145 = tpu.memref_slice %arg4[%add3A_76, %dma_start3A_144] : memref<2560x128xi32, #tpu.memory_space<hbm>> -> memref<32x128xi32, #tpu.memory_space<hbm>>
        %dma_start3A_146 = arith.constant 0 : i32
        %dma_start3A_147 = arith.constant 0 : i32
        %dma_start3A_148 = tpu.memref_slice %arg7[%dma_start3A_146, %dma_start3A_147] : memref<32x128xi32, #tpu.memory_space<vmem>> -> memref<32x128xi32, #tpu.memory_space<vmem>>
        %dma_start3A_149 = arith.constant 0 : i32
        %dma_start3A_150 = tpu.memref_slice %arg4[%add3A_76, %dma_start3A_149] : memref<2560x128xi32, #tpu.memory_space<hbm>> -> memref<32x128xi32, #tpu.memory_space<hbm>>
        tpu.enqueue_dma source(%dma_start3A_150 : memref<32x128xi32, #tpu.memory_space<hbm>>) target(%dma_start3A_148 : memref<32x128xi32, #tpu.memory_space<vmem>>) target_semaphore(%run_scoped3A : memref<!tpu.dma_semaphore, #tpu.memory_space<semaphore_mem>>)
        %dma_wait3A = arith.constant 0 : i32
        %dma_wait3A_151 = arith.constant 0 : i32
        %dma_wait3A_152 = tpu.memref_slice %arg7[%dma_wait3A, %dma_wait3A_151] : memref<32x128xi32, #tpu.memory_space<vmem>> -> memref<32x128xi32, #tpu.memory_space<vmem>>
        %dma_wait3A_153 = arith.constant 0 : i32
        %dma_wait3A_154 = tpu.memref_slice %arg4[%add3A_76, %dma_wait3A_153] : memref<2560x128xi32, #tpu.memory_space<hbm>> -> memref<32x128xi32, #tpu.memory_space<hbm>>
        %dma_wait3A_155 = arith.constant 0 : i32
        %dma_wait3A_156 = arith.constant 0 : i32
        %dma_wait3A_157 = tpu.memref_slice %arg7[%dma_wait3A_155, %dma_wait3A_156] : memref<32x128xi32, #tpu.memory_space<vmem>> -> memref<32x128xi32, #tpu.memory_space<vmem>>
        %dma_wait3A_158 = arith.constant 0 : i32
        %dma_wait3A_159 = tpu.memref_slice %arg4[%add3A_76, %dma_wait3A_158] : memref<2560x128xi32, #tpu.memory_space<hbm>> -> memref<32x128xi32, #tpu.memory_space<hbm>>
        tpu.wait_dma2 semaphore(%run_scoped3A : memref<!tpu.dma_semaphore, #tpu.memory_space<semaphore_mem>>) src(%dma_wait3A_159 : memref<32x128xi32, #tpu.memory_space<hbm>>) dst(%dma_wait3A_157 : memref<32x128xi32, #tpu.memory_space<vmem>>)
        tpu.yield
      }) : () -> ()
      %dma_start3A_77 = arith.constant 0 : i32
      %dma_start3A_78 = arith.constant 0 : i32
      %dma_start3A_79 = tpu.memref_slice %arg6[%dma_start3A_77, %dma_start3A_78] : memref<32x128xi32, #tpu.memory_space<vmem>> -> memref<1x128xi32, #tpu.memory_space<vmem>>
      %dma_start3A_80 = tpu.memref_squeeze %dma_start3A_79 : memref<1x128xi32, #tpu.memory_space<vmem>> -> memref<128xi32, #tpu.memory_space<vmem>>
      %dma_start3A_81 = arith.constant 0 : i32
      %dma_start3A_82 = arith.constant 0 : i32
      %dma_start3A_83 = tpu.memref_slice %arg2[%dma_start3A_81, %dma_start3A_82] : memref<10240x128xf32, #tpu.memory_space<hbm>> -> memref<10240x128xf32, #tpu.memory_space<hbm>>
      tpu.enqueue_indirect_dma source(%dma_start3A_83 : memref<10240x128xf32, #tpu.memory_space<hbm>>) target(%arg8 : memref<128x128xf32, #tpu.memory_space<vmem>>) offsets(%dma_start3A_80 : memref<128xi32, #tpu.memory_space<vmem>>) semaphore(%arg11 : memref<!tpu.dma_semaphore, #tpu.memory_space<semaphore_mem>>)
      %dma_start3A_84 = arith.constant 1 : i32
      %dma_start3A_85 = arith.constant 0 : i32
      %dma_start3A_86 = tpu.memref_slice %arg6[%dma_start3A_84, %dma_start3A_85] : memref<32x128xi32, #tpu.memory_space<vmem>> -> memref<1x128xi32, #tpu.memory_space<vmem>>
      %dma_start3A_87 = tpu.memref_squeeze %dma_start3A_86 : memref<1x128xi32, #tpu.memory_space<vmem>> -> memref<128xi32, #tpu.memory_space<vmem>>
      %dma_start3A_88 = arith.constant 0 : i32
      %dma_start3A_89 = arith.constant 0 : i32
      %dma_start3A_90 = tpu.memref_slice %arg2[%dma_start3A_88, %dma_start3A_89] : memref<10240x128xf32, #tpu.memory_space<hbm>> -> memref<10240x128xf32, #tpu.memory_space<hbm>>
      tpu.enqueue_indirect_dma source(%dma_start3A_90 : memref<10240x128xf32, #tpu.memory_space<hbm>>) target(%arg9 : memref<128x128xf32, #tpu.memory_space<vmem>>) offsets(%dma_start3A_87 : memref<128xi32, #tpu.memory_space<vmem>>) semaphore(%arg12 : memref<!tpu.dma_semaphore, #tpu.memory_space<semaphore_mem>>)
      %scan3A_91 = arith.constant 0 : i32
      %scan3A_92 = arith.constant 0 : i32
      %scan3A_93 = arith.constant 16 : i32
      %scan3A_94 = arith.addi %scan3A_92, %scan3A_93 : i32
      %scan3A_95 = arith.constant 1 : i32
      scf.for %scan3A_141 = %scan3A_92 to %scan3A_94 step %scan3A_95  : i32 {
        %mul3A_142 = arith.constant 2 : i32
        %mul3A_143 = arith.muli %mul3A_142, %scan3A_141 : i32
        %dma_wait3A = arith.constant 0 : i32
        %dma_wait3A_144 = tpu.memref_slice %arg6[%mul3A_143, %dma_wait3A] : memref<32x128xi32, #tpu.memory_space<vmem>> -> memref<1x128xi32, #tpu.memory_space<vmem>>
        %dma_wait3A_145 = tpu.memref_squeeze %dma_wait3A_144 : memref<1x128xi32, #tpu.memory_space<vmem>> -> memref<128xi32, #tpu.memory_space<vmem>>
        %dma_wait3A_146 = arith.constant 0 : i32
        %dma_wait3A_147 = arith.constant 0 : i32
        %dma_wait3A_148 = tpu.memref_slice %arg2[%dma_wait3A_146, %dma_wait3A_147] : memref<10240x128xf32, #tpu.memory_space<hbm>> -> memref<10240x128xf32, #tpu.memory_space<hbm>>
        tpu.wait_indirect_dma semaphore(%arg11 : memref<!tpu.dma_semaphore, #tpu.memory_space<semaphore_mem>>) src(%dma_wait3A_148 : memref<10240x128xf32, #tpu.memory_space<hbm>>) dst(%arg8 : memref<128x128xf32, #tpu.memory_space<vmem>>)
        %dma_start3A_149 = arith.constant 0 : i32
        %dma_start3A_150 = tpu.memref_slice %arg7[%mul3A_143, %dma_start3A_149] : memref<32x128xi32, #tpu.memory_space<vmem>> -> memref<1x128xi32, #tpu.memory_space<vmem>>
        %dma_start3A_151 = tpu.memref_squeeze %dma_start3A_150 : memref<1x128xi32, #tpu.memory_space<vmem>> -> memref<128xi32, #tpu.memory_space<vmem>>
        %dma_start3A_152 = arith.constant 0 : i32
        %dma_start3A_153 = arith.constant 0 : i32
        %dma_start3A_154 = tpu.memref_slice %arg10[%dma_start3A_152, %dma_start3A_153] : memref<10240x128xf32, #tpu.memory_space<vmem_shared>> -> memref<10240x128xf32, #tpu.memory_space<vmem_shared>>
        tpu.enqueue_indirect_dma source(%arg8 : memref<128x128xf32, #tpu.memory_space<vmem>>) target(%dma_start3A_154 : memref<10240x128xf32, #tpu.memory_space<vmem_shared>>) offsets(%dma_start3A_151 : memref<128xi32, #tpu.memory_space<vmem>>) semaphore(%arg13 : memref<!tpu.dma_semaphore, #tpu.memory_space<semaphore_mem>>) {add = true}
        %add3A_155 = arith.constant 1 : i32
        %add3A_156 = arith.addi %mul3A_143, %add3A_155 : i32
        %dma_wait3A_157 = arith.constant 0 : i32
        %dma_wait3A_158 = tpu.memref_slice %arg6[%add3A_156, %dma_wait3A_157] : memref<32x128xi32, #tpu.memory_space<vmem>> -> memref<1x128xi32, #tpu.memory_space<vmem>>
        %dma_wait3A_159 = tpu.memref_squeeze %dma_wait3A_158 : memref<1x128xi32, #tpu.memory_space<vmem>> -> memref<128xi32, #tpu.memory_space<vmem>>
        %dma_wait3A_160 = arith.constant 0 : i32
        %dma_wait3A_161 = arith.constant 0 : i32
        %dma_wait3A_162 = tpu.memref_slice %arg2[%dma_wait3A_160, %dma_wait3A_161] : memref<10240x128xf32, #tpu.memory_space<hbm>> -> memref<10240x128xf32, #tpu.memory_space<hbm>>
        tpu.wait_indirect_dma semaphore(%arg12 : memref<!tpu.dma_semaphore, #tpu.memory_space<semaphore_mem>>) src(%dma_wait3A_162 : memref<10240x128xf32, #tpu.memory_space<hbm>>) dst(%arg9 : memref<128x128xf32, #tpu.memory_space<vmem>>)
        %add3A_163 = arith.constant 1 : i32
        %add3A_164 = arith.addi %mul3A_143, %add3A_163 : i32
        %dma_start3A_165 = arith.constant 0 : i32
        %dma_start3A_166 = tpu.memref_slice %arg7[%add3A_164, %dma_start3A_165] : memref<32x128xi32, #tpu.memory_space<vmem>> -> memref<1x128xi32, #tpu.memory_space<vmem>>
        %dma_start3A_167 = tpu.memref_squeeze %dma_start3A_166 : memref<1x128xi32, #tpu.memory_space<vmem>> -> memref<128xi32, #tpu.memory_space<vmem>>
        %dma_start3A_168 = arith.constant 0 : i32
        %dma_start3A_169 = arith.constant 0 : i32
        %dma_start3A_170 = tpu.memref_slice %arg10[%dma_start3A_168, %dma_start3A_169] : memref<10240x128xf32, #tpu.memory_space<vmem_shared>> -> memref<10240x128xf32, #tpu.memory_space<vmem_shared>>
        tpu.enqueue_indirect_dma source(%arg9 : memref<128x128xf32, #tpu.memory_space<vmem>>) target(%dma_start3A_170 : memref<10240x128xf32, #tpu.memory_space<vmem_shared>>) offsets(%dma_start3A_167 : memref<128xi32, #tpu.memory_space<vmem>>) semaphore(%arg14 : memref<!tpu.dma_semaphore, #tpu.memory_space<semaphore_mem>>) {add = true}
        %dma_wait3A_171 = arith.constant 0 : i32
        %dma_wait3A_172 = tpu.memref_slice %arg7[%mul3A_143, %dma_wait3A_171] : memref<32x128xi32, #tpu.memory_space<vmem>> -> memref<1x128xi32, #tpu.memory_space<vmem>>
        %dma_wait3A_173 = tpu.memref_squeeze %dma_wait3A_172 : memref<1x128xi32, #tpu.memory_space<vmem>> -> memref<128xi32, #tpu.memory_space<vmem>>
        %dma_wait3A_174 = arith.constant 0 : i32
        %dma_wait3A_175 = arith.constant 0 : i32
        %dma_wait3A_176 = tpu.memref_slice %arg10[%dma_wait3A_174, %dma_wait3A_175] : memref<10240x128xf32, #tpu.memory_space<vmem_shared>> -> memref<10240x128xf32, #tpu.memory_space<vmem_shared>>
        tpu.wait_indirect_dma semaphore(%arg13 : memref<!tpu.dma_semaphore, #tpu.memory_space<semaphore_mem>>) src(%arg8 : memref<128x128xf32, #tpu.memory_space<vmem>>) dst(%dma_wait3A_176 : memref<10240x128xf32, #tpu.memory_space<vmem_shared>>)
        %add3A_177 = arith.constant 2 : i32
        %add3A_178 = arith.addi %mul3A_143, %add3A_177 : i32
        %lt3A = arith.constant 32 : i32
        %lt3A_179 = arith.cmpi slt, %add3A_178, %lt3A : i32
        %convert_element_type3A_180 = arith.extui %lt3A_179 : i1 to i32
        %cond3A_181 = arith.constant 0 : i32
        %cond3A_182 = arith.cmpi ne, %convert_element_type3A_180, %cond3A_181 : i32
        scf.if %cond3A_182 {
          %add3A_198 = arith.constant 2 : i32
          %add3A_199 = arith.addi %mul3A_143, %add3A_198 : i32
          %dma_start3A_200 = arith.constant 0 : i32
          %dma_start3A_201 = tpu.memref_slice %arg6[%add3A_199, %dma_start3A_200] : memref<32x128xi32, #tpu.memory_space<vmem>> -> memref<1x128xi32, #tpu.memory_space<vmem>>
          %dma_start3A_202 = tpu.memref_squeeze %dma_start3A_201 : memref<1x128xi32, #tpu.memory_space<vmem>> -> memref<128xi32, #tpu.memory_space<vmem>>
          %dma_start3A_203 = arith.constant 0 : i32
          %dma_start3A_204 = arith.constant 0 : i32
          %dma_start3A_205 = tpu.memref_slice %arg2[%dma_start3A_203, %dma_start3A_204] : memref<10240x128xf32, #tpu.memory_space<hbm>> -> memref<10240x128xf32, #tpu.memory_space<hbm>>
          tpu.enqueue_indirect_dma source(%dma_start3A_205 : memref<10240x128xf32, #tpu.memory_space<hbm>>) target(%arg8 : memref<128x128xf32, #tpu.memory_space<vmem>>) offsets(%dma_start3A_202 : memref<128xi32, #tpu.memory_space<vmem>>) semaphore(%arg11 : memref<!tpu.dma_semaphore, #tpu.memory_space<semaphore_mem>>)
        } else {
        }
        %add3A_183 = arith.constant 1 : i32
        %add3A_184 = arith.addi %mul3A_143, %add3A_183 : i32
        %dma_wait3A_185 = arith.constant 0 : i32
        %dma_wait3A_186 = tpu.memref_slice %arg7[%add3A_184, %dma_wait3A_185] : memref<32x128xi32, #tpu.memory_space<vmem>> -> memref<1x128xi32, #tpu.memory_space<vmem>>
        %dma_wait3A_187 = tpu.memref_squeeze %dma_wait3A_186 : memref<1x128xi32, #tpu.memory_space<vmem>> -> memref<128xi32, #tpu.memory_space<vmem>>
        %dma_wait3A_188 = arith.constant 0 : i32
        %dma_wait3A_189 = arith.constant 0 : i32
        %dma_wait3A_190 = tpu.memref_slice %arg10[%dma_wait3A_188, %dma_wait3A_189] : memref<10240x128xf32, #tpu.memory_space<vmem_shared>> -> memref<10240x128xf32, #tpu.memory_space<vmem_shared>>
        tpu.wait_indirect_dma semaphore(%arg14 : memref<!tpu.dma_semaphore, #tpu.memory_space<semaphore_mem>>) src(%arg9 : memref<128x128xf32, #tpu.memory_space<vmem>>) dst(%dma_wait3A_190 : memref<10240x128xf32, #tpu.memory_space<vmem_shared>>)
        %add3A_191 = arith.constant 3 : i32
        %add3A_192 = arith.addi %mul3A_143, %add3A_191 : i32
        %lt3A_193 = arith.constant 32 : i32
        %lt3A_194 = arith.cmpi slt, %add3A_192, %lt3A_193 : i32
        %convert_element_type3A_195 = arith.extui %lt3A_194 : i1 to i32
        %cond3A_196 = arith.constant 0 : i32
        %cond3A_197 = arith.cmpi ne, %convert_element_type3A_195, %cond3A_196 : i32
        scf.if %cond3A_197 {
          %add3A_198 = arith.constant 3 : i32
          %add3A_199 = arith.addi %mul3A_143, %add3A_198 : i32
          %dma_start3A_200 = arith.constant 0 : i32
          %dma_start3A_201 = tpu.memref_slice %arg6[%add3A_199, %dma_start3A_200] : memref<32x128xi32, #tpu.memory_space<vmem>> -> memref<1x128xi32, #tpu.memory_space<vmem>>
          %dma_start3A_202 = tpu.memref_squeeze %dma_start3A_201 : memref<1x128xi32, #tpu.memory_space<vmem>> -> memref<128xi32, #tpu.memory_space<vmem>>
          %dma_start3A_203 = arith.constant 0 : i32
          %dma_start3A_204 = arith.constant 0 : i32
          %dma_start3A_205 = tpu.memref_slice %arg2[%dma_start3A_203, %dma_start3A_204] : memref<10240x128xf32, #tpu.memory_space<hbm>> -> memref<10240x128xf32, #tpu.memory_space<hbm>>
          tpu.enqueue_indirect_dma source(%dma_start3A_205 : memref<10240x128xf32, #tpu.memory_space<hbm>>) target(%arg9 : memref<128x128xf32, #tpu.memory_space<vmem>>) offsets(%dma_start3A_202 : memref<128xi32, #tpu.memory_space<vmem>>) semaphore(%arg12 : memref<!tpu.dma_semaphore, #tpu.memory_space<semaphore_mem>>)
        } else {
        }
      }
      %scan3A_96 = arith.constant 16 : i32
      %add3A_97 = arith.constant 96 : i32
      %add3A_98 = arith.addi %select_n3A, %add3A_97 : i32
      "tpu.region"() ({
        %run_scoped3A = tpu.sem_alloc : memref<!tpu.dma_semaphore, #tpu.memory_space<semaphore_mem>>
        %dma_start3A_141 = arith.constant 0 : i32
        %dma_start3A_142 = arith.constant 0 : i32
        %dma_start3A_143 = tpu.memref_slice %arg6[%dma_start3A_141, %dma_start3A_142] : memref<32x128xi32, #tpu.memory_space<vmem>> -> memref<32x128xi32, #tpu.memory_space<vmem>>
        %dma_start3A_144 = arith.constant 0 : i32
        %dma_start3A_145 = tpu.memref_slice %arg3[%add3A_98, %dma_start3A_144] : memref<2560x128xi32, #tpu.memory_space<hbm>> -> memref<32x128xi32, #tpu.memory_space<hbm>>
        %dma_start3A_146 = arith.constant 0 : i32
        %dma_start3A_147 = arith.constant 0 : i32
        %dma_start3A_148 = tpu.memref_slice %arg6[%dma_start3A_146, %dma_start3A_147] : memref<32x128xi32, #tpu.memory_space<vmem>> -> memref<32x128xi32, #tpu.memory_space<vmem>>
        %dma_start3A_149 = arith.constant 0 : i32
        %dma_start3A_150 = tpu.memref_slice %arg3[%add3A_98, %dma_start3A_149] : memref<2560x128xi32, #tpu.memory_space<hbm>> -> memref<32x128xi32, #tpu.memory_space<hbm>>
        tpu.enqueue_dma source(%dma_start3A_150 : memref<32x128xi32, #tpu.memory_space<hbm>>) target(%dma_start3A_148 : memref<32x128xi32, #tpu.memory_space<vmem>>) target_semaphore(%run_scoped3A : memref<!tpu.dma_semaphore, #tpu.memory_space<semaphore_mem>>)
        %dma_wait3A = arith.constant 0 : i32
        %dma_wait3A_151 = arith.constant 0 : i32
        %dma_wait3A_152 = tpu.memref_slice %arg6[%dma_wait3A, %dma_wait3A_151] : memref<32x128xi32, #tpu.memory_space<vmem>> -> memref<32x128xi32, #tpu.memory_space<vmem>>
        %dma_wait3A_153 = arith.constant 0 : i32
        %dma_wait3A_154 = tpu.memref_slice %arg3[%add3A_98, %dma_wait3A_153] : memref<2560x128xi32, #tpu.memory_space<hbm>> -> memref<32x128xi32, #tpu.memory_space<hbm>>
        %dma_wait3A_155 = arith.constant 0 : i32
        %dma_wait3A_156 = arith.constant 0 : i32
        %dma_wait3A_157 = tpu.memref_slice %arg6[%dma_wait3A_155, %dma_wait3A_156] : memref<32x128xi32, #tpu.memory_space<vmem>> -> memref<32x128xi32, #tpu.memory_space<vmem>>
        %dma_wait3A_158 = arith.constant 0 : i32
        %dma_wait3A_159 = tpu.memref_slice %arg3[%add3A_98, %dma_wait3A_158] : memref<2560x128xi32, #tpu.memory_space<hbm>> -> memref<32x128xi32, #tpu.memory_space<hbm>>
        tpu.wait_dma2 semaphore(%run_scoped3A : memref<!tpu.dma_semaphore, #tpu.memory_space<semaphore_mem>>) src(%dma_wait3A_159 : memref<32x128xi32, #tpu.memory_space<hbm>>) dst(%dma_wait3A_157 : memref<32x128xi32, #tpu.memory_space<vmem>>)
        tpu.yield
      }) : () -> ()
      "tpu.region"() ({
        %run_scoped3A = tpu.sem_alloc : memref<!tpu.dma_semaphore, #tpu.memory_space<semaphore_mem>>
        %dma_start3A_141 = arith.constant 0 : i32
        %dma_start3A_142 = arith.constant 0 : i32
        %dma_start3A_143 = tpu.memref_slice %arg7[%dma_start3A_141, %dma_start3A_142] : memref<32x128xi32, #tpu.memory_space<vmem>> -> memref<32x128xi32, #tpu.memory_space<vmem>>
        %dma_start3A_144 = arith.constant 0 : i32
        %dma_start3A_145 = tpu.memref_slice %arg4[%add3A_98, %dma_start3A_144] : memref<2560x128xi32, #tpu.memory_space<hbm>> -> memref<32x128xi32, #tpu.memory_space<hbm>>
        %dma_start3A_146 = arith.constant 0 : i32
        %dma_start3A_147 = arith.constant 0 : i32
        %dma_start3A_148 = tpu.memref_slice %arg7[%dma_start3A_146, %dma_start3A_147] : memref<32x128xi32, #tpu.memory_space<vmem>> -> memref<32x128xi32, #tpu.memory_space<vmem>>
        %dma_start3A_149 = arith.constant 0 : i32
        %dma_start3A_150 = tpu.memref_slice %arg4[%add3A_98, %dma_start3A_149] : memref<2560x128xi32, #tpu.memory_space<hbm>> -> memref<32x128xi32, #tpu.memory_space<hbm>>
        tpu.enqueue_dma source(%dma_start3A_150 : memref<32x128xi32, #tpu.memory_space<hbm>>) target(%dma_start3A_148 : memref<32x128xi32, #tpu.memory_space<vmem>>) target_semaphore(%run_scoped3A : memref<!tpu.dma_semaphore, #tpu.memory_space<semaphore_mem>>)
        %dma_wait3A = arith.constant 0 : i32
        %dma_wait3A_151 = arith.constant 0 : i32
        %dma_wait3A_152 = tpu.memref_slice %arg7[%dma_wait3A, %dma_wait3A_151] : memref<32x128xi32, #tpu.memory_space<vmem>> -> memref<32x128xi32, #tpu.memory_space<vmem>>
        %dma_wait3A_153 = arith.constant 0 : i32
        %dma_wait3A_154 = tpu.memref_slice %arg4[%add3A_98, %dma_wait3A_153] : memref<2560x128xi32, #tpu.memory_space<hbm>> -> memref<32x128xi32, #tpu.memory_space<hbm>>
        %dma_wait3A_155 = arith.constant 0 : i32
        %dma_wait3A_156 = arith.constant 0 : i32
        %dma_wait3A_157 = tpu.memref_slice %arg7[%dma_wait3A_155, %dma_wait3A_156] : memref<32x128xi32, #tpu.memory_space<vmem>> -> memref<32x128xi32, #tpu.memory_space<vmem>>
        %dma_wait3A_158 = arith.constant 0 : i32
        %dma_wait3A_159 = tpu.memref_slice %arg4[%add3A_98, %dma_wait3A_158] : memref<2560x128xi32, #tpu.memory_space<hbm>> -> memref<32x128xi32, #tpu.memory_space<hbm>>
        tpu.wait_dma2 semaphore(%run_scoped3A : memref<!tpu.dma_semaphore, #tpu.memory_space<semaphore_mem>>) src(%dma_wait3A_159 : memref<32x128xi32, #tpu.memory_space<hbm>>) dst(%dma_wait3A_157 : memref<32x128xi32, #tpu.memory_space<vmem>>)
        tpu.yield
      }) : () -> ()
      %dma_start3A_99 = arith.constant 0 : i32
      %dma_start3A_100 = arith.constant 0 : i32
      %dma_start3A_101 = tpu.memref_slice %arg6[%dma_start3A_99, %dma_start3A_100] : memref<32x128xi32, #tpu.memory_space<vmem>> -> memref<1x128xi32, #tpu.memory_space<vmem>>
      %dma_start3A_102 = tpu.memref_squeeze %dma_start3A_101 : memref<1x128xi32, #tpu.memory_space<vmem>> -> memref<128xi32, #tpu.memory_space<vmem>>
      %dma_start3A_103 = arith.constant 0 : i32
      %dma_start3A_104 = arith.constant 0 : i32
      %dma_start3A_105 = tpu.memref_slice %arg2[%dma_start3A_103, %dma_start3A_104] : memref<10240x128xf32, #tpu.memory_space<hbm>> -> memref<10240x128xf32, #tpu.memory_space<hbm>>
      tpu.enqueue_indirect_dma source(%dma_start3A_105 : memref<10240x128xf32, #tpu.memory_space<hbm>>) target(%arg8 : memref<128x128xf32, #tpu.memory_space<vmem>>) offsets(%dma_start3A_102 : memref<128xi32, #tpu.memory_space<vmem>>) semaphore(%arg11 : memref<!tpu.dma_semaphore, #tpu.memory_space<semaphore_mem>>)
      %dma_start3A_106 = arith.constant 1 : i32
      %dma_start3A_107 = arith.constant 0 : i32
      %dma_start3A_108 = tpu.memref_slice %arg6[%dma_start3A_106, %dma_start3A_107] : memref<32x128xi32, #tpu.memory_space<vmem>> -> memref<1x128xi32, #tpu.memory_space<vmem>>
      %dma_start3A_109 = tpu.memref_squeeze %dma_start3A_108 : memref<1x128xi32, #tpu.memory_space<vmem>> -> memref<128xi32, #tpu.memory_space<vmem>>
      %dma_start3A_110 = arith.constant 0 : i32
      %dma_start3A_111 = arith.constant 0 : i32
      %dma_start3A_112 = tpu.memref_slice %arg2[%dma_start3A_110, %dma_start3A_111] : memref<10240x128xf32, #tpu.memory_space<hbm>> -> memref<10240x128xf32, #tpu.memory_space<hbm>>
      tpu.enqueue_indirect_dma source(%dma_start3A_112 : memref<10240x128xf32, #tpu.memory_space<hbm>>) target(%arg9 : memref<128x128xf32, #tpu.memory_space<vmem>>) offsets(%dma_start3A_109 : memref<128xi32, #tpu.memory_space<vmem>>) semaphore(%arg12 : memref<!tpu.dma_semaphore, #tpu.memory_space<semaphore_mem>>)
      %scan3A_113 = arith.constant 0 : i32
      %scan3A_114 = arith.constant 0 : i32
      %scan3A_115 = arith.constant 16 : i32
      %scan3A_116 = arith.addi %scan3A_114, %scan3A_115 : i32
      %scan3A_117 = arith.constant 1 : i32
      scf.for %scan3A_141 = %scan3A_114 to %scan3A_116 step %scan3A_117  : i32 {
        %mul3A_142 = arith.constant 2 : i32
        %mul3A_143 = arith.muli %mul3A_142, %scan3A_141 : i32
        %dma_wait3A = arith.constant 0 : i32
        %dma_wait3A_144 = tpu.memref_slice %arg6[%mul3A_143, %dma_wait3A] : memref<32x128xi32, #tpu.memory_space<vmem>> -> memref<1x128xi32, #tpu.memory_space<vmem>>
        %dma_wait3A_145 = tpu.memref_squeeze %dma_wait3A_144 : memref<1x128xi32, #tpu.memory_space<vmem>> -> memref<128xi32, #tpu.memory_space<vmem>>
        %dma_wait3A_146 = arith.constant 0 : i32
        %dma_wait3A_147 = arith.constant 0 : i32
        %dma_wait3A_148 = tpu.memref_slice %arg2[%dma_wait3A_146, %dma_wait3A_147] : memref<10240x128xf32, #tpu.memory_space<hbm>> -> memref<10240x128xf32, #tpu.memory_space<hbm>>
        tpu.wait_indirect_dma semaphore(%arg11 : memref<!tpu.dma_semaphore, #tpu.memory_space<semaphore_mem>>) src(%dma_wait3A_148 : memref<10240x128xf32, #tpu.memory_space<hbm>>) dst(%arg8 : memref<128x128xf32, #tpu.memory_space<vmem>>)
        %dma_start3A_149 = arith.constant 0 : i32
        %dma_start3A_150 = tpu.memref_slice %arg7[%mul3A_143, %dma_start3A_149] : memref<32x128xi32, #tpu.memory_space<vmem>> -> memref<1x128xi32, #tpu.memory_space<vmem>>
        %dma_start3A_151 = tpu.memref_squeeze %dma_start3A_150 : memref<1x128xi32, #tpu.memory_space<vmem>> -> memref<128xi32, #tpu.memory_space<vmem>>
        %dma_start3A_152 = arith.constant 0 : i32
        %dma_start3A_153 = arith.constant 0 : i32
        %dma_start3A_154 = tpu.memref_slice %arg10[%dma_start3A_152, %dma_start3A_153] : memref<10240x128xf32, #tpu.memory_space<vmem_shared>> -> memref<10240x128xf32, #tpu.memory_space<vmem_shared>>
        tpu.enqueue_indirect_dma source(%arg8 : memref<128x128xf32, #tpu.memory_space<vmem>>) target(%dma_start3A_154 : memref<10240x128xf32, #tpu.memory_space<vmem_shared>>) offsets(%dma_start3A_151 : memref<128xi32, #tpu.memory_space<vmem>>) semaphore(%arg13 : memref<!tpu.dma_semaphore, #tpu.memory_space<semaphore_mem>>) {add = true}
        %add3A_155 = arith.constant 1 : i32
        %add3A_156 = arith.addi %mul3A_143, %add3A_155 : i32
        %dma_wait3A_157 = arith.constant 0 : i32
        %dma_wait3A_158 = tpu.memref_slice %arg6[%add3A_156, %dma_wait3A_157] : memref<32x128xi32, #tpu.memory_space<vmem>> -> memref<1x128xi32, #tpu.memory_space<vmem>>
        %dma_wait3A_159 = tpu.memref_squeeze %dma_wait3A_158 : memref<1x128xi32, #tpu.memory_space<vmem>> -> memref<128xi32, #tpu.memory_space<vmem>>
        %dma_wait3A_160 = arith.constant 0 : i32
        %dma_wait3A_161 = arith.constant 0 : i32
        %dma_wait3A_162 = tpu.memref_slice %arg2[%dma_wait3A_160, %dma_wait3A_161] : memref<10240x128xf32, #tpu.memory_space<hbm>> -> memref<10240x128xf32, #tpu.memory_space<hbm>>
        tpu.wait_indirect_dma semaphore(%arg12 : memref<!tpu.dma_semaphore, #tpu.memory_space<semaphore_mem>>) src(%dma_wait3A_162 : memref<10240x128xf32, #tpu.memory_space<hbm>>) dst(%arg9 : memref<128x128xf32, #tpu.memory_space<vmem>>)
        %add3A_163 = arith.constant 1 : i32
        %add3A_164 = arith.addi %mul3A_143, %add3A_163 : i32
        %dma_start3A_165 = arith.constant 0 : i32
        %dma_start3A_166 = tpu.memref_slice %arg7[%add3A_164, %dma_start3A_165] : memref<32x128xi32, #tpu.memory_space<vmem>> -> memref<1x128xi32, #tpu.memory_space<vmem>>
        %dma_start3A_167 = tpu.memref_squeeze %dma_start3A_166 : memref<1x128xi32, #tpu.memory_space<vmem>> -> memref<128xi32, #tpu.memory_space<vmem>>
        %dma_start3A_168 = arith.constant 0 : i32
        %dma_start3A_169 = arith.constant 0 : i32
        %dma_start3A_170 = tpu.memref_slice %arg10[%dma_start3A_168, %dma_start3A_169] : memref<10240x128xf32, #tpu.memory_space<vmem_shared>> -> memref<10240x128xf32, #tpu.memory_space<vmem_shared>>
        tpu.enqueue_indirect_dma source(%arg9 : memref<128x128xf32, #tpu.memory_space<vmem>>) target(%dma_start3A_170 : memref<10240x128xf32, #tpu.memory_space<vmem_shared>>) offsets(%dma_start3A_167 : memref<128xi32, #tpu.memory_space<vmem>>) semaphore(%arg14 : memref<!tpu.dma_semaphore, #tpu.memory_space<semaphore_mem>>) {add = true}
        %dma_wait3A_171 = arith.constant 0 : i32
        %dma_wait3A_172 = tpu.memref_slice %arg7[%mul3A_143, %dma_wait3A_171] : memref<32x128xi32, #tpu.memory_space<vmem>> -> memref<1x128xi32, #tpu.memory_space<vmem>>
        %dma_wait3A_173 = tpu.memref_squeeze %dma_wait3A_172 : memref<1x128xi32, #tpu.memory_space<vmem>> -> memref<128xi32, #tpu.memory_space<vmem>>
        %dma_wait3A_174 = arith.constant 0 : i32
        %dma_wait3A_175 = arith.constant 0 : i32
        %dma_wait3A_176 = tpu.memref_slice %arg10[%dma_wait3A_174, %dma_wait3A_175] : memref<10240x128xf32, #tpu.memory_space<vmem_shared>> -> memref<10240x128xf32, #tpu.memory_space<vmem_shared>>
        tpu.wait_indirect_dma semaphore(%arg13 : memref<!tpu.dma_semaphore, #tpu.memory_space<semaphore_mem>>) src(%arg8 : memref<128x128xf32, #tpu.memory_space<vmem>>) dst(%dma_wait3A_176 : memref<10240x128xf32, #tpu.memory_space<vmem_shared>>)
        %add3A_177 = arith.constant 2 : i32
        %add3A_178 = arith.addi %mul3A_143, %add3A_177 : i32
        %lt3A = arith.constant 32 : i32
        %lt3A_179 = arith.cmpi slt, %add3A_178, %lt3A : i32
        %convert_element_type3A_180 = arith.extui %lt3A_179 : i1 to i32
        %cond3A_181 = arith.constant 0 : i32
        %cond3A_182 = arith.cmpi ne, %convert_element_type3A_180, %cond3A_181 : i32
        scf.if %cond3A_182 {
          %add3A_198 = arith.constant 2 : i32
          %add3A_199 = arith.addi %mul3A_143, %add3A_198 : i32
          %dma_start3A_200 = arith.constant 0 : i32
          %dma_start3A_201 = tpu.memref_slice %arg6[%add3A_199, %dma_start3A_200] : memref<32x128xi32, #tpu.memory_space<vmem>> -> memref<1x128xi32, #tpu.memory_space<vmem>>
          %dma_start3A_202 = tpu.memref_squeeze %dma_start3A_201 : memref<1x128xi32, #tpu.memory_space<vmem>> -> memref<128xi32, #tpu.memory_space<vmem>>
          %dma_start3A_203 = arith.constant 0 : i32
          %dma_start3A_204 = arith.constant 0 : i32
          %dma_start3A_205 = tpu.memref_slice %arg2[%dma_start3A_203, %dma_start3A_204] : memref<10240x128xf32, #tpu.memory_space<hbm>> -> memref<10240x128xf32, #tpu.memory_space<hbm>>
          tpu.enqueue_indirect_dma source(%dma_start3A_205 : memref<10240x128xf32, #tpu.memory_space<hbm>>) target(%arg8 : memref<128x128xf32, #tpu.memory_space<vmem>>) offsets(%dma_start3A_202 : memref<128xi32, #tpu.memory_space<vmem>>) semaphore(%arg11 : memref<!tpu.dma_semaphore, #tpu.memory_space<semaphore_mem>>)
        } else {
        }
        %add3A_183 = arith.constant 1 : i32
        %add3A_184 = arith.addi %mul3A_143, %add3A_183 : i32
        %dma_wait3A_185 = arith.constant 0 : i32
        %dma_wait3A_186 = tpu.memref_slice %arg7[%add3A_184, %dma_wait3A_185] : memref<32x128xi32, #tpu.memory_space<vmem>> -> memref<1x128xi32, #tpu.memory_space<vmem>>
        %dma_wait3A_187 = tpu.memref_squeeze %dma_wait3A_186 : memref<1x128xi32, #tpu.memory_space<vmem>> -> memref<128xi32, #tpu.memory_space<vmem>>
        %dma_wait3A_188 = arith.constant 0 : i32
        %dma_wait3A_189 = arith.constant 0 : i32
        %dma_wait3A_190 = tpu.memref_slice %arg10[%dma_wait3A_188, %dma_wait3A_189] : memref<10240x128xf32, #tpu.memory_space<vmem_shared>> -> memref<10240x128xf32, #tpu.memory_space<vmem_shared>>
        tpu.wait_indirect_dma semaphore(%arg14 : memref<!tpu.dma_semaphore, #tpu.memory_space<semaphore_mem>>) src(%arg9 : memref<128x128xf32, #tpu.memory_space<vmem>>) dst(%dma_wait3A_190 : memref<10240x128xf32, #tpu.memory_space<vmem_shared>>)
        %add3A_191 = arith.constant 3 : i32
        %add3A_192 = arith.addi %mul3A_143, %add3A_191 : i32
        %lt3A_193 = arith.constant 32 : i32
        %lt3A_194 = arith.cmpi slt, %add3A_192, %lt3A_193 : i32
        %convert_element_type3A_195 = arith.extui %lt3A_194 : i1 to i32
        %cond3A_196 = arith.constant 0 : i32
        %cond3A_197 = arith.cmpi ne, %convert_element_type3A_195, %cond3A_196 : i32
        scf.if %cond3A_197 {
          %add3A_198 = arith.constant 3 : i32
          %add3A_199 = arith.addi %mul3A_143, %add3A_198 : i32
          %dma_start3A_200 = arith.constant 0 : i32
          %dma_start3A_201 = tpu.memref_slice %arg6[%add3A_199, %dma_start3A_200] : memref<32x128xi32, #tpu.memory_space<vmem>> -> memref<1x128xi32, #tpu.memory_space<vmem>>
          %dma_start3A_202 = tpu.memref_squeeze %dma_start3A_201 : memref<1x128xi32, #tpu.memory_space<vmem>> -> memref<128xi32, #tpu.memory_space<vmem>>
          %dma_start3A_203 = arith.constant 0 : i32
          %dma_start3A_204 = arith.constant 0 : i32
          %dma_start3A_205 = tpu.memref_slice %arg2[%dma_start3A_203, %dma_start3A_204] : memref<10240x128xf32, #tpu.memory_space<hbm>> -> memref<10240x128xf32, #tpu.memory_space<hbm>>
          tpu.enqueue_indirect_dma source(%dma_start3A_205 : memref<10240x128xf32, #tpu.memory_space<hbm>>) target(%arg9 : memref<128x128xf32, #tpu.memory_space<vmem>>) offsets(%dma_start3A_202 : memref<128xi32, #tpu.memory_space<vmem>>) semaphore(%arg12 : memref<!tpu.dma_semaphore, #tpu.memory_space<semaphore_mem>>)
        } else {
        }
      }
      %scan3A_118 = arith.constant 16 : i32
      %add3A_119 = arith.constant 128 : i32
      %add3A_120 = arith.addi %select_n3A, %add3A_119 : i32
      "tpu.region"() ({
        %run_scoped3A = tpu.sem_alloc : memref<!tpu.dma_semaphore, #tpu.memory_space<semaphore_mem>>
        %dma_start3A_141 = arith.constant 0 : i32
        %dma_start3A_142 = arith.constant 0 : i32
        %dma_start3A_143 = tpu.memref_slice %arg6[%dma_start3A_141, %dma_start3A_142] : memref<32x128xi32, #tpu.memory_space<vmem>> -> memref<24x128xi32, #tpu.memory_space<vmem>>
        %dma_start3A_144 = arith.constant 0 : i32
        %dma_start3A_145 = tpu.memref_slice %arg3[%add3A_120, %dma_start3A_144] : memref<2560x128xi32, #tpu.memory_space<hbm>> -> memref<24x128xi32, #tpu.memory_space<hbm>>
        %dma_start3A_146 = arith.constant 0 : i32
        %dma_start3A_147 = arith.constant 0 : i32
        %dma_start3A_148 = tpu.memref_slice %arg6[%dma_start3A_146, %dma_start3A_147] : memref<32x128xi32, #tpu.memory_space<vmem>> -> memref<24x128xi32, #tpu.memory_space<vmem>>
        %dma_start3A_149 = arith.constant 0 : i32
        %dma_start3A_150 = tpu.memref_slice %arg3[%add3A_120, %dma_start3A_149] : memref<2560x128xi32, #tpu.memory_space<hbm>> -> memref<24x128xi32, #tpu.memory_space<hbm>>
        tpu.enqueue_dma source(%dma_start3A_150 : memref<24x128xi32, #tpu.memory_space<hbm>>) target(%dma_start3A_148 : memref<24x128xi32, #tpu.memory_space<vmem>>) target_semaphore(%run_scoped3A : memref<!tpu.dma_semaphore, #tpu.memory_space<semaphore_mem>>)
        %dma_wait3A = arith.constant 0 : i32
        %dma_wait3A_151 = arith.constant 0 : i32
        %dma_wait3A_152 = tpu.memref_slice %arg6[%dma_wait3A, %dma_wait3A_151] : memref<32x128xi32, #tpu.memory_space<vmem>> -> memref<24x128xi32, #tpu.memory_space<vmem>>
        %dma_wait3A_153 = arith.constant 0 : i32
        %dma_wait3A_154 = tpu.memref_slice %arg3[%add3A_120, %dma_wait3A_153] : memref<2560x128xi32, #tpu.memory_space<hbm>> -> memref<24x128xi32, #tpu.memory_space<hbm>>
        %dma_wait3A_155 = arith.constant 0 : i32
        %dma_wait3A_156 = arith.constant 0 : i32
        %dma_wait3A_157 = tpu.memref_slice %arg6[%dma_wait3A_155, %dma_wait3A_156] : memref<32x128xi32, #tpu.memory_space<vmem>> -> memref<24x128xi32, #tpu.memory_space<vmem>>
        %dma_wait3A_158 = arith.constant 0 : i32
        %dma_wait3A_159 = tpu.memref_slice %arg3[%add3A_120, %dma_wait3A_158] : memref<2560x128xi32, #tpu.memory_space<hbm>> -> memref<24x128xi32, #tpu.memory_space<hbm>>
        tpu.wait_dma2 semaphore(%run_scoped3A : memref<!tpu.dma_semaphore, #tpu.memory_space<semaphore_mem>>) src(%dma_wait3A_159 : memref<24x128xi32, #tpu.memory_space<hbm>>) dst(%dma_wait3A_157 : memref<24x128xi32, #tpu.memory_space<vmem>>)
        tpu.yield
      }) : () -> ()
      "tpu.region"() ({
        %run_scoped3A = tpu.sem_alloc : memref<!tpu.dma_semaphore, #tpu.memory_space<semaphore_mem>>
        %dma_start3A_141 = arith.constant 0 : i32
        %dma_start3A_142 = arith.constant 0 : i32
        %dma_start3A_143 = tpu.memref_slice %arg7[%dma_start3A_141, %dma_start3A_142] : memref<32x128xi32, #tpu.memory_space<vmem>> -> memref<24x128xi32, #tpu.memory_space<vmem>>
        %dma_start3A_144 = arith.constant 0 : i32
        %dma_start3A_145 = tpu.memref_slice %arg4[%add3A_120, %dma_start3A_144] : memref<2560x128xi32, #tpu.memory_space<hbm>> -> memref<24x128xi32, #tpu.memory_space<hbm>>
        %dma_start3A_146 = arith.constant 0 : i32
        %dma_start3A_147 = arith.constant 0 : i32
        %dma_start3A_148 = tpu.memref_slice %arg7[%dma_start3A_146, %dma_start3A_147] : memref<32x128xi32, #tpu.memory_space<vmem>> -> memref<24x128xi32, #tpu.memory_space<vmem>>
        %dma_start3A_149 = arith.constant 0 : i32
        %dma_start3A_150 = tpu.memref_slice %arg4[%add3A_120, %dma_start3A_149] : memref<2560x128xi32, #tpu.memory_space<hbm>> -> memref<24x128xi32, #tpu.memory_space<hbm>>
        tpu.enqueue_dma source(%dma_start3A_150 : memref<24x128xi32, #tpu.memory_space<hbm>>) target(%dma_start3A_148 : memref<24x128xi32, #tpu.memory_space<vmem>>) target_semaphore(%run_scoped3A : memref<!tpu.dma_semaphore, #tpu.memory_space<semaphore_mem>>)
        %dma_wait3A = arith.constant 0 : i32
        %dma_wait3A_151 = arith.constant 0 : i32
        %dma_wait3A_152 = tpu.memref_slice %arg7[%dma_wait3A, %dma_wait3A_151] : memref<32x128xi32, #tpu.memory_space<vmem>> -> memref<24x128xi32, #tpu.memory_space<vmem>>
        %dma_wait3A_153 = arith.constant 0 : i32
        %dma_wait3A_154 = tpu.memref_slice %arg4[%add3A_120, %dma_wait3A_153] : memref<2560x128xi32, #tpu.memory_space<hbm>> -> memref<24x128xi32, #tpu.memory_space<hbm>>
        %dma_wait3A_155 = arith.constant 0 : i32
        %dma_wait3A_156 = arith.constant 0 : i32
        %dma_wait3A_157 = tpu.memref_slice %arg7[%dma_wait3A_155, %dma_wait3A_156] : memref<32x128xi32, #tpu.memory_space<vmem>> -> memref<24x128xi32, #tpu.memory_space<vmem>>
        %dma_wait3A_158 = arith.constant 0 : i32
        %dma_wait3A_159 = tpu.memref_slice %arg4[%add3A_120, %dma_wait3A_158] : memref<2560x128xi32, #tpu.memory_space<hbm>> -> memref<24x128xi32, #tpu.memory_space<hbm>>
        tpu.wait_dma2 semaphore(%run_scoped3A : memref<!tpu.dma_semaphore, #tpu.memory_space<semaphore_mem>>) src(%dma_wait3A_159 : memref<24x128xi32, #tpu.memory_space<hbm>>) dst(%dma_wait3A_157 : memref<24x128xi32, #tpu.memory_space<vmem>>)
        tpu.yield
      }) : () -> ()
      %dma_start3A_121 = arith.constant 0 : i32
      %dma_start3A_122 = arith.constant 0 : i32
      %dma_start3A_123 = tpu.memref_slice %arg6[%dma_start3A_121, %dma_start3A_122] : memref<32x128xi32, #tpu.memory_space<vmem>> -> memref<1x128xi32, #tpu.memory_space<vmem>>
      %dma_start3A_124 = tpu.memref_squeeze %dma_start3A_123 : memref<1x128xi32, #tpu.memory_space<vmem>> -> memref<128xi32, #tpu.memory_space<vmem>>
      %dma_start3A_125 = arith.constant 0 : i32
      %dma_start3A_126 = arith.constant 0 : i32
      %dma_start3A_127 = tpu.memref_slice %arg2[%dma_start3A_125, %dma_start3A_126] : memref<10240x128xf32, #tpu.memory_space<hbm>> -> memref<10240x128xf32, #tpu.memory_space<hbm>>
      tpu.enqueue_indirect_dma source(%dma_start3A_127 : memref<10240x128xf32, #tpu.memory_space<hbm>>) target(%arg8 : memref<128x128xf32, #tpu.memory_space<vmem>>) offsets(%dma_start3A_124 : memref<128xi32, #tpu.memory_space<vmem>>) semaphore(%arg11 : memref<!tpu.dma_semaphore, #tpu.memory_space<semaphore_mem>>)
      %dma_start3A_128 = arith.constant 1 : i32
      %dma_start3A_129 = arith.constant 0 : i32
      %dma_start3A_130 = tpu.memref_slice %arg6[%dma_start3A_128, %dma_start3A_129] : memref<32x128xi32, #tpu.memory_space<vmem>> -> memref<1x128xi32, #tpu.memory_space<vmem>>
      %dma_start3A_131 = tpu.memref_squeeze %dma_start3A_130 : memref<1x128xi32, #tpu.memory_space<vmem>> -> memref<128xi32, #tpu.memory_space<vmem>>
      %dma_start3A_132 = arith.constant 0 : i32
      %dma_start3A_133 = arith.constant 0 : i32
      %dma_start3A_134 = tpu.memref_slice %arg2[%dma_start3A_132, %dma_start3A_133] : memref<10240x128xf32, #tpu.memory_space<hbm>> -> memref<10240x128xf32, #tpu.memory_space<hbm>>
      tpu.enqueue_indirect_dma source(%dma_start3A_134 : memref<10240x128xf32, #tpu.memory_space<hbm>>) target(%arg9 : memref<128x128xf32, #tpu.memory_space<vmem>>) offsets(%dma_start3A_131 : memref<128xi32, #tpu.memory_space<vmem>>) semaphore(%arg12 : memref<!tpu.dma_semaphore, #tpu.memory_space<semaphore_mem>>)
      %scan3A_135 = arith.constant 0 : i32
      %scan3A_136 = arith.constant 0 : i32
      %scan3A_137 = arith.constant 12 : i32
      %scan3A_138 = arith.addi %scan3A_136, %scan3A_137 : i32
      %scan3A_139 = arith.constant 1 : i32
      scf.for %scan3A_141 = %scan3A_136 to %scan3A_138 step %scan3A_139  : i32 {
        %mul3A_142 = arith.constant 2 : i32
        %mul3A_143 = arith.muli %mul3A_142, %scan3A_141 : i32
        %dma_wait3A = arith.constant 0 : i32
        %dma_wait3A_144 = tpu.memref_slice %arg6[%mul3A_143, %dma_wait3A] : memref<32x128xi32, #tpu.memory_space<vmem>> -> memref<1x128xi32, #tpu.memory_space<vmem>>
        %dma_wait3A_145 = tpu.memref_squeeze %dma_wait3A_144 : memref<1x128xi32, #tpu.memory_space<vmem>> -> memref<128xi32, #tpu.memory_space<vmem>>
        %dma_wait3A_146 = arith.constant 0 : i32
        %dma_wait3A_147 = arith.constant 0 : i32
        %dma_wait3A_148 = tpu.memref_slice %arg2[%dma_wait3A_146, %dma_wait3A_147] : memref<10240x128xf32, #tpu.memory_space<hbm>> -> memref<10240x128xf32, #tpu.memory_space<hbm>>
        tpu.wait_indirect_dma semaphore(%arg11 : memref<!tpu.dma_semaphore, #tpu.memory_space<semaphore_mem>>) src(%dma_wait3A_148 : memref<10240x128xf32, #tpu.memory_space<hbm>>) dst(%arg8 : memref<128x128xf32, #tpu.memory_space<vmem>>)
        %dma_start3A_149 = arith.constant 0 : i32
        %dma_start3A_150 = tpu.memref_slice %arg7[%mul3A_143, %dma_start3A_149] : memref<32x128xi32, #tpu.memory_space<vmem>> -> memref<1x128xi32, #tpu.memory_space<vmem>>
        %dma_start3A_151 = tpu.memref_squeeze %dma_start3A_150 : memref<1x128xi32, #tpu.memory_space<vmem>> -> memref<128xi32, #tpu.memory_space<vmem>>
        %dma_start3A_152 = arith.constant 0 : i32
        %dma_start3A_153 = arith.constant 0 : i32
        %dma_start3A_154 = tpu.memref_slice %arg10[%dma_start3A_152, %dma_start3A_153] : memref<10240x128xf32, #tpu.memory_space<vmem_shared>> -> memref<10240x128xf32, #tpu.memory_space<vmem_shared>>
        tpu.enqueue_indirect_dma source(%arg8 : memref<128x128xf32, #tpu.memory_space<vmem>>) target(%dma_start3A_154 : memref<10240x128xf32, #tpu.memory_space<vmem_shared>>) offsets(%dma_start3A_151 : memref<128xi32, #tpu.memory_space<vmem>>) semaphore(%arg13 : memref<!tpu.dma_semaphore, #tpu.memory_space<semaphore_mem>>) {add = true}
        %add3A_155 = arith.constant 1 : i32
        %add3A_156 = arith.addi %mul3A_143, %add3A_155 : i32
        %dma_wait3A_157 = arith.constant 0 : i32
        %dma_wait3A_158 = tpu.memref_slice %arg6[%add3A_156, %dma_wait3A_157] : memref<32x128xi32, #tpu.memory_space<vmem>> -> memref<1x128xi32, #tpu.memory_space<vmem>>
        %dma_wait3A_159 = tpu.memref_squeeze %dma_wait3A_158 : memref<1x128xi32, #tpu.memory_space<vmem>> -> memref<128xi32, #tpu.memory_space<vmem>>
        %dma_wait3A_160 = arith.constant 0 : i32
        %dma_wait3A_161 = arith.constant 0 : i32
        %dma_wait3A_162 = tpu.memref_slice %arg2[%dma_wait3A_160, %dma_wait3A_161] : memref<10240x128xf32, #tpu.memory_space<hbm>> -> memref<10240x128xf32, #tpu.memory_space<hbm>>
        tpu.wait_indirect_dma semaphore(%arg12 : memref<!tpu.dma_semaphore, #tpu.memory_space<semaphore_mem>>) src(%dma_wait3A_162 : memref<10240x128xf32, #tpu.memory_space<hbm>>) dst(%arg9 : memref<128x128xf32, #tpu.memory_space<vmem>>)
        %add3A_163 = arith.constant 1 : i32
        %add3A_164 = arith.addi %mul3A_143, %add3A_163 : i32
        %dma_start3A_165 = arith.constant 0 : i32
        %dma_start3A_166 = tpu.memref_slice %arg7[%add3A_164, %dma_start3A_165] : memref<32x128xi32, #tpu.memory_space<vmem>> -> memref<1x128xi32, #tpu.memory_space<vmem>>
        %dma_start3A_167 = tpu.memref_squeeze %dma_start3A_166 : memref<1x128xi32, #tpu.memory_space<vmem>> -> memref<128xi32, #tpu.memory_space<vmem>>
        %dma_start3A_168 = arith.constant 0 : i32
        %dma_start3A_169 = arith.constant 0 : i32
        %dma_start3A_170 = tpu.memref_slice %arg10[%dma_start3A_168, %dma_start3A_169] : memref<10240x128xf32, #tpu.memory_space<vmem_shared>> -> memref<10240x128xf32, #tpu.memory_space<vmem_shared>>
        tpu.enqueue_indirect_dma source(%arg9 : memref<128x128xf32, #tpu.memory_space<vmem>>) target(%dma_start3A_170 : memref<10240x128xf32, #tpu.memory_space<vmem_shared>>) offsets(%dma_start3A_167 : memref<128xi32, #tpu.memory_space<vmem>>) semaphore(%arg14 : memref<!tpu.dma_semaphore, #tpu.memory_space<semaphore_mem>>) {add = true}
        %dma_wait3A_171 = arith.constant 0 : i32
        %dma_wait3A_172 = tpu.memref_slice %arg7[%mul3A_143, %dma_wait3A_171] : memref<32x128xi32, #tpu.memory_space<vmem>> -> memref<1x128xi32, #tpu.memory_space<vmem>>
        %dma_wait3A_173 = tpu.memref_squeeze %dma_wait3A_172 : memref<1x128xi32, #tpu.memory_space<vmem>> -> memref<128xi32, #tpu.memory_space<vmem>>
        %dma_wait3A_174 = arith.constant 0 : i32
        %dma_wait3A_175 = arith.constant 0 : i32
        %dma_wait3A_176 = tpu.memref_slice %arg10[%dma_wait3A_174, %dma_wait3A_175] : memref<10240x128xf32, #tpu.memory_space<vmem_shared>> -> memref<10240x128xf32, #tpu.memory_space<vmem_shared>>
        tpu.wait_indirect_dma semaphore(%arg13 : memref<!tpu.dma_semaphore, #tpu.memory_space<semaphore_mem>>) src(%arg8 : memref<128x128xf32, #tpu.memory_space<vmem>>) dst(%dma_wait3A_176 : memref<10240x128xf32, #tpu.memory_space<vmem_shared>>)
        %add3A_177 = arith.constant 2 : i32
        %add3A_178 = arith.addi %mul3A_143, %add3A_177 : i32
        %lt3A = arith.constant 24 : i32
        %lt3A_179 = arith.cmpi slt, %add3A_178, %lt3A : i32
        %convert_element_type3A_180 = arith.extui %lt3A_179 : i1 to i32
        %cond3A_181 = arith.constant 0 : i32
        %cond3A_182 = arith.cmpi ne, %convert_element_type3A_180, %cond3A_181 : i32
        scf.if %cond3A_182 {
          %add3A_198 = arith.constant 2 : i32
          %add3A_199 = arith.addi %mul3A_143, %add3A_198 : i32
          %dma_start3A_200 = arith.constant 0 : i32
          %dma_start3A_201 = tpu.memref_slice %arg6[%add3A_199, %dma_start3A_200] : memref<32x128xi32, #tpu.memory_space<vmem>> -> memref<1x128xi32, #tpu.memory_space<vmem>>
          %dma_start3A_202 = tpu.memref_squeeze %dma_start3A_201 : memref<1x128xi32, #tpu.memory_space<vmem>> -> memref<128xi32, #tpu.memory_space<vmem>>
          %dma_start3A_203 = arith.constant 0 : i32
          %dma_start3A_204 = arith.constant 0 : i32
          %dma_start3A_205 = tpu.memref_slice %arg2[%dma_start3A_203, %dma_start3A_204] : memref<10240x128xf32, #tpu.memory_space<hbm>> -> memref<10240x128xf32, #tpu.memory_space<hbm>>
          tpu.enqueue_indirect_dma source(%dma_start3A_205 : memref<10240x128xf32, #tpu.memory_space<hbm>>) target(%arg8 : memref<128x128xf32, #tpu.memory_space<vmem>>) offsets(%dma_start3A_202 : memref<128xi32, #tpu.memory_space<vmem>>) semaphore(%arg11 : memref<!tpu.dma_semaphore, #tpu.memory_space<semaphore_mem>>)
        } else {
        }
        %add3A_183 = arith.constant 1 : i32
        %add3A_184 = arith.addi %mul3A_143, %add3A_183 : i32
        %dma_wait3A_185 = arith.constant 0 : i32
        %dma_wait3A_186 = tpu.memref_slice %arg7[%add3A_184, %dma_wait3A_185] : memref<32x128xi32, #tpu.memory_space<vmem>> -> memref<1x128xi32, #tpu.memory_space<vmem>>
        %dma_wait3A_187 = tpu.memref_squeeze %dma_wait3A_186 : memref<1x128xi32, #tpu.memory_space<vmem>> -> memref<128xi32, #tpu.memory_space<vmem>>
        %dma_wait3A_188 = arith.constant 0 : i32
        %dma_wait3A_189 = arith.constant 0 : i32
        %dma_wait3A_190 = tpu.memref_slice %arg10[%dma_wait3A_188, %dma_wait3A_189] : memref<10240x128xf32, #tpu.memory_space<vmem_shared>> -> memref<10240x128xf32, #tpu.memory_space<vmem_shared>>
        tpu.wait_indirect_dma semaphore(%arg14 : memref<!tpu.dma_semaphore, #tpu.memory_space<semaphore_mem>>) src(%arg9 : memref<128x128xf32, #tpu.memory_space<vmem>>) dst(%dma_wait3A_190 : memref<10240x128xf32, #tpu.memory_space<vmem_shared>>)
        %add3A_191 = arith.constant 3 : i32
        %add3A_192 = arith.addi %mul3A_143, %add3A_191 : i32
        %lt3A_193 = arith.constant 24 : i32
        %lt3A_194 = arith.cmpi slt, %add3A_192, %lt3A_193 : i32
        %convert_element_type3A_195 = arith.extui %lt3A_194 : i1 to i32
        %cond3A_196 = arith.constant 0 : i32
        %cond3A_197 = arith.cmpi ne, %convert_element_type3A_195, %cond3A_196 : i32
        scf.if %cond3A_197 {
          %add3A_198 = arith.constant 3 : i32
          %add3A_199 = arith.addi %mul3A_143, %add3A_198 : i32
          %dma_start3A_200 = arith.constant 0 : i32
          %dma_start3A_201 = tpu.memref_slice %arg6[%add3A_199, %dma_start3A_200] : memref<32x128xi32, #tpu.memory_space<vmem>> -> memref<1x128xi32, #tpu.memory_space<vmem>>
          %dma_start3A_202 = tpu.memref_squeeze %dma_start3A_201 : memref<1x128xi32, #tpu.memory_space<vmem>> -> memref<128xi32, #tpu.memory_space<vmem>>
          %dma_start3A_203 = arith.constant 0 : i32
          %dma_start3A_204 = arith.constant 0 : i32
          %dma_start3A_205 = tpu.memref_slice %arg2[%dma_start3A_203, %dma_start3A_204] : memref<10240x128xf32, #tpu.memory_space<hbm>> -> memref<10240x128xf32, #tpu.memory_space<hbm>>
          tpu.enqueue_indirect_dma source(%dma_start3A_205 : memref<10240x128xf32, #tpu.memory_space<hbm>>) target(%arg9 : memref<128x128xf32, #tpu.memory_space<vmem>>) offsets(%dma_start3A_202 : memref<128xi32, #tpu.memory_space<vmem>>) semaphore(%arg12 : memref<!tpu.dma_semaphore, #tpu.memory_space<semaphore_mem>>)
        } else {
        }
      }
      %scan3A_140 = arith.constant 12 : i32
    } else {
    }
    %eq3A_26 = arith.constant 1 : i32
    %eq3A_27 = arith.cmpi eq, %arg0, %eq3A_26 : i32
    %convert_element_type3A_28 = arith.extui %eq3A_27 : i1 to i32
    %cond3A_29 = arith.constant 0 : i32
    %cond3A_30 = arith.cmpi ne, %convert_element_type3A_28, %cond3A_29 : i32
    scf.if %cond3A_30 {
      %add3A_32 = arith.constant 0 : i32
      %add3A_33 = arith.addi %select_n3A, %add3A_32 : i32
      "tpu.region"() ({
        %run_scoped3A = tpu.sem_alloc : memref<!tpu.dma_semaphore, #tpu.memory_space<semaphore_mem>>
        %dma_start3A_53 = arith.constant 0 : i32
        %dma_start3A_54 = arith.constant 0 : i32
        %dma_start3A_55 = tpu.memref_slice %arg6[%dma_start3A_53, %dma_start3A_54] : memref<32x128xi32, #tpu.memory_space<vmem>> -> memref<8x128xi32, #tpu.memory_space<vmem>>
        %dma_start3A_56 = arith.constant 0 : i32
        %dma_start3A_57 = tpu.memref_slice %arg3[%add3A_33, %dma_start3A_56] : memref<2560x128xi32, #tpu.memory_space<hbm>> -> memref<8x128xi32, #tpu.memory_space<hbm>>
        %dma_start3A_58 = arith.constant 0 : i32
        %dma_start3A_59 = arith.constant 0 : i32
        %dma_start3A_60 = tpu.memref_slice %arg6[%dma_start3A_58, %dma_start3A_59] : memref<32x128xi32, #tpu.memory_space<vmem>> -> memref<8x128xi32, #tpu.memory_space<vmem>>
        %dma_start3A_61 = arith.constant 0 : i32
        %dma_start3A_62 = tpu.memref_slice %arg3[%add3A_33, %dma_start3A_61] : memref<2560x128xi32, #tpu.memory_space<hbm>> -> memref<8x128xi32, #tpu.memory_space<hbm>>
        tpu.enqueue_dma source(%dma_start3A_62 : memref<8x128xi32, #tpu.memory_space<hbm>>) target(%dma_start3A_60 : memref<8x128xi32, #tpu.memory_space<vmem>>) target_semaphore(%run_scoped3A : memref<!tpu.dma_semaphore, #tpu.memory_space<semaphore_mem>>)
        %dma_wait3A = arith.constant 0 : i32
        %dma_wait3A_63 = arith.constant 0 : i32
        %dma_wait3A_64 = tpu.memref_slice %arg6[%dma_wait3A, %dma_wait3A_63] : memref<32x128xi32, #tpu.memory_space<vmem>> -> memref<8x128xi32, #tpu.memory_space<vmem>>
        %dma_wait3A_65 = arith.constant 0 : i32
        %dma_wait3A_66 = tpu.memref_slice %arg3[%add3A_33, %dma_wait3A_65] : memref<2560x128xi32, #tpu.memory_space<hbm>> -> memref<8x128xi32, #tpu.memory_space<hbm>>
        %dma_wait3A_67 = arith.constant 0 : i32
        %dma_wait3A_68 = arith.constant 0 : i32
        %dma_wait3A_69 = tpu.memref_slice %arg6[%dma_wait3A_67, %dma_wait3A_68] : memref<32x128xi32, #tpu.memory_space<vmem>> -> memref<8x128xi32, #tpu.memory_space<vmem>>
        %dma_wait3A_70 = arith.constant 0 : i32
        %dma_wait3A_71 = tpu.memref_slice %arg3[%add3A_33, %dma_wait3A_70] : memref<2560x128xi32, #tpu.memory_space<hbm>> -> memref<8x128xi32, #tpu.memory_space<hbm>>
        tpu.wait_dma2 semaphore(%run_scoped3A : memref<!tpu.dma_semaphore, #tpu.memory_space<semaphore_mem>>) src(%dma_wait3A_71 : memref<8x128xi32, #tpu.memory_space<hbm>>) dst(%dma_wait3A_69 : memref<8x128xi32, #tpu.memory_space<vmem>>)
        tpu.yield
      }) : () -> ()
      "tpu.region"() ({
        %run_scoped3A = tpu.sem_alloc : memref<!tpu.dma_semaphore, #tpu.memory_space<semaphore_mem>>
        %dma_start3A_53 = arith.constant 0 : i32
        %dma_start3A_54 = arith.constant 0 : i32
        %dma_start3A_55 = tpu.memref_slice %arg7[%dma_start3A_53, %dma_start3A_54] : memref<32x128xi32, #tpu.memory_space<vmem>> -> memref<8x128xi32, #tpu.memory_space<vmem>>
        %dma_start3A_56 = arith.constant 0 : i32
        %dma_start3A_57 = tpu.memref_slice %arg4[%add3A_33, %dma_start3A_56] : memref<2560x128xi32, #tpu.memory_space<hbm>> -> memref<8x128xi32, #tpu.memory_space<hbm>>
        %dma_start3A_58 = arith.constant 0 : i32
        %dma_start3A_59 = arith.constant 0 : i32
        %dma_start3A_60 = tpu.memref_slice %arg7[%dma_start3A_58, %dma_start3A_59] : memref<32x128xi32, #tpu.memory_space<vmem>> -> memref<8x128xi32, #tpu.memory_space<vmem>>
        %dma_start3A_61 = arith.constant 0 : i32
        %dma_start3A_62 = tpu.memref_slice %arg4[%add3A_33, %dma_start3A_61] : memref<2560x128xi32, #tpu.memory_space<hbm>> -> memref<8x128xi32, #tpu.memory_space<hbm>>
        tpu.enqueue_dma source(%dma_start3A_62 : memref<8x128xi32, #tpu.memory_space<hbm>>) target(%dma_start3A_60 : memref<8x128xi32, #tpu.memory_space<vmem>>) target_semaphore(%run_scoped3A : memref<!tpu.dma_semaphore, #tpu.memory_space<semaphore_mem>>)
        %dma_wait3A = arith.constant 0 : i32
        %dma_wait3A_63 = arith.constant 0 : i32
        %dma_wait3A_64 = tpu.memref_slice %arg7[%dma_wait3A, %dma_wait3A_63] : memref<32x128xi32, #tpu.memory_space<vmem>> -> memref<8x128xi32, #tpu.memory_space<vmem>>
        %dma_wait3A_65 = arith.constant 0 : i32
        %dma_wait3A_66 = tpu.memref_slice %arg4[%add3A_33, %dma_wait3A_65] : memref<2560x128xi32, #tpu.memory_space<hbm>> -> memref<8x128xi32, #tpu.memory_space<hbm>>
        %dma_wait3A_67 = arith.constant 0 : i32
        %dma_wait3A_68 = arith.constant 0 : i32
        %dma_wait3A_69 = tpu.memref_slice %arg7[%dma_wait3A_67, %dma_wait3A_68] : memref<32x128xi32, #tpu.memory_space<vmem>> -> memref<8x128xi32, #tpu.memory_space<vmem>>
        %dma_wait3A_70 = arith.constant 0 : i32
        %dma_wait3A_71 = tpu.memref_slice %arg4[%add3A_33, %dma_wait3A_70] : memref<2560x128xi32, #tpu.memory_space<hbm>> -> memref<8x128xi32, #tpu.memory_space<hbm>>
        tpu.wait_dma2 semaphore(%run_scoped3A : memref<!tpu.dma_semaphore, #tpu.memory_space<semaphore_mem>>) src(%dma_wait3A_71 : memref<8x128xi32, #tpu.memory_space<hbm>>) dst(%dma_wait3A_69 : memref<8x128xi32, #tpu.memory_space<vmem>>)
        tpu.yield
      }) : () -> ()
      %dma_start3A = arith.constant 0 : i32
      %dma_start3A_34 = arith.constant 0 : i32
      %dma_start3A_35 = tpu.memref_slice %arg6[%dma_start3A, %dma_start3A_34] : memref<32x128xi32, #tpu.memory_space<vmem>> -> memref<1x128xi32, #tpu.memory_space<vmem>>
      %dma_start3A_36 = tpu.memref_squeeze %dma_start3A_35 : memref<1x128xi32, #tpu.memory_space<vmem>> -> memref<128xi32, #tpu.memory_space<vmem>>
      %dma_start3A_37 = arith.constant 0 : i32
      %dma_start3A_38 = arith.constant 0 : i32
      %dma_start3A_39 = tpu.memref_slice %arg2[%dma_start3A_37, %dma_start3A_38] : memref<10240x128xf32, #tpu.memory_space<hbm>> -> memref<10240x128xf32, #tpu.memory_space<hbm>>
      tpu.enqueue_indirect_dma source(%dma_start3A_39 : memref<10240x128xf32, #tpu.memory_space<hbm>>) target(%arg8 : memref<128x128xf32, #tpu.memory_space<vmem>>) offsets(%dma_start3A_36 : memref<128xi32, #tpu.memory_space<vmem>>) semaphore(%arg11 : memref<!tpu.dma_semaphore, #tpu.memory_space<semaphore_mem>>)
      %dma_start3A_40 = arith.constant 1 : i32
      %dma_start3A_41 = arith.constant 0 : i32
      %dma_start3A_42 = tpu.memref_slice %arg6[%dma_start3A_40, %dma_start3A_41] : memref<32x128xi32, #tpu.memory_space<vmem>> -> memref<1x128xi32, #tpu.memory_space<vmem>>
      %dma_start3A_43 = tpu.memref_squeeze %dma_start3A_42 : memref<1x128xi32, #tpu.memory_space<vmem>> -> memref<128xi32, #tpu.memory_space<vmem>>
      %dma_start3A_44 = arith.constant 0 : i32
      %dma_start3A_45 = arith.constant 0 : i32
      %dma_start3A_46 = tpu.memref_slice %arg2[%dma_start3A_44, %dma_start3A_45] : memref<10240x128xf32, #tpu.memory_space<hbm>> -> memref<10240x128xf32, #tpu.memory_space<hbm>>
      tpu.enqueue_indirect_dma source(%dma_start3A_46 : memref<10240x128xf32, #tpu.memory_space<hbm>>) target(%arg9 : memref<128x128xf32, #tpu.memory_space<vmem>>) offsets(%dma_start3A_43 : memref<128xi32, #tpu.memory_space<vmem>>) semaphore(%arg12 : memref<!tpu.dma_semaphore, #tpu.memory_space<semaphore_mem>>)
      %scan3A_47 = arith.constant 0 : i32
      %scan3A_48 = arith.constant 0 : i32
      %scan3A_49 = arith.constant 4 : i32
      %scan3A_50 = arith.addi %scan3A_48, %scan3A_49 : i32
      %scan3A_51 = arith.constant 1 : i32
      scf.for %scan3A_53 = %scan3A_48 to %scan3A_50 step %scan3A_51  : i32 {
        %mul3A_54 = arith.constant 2 : i32
        %mul3A_55 = arith.muli %mul3A_54, %scan3A_53 : i32
        %dma_wait3A = arith.constant 0 : i32
        %dma_wait3A_56 = tpu.memref_slice %arg6[%mul3A_55, %dma_wait3A] : memref<32x128xi32, #tpu.memory_space<vmem>> -> memref<1x128xi32, #tpu.memory_space<vmem>>
        %dma_wait3A_57 = tpu.memref_squeeze %dma_wait3A_56 : memref<1x128xi32, #tpu.memory_space<vmem>> -> memref<128xi32, #tpu.memory_space<vmem>>
        %dma_wait3A_58 = arith.constant 0 : i32
        %dma_wait3A_59 = arith.constant 0 : i32
        %dma_wait3A_60 = tpu.memref_slice %arg2[%dma_wait3A_58, %dma_wait3A_59] : memref<10240x128xf32, #tpu.memory_space<hbm>> -> memref<10240x128xf32, #tpu.memory_space<hbm>>
        tpu.wait_indirect_dma semaphore(%arg11 : memref<!tpu.dma_semaphore, #tpu.memory_space<semaphore_mem>>) src(%dma_wait3A_60 : memref<10240x128xf32, #tpu.memory_space<hbm>>) dst(%arg8 : memref<128x128xf32, #tpu.memory_space<vmem>>)
        %dma_start3A_61 = arith.constant 0 : i32
        %dma_start3A_62 = tpu.memref_slice %arg7[%mul3A_55, %dma_start3A_61] : memref<32x128xi32, #tpu.memory_space<vmem>> -> memref<1x128xi32, #tpu.memory_space<vmem>>
        %dma_start3A_63 = tpu.memref_squeeze %dma_start3A_62 : memref<1x128xi32, #tpu.memory_space<vmem>> -> memref<128xi32, #tpu.memory_space<vmem>>
        %dma_start3A_64 = arith.constant 0 : i32
        %dma_start3A_65 = arith.constant 0 : i32
        %dma_start3A_66 = tpu.memref_slice %arg10[%dma_start3A_64, %dma_start3A_65] : memref<10240x128xf32, #tpu.memory_space<vmem_shared>> -> memref<10240x128xf32, #tpu.memory_space<vmem_shared>>
        tpu.enqueue_indirect_dma source(%arg8 : memref<128x128xf32, #tpu.memory_space<vmem>>) target(%dma_start3A_66 : memref<10240x128xf32, #tpu.memory_space<vmem_shared>>) offsets(%dma_start3A_63 : memref<128xi32, #tpu.memory_space<vmem>>) semaphore(%arg13 : memref<!tpu.dma_semaphore, #tpu.memory_space<semaphore_mem>>) {add = true}
        %add3A_67 = arith.constant 1 : i32
        %add3A_68 = arith.addi %mul3A_55, %add3A_67 : i32
        %dma_wait3A_69 = arith.constant 0 : i32
        %dma_wait3A_70 = tpu.memref_slice %arg6[%add3A_68, %dma_wait3A_69] : memref<32x128xi32, #tpu.memory_space<vmem>> -> memref<1x128xi32, #tpu.memory_space<vmem>>
        %dma_wait3A_71 = tpu.memref_squeeze %dma_wait3A_70 : memref<1x128xi32, #tpu.memory_space<vmem>> -> memref<128xi32, #tpu.memory_space<vmem>>
        %dma_wait3A_72 = arith.constant 0 : i32
        %dma_wait3A_73 = arith.constant 0 : i32
        %dma_wait3A_74 = tpu.memref_slice %arg2[%dma_wait3A_72, %dma_wait3A_73] : memref<10240x128xf32, #tpu.memory_space<hbm>> -> memref<10240x128xf32, #tpu.memory_space<hbm>>
        tpu.wait_indirect_dma semaphore(%arg12 : memref<!tpu.dma_semaphore, #tpu.memory_space<semaphore_mem>>) src(%dma_wait3A_74 : memref<10240x128xf32, #tpu.memory_space<hbm>>) dst(%arg9 : memref<128x128xf32, #tpu.memory_space<vmem>>)
        %add3A_75 = arith.constant 1 : i32
        %add3A_76 = arith.addi %mul3A_55, %add3A_75 : i32
        %dma_start3A_77 = arith.constant 0 : i32
        %dma_start3A_78 = tpu.memref_slice %arg7[%add3A_76, %dma_start3A_77] : memref<32x128xi32, #tpu.memory_space<vmem>> -> memref<1x128xi32, #tpu.memory_space<vmem>>
        %dma_start3A_79 = tpu.memref_squeeze %dma_start3A_78 : memref<1x128xi32, #tpu.memory_space<vmem>> -> memref<128xi32, #tpu.memory_space<vmem>>
        %dma_start3A_80 = arith.constant 0 : i32
        %dma_start3A_81 = arith.constant 0 : i32
        %dma_start3A_82 = tpu.memref_slice %arg10[%dma_start3A_80, %dma_start3A_81] : memref<10240x128xf32, #tpu.memory_space<vmem_shared>> -> memref<10240x128xf32, #tpu.memory_space<vmem_shared>>
        tpu.enqueue_indirect_dma source(%arg9 : memref<128x128xf32, #tpu.memory_space<vmem>>) target(%dma_start3A_82 : memref<10240x128xf32, #tpu.memory_space<vmem_shared>>) offsets(%dma_start3A_79 : memref<128xi32, #tpu.memory_space<vmem>>) semaphore(%arg14 : memref<!tpu.dma_semaphore, #tpu.memory_space<semaphore_mem>>) {add = true}
        %dma_wait3A_83 = arith.constant 0 : i32
        %dma_wait3A_84 = tpu.memref_slice %arg7[%mul3A_55, %dma_wait3A_83] : memref<32x128xi32, #tpu.memory_space<vmem>> -> memref<1x128xi32, #tpu.memory_space<vmem>>
        %dma_wait3A_85 = tpu.memref_squeeze %dma_wait3A_84 : memref<1x128xi32, #tpu.memory_space<vmem>> -> memref<128xi32, #tpu.memory_space<vmem>>
        %dma_wait3A_86 = arith.constant 0 : i32
        %dma_wait3A_87 = arith.constant 0 : i32
        %dma_wait3A_88 = tpu.memref_slice %arg10[%dma_wait3A_86, %dma_wait3A_87] : memref<10240x128xf32, #tpu.memory_space<vmem_shared>> -> memref<10240x128xf32, #tpu.memory_space<vmem_shared>>
        tpu.wait_indirect_dma semaphore(%arg13 : memref<!tpu.dma_semaphore, #tpu.memory_space<semaphore_mem>>) src(%arg8 : memref<128x128xf32, #tpu.memory_space<vmem>>) dst(%dma_wait3A_88 : memref<10240x128xf32, #tpu.memory_space<vmem_shared>>)
        %add3A_89 = arith.constant 2 : i32
        %add3A_90 = arith.addi %mul3A_55, %add3A_89 : i32
        %lt3A = arith.constant 8 : i32
        %lt3A_91 = arith.cmpi slt, %add3A_90, %lt3A : i32
        %convert_element_type3A_92 = arith.extui %lt3A_91 : i1 to i32
        %cond3A_93 = arith.constant 0 : i32
        %cond3A_94 = arith.cmpi ne, %convert_element_type3A_92, %cond3A_93 : i32
        scf.if %cond3A_94 {
          %add3A_110 = arith.constant 2 : i32
          %add3A_111 = arith.addi %mul3A_55, %add3A_110 : i32
          %dma_start3A_112 = arith.constant 0 : i32
          %dma_start3A_113 = tpu.memref_slice %arg6[%add3A_111, %dma_start3A_112] : memref<32x128xi32, #tpu.memory_space<vmem>> -> memref<1x128xi32, #tpu.memory_space<vmem>>
          %dma_start3A_114 = tpu.memref_squeeze %dma_start3A_113 : memref<1x128xi32, #tpu.memory_space<vmem>> -> memref<128xi32, #tpu.memory_space<vmem>>
          %dma_start3A_115 = arith.constant 0 : i32
          %dma_start3A_116 = arith.constant 0 : i32
          %dma_start3A_117 = tpu.memref_slice %arg2[%dma_start3A_115, %dma_start3A_116] : memref<10240x128xf32, #tpu.memory_space<hbm>> -> memref<10240x128xf32, #tpu.memory_space<hbm>>
          tpu.enqueue_indirect_dma source(%dma_start3A_117 : memref<10240x128xf32, #tpu.memory_space<hbm>>) target(%arg8 : memref<128x128xf32, #tpu.memory_space<vmem>>) offsets(%dma_start3A_114 : memref<128xi32, #tpu.memory_space<vmem>>) semaphore(%arg11 : memref<!tpu.dma_semaphore, #tpu.memory_space<semaphore_mem>>)
        } else {
        }
        %add3A_95 = arith.constant 1 : i32
        %add3A_96 = arith.addi %mul3A_55, %add3A_95 : i32
        %dma_wait3A_97 = arith.constant 0 : i32
        %dma_wait3A_98 = tpu.memref_slice %arg7[%add3A_96, %dma_wait3A_97] : memref<32x128xi32, #tpu.memory_space<vmem>> -> memref<1x128xi32, #tpu.memory_space<vmem>>
        %dma_wait3A_99 = tpu.memref_squeeze %dma_wait3A_98 : memref<1x128xi32, #tpu.memory_space<vmem>> -> memref<128xi32, #tpu.memory_space<vmem>>
        %dma_wait3A_100 = arith.constant 0 : i32
        %dma_wait3A_101 = arith.constant 0 : i32
        %dma_wait3A_102 = tpu.memref_slice %arg10[%dma_wait3A_100, %dma_wait3A_101] : memref<10240x128xf32, #tpu.memory_space<vmem_shared>> -> memref<10240x128xf32, #tpu.memory_space<vmem_shared>>
        tpu.wait_indirect_dma semaphore(%arg14 : memref<!tpu.dma_semaphore, #tpu.memory_space<semaphore_mem>>) src(%arg9 : memref<128x128xf32, #tpu.memory_space<vmem>>) dst(%dma_wait3A_102 : memref<10240x128xf32, #tpu.memory_space<vmem_shared>>)
        %add3A_103 = arith.constant 3 : i32
        %add3A_104 = arith.addi %mul3A_55, %add3A_103 : i32
        %lt3A_105 = arith.constant 8 : i32
        %lt3A_106 = arith.cmpi slt, %add3A_104, %lt3A_105 : i32
        %convert_element_type3A_107 = arith.extui %lt3A_106 : i1 to i32
        %cond3A_108 = arith.constant 0 : i32
        %cond3A_109 = arith.cmpi ne, %convert_element_type3A_107, %cond3A_108 : i32
        scf.if %cond3A_109 {
          %add3A_110 = arith.constant 3 : i32
          %add3A_111 = arith.addi %mul3A_55, %add3A_110 : i32
          %dma_start3A_112 = arith.constant 0 : i32
          %dma_start3A_113 = tpu.memref_slice %arg6[%add3A_111, %dma_start3A_112] : memref<32x128xi32, #tpu.memory_space<vmem>> -> memref<1x128xi32, #tpu.memory_space<vmem>>
          %dma_start3A_114 = tpu.memref_squeeze %dma_start3A_113 : memref<1x128xi32, #tpu.memory_space<vmem>> -> memref<128xi32, #tpu.memory_space<vmem>>
          %dma_start3A_115 = arith.constant 0 : i32
          %dma_start3A_116 = arith.constant 0 : i32
          %dma_start3A_117 = tpu.memref_slice %arg2[%dma_start3A_115, %dma_start3A_116] : memref<10240x128xf32, #tpu.memory_space<hbm>> -> memref<10240x128xf32, #tpu.memory_space<hbm>>
          tpu.enqueue_indirect_dma source(%dma_start3A_117 : memref<10240x128xf32, #tpu.memory_space<hbm>>) target(%arg9 : memref<128x128xf32, #tpu.memory_space<vmem>>) offsets(%dma_start3A_114 : memref<128xi32, #tpu.memory_space<vmem>>) semaphore(%arg12 : memref<!tpu.dma_semaphore, #tpu.memory_space<semaphore_mem>>)
        } else {
        }
      }
      %scan3A_52 = arith.constant 4 : i32
    } else {
    }
    %barrier3A_31 = arith.constant 0 : index
    tpu.barrier barrier_id(%barrier3A_31)
    "tpu.region"() ({
      %run_scoped3A = tpu.sem_alloc : memref<!tpu.dma_semaphore, #tpu.memory_space<semaphore_mem>>
      %dma_start3A = arith.constant 0 : i32
      %dma_start3A_32 = tpu.memref_slice %arg5[%arg0, %mul3A_0, %dma_start3A] : memref<2x10240x128xf32, #tpu.memory_space<hbm>> -> memref<1x640x128xf32, #tpu.memory_space<hbm>>
      %dma_start3A_33 = tpu.memref_squeeze %dma_start3A_32 : memref<1x640x128xf32, #tpu.memory_space<hbm>> -> memref<640x128xf32, #tpu.memory_space<hbm>>
      %dma_start3A_34 = arith.constant 0 : i32
      %dma_start3A_35 = tpu.memref_slice %arg10[%mul3A_0, %dma_start3A_34] : memref<10240x128xf32, #tpu.memory_space<vmem_shared>> -> memref<640x128xf32, #tpu.memory_space<vmem_shared>>
      tpu.enqueue_dma source(%dma_start3A_35 : memref<640x128xf32, #tpu.memory_space<vmem_shared>>) target(%dma_start3A_33 : memref<640x128xf32, #tpu.memory_space<hbm>>) target_semaphore(%run_scoped3A : memref<!tpu.dma_semaphore, #tpu.memory_space<semaphore_mem>>)
      %dma_wait3A = arith.constant 0 : i32
      %dma_wait3A_36 = tpu.memref_slice %arg5[%arg0, %mul3A_0, %dma_wait3A] : memref<2x10240x128xf32, #tpu.memory_space<hbm>> -> memref<1x640x128xf32, #tpu.memory_space<hbm>>
      %dma_wait3A_37 = tpu.memref_squeeze %dma_wait3A_36 : memref<1x640x128xf32, #tpu.memory_space<hbm>> -> memref<640x128xf32, #tpu.memory_space<hbm>>
      %dma_wait3A_38 = arith.constant 0 : i32
      %dma_wait3A_39 = tpu.memref_slice %arg10[%mul3A_0, %dma_wait3A_38] : memref<10240x128xf32, #tpu.memory_space<vmem_shared>> -> memref<640x128xf32, #tpu.memory_space<vmem_shared>>
      tpu.wait_dma2 semaphore(%run_scoped3A : memref<!tpu.dma_semaphore, #tpu.memory_space<semaphore_mem>>) src(%dma_wait3A_39 : memref<640x128xf32, #tpu.memory_space<vmem_shared>>) dst(%dma_wait3A_37 : memref<640x128xf32, #tpu.memory_space<hbm>>)
      tpu.yield
    }) : () -> ()
    return
  }
}

#map = affine_map<(d0, d1) -> (0, 0)>
#map1 = affine_map<(d0, d1) -> (0)>
module attributes {stable_mosaic.version = 14 : i64} {
  func.func @_deg_kernel(%arg0: i32, %arg1: i32, %arg2: memref<2560x128xi32, #tpu.memory_space<hbm>>, %arg3: memref<2560x128xi32, #tpu.memory_space<hbm>>, %arg4: memref<327680xf32, #tpu.memory_space<hbm>>, %arg5: memref<327680xf32, #tpu.memory_space<hbm>>, %arg6: memref<32x128xi32, #tpu.memory_space<vmem>>, %arg7: memref<32x128xi32, #tpu.memory_space<vmem>>, %arg8: memref<10240xf32, #tpu.memory_space<vmem>>, %arg9: memref<10240xf32, #tpu.memory_space<vmem>>) attributes {dimension_semantics = [#tpu.dimension_semantics<core_parallel>, #tpu.dimension_semantics<subcore_parallel>], iteration_bounds = array<i64: 2, 16>, scalar_prefetch = 0 : i64, scratch_operands = 4 : i64, tpu.core_type = #tpu.core_type<sc_vector_subcore>, window_params = [{transform_indices = #map}, {transform_indices = #map}, {transform_indices = #map1}, {transform_indices = #map1}]} {
    %mul3A = arith.constant 16 : i32
    %mul3A_0 = arith.muli %arg0, %mul3A : i32
    %add3A = arith.addi %mul3A_0, %arg1 : i32
    %eq3A = arith.constant 0 : i32
    %eq3A_1 = arith.cmpi eq, %arg0, %eq3A : i32
    %mul3A_2 = arith.constant 152 : i32
    %mul3A_3 = arith.muli %arg1, %mul3A_2 : i32
    %mul3A_4 = arith.constant 8 : i32
    %mul3A_5 = arith.muli %arg1, %mul3A_4 : i32
    %add3A_6 = arith.constant 2432 : i32
    %add3A_7 = arith.addi %add3A_6, %mul3A_5 : i32
    %select_n3A = arith.select %eq3A_1, %mul3A_3, %add3A_7 : i32
    %broadcast_in_dim3A = arith.constant 0.000000e+00 : f32
    %broadcast_in_dim3A_8 = vector.broadcast %broadcast_in_dim3A : f32 to vector<16xf32>
    %scan3A = arith.constant 0 : i32
    %scan3A_9 = arith.constant 0 : i32
    %scan3A_10 = arith.constant 640 : i32
    %scan3A_11 = arith.addi %scan3A_9, %scan3A_10 : i32
    %scan3A_12 = arith.constant 1 : i32
    scf.for %scan3A_28 = %scan3A_9 to %scan3A_11 step %scan3A_12  : i32 {
      %mul3A_29 = arith.constant 16 : i32
      %mul3A_30 = arith.muli %scan3A_28, %mul3A_29 : i32
      %swap3A = arith.index_cast %mul3A_30 : i32 to index
      %swap3A_31 = tpu.vector_load %arg8[%swap3A] {strides = array<i32>} : memref<10240xf32, #tpu.memory_space<vmem>>, vector<16xf32>,
      tpu.vector_store %arg8[%swap3A], %broadcast_in_dim3A_8 {strides = array<i32>} : memref<10240xf32, #tpu.memory_space<vmem>>, vector<16xf32>,
      %mul3A_32 = arith.constant 16 : i32
      %mul3A_33 = arith.muli %scan3A_28, %mul3A_32 : i32
      %swap3A_34 = arith.index_cast %mul3A_33 : i32 to index
      %swap3A_35 = tpu.vector_load %arg9[%swap3A_34] {strides = array<i32>} : memref<10240xf32, #tpu.memory_space<vmem>>, vector<16xf32>,
      tpu.vector_store %arg9[%swap3A_34], %broadcast_in_dim3A_8 {strides = array<i32>} : memref<10240xf32, #tpu.memory_space<vmem>>, vector<16xf32>,
    }
    %scan3A_13 = arith.constant 640 : i32
    %broadcast_in_dim3A_14 = arith.constant 1.000000e+00 : f32
    %broadcast_in_dim3A_15 = vector.broadcast %broadcast_in_dim3A_14 : f32 to vector<16xf32>
    %eq3A_16 = arith.constant 0 : i32
    %eq3A_17 = arith.cmpi eq, %arg0, %eq3A_16 : i32
    %convert_element_type3A = arith.extui %eq3A_17 : i1 to i32
    %cond3A = arith.constant 0 : i32
    %cond3A_18 = arith.cmpi ne, %convert_element_type3A, %cond3A : i32
    scf.if %cond3A_18 {
      %add3A_28 = arith.constant 0 : i32
      %add3A_29 = arith.addi %select_n3A, %add3A_28 : i32
      "tpu.region"() ({
        %run_scoped3A = tpu.sem_alloc : memref<!tpu.dma_semaphore, #tpu.memory_space<semaphore_mem>>
        %dma_start3A = arith.constant 0 : i32
        %dma_start3A_68 = arith.constant 0 : i32
        %dma_start3A_69 = tpu.memref_slice %arg6[%dma_start3A, %dma_start3A_68] : memref<32x128xi32, #tpu.memory_space<vmem>> -> memref<32x128xi32, #tpu.memory_space<vmem>>
        %dma_start3A_70 = arith.constant 0 : i32
        %dma_start3A_71 = tpu.memref_slice %arg2[%add3A_29, %dma_start3A_70] : memref<2560x128xi32, #tpu.memory_space<hbm>> -> memref<32x128xi32, #tpu.memory_space<hbm>>
        %dma_start3A_72 = arith.constant 0 : i32
        %dma_start3A_73 = arith.constant 0 : i32
        %dma_start3A_74 = tpu.memref_slice %arg6[%dma_start3A_72, %dma_start3A_73] : memref<32x128xi32, #tpu.memory_space<vmem>> -> memref<32x128xi32, #tpu.memory_space<vmem>>
        %dma_start3A_75 = arith.constant 0 : i32
        %dma_start3A_76 = tpu.memref_slice %arg2[%add3A_29, %dma_start3A_75] : memref<2560x128xi32, #tpu.memory_space<hbm>> -> memref<32x128xi32, #tpu.memory_space<hbm>>
        tpu.enqueue_dma source(%dma_start3A_76 : memref<32x128xi32, #tpu.memory_space<hbm>>) target(%dma_start3A_74 : memref<32x128xi32, #tpu.memory_space<vmem>>) target_semaphore(%run_scoped3A : memref<!tpu.dma_semaphore, #tpu.memory_space<semaphore_mem>>)
        %dma_wait3A = arith.constant 0 : i32
        %dma_wait3A_77 = arith.constant 0 : i32
        %dma_wait3A_78 = tpu.memref_slice %arg6[%dma_wait3A, %dma_wait3A_77] : memref<32x128xi32, #tpu.memory_space<vmem>> -> memref<32x128xi32, #tpu.memory_space<vmem>>
        %dma_wait3A_79 = arith.constant 0 : i32
        %dma_wait3A_80 = tpu.memref_slice %arg2[%add3A_29, %dma_wait3A_79] : memref<2560x128xi32, #tpu.memory_space<hbm>> -> memref<32x128xi32, #tpu.memory_space<hbm>>
        %dma_wait3A_81 = arith.constant 0 : i32
        %dma_wait3A_82 = arith.constant 0 : i32
        %dma_wait3A_83 = tpu.memref_slice %arg6[%dma_wait3A_81, %dma_wait3A_82] : memref<32x128xi32, #tpu.memory_space<vmem>> -> memref<32x128xi32, #tpu.memory_space<vmem>>
        %dma_wait3A_84 = arith.constant 0 : i32
        %dma_wait3A_85 = tpu.memref_slice %arg2[%add3A_29, %dma_wait3A_84] : memref<2560x128xi32, #tpu.memory_space<hbm>> -> memref<32x128xi32, #tpu.memory_space<hbm>>
        tpu.wait_dma2 semaphore(%run_scoped3A : memref<!tpu.dma_semaphore, #tpu.memory_space<semaphore_mem>>) src(%dma_wait3A_85 : memref<32x128xi32, #tpu.memory_space<hbm>>) dst(%dma_wait3A_83 : memref<32x128xi32, #tpu.memory_space<vmem>>)
        tpu.yield
      }) : () -> ()
      "tpu.region"() ({
        %run_scoped3A = tpu.sem_alloc : memref<!tpu.dma_semaphore, #tpu.memory_space<semaphore_mem>>
        %dma_start3A = arith.constant 0 : i32
        %dma_start3A_68 = arith.constant 0 : i32
        %dma_start3A_69 = tpu.memref_slice %arg7[%dma_start3A, %dma_start3A_68] : memref<32x128xi32, #tpu.memory_space<vmem>> -> memref<32x128xi32, #tpu.memory_space<vmem>>
        %dma_start3A_70 = arith.constant 0 : i32
        %dma_start3A_71 = tpu.memref_slice %arg3[%add3A_29, %dma_start3A_70] : memref<2560x128xi32, #tpu.memory_space<hbm>> -> memref<32x128xi32, #tpu.memory_space<hbm>>
        %dma_start3A_72 = arith.constant 0 : i32
        %dma_start3A_73 = arith.constant 0 : i32
        %dma_start3A_74 = tpu.memref_slice %arg7[%dma_start3A_72, %dma_start3A_73] : memref<32x128xi32, #tpu.memory_space<vmem>> -> memref<32x128xi32, #tpu.memory_space<vmem>>
        %dma_start3A_75 = arith.constant 0 : i32
        %dma_start3A_76 = tpu.memref_slice %arg3[%add3A_29, %dma_start3A_75] : memref<2560x128xi32, #tpu.memory_space<hbm>> -> memref<32x128xi32, #tpu.memory_space<hbm>>
        tpu.enqueue_dma source(%dma_start3A_76 : memref<32x128xi32, #tpu.memory_space<hbm>>) target(%dma_start3A_74 : memref<32x128xi32, #tpu.memory_space<vmem>>) target_semaphore(%run_scoped3A : memref<!tpu.dma_semaphore, #tpu.memory_space<semaphore_mem>>)
        %dma_wait3A = arith.constant 0 : i32
        %dma_wait3A_77 = arith.constant 0 : i32
        %dma_wait3A_78 = tpu.memref_slice %arg7[%dma_wait3A, %dma_wait3A_77] : memref<32x128xi32, #tpu.memory_space<vmem>> -> memref<32x128xi32, #tpu.memory_space<vmem>>
        %dma_wait3A_79 = arith.constant 0 : i32
        %dma_wait3A_80 = tpu.memref_slice %arg3[%add3A_29, %dma_wait3A_79] : memref<2560x128xi32, #tpu.memory_space<hbm>> -> memref<32x128xi32, #tpu.memory_space<hbm>>
        %dma_wait3A_81 = arith.constant 0 : i32
        %dma_wait3A_82 = arith.constant 0 : i32
        %dma_wait3A_83 = tpu.memref_slice %arg7[%dma_wait3A_81, %dma_wait3A_82] : memref<32x128xi32, #tpu.memory_space<vmem>> -> memref<32x128xi32, #tpu.memory_space<vmem>>
        %dma_wait3A_84 = arith.constant 0 : i32
        %dma_wait3A_85 = tpu.memref_slice %arg3[%add3A_29, %dma_wait3A_84] : memref<2560x128xi32, #tpu.memory_space<hbm>> -> memref<32x128xi32, #tpu.memory_space<hbm>>
        tpu.wait_dma2 semaphore(%run_scoped3A : memref<!tpu.dma_semaphore, #tpu.memory_space<semaphore_mem>>) src(%dma_wait3A_85 : memref<32x128xi32, #tpu.memory_space<hbm>>) dst(%dma_wait3A_83 : memref<32x128xi32, #tpu.memory_space<vmem>>)
        tpu.yield
      }) : () -> ()
      %scan3A_30 = arith.constant 0 : i32
      %scan3A_31 = arith.constant 0 : i32
      %scan3A_32 = arith.constant 32 : i32
      %scan3A_33 = arith.addi %scan3A_31, %scan3A_32 : i32
      %scan3A_34 = arith.constant 1 : i32
      scf.for %scan3A_68 = %scan3A_31 to %scan3A_33 step %scan3A_34  : i32 {
        %get3A = arith.index_cast %scan3A_68 : i32 to index
        %get3A_69 = arith.constant 0 : index
        %get3A_70 = tpu.vector_load %arg6[%get3A, %get3A_69] {strides = array<i32>} : memref<32x128xi32, #tpu.memory_space<vmem>>, vector<16xi32>,
        tpu.vector_store_idx %arg8[%get3A_70], %broadcast_in_dim3A_15 {add = true} : memref<10240xf32, #tpu.memory_space<vmem>>[vector<16xi32>], vector<16xf32>,
        %get3A_71 = arith.index_cast %scan3A_68 : i32 to index
        %get3A_72 = arith.constant 0 : index
        %get3A_73 = tpu.vector_load %arg7[%get3A_71, %get3A_72] {strides = array<i32>} : memref<32x128xi32, #tpu.memory_space<vmem>>, vector<16xi32>,
        tpu.vector_store_idx %arg9[%get3A_73], %broadcast_in_dim3A_15 {add = true} : memref<10240xf32, #tpu.memory_space<vmem>>[vector<16xi32>], vector<16xf32>,
        %get3A_74 = arith.index_cast %scan3A_68 : i32 to index
        %get3A_75 = arith.constant 16 : index
        %get3A_76 = tpu.vector_load %arg6[%get3A_74, %get3A_75] {strides = array<i32>} : memref<32x128xi32, #tpu.memory_space<vmem>>, vector<16xi32>,
        tpu.vector_store_idx %arg8[%get3A_76], %broadcast_in_dim3A_15 {add = true} : memref<10240xf32, #tpu.memory_space<vmem>>[vector<16xi32>], vector<16xf32>,
        %get3A_77 = arith.index_cast %scan3A_68 : i32 to index
        %get3A_78 = arith.constant 16 : index
        %get3A_79 = tpu.vector_load %arg7[%get3A_77, %get3A_78] {strides = array<i32>} : memref<32x128xi32, #tpu.memory_space<vmem>>, vector<16xi32>,
        tpu.vector_store_idx %arg9[%get3A_79], %broadcast_in_dim3A_15 {add = true} : memref<10240xf32, #tpu.memory_space<vmem>>[vector<16xi32>], vector<16xf32>,
        %get3A_80 = arith.index_cast %scan3A_68 : i32 to index
        %get3A_81 = arith.constant 32 : index
        %get3A_82 = tpu.vector_load %arg6[%get3A_80, %get3A_81] {strides = array<i32>} : memref<32x128xi32, #tpu.memory_space<vmem>>, vector<16xi32>,
        tpu.vector_store_idx %arg8[%get3A_82], %broadcast_in_dim3A_15 {add = true} : memref<10240xf32, #tpu.memory_space<vmem>>[vector<16xi32>], vector<16xf32>,
        %get3A_83 = arith.index_cast %scan3A_68 : i32 to index
        %get3A_84 = arith.constant 32 : index
        %get3A_85 = tpu.vector_load %arg7[%get3A_83, %get3A_84] {strides = array<i32>} : memref<32x128xi32, #tpu.memory_space<vmem>>, vector<16xi32>,
        tpu.vector_store_idx %arg9[%get3A_85], %broadcast_in_dim3A_15 {add = true} : memref<10240xf32, #tpu.memory_space<vmem>>[vector<16xi32>], vector<16xf32>,
        %get3A_86 = arith.index_cast %scan3A_68 : i32 to index
        %get3A_87 = arith.constant 48 : index
        %get3A_88 = tpu.vector_load %arg6[%get3A_86, %get3A_87] {strides = array<i32>} : memref<32x128xi32, #tpu.memory_space<vmem>>, vector<16xi32>,
        tpu.vector_store_idx %arg8[%get3A_88], %broadcast_in_dim3A_15 {add = true} : memref<10240xf32, #tpu.memory_space<vmem>>[vector<16xi32>], vector<16xf32>,
        %get3A_89 = arith.index_cast %scan3A_68 : i32 to index
        %get3A_90 = arith.constant 48 : index
        %get3A_91 = tpu.vector_load %arg7[%get3A_89, %get3A_90] {strides = array<i32>} : memref<32x128xi32, #tpu.memory_space<vmem>>, vector<16xi32>,
        tpu.vector_store_idx %arg9[%get3A_91], %broadcast_in_dim3A_15 {add = true} : memref<10240xf32, #tpu.memory_space<vmem>>[vector<16xi32>], vector<16xf32>,
        %get3A_92 = arith.index_cast %scan3A_68 : i32 to index
        %get3A_93 = arith.constant 64 : index
        %get3A_94 = tpu.vector_load %arg6[%get3A_92, %get3A_93] {strides = array<i32>} : memref<32x128xi32, #tpu.memory_space<vmem>>, vector<16xi32>,
        tpu.vector_store_idx %arg8[%get3A_94], %broadcast_in_dim3A_15 {add = true} : memref<10240xf32, #tpu.memory_space<vmem>>[vector<16xi32>], vector<16xf32>,
        %get3A_95 = arith.index_cast %scan3A_68 : i32 to index
        %get3A_96 = arith.constant 64 : index
        %get3A_97 = tpu.vector_load %arg7[%get3A_95, %get3A_96] {strides = array<i32>} : memref<32x128xi32, #tpu.memory_space<vmem>>, vector<16xi32>,
        tpu.vector_store_idx %arg9[%get3A_97], %broadcast_in_dim3A_15 {add = true} : memref<10240xf32, #tpu.memory_space<vmem>>[vector<16xi32>], vector<16xf32>,
        %get3A_98 = arith.index_cast %scan3A_68 : i32 to index
        %get3A_99 = arith.constant 80 : index
        %get3A_100 = tpu.vector_load %arg6[%get3A_98, %get3A_99] {strides = array<i32>} : memref<32x128xi32, #tpu.memory_space<vmem>>, vector<16xi32>,
        tpu.vector_store_idx %arg8[%get3A_100], %broadcast_in_dim3A_15 {add = true} : memref<10240xf32, #tpu.memory_space<vmem>>[vector<16xi32>], vector<16xf32>,
        %get3A_101 = arith.index_cast %scan3A_68 : i32 to index
        %get3A_102 = arith.constant 80 : index
        %get3A_103 = tpu.vector_load %arg7[%get3A_101, %get3A_102] {strides = array<i32>} : memref<32x128xi32, #tpu.memory_space<vmem>>, vector<16xi32>,
        tpu.vector_store_idx %arg9[%get3A_103], %broadcast_in_dim3A_15 {add = true} : memref<10240xf32, #tpu.memory_space<vmem>>[vector<16xi32>], vector<16xf32>,
        %get3A_104 = arith.index_cast %scan3A_68 : i32 to index
        %get3A_105 = arith.constant 96 : index
        %get3A_106 = tpu.vector_load %arg6[%get3A_104, %get3A_105] {strides = array<i32>} : memref<32x128xi32, #tpu.memory_space<vmem>>, vector<16xi32>,
        tpu.vector_store_idx %arg8[%get3A_106], %broadcast_in_dim3A_15 {add = true} : memref<10240xf32, #tpu.memory_space<vmem>>[vector<16xi32>], vector<16xf32>,
        %get3A_107 = arith.index_cast %scan3A_68 : i32 to index
        %get3A_108 = arith.constant 96 : index
        %get3A_109 = tpu.vector_load %arg7[%get3A_107, %get3A_108] {strides = array<i32>} : memref<32x128xi32, #tpu.memory_space<vmem>>, vector<16xi32>,
        tpu.vector_store_idx %arg9[%get3A_109], %broadcast_in_dim3A_15 {add = true} : memref<10240xf32, #tpu.memory_space<vmem>>[vector<16xi32>], vector<16xf32>,
        %get3A_110 = arith.index_cast %scan3A_68 : i32 to index
        %get3A_111 = arith.constant 112 : index
        %get3A_112 = tpu.vector_load %arg6[%get3A_110, %get3A_111] {strides = array<i32>} : memref<32x128xi32, #tpu.memory_space<vmem>>, vector<16xi32>,
        tpu.vector_store_idx %arg8[%get3A_112], %broadcast_in_dim3A_15 {add = true} : memref<10240xf32, #tpu.memory_space<vmem>>[vector<16xi32>], vector<16xf32>,
        %get3A_113 = arith.index_cast %scan3A_68 : i32 to index
        %get3A_114 = arith.constant 112 : index
        %get3A_115 = tpu.vector_load %arg7[%get3A_113, %get3A_114] {strides = array<i32>} : memref<32x128xi32, #tpu.memory_space<vmem>>, vector<16xi32>,
        tpu.vector_store_idx %arg9[%get3A_115], %broadcast_in_dim3A_15 {add = true} : memref<10240xf32, #tpu.memory_space<vmem>>[vector<16xi32>], vector<16xf32>,
      }
      %scan3A_35 = arith.constant 32 : i32
      %add3A_36 = arith.constant 32 : i32
      %add3A_37 = arith.addi %select_n3A, %add3A_36 : i32
      "tpu.region"() ({
        %run_scoped3A = tpu.sem_alloc : memref<!tpu.dma_semaphore, #tpu.memory_space<semaphore_mem>>
        %dma_start3A = arith.constant 0 : i32
        %dma_start3A_68 = arith.constant 0 : i32
        %dma_start3A_69 = tpu.memref_slice %arg6[%dma_start3A, %dma_start3A_68] : memref<32x128xi32, #tpu.memory_space<vmem>> -> memref<32x128xi32, #tpu.memory_space<vmem>>
        %dma_start3A_70 = arith.constant 0 : i32
        %dma_start3A_71 = tpu.memref_slice %arg2[%add3A_37, %dma_start3A_70] : memref<2560x128xi32, #tpu.memory_space<hbm>> -> memref<32x128xi32, #tpu.memory_space<hbm>>
        %dma_start3A_72 = arith.constant 0 : i32
        %dma_start3A_73 = arith.constant 0 : i32
        %dma_start3A_74 = tpu.memref_slice %arg6[%dma_start3A_72, %dma_start3A_73] : memref<32x128xi32, #tpu.memory_space<vmem>> -> memref<32x128xi32, #tpu.memory_space<vmem>>
        %dma_start3A_75 = arith.constant 0 : i32
        %dma_start3A_76 = tpu.memref_slice %arg2[%add3A_37, %dma_start3A_75] : memref<2560x128xi32, #tpu.memory_space<hbm>> -> memref<32x128xi32, #tpu.memory_space<hbm>>
        tpu.enqueue_dma source(%dma_start3A_76 : memref<32x128xi32, #tpu.memory_space<hbm>>) target(%dma_start3A_74 : memref<32x128xi32, #tpu.memory_space<vmem>>) target_semaphore(%run_scoped3A : memref<!tpu.dma_semaphore, #tpu.memory_space<semaphore_mem>>)
        %dma_wait3A = arith.constant 0 : i32
        %dma_wait3A_77 = arith.constant 0 : i32
        %dma_wait3A_78 = tpu.memref_slice %arg6[%dma_wait3A, %dma_wait3A_77] : memref<32x128xi32, #tpu.memory_space<vmem>> -> memref<32x128xi32, #tpu.memory_space<vmem>>
        %dma_wait3A_79 = arith.constant 0 : i32
        %dma_wait3A_80 = tpu.memref_slice %arg2[%add3A_37, %dma_wait3A_79] : memref<2560x128xi32, #tpu.memory_space<hbm>> -> memref<32x128xi32, #tpu.memory_space<hbm>>
        %dma_wait3A_81 = arith.constant 0 : i32
        %dma_wait3A_82 = arith.constant 0 : i32
        %dma_wait3A_83 = tpu.memref_slice %arg6[%dma_wait3A_81, %dma_wait3A_82] : memref<32x128xi32, #tpu.memory_space<vmem>> -> memref<32x128xi32, #tpu.memory_space<vmem>>
        %dma_wait3A_84 = arith.constant 0 : i32
        %dma_wait3A_85 = tpu.memref_slice %arg2[%add3A_37, %dma_wait3A_84] : memref<2560x128xi32, #tpu.memory_space<hbm>> -> memref<32x128xi32, #tpu.memory_space<hbm>>
        tpu.wait_dma2 semaphore(%run_scoped3A : memref<!tpu.dma_semaphore, #tpu.memory_space<semaphore_mem>>) src(%dma_wait3A_85 : memref<32x128xi32, #tpu.memory_space<hbm>>) dst(%dma_wait3A_83 : memref<32x128xi32, #tpu.memory_space<vmem>>)
        tpu.yield
      }) : () -> ()
      "tpu.region"() ({
        %run_scoped3A = tpu.sem_alloc : memref<!tpu.dma_semaphore, #tpu.memory_space<semaphore_mem>>
        %dma_start3A = arith.constant 0 : i32
        %dma_start3A_68 = arith.constant 0 : i32
        %dma_start3A_69 = tpu.memref_slice %arg7[%dma_start3A, %dma_start3A_68] : memref<32x128xi32, #tpu.memory_space<vmem>> -> memref<32x128xi32, #tpu.memory_space<vmem>>
        %dma_start3A_70 = arith.constant 0 : i32
        %dma_start3A_71 = tpu.memref_slice %arg3[%add3A_37, %dma_start3A_70] : memref<2560x128xi32, #tpu.memory_space<hbm>> -> memref<32x128xi32, #tpu.memory_space<hbm>>
        %dma_start3A_72 = arith.constant 0 : i32
        %dma_start3A_73 = arith.constant 0 : i32
        %dma_start3A_74 = tpu.memref_slice %arg7[%dma_start3A_72, %dma_start3A_73] : memref<32x128xi32, #tpu.memory_space<vmem>> -> memref<32x128xi32, #tpu.memory_space<vmem>>
        %dma_start3A_75 = arith.constant 0 : i32
        %dma_start3A_76 = tpu.memref_slice %arg3[%add3A_37, %dma_start3A_75] : memref<2560x128xi32, #tpu.memory_space<hbm>> -> memref<32x128xi32, #tpu.memory_space<hbm>>
        tpu.enqueue_dma source(%dma_start3A_76 : memref<32x128xi32, #tpu.memory_space<hbm>>) target(%dma_start3A_74 : memref<32x128xi32, #tpu.memory_space<vmem>>) target_semaphore(%run_scoped3A : memref<!tpu.dma_semaphore, #tpu.memory_space<semaphore_mem>>)
        %dma_wait3A = arith.constant 0 : i32
        %dma_wait3A_77 = arith.constant 0 : i32
        %dma_wait3A_78 = tpu.memref_slice %arg7[%dma_wait3A, %dma_wait3A_77] : memref<32x128xi32, #tpu.memory_space<vmem>> -> memref<32x128xi32, #tpu.memory_space<vmem>>
        %dma_wait3A_79 = arith.constant 0 : i32
        %dma_wait3A_80 = tpu.memref_slice %arg3[%add3A_37, %dma_wait3A_79] : memref<2560x128xi32, #tpu.memory_space<hbm>> -> memref<32x128xi32, #tpu.memory_space<hbm>>
        %dma_wait3A_81 = arith.constant 0 : i32
        %dma_wait3A_82 = arith.constant 0 : i32
        %dma_wait3A_83 = tpu.memref_slice %arg7[%dma_wait3A_81, %dma_wait3A_82] : memref<32x128xi32, #tpu.memory_space<vmem>> -> memref<32x128xi32, #tpu.memory_space<vmem>>
        %dma_wait3A_84 = arith.constant 0 : i32
        %dma_wait3A_85 = tpu.memref_slice %arg3[%add3A_37, %dma_wait3A_84] : memref<2560x128xi32, #tpu.memory_space<hbm>> -> memref<32x128xi32, #tpu.memory_space<hbm>>
        tpu.wait_dma2 semaphore(%run_scoped3A : memref<!tpu.dma_semaphore, #tpu.memory_space<semaphore_mem>>) src(%dma_wait3A_85 : memref<32x128xi32, #tpu.memory_space<hbm>>) dst(%dma_wait3A_83 : memref<32x128xi32, #tpu.memory_space<vmem>>)
        tpu.yield
      }) : () -> ()
      %scan3A_38 = arith.constant 0 : i32
      %scan3A_39 = arith.constant 0 : i32
      %scan3A_40 = arith.constant 32 : i32
      %scan3A_41 = arith.addi %scan3A_39, %scan3A_40 : i32
      %scan3A_42 = arith.constant 1 : i32
      scf.for %scan3A_68 = %scan3A_39 to %scan3A_41 step %scan3A_42  : i32 {
        %get3A = arith.index_cast %scan3A_68 : i32 to index
        %get3A_69 = arith.constant 0 : index
        %get3A_70 = tpu.vector_load %arg6[%get3A, %get3A_69] {strides = array<i32>} : memref<32x128xi32, #tpu.memory_space<vmem>>, vector<16xi32>,
        tpu.vector_store_idx %arg8[%get3A_70], %broadcast_in_dim3A_15 {add = true} : memref<10240xf32, #tpu.memory_space<vmem>>[vector<16xi32>], vector<16xf32>,
        %get3A_71 = arith.index_cast %scan3A_68 : i32 to index
        %get3A_72 = arith.constant 0 : index
        %get3A_73 = tpu.vector_load %arg7[%get3A_71, %get3A_72] {strides = array<i32>} : memref<32x128xi32, #tpu.memory_space<vmem>>, vector<16xi32>,
        tpu.vector_store_idx %arg9[%get3A_73], %broadcast_in_dim3A_15 {add = true} : memref<10240xf32, #tpu.memory_space<vmem>>[vector<16xi32>], vector<16xf32>,
        %get3A_74 = arith.index_cast %scan3A_68 : i32 to index
        %get3A_75 = arith.constant 16 : index
        %get3A_76 = tpu.vector_load %arg6[%get3A_74, %get3A_75] {strides = array<i32>} : memref<32x128xi32, #tpu.memory_space<vmem>>, vector<16xi32>,
        tpu.vector_store_idx %arg8[%get3A_76], %broadcast_in_dim3A_15 {add = true} : memref<10240xf32, #tpu.memory_space<vmem>>[vector<16xi32>], vector<16xf32>,
        %get3A_77 = arith.index_cast %scan3A_68 : i32 to index
        %get3A_78 = arith.constant 16 : index
        %get3A_79 = tpu.vector_load %arg7[%get3A_77, %get3A_78] {strides = array<i32>} : memref<32x128xi32, #tpu.memory_space<vmem>>, vector<16xi32>,
        tpu.vector_store_idx %arg9[%get3A_79], %broadcast_in_dim3A_15 {add = true} : memref<10240xf32, #tpu.memory_space<vmem>>[vector<16xi32>], vector<16xf32>,
        %get3A_80 = arith.index_cast %scan3A_68 : i32 to index
        %get3A_81 = arith.constant 32 : index
        %get3A_82 = tpu.vector_load %arg6[%get3A_80, %get3A_81] {strides = array<i32>} : memref<32x128xi32, #tpu.memory_space<vmem>>, vector<16xi32>,
        tpu.vector_store_idx %arg8[%get3A_82], %broadcast_in_dim3A_15 {add = true} : memref<10240xf32, #tpu.memory_space<vmem>>[vector<16xi32>], vector<16xf32>,
        %get3A_83 = arith.index_cast %scan3A_68 : i32 to index
        %get3A_84 = arith.constant 32 : index
        %get3A_85 = tpu.vector_load %arg7[%get3A_83, %get3A_84] {strides = array<i32>} : memref<32x128xi32, #tpu.memory_space<vmem>>, vector<16xi32>,
        tpu.vector_store_idx %arg9[%get3A_85], %broadcast_in_dim3A_15 {add = true} : memref<10240xf32, #tpu.memory_space<vmem>>[vector<16xi32>], vector<16xf32>,
        %get3A_86 = arith.index_cast %scan3A_68 : i32 to index
        %get3A_87 = arith.constant 48 : index
        %get3A_88 = tpu.vector_load %arg6[%get3A_86, %get3A_87] {strides = array<i32>} : memref<32x128xi32, #tpu.memory_space<vmem>>, vector<16xi32>,
        tpu.vector_store_idx %arg8[%get3A_88], %broadcast_in_dim3A_15 {add = true} : memref<10240xf32, #tpu.memory_space<vmem>>[vector<16xi32>], vector<16xf32>,
        %get3A_89 = arith.index_cast %scan3A_68 : i32 to index
        %get3A_90 = arith.constant 48 : index
        %get3A_91 = tpu.vector_load %arg7[%get3A_89, %get3A_90] {strides = array<i32>} : memref<32x128xi32, #tpu.memory_space<vmem>>, vector<16xi32>,
        tpu.vector_store_idx %arg9[%get3A_91], %broadcast_in_dim3A_15 {add = true} : memref<10240xf32, #tpu.memory_space<vmem>>[vector<16xi32>], vector<16xf32>,
        %get3A_92 = arith.index_cast %scan3A_68 : i32 to index
        %get3A_93 = arith.constant 64 : index
        %get3A_94 = tpu.vector_load %arg6[%get3A_92, %get3A_93] {strides = array<i32>} : memref<32x128xi32, #tpu.memory_space<vmem>>, vector<16xi32>,
        tpu.vector_store_idx %arg8[%get3A_94], %broadcast_in_dim3A_15 {add = true} : memref<10240xf32, #tpu.memory_space<vmem>>[vector<16xi32>], vector<16xf32>,
        %get3A_95 = arith.index_cast %scan3A_68 : i32 to index
        %get3A_96 = arith.constant 64 : index
        %get3A_97 = tpu.vector_load %arg7[%get3A_95, %get3A_96] {strides = array<i32>} : memref<32x128xi32, #tpu.memory_space<vmem>>, vector<16xi32>,
        tpu.vector_store_idx %arg9[%get3A_97], %broadcast_in_dim3A_15 {add = true} : memref<10240xf32, #tpu.memory_space<vmem>>[vector<16xi32>], vector<16xf32>,
        %get3A_98 = arith.index_cast %scan3A_68 : i32 to index
        %get3A_99 = arith.constant 80 : index
        %get3A_100 = tpu.vector_load %arg6[%get3A_98, %get3A_99] {strides = array<i32>} : memref<32x128xi32, #tpu.memory_space<vmem>>, vector<16xi32>,
        tpu.vector_store_idx %arg8[%get3A_100], %broadcast_in_dim3A_15 {add = true} : memref<10240xf32, #tpu.memory_space<vmem>>[vector<16xi32>], vector<16xf32>,
        %get3A_101 = arith.index_cast %scan3A_68 : i32 to index
        %get3A_102 = arith.constant 80 : index
        %get3A_103 = tpu.vector_load %arg7[%get3A_101, %get3A_102] {strides = array<i32>} : memref<32x128xi32, #tpu.memory_space<vmem>>, vector<16xi32>,
        tpu.vector_store_idx %arg9[%get3A_103], %broadcast_in_dim3A_15 {add = true} : memref<10240xf32, #tpu.memory_space<vmem>>[vector<16xi32>], vector<16xf32>,
        %get3A_104 = arith.index_cast %scan3A_68 : i32 to index
        %get3A_105 = arith.constant 96 : index
        %get3A_106 = tpu.vector_load %arg6[%get3A_104, %get3A_105] {strides = array<i32>} : memref<32x128xi32, #tpu.memory_space<vmem>>, vector<16xi32>,
        tpu.vector_store_idx %arg8[%get3A_106], %broadcast_in_dim3A_15 {add = true} : memref<10240xf32, #tpu.memory_space<vmem>>[vector<16xi32>], vector<16xf32>,
        %get3A_107 = arith.index_cast %scan3A_68 : i32 to index
        %get3A_108 = arith.constant 96 : index
        %get3A_109 = tpu.vector_load %arg7[%get3A_107, %get3A_108] {strides = array<i32>} : memref<32x128xi32, #tpu.memory_space<vmem>>, vector<16xi32>,
        tpu.vector_store_idx %arg9[%get3A_109], %broadcast_in_dim3A_15 {add = true} : memref<10240xf32, #tpu.memory_space<vmem>>[vector<16xi32>], vector<16xf32>,
        %get3A_110 = arith.index_cast %scan3A_68 : i32 to index
        %get3A_111 = arith.constant 112 : index
        %get3A_112 = tpu.vector_load %arg6[%get3A_110, %get3A_111] {strides = array<i32>} : memref<32x128xi32, #tpu.memory_space<vmem>>, vector<16xi32>,
        tpu.vector_store_idx %arg8[%get3A_112], %broadcast_in_dim3A_15 {add = true} : memref<10240xf32, #tpu.memory_space<vmem>>[vector<16xi32>], vector<16xf32>,
        %get3A_113 = arith.index_cast %scan3A_68 : i32 to index
        %get3A_114 = arith.constant 112 : index
        %get3A_115 = tpu.vector_load %arg7[%get3A_113, %get3A_114] {strides = array<i32>} : memref<32x128xi32, #tpu.memory_space<vmem>>, vector<16xi32>,
        tpu.vector_store_idx %arg9[%get3A_115], %broadcast_in_dim3A_15 {add = true} : memref<10240xf32, #tpu.memory_space<vmem>>[vector<16xi32>], vector<16xf32>,
      }
      %scan3A_43 = arith.constant 32 : i32
      %add3A_44 = arith.constant 64 : i32
      %add3A_45 = arith.addi %select_n3A, %add3A_44 : i32
      "tpu.region"() ({
        %run_scoped3A = tpu.sem_alloc : memref<!tpu.dma_semaphore, #tpu.memory_space<semaphore_mem>>
        %dma_start3A = arith.constant 0 : i32
        %dma_start3A_68 = arith.constant 0 : i32
        %dma_start3A_69 = tpu.memref_slice %arg6[%dma_start3A, %dma_start3A_68] : memref<32x128xi32, #tpu.memory_space<vmem>> -> memref<32x128xi32, #tpu.memory_space<vmem>>
        %dma_start3A_70 = arith.constant 0 : i32
        %dma_start3A_71 = tpu.memref_slice %arg2[%add3A_45, %dma_start3A_70] : memref<2560x128xi32, #tpu.memory_space<hbm>> -> memref<32x128xi32, #tpu.memory_space<hbm>>
        %dma_start3A_72 = arith.constant 0 : i32
        %dma_start3A_73 = arith.constant 0 : i32
        %dma_start3A_74 = tpu.memref_slice %arg6[%dma_start3A_72, %dma_start3A_73] : memref<32x128xi32, #tpu.memory_space<vmem>> -> memref<32x128xi32, #tpu.memory_space<vmem>>
        %dma_start3A_75 = arith.constant 0 : i32
        %dma_start3A_76 = tpu.memref_slice %arg2[%add3A_45, %dma_start3A_75] : memref<2560x128xi32, #tpu.memory_space<hbm>> -> memref<32x128xi32, #tpu.memory_space<hbm>>
        tpu.enqueue_dma source(%dma_start3A_76 : memref<32x128xi32, #tpu.memory_space<hbm>>) target(%dma_start3A_74 : memref<32x128xi32, #tpu.memory_space<vmem>>) target_semaphore(%run_scoped3A : memref<!tpu.dma_semaphore, #tpu.memory_space<semaphore_mem>>)
        %dma_wait3A = arith.constant 0 : i32
        %dma_wait3A_77 = arith.constant 0 : i32
        %dma_wait3A_78 = tpu.memref_slice %arg6[%dma_wait3A, %dma_wait3A_77] : memref<32x128xi32, #tpu.memory_space<vmem>> -> memref<32x128xi32, #tpu.memory_space<vmem>>
        %dma_wait3A_79 = arith.constant 0 : i32
        %dma_wait3A_80 = tpu.memref_slice %arg2[%add3A_45, %dma_wait3A_79] : memref<2560x128xi32, #tpu.memory_space<hbm>> -> memref<32x128xi32, #tpu.memory_space<hbm>>
        %dma_wait3A_81 = arith.constant 0 : i32
        %dma_wait3A_82 = arith.constant 0 : i32
        %dma_wait3A_83 = tpu.memref_slice %arg6[%dma_wait3A_81, %dma_wait3A_82] : memref<32x128xi32, #tpu.memory_space<vmem>> -> memref<32x128xi32, #tpu.memory_space<vmem>>
        %dma_wait3A_84 = arith.constant 0 : i32
        %dma_wait3A_85 = tpu.memref_slice %arg2[%add3A_45, %dma_wait3A_84] : memref<2560x128xi32, #tpu.memory_space<hbm>> -> memref<32x128xi32, #tpu.memory_space<hbm>>
        tpu.wait_dma2 semaphore(%run_scoped3A : memref<!tpu.dma_semaphore, #tpu.memory_space<semaphore_mem>>) src(%dma_wait3A_85 : memref<32x128xi32, #tpu.memory_space<hbm>>) dst(%dma_wait3A_83 : memref<32x128xi32, #tpu.memory_space<vmem>>)
        tpu.yield
      }) : () -> ()
      "tpu.region"() ({
        %run_scoped3A = tpu.sem_alloc : memref<!tpu.dma_semaphore, #tpu.memory_space<semaphore_mem>>
        %dma_start3A = arith.constant 0 : i32
        %dma_start3A_68 = arith.constant 0 : i32
        %dma_start3A_69 = tpu.memref_slice %arg7[%dma_start3A, %dma_start3A_68] : memref<32x128xi32, #tpu.memory_space<vmem>> -> memref<32x128xi32, #tpu.memory_space<vmem>>
        %dma_start3A_70 = arith.constant 0 : i32
        %dma_start3A_71 = tpu.memref_slice %arg3[%add3A_45, %dma_start3A_70] : memref<2560x128xi32, #tpu.memory_space<hbm>> -> memref<32x128xi32, #tpu.memory_space<hbm>>
        %dma_start3A_72 = arith.constant 0 : i32
        %dma_start3A_73 = arith.constant 0 : i32
        %dma_start3A_74 = tpu.memref_slice %arg7[%dma_start3A_72, %dma_start3A_73] : memref<32x128xi32, #tpu.memory_space<vmem>> -> memref<32x128xi32, #tpu.memory_space<vmem>>
        %dma_start3A_75 = arith.constant 0 : i32
        %dma_start3A_76 = tpu.memref_slice %arg3[%add3A_45, %dma_start3A_75] : memref<2560x128xi32, #tpu.memory_space<hbm>> -> memref<32x128xi32, #tpu.memory_space<hbm>>
        tpu.enqueue_dma source(%dma_start3A_76 : memref<32x128xi32, #tpu.memory_space<hbm>>) target(%dma_start3A_74 : memref<32x128xi32, #tpu.memory_space<vmem>>) target_semaphore(%run_scoped3A : memref<!tpu.dma_semaphore, #tpu.memory_space<semaphore_mem>>)
        %dma_wait3A = arith.constant 0 : i32
        %dma_wait3A_77 = arith.constant 0 : i32
        %dma_wait3A_78 = tpu.memref_slice %arg7[%dma_wait3A, %dma_wait3A_77] : memref<32x128xi32, #tpu.memory_space<vmem>> -> memref<32x128xi32, #tpu.memory_space<vmem>>
        %dma_wait3A_79 = arith.constant 0 : i32
        %dma_wait3A_80 = tpu.memref_slice %arg3[%add3A_45, %dma_wait3A_79] : memref<2560x128xi32, #tpu.memory_space<hbm>> -> memref<32x128xi32, #tpu.memory_space<hbm>>
        %dma_wait3A_81 = arith.constant 0 : i32
        %dma_wait3A_82 = arith.constant 0 : i32
        %dma_wait3A_83 = tpu.memref_slice %arg7[%dma_wait3A_81, %dma_wait3A_82] : memref<32x128xi32, #tpu.memory_space<vmem>> -> memref<32x128xi32, #tpu.memory_space<vmem>>
        %dma_wait3A_84 = arith.constant 0 : i32
        %dma_wait3A_85 = tpu.memref_slice %arg3[%add3A_45, %dma_wait3A_84] : memref<2560x128xi32, #tpu.memory_space<hbm>> -> memref<32x128xi32, #tpu.memory_space<hbm>>
        tpu.wait_dma2 semaphore(%run_scoped3A : memref<!tpu.dma_semaphore, #tpu.memory_space<semaphore_mem>>) src(%dma_wait3A_85 : memref<32x128xi32, #tpu.memory_space<hbm>>) dst(%dma_wait3A_83 : memref<32x128xi32, #tpu.memory_space<vmem>>)
        tpu.yield
      }) : () -> ()
      %scan3A_46 = arith.constant 0 : i32
      %scan3A_47 = arith.constant 0 : i32
      %scan3A_48 = arith.constant 32 : i32
      %scan3A_49 = arith.addi %scan3A_47, %scan3A_48 : i32
      %scan3A_50 = arith.constant 1 : i32
      scf.for %scan3A_68 = %scan3A_47 to %scan3A_49 step %scan3A_50  : i32 {
        %get3A = arith.index_cast %scan3A_68 : i32 to index
        %get3A_69 = arith.constant 0 : index
        %get3A_70 = tpu.vector_load %arg6[%get3A, %get3A_69] {strides = array<i32>} : memref<32x128xi32, #tpu.memory_space<vmem>>, vector<16xi32>,
        tpu.vector_store_idx %arg8[%get3A_70], %broadcast_in_dim3A_15 {add = true} : memref<10240xf32, #tpu.memory_space<vmem>>[vector<16xi32>], vector<16xf32>,
        %get3A_71 = arith.index_cast %scan3A_68 : i32 to index
        %get3A_72 = arith.constant 0 : index
        %get3A_73 = tpu.vector_load %arg7[%get3A_71, %get3A_72] {strides = array<i32>} : memref<32x128xi32, #tpu.memory_space<vmem>>, vector<16xi32>,
        tpu.vector_store_idx %arg9[%get3A_73], %broadcast_in_dim3A_15 {add = true} : memref<10240xf32, #tpu.memory_space<vmem>>[vector<16xi32>], vector<16xf32>,
        %get3A_74 = arith.index_cast %scan3A_68 : i32 to index
        %get3A_75 = arith.constant 16 : index
        %get3A_76 = tpu.vector_load %arg6[%get3A_74, %get3A_75] {strides = array<i32>} : memref<32x128xi32, #tpu.memory_space<vmem>>, vector<16xi32>,
        tpu.vector_store_idx %arg8[%get3A_76], %broadcast_in_dim3A_15 {add = true} : memref<10240xf32, #tpu.memory_space<vmem>>[vector<16xi32>], vector<16xf32>,
        %get3A_77 = arith.index_cast %scan3A_68 : i32 to index
        %get3A_78 = arith.constant 16 : index
        %get3A_79 = tpu.vector_load %arg7[%get3A_77, %get3A_78] {strides = array<i32>} : memref<32x128xi32, #tpu.memory_space<vmem>>, vector<16xi32>,
        tpu.vector_store_idx %arg9[%get3A_79], %broadcast_in_dim3A_15 {add = true} : memref<10240xf32, #tpu.memory_space<vmem>>[vector<16xi32>], vector<16xf32>,
        %get3A_80 = arith.index_cast %scan3A_68 : i32 to index
        %get3A_81 = arith.constant 32 : index
        %get3A_82 = tpu.vector_load %arg6[%get3A_80, %get3A_81] {strides = array<i32>} : memref<32x128xi32, #tpu.memory_space<vmem>>, vector<16xi32>,
        tpu.vector_store_idx %arg8[%get3A_82], %broadcast_in_dim3A_15 {add = true} : memref<10240xf32, #tpu.memory_space<vmem>>[vector<16xi32>], vector<16xf32>,
        %get3A_83 = arith.index_cast %scan3A_68 : i32 to index
        %get3A_84 = arith.constant 32 : index
        %get3A_85 = tpu.vector_load %arg7[%get3A_83, %get3A_84] {strides = array<i32>} : memref<32x128xi32, #tpu.memory_space<vmem>>, vector<16xi32>,
        tpu.vector_store_idx %arg9[%get3A_85], %broadcast_in_dim3A_15 {add = true} : memref<10240xf32, #tpu.memory_space<vmem>>[vector<16xi32>], vector<16xf32>,
        %get3A_86 = arith.index_cast %scan3A_68 : i32 to index
        %get3A_87 = arith.constant 48 : index
        %get3A_88 = tpu.vector_load %arg6[%get3A_86, %get3A_87] {strides = array<i32>} : memref<32x128xi32, #tpu.memory_space<vmem>>, vector<16xi32>,
        tpu.vector_store_idx %arg8[%get3A_88], %broadcast_in_dim3A_15 {add = true} : memref<10240xf32, #tpu.memory_space<vmem>>[vector<16xi32>], vector<16xf32>,
        %get3A_89 = arith.index_cast %scan3A_68 : i32 to index
        %get3A_90 = arith.constant 48 : index
        %get3A_91 = tpu.vector_load %arg7[%get3A_89, %get3A_90] {strides = array<i32>} : memref<32x128xi32, #tpu.memory_space<vmem>>, vector<16xi32>,
        tpu.vector_store_idx %arg9[%get3A_91], %broadcast_in_dim3A_15 {add = true} : memref<10240xf32, #tpu.memory_space<vmem>>[vector<16xi32>], vector<16xf32>,
        %get3A_92 = arith.index_cast %scan3A_68 : i32 to index
        %get3A_93 = arith.constant 64 : index
        %get3A_94 = tpu.vector_load %arg6[%get3A_92, %get3A_93] {strides = array<i32>} : memref<32x128xi32, #tpu.memory_space<vmem>>, vector<16xi32>,
        tpu.vector_store_idx %arg8[%get3A_94], %broadcast_in_dim3A_15 {add = true} : memref<10240xf32, #tpu.memory_space<vmem>>[vector<16xi32>], vector<16xf32>,
        %get3A_95 = arith.index_cast %scan3A_68 : i32 to index
        %get3A_96 = arith.constant 64 : index
        %get3A_97 = tpu.vector_load %arg7[%get3A_95, %get3A_96] {strides = array<i32>} : memref<32x128xi32, #tpu.memory_space<vmem>>, vector<16xi32>,
        tpu.vector_store_idx %arg9[%get3A_97], %broadcast_in_dim3A_15 {add = true} : memref<10240xf32, #tpu.memory_space<vmem>>[vector<16xi32>], vector<16xf32>,
        %get3A_98 = arith.index_cast %scan3A_68 : i32 to index
        %get3A_99 = arith.constant 80 : index
        %get3A_100 = tpu.vector_load %arg6[%get3A_98, %get3A_99] {strides = array<i32>} : memref<32x128xi32, #tpu.memory_space<vmem>>, vector<16xi32>,
        tpu.vector_store_idx %arg8[%get3A_100], %broadcast_in_dim3A_15 {add = true} : memref<10240xf32, #tpu.memory_space<vmem>>[vector<16xi32>], vector<16xf32>,
        %get3A_101 = arith.index_cast %scan3A_68 : i32 to index
        %get3A_102 = arith.constant 80 : index
        %get3A_103 = tpu.vector_load %arg7[%get3A_101, %get3A_102] {strides = array<i32>} : memref<32x128xi32, #tpu.memory_space<vmem>>, vector<16xi32>,
        tpu.vector_store_idx %arg9[%get3A_103], %broadcast_in_dim3A_15 {add = true} : memref<10240xf32, #tpu.memory_space<vmem>>[vector<16xi32>], vector<16xf32>,
        %get3A_104 = arith.index_cast %scan3A_68 : i32 to index
        %get3A_105 = arith.constant 96 : index
        %get3A_106 = tpu.vector_load %arg6[%get3A_104, %get3A_105] {strides = array<i32>} : memref<32x128xi32, #tpu.memory_space<vmem>>, vector<16xi32>,
        tpu.vector_store_idx %arg8[%get3A_106], %broadcast_in_dim3A_15 {add = true} : memref<10240xf32, #tpu.memory_space<vmem>>[vector<16xi32>], vector<16xf32>,
        %get3A_107 = arith.index_cast %scan3A_68 : i32 to index
        %get3A_108 = arith.constant 96 : index
        %get3A_109 = tpu.vector_load %arg7[%get3A_107, %get3A_108] {strides = array<i32>} : memref<32x128xi32, #tpu.memory_space<vmem>>, vector<16xi32>,
        tpu.vector_store_idx %arg9[%get3A_109], %broadcast_in_dim3A_15 {add = true} : memref<10240xf32, #tpu.memory_space<vmem>>[vector<16xi32>], vector<16xf32>,
        %get3A_110 = arith.index_cast %scan3A_68 : i32 to index
        %get3A_111 = arith.constant 112 : index
        %get3A_112 = tpu.vector_load %arg6[%get3A_110, %get3A_111] {strides = array<i32>} : memref<32x128xi32, #tpu.memory_space<vmem>>, vector<16xi32>,
        tpu.vector_store_idx %arg8[%get3A_112], %broadcast_in_dim3A_15 {add = true} : memref<10240xf32, #tpu.memory_space<vmem>>[vector<16xi32>], vector<16xf32>,
        %get3A_113 = arith.index_cast %scan3A_68 : i32 to index
        %get3A_114 = arith.constant 112 : index
        %get3A_115 = tpu.vector_load %arg7[%get3A_113, %get3A_114] {strides = array<i32>} : memref<32x128xi32, #tpu.memory_space<vmem>>, vector<16xi32>,
        tpu.vector_store_idx %arg9[%get3A_115], %broadcast_in_dim3A_15 {add = true} : memref<10240xf32, #tpu.memory_space<vmem>>[vector<16xi32>], vector<16xf32>,
      }
      %scan3A_51 = arith.constant 32 : i32
      %add3A_52 = arith.constant 96 : i32
      %add3A_53 = arith.addi %select_n3A, %add3A_52 : i32
      "tpu.region"() ({
        %run_scoped3A = tpu.sem_alloc : memref<!tpu.dma_semaphore, #tpu.memory_space<semaphore_mem>>
        %dma_start3A = arith.constant 0 : i32
        %dma_start3A_68 = arith.constant 0 : i32
        %dma_start3A_69 = tpu.memref_slice %arg6[%dma_start3A, %dma_start3A_68] : memref<32x128xi32, #tpu.memory_space<vmem>> -> memref<32x128xi32, #tpu.memory_space<vmem>>
        %dma_start3A_70 = arith.constant 0 : i32
        %dma_start3A_71 = tpu.memref_slice %arg2[%add3A_53, %dma_start3A_70] : memref<2560x128xi32, #tpu.memory_space<hbm>> -> memref<32x128xi32, #tpu.memory_space<hbm>>
        %dma_start3A_72 = arith.constant 0 : i32
        %dma_start3A_73 = arith.constant 0 : i32
        %dma_start3A_74 = tpu.memref_slice %arg6[%dma_start3A_72, %dma_start3A_73] : memref<32x128xi32, #tpu.memory_space<vmem>> -> memref<32x128xi32, #tpu.memory_space<vmem>>
        %dma_start3A_75 = arith.constant 0 : i32
        %dma_start3A_76 = tpu.memref_slice %arg2[%add3A_53, %dma_start3A_75] : memref<2560x128xi32, #tpu.memory_space<hbm>> -> memref<32x128xi32, #tpu.memory_space<hbm>>
        tpu.enqueue_dma source(%dma_start3A_76 : memref<32x128xi32, #tpu.memory_space<hbm>>) target(%dma_start3A_74 : memref<32x128xi32, #tpu.memory_space<vmem>>) target_semaphore(%run_scoped3A : memref<!tpu.dma_semaphore, #tpu.memory_space<semaphore_mem>>)
        %dma_wait3A = arith.constant 0 : i32
        %dma_wait3A_77 = arith.constant 0 : i32
        %dma_wait3A_78 = tpu.memref_slice %arg6[%dma_wait3A, %dma_wait3A_77] : memref<32x128xi32, #tpu.memory_space<vmem>> -> memref<32x128xi32, #tpu.memory_space<vmem>>
        %dma_wait3A_79 = arith.constant 0 : i32
        %dma_wait3A_80 = tpu.memref_slice %arg2[%add3A_53, %dma_wait3A_79] : memref<2560x128xi32, #tpu.memory_space<hbm>> -> memref<32x128xi32, #tpu.memory_space<hbm>>
        %dma_wait3A_81 = arith.constant 0 : i32
        %dma_wait3A_82 = arith.constant 0 : i32
        %dma_wait3A_83 = tpu.memref_slice %arg6[%dma_wait3A_81, %dma_wait3A_82] : memref<32x128xi32, #tpu.memory_space<vmem>> -> memref<32x128xi32, #tpu.memory_space<vmem>>
        %dma_wait3A_84 = arith.constant 0 : i32
        %dma_wait3A_85 = tpu.memref_slice %arg2[%add3A_53, %dma_wait3A_84] : memref<2560x128xi32, #tpu.memory_space<hbm>> -> memref<32x128xi32, #tpu.memory_space<hbm>>
        tpu.wait_dma2 semaphore(%run_scoped3A : memref<!tpu.dma_semaphore, #tpu.memory_space<semaphore_mem>>) src(%dma_wait3A_85 : memref<32x128xi32, #tpu.memory_space<hbm>>) dst(%dma_wait3A_83 : memref<32x128xi32, #tpu.memory_space<vmem>>)
        tpu.yield
      }) : () -> ()
      "tpu.region"() ({
        %run_scoped3A = tpu.sem_alloc : memref<!tpu.dma_semaphore, #tpu.memory_space<semaphore_mem>>
        %dma_start3A = arith.constant 0 : i32
        %dma_start3A_68 = arith.constant 0 : i32
        %dma_start3A_69 = tpu.memref_slice %arg7[%dma_start3A, %dma_start3A_68] : memref<32x128xi32, #tpu.memory_space<vmem>> -> memref<32x128xi32, #tpu.memory_space<vmem>>
        %dma_start3A_70 = arith.constant 0 : i32
        %dma_start3A_71 = tpu.memref_slice %arg3[%add3A_53, %dma_start3A_70] : memref<2560x128xi32, #tpu.memory_space<hbm>> -> memref<32x128xi32, #tpu.memory_space<hbm>>
        %dma_start3A_72 = arith.constant 0 : i32
        %dma_start3A_73 = arith.constant 0 : i32
        %dma_start3A_74 = tpu.memref_slice %arg7[%dma_start3A_72, %dma_start3A_73] : memref<32x128xi32, #tpu.memory_space<vmem>> -> memref<32x128xi32, #tpu.memory_space<vmem>>
        %dma_start3A_75 = arith.constant 0 : i32
        %dma_start3A_76 = tpu.memref_slice %arg3[%add3A_53, %dma_start3A_75] : memref<2560x128xi32, #tpu.memory_space<hbm>> -> memref<32x128xi32, #tpu.memory_space<hbm>>
        tpu.enqueue_dma source(%dma_start3A_76 : memref<32x128xi32, #tpu.memory_space<hbm>>) target(%dma_start3A_74 : memref<32x128xi32, #tpu.memory_space<vmem>>) target_semaphore(%run_scoped3A : memref<!tpu.dma_semaphore, #tpu.memory_space<semaphore_mem>>)
        %dma_wait3A = arith.constant 0 : i32
        %dma_wait3A_77 = arith.constant 0 : i32
        %dma_wait3A_78 = tpu.memref_slice %arg7[%dma_wait3A, %dma_wait3A_77] : memref<32x128xi32, #tpu.memory_space<vmem>> -> memref<32x128xi32, #tpu.memory_space<vmem>>
        %dma_wait3A_79 = arith.constant 0 : i32
        %dma_wait3A_80 = tpu.memref_slice %arg3[%add3A_53, %dma_wait3A_79] : memref<2560x128xi32, #tpu.memory_space<hbm>> -> memref<32x128xi32, #tpu.memory_space<hbm>>
        %dma_wait3A_81 = arith.constant 0 : i32
        %dma_wait3A_82 = arith.constant 0 : i32
        %dma_wait3A_83 = tpu.memref_slice %arg7[%dma_wait3A_81, %dma_wait3A_82] : memref<32x128xi32, #tpu.memory_space<vmem>> -> memref<32x128xi32, #tpu.memory_space<vmem>>
        %dma_wait3A_84 = arith.constant 0 : i32
        %dma_wait3A_85 = tpu.memref_slice %arg3[%add3A_53, %dma_wait3A_84] : memref<2560x128xi32, #tpu.memory_space<hbm>> -> memref<32x128xi32, #tpu.memory_space<hbm>>
        tpu.wait_dma2 semaphore(%run_scoped3A : memref<!tpu.dma_semaphore, #tpu.memory_space<semaphore_mem>>) src(%dma_wait3A_85 : memref<32x128xi32, #tpu.memory_space<hbm>>) dst(%dma_wait3A_83 : memref<32x128xi32, #tpu.memory_space<vmem>>)
        tpu.yield
      }) : () -> ()
      %scan3A_54 = arith.constant 0 : i32
      %scan3A_55 = arith.constant 0 : i32
      %scan3A_56 = arith.constant 32 : i32
      %scan3A_57 = arith.addi %scan3A_55, %scan3A_56 : i32
      %scan3A_58 = arith.constant 1 : i32
      scf.for %scan3A_68 = %scan3A_55 to %scan3A_57 step %scan3A_58  : i32 {
        %get3A = arith.index_cast %scan3A_68 : i32 to index
        %get3A_69 = arith.constant 0 : index
        %get3A_70 = tpu.vector_load %arg6[%get3A, %get3A_69] {strides = array<i32>} : memref<32x128xi32, #tpu.memory_space<vmem>>, vector<16xi32>,
        tpu.vector_store_idx %arg8[%get3A_70], %broadcast_in_dim3A_15 {add = true} : memref<10240xf32, #tpu.memory_space<vmem>>[vector<16xi32>], vector<16xf32>,
        %get3A_71 = arith.index_cast %scan3A_68 : i32 to index
        %get3A_72 = arith.constant 0 : index
        %get3A_73 = tpu.vector_load %arg7[%get3A_71, %get3A_72] {strides = array<i32>} : memref<32x128xi32, #tpu.memory_space<vmem>>, vector<16xi32>,
        tpu.vector_store_idx %arg9[%get3A_73], %broadcast_in_dim3A_15 {add = true} : memref<10240xf32, #tpu.memory_space<vmem>>[vector<16xi32>], vector<16xf32>,
        %get3A_74 = arith.index_cast %scan3A_68 : i32 to index
        %get3A_75 = arith.constant 16 : index
        %get3A_76 = tpu.vector_load %arg6[%get3A_74, %get3A_75] {strides = array<i32>} : memref<32x128xi32, #tpu.memory_space<vmem>>, vector<16xi32>,
        tpu.vector_store_idx %arg8[%get3A_76], %broadcast_in_dim3A_15 {add = true} : memref<10240xf32, #tpu.memory_space<vmem>>[vector<16xi32>], vector<16xf32>,
        %get3A_77 = arith.index_cast %scan3A_68 : i32 to index
        %get3A_78 = arith.constant 16 : index
        %get3A_79 = tpu.vector_load %arg7[%get3A_77, %get3A_78] {strides = array<i32>} : memref<32x128xi32, #tpu.memory_space<vmem>>, vector<16xi32>,
        tpu.vector_store_idx %arg9[%get3A_79], %broadcast_in_dim3A_15 {add = true} : memref<10240xf32, #tpu.memory_space<vmem>>[vector<16xi32>], vector<16xf32>,
        %get3A_80 = arith.index_cast %scan3A_68 : i32 to index
        %get3A_81 = arith.constant 32 : index
        %get3A_82 = tpu.vector_load %arg6[%get3A_80, %get3A_81] {strides = array<i32>} : memref<32x128xi32, #tpu.memory_space<vmem>>, vector<16xi32>,
        tpu.vector_store_idx %arg8[%get3A_82], %broadcast_in_dim3A_15 {add = true} : memref<10240xf32, #tpu.memory_space<vmem>>[vector<16xi32>], vector<16xf32>,
        %get3A_83 = arith.index_cast %scan3A_68 : i32 to index
        %get3A_84 = arith.constant 32 : index
        %get3A_85 = tpu.vector_load %arg7[%get3A_83, %get3A_84] {strides = array<i32>} : memref<32x128xi32, #tpu.memory_space<vmem>>, vector<16xi32>,
        tpu.vector_store_idx %arg9[%get3A_85], %broadcast_in_dim3A_15 {add = true} : memref<10240xf32, #tpu.memory_space<vmem>>[vector<16xi32>], vector<16xf32>,
        %get3A_86 = arith.index_cast %scan3A_68 : i32 to index
        %get3A_87 = arith.constant 48 : index
        %get3A_88 = tpu.vector_load %arg6[%get3A_86, %get3A_87] {strides = array<i32>} : memref<32x128xi32, #tpu.memory_space<vmem>>, vector<16xi32>,
        tpu.vector_store_idx %arg8[%get3A_88], %broadcast_in_dim3A_15 {add = true} : memref<10240xf32, #tpu.memory_space<vmem>>[vector<16xi32>], vector<16xf32>,
        %get3A_89 = arith.index_cast %scan3A_68 : i32 to index
        %get3A_90 = arith.constant 48 : index
        %get3A_91 = tpu.vector_load %arg7[%get3A_89, %get3A_90] {strides = array<i32>} : memref<32x128xi32, #tpu.memory_space<vmem>>, vector<16xi32>,
        tpu.vector_store_idx %arg9[%get3A_91], %broadcast_in_dim3A_15 {add = true} : memref<10240xf32, #tpu.memory_space<vmem>>[vector<16xi32>], vector<16xf32>,
        %get3A_92 = arith.index_cast %scan3A_68 : i32 to index
        %get3A_93 = arith.constant 64 : index
        %get3A_94 = tpu.vector_load %arg6[%get3A_92, %get3A_93] {strides = array<i32>} : memref<32x128xi32, #tpu.memory_space<vmem>>, vector<16xi32>,
        tpu.vector_store_idx %arg8[%get3A_94], %broadcast_in_dim3A_15 {add = true} : memref<10240xf32, #tpu.memory_space<vmem>>[vector<16xi32>], vector<16xf32>,
        %get3A_95 = arith.index_cast %scan3A_68 : i32 to index
        %get3A_96 = arith.constant 64 : index
        %get3A_97 = tpu.vector_load %arg7[%get3A_95, %get3A_96] {strides = array<i32>} : memref<32x128xi32, #tpu.memory_space<vmem>>, vector<16xi32>,
        tpu.vector_store_idx %arg9[%get3A_97], %broadcast_in_dim3A_15 {add = true} : memref<10240xf32, #tpu.memory_space<vmem>>[vector<16xi32>], vector<16xf32>,
        %get3A_98 = arith.index_cast %scan3A_68 : i32 to index
        %get3A_99 = arith.constant 80 : index
        %get3A_100 = tpu.vector_load %arg6[%get3A_98, %get3A_99] {strides = array<i32>} : memref<32x128xi32, #tpu.memory_space<vmem>>, vector<16xi32>,
        tpu.vector_store_idx %arg8[%get3A_100], %broadcast_in_dim3A_15 {add = true} : memref<10240xf32, #tpu.memory_space<vmem>>[vector<16xi32>], vector<16xf32>,
        %get3A_101 = arith.index_cast %scan3A_68 : i32 to index
        %get3A_102 = arith.constant 80 : index
        %get3A_103 = tpu.vector_load %arg7[%get3A_101, %get3A_102] {strides = array<i32>} : memref<32x128xi32, #tpu.memory_space<vmem>>, vector<16xi32>,
        tpu.vector_store_idx %arg9[%get3A_103], %broadcast_in_dim3A_15 {add = true} : memref<10240xf32, #tpu.memory_space<vmem>>[vector<16xi32>], vector<16xf32>,
        %get3A_104 = arith.index_cast %scan3A_68 : i32 to index
        %get3A_105 = arith.constant 96 : index
        %get3A_106 = tpu.vector_load %arg6[%get3A_104, %get3A_105] {strides = array<i32>} : memref<32x128xi32, #tpu.memory_space<vmem>>, vector<16xi32>,
        tpu.vector_store_idx %arg8[%get3A_106], %broadcast_in_dim3A_15 {add = true} : memref<10240xf32, #tpu.memory_space<vmem>>[vector<16xi32>], vector<16xf32>,
        %get3A_107 = arith.index_cast %scan3A_68 : i32 to index
        %get3A_108 = arith.constant 96 : index
        %get3A_109 = tpu.vector_load %arg7[%get3A_107, %get3A_108] {strides = array<i32>} : memref<32x128xi32, #tpu.memory_space<vmem>>, vector<16xi32>,
        tpu.vector_store_idx %arg9[%get3A_109], %broadcast_in_dim3A_15 {add = true} : memref<10240xf32, #tpu.memory_space<vmem>>[vector<16xi32>], vector<16xf32>,
        %get3A_110 = arith.index_cast %scan3A_68 : i32 to index
        %get3A_111 = arith.constant 112 : index
        %get3A_112 = tpu.vector_load %arg6[%get3A_110, %get3A_111] {strides = array<i32>} : memref<32x128xi32, #tpu.memory_space<vmem>>, vector<16xi32>,
        tpu.vector_store_idx %arg8[%get3A_112], %broadcast_in_dim3A_15 {add = true} : memref<10240xf32, #tpu.memory_space<vmem>>[vector<16xi32>], vector<16xf32>,
        %get3A_113 = arith.index_cast %scan3A_68 : i32 to index
        %get3A_114 = arith.constant 112 : index
        %get3A_115 = tpu.vector_load %arg7[%get3A_113, %get3A_114] {strides = array<i32>} : memref<32x128xi32, #tpu.memory_space<vmem>>, vector<16xi32>,
        tpu.vector_store_idx %arg9[%get3A_115], %broadcast_in_dim3A_15 {add = true} : memref<10240xf32, #tpu.memory_space<vmem>>[vector<16xi32>], vector<16xf32>,
      }
      %scan3A_59 = arith.constant 32 : i32
      %add3A_60 = arith.constant 128 : i32
      %add3A_61 = arith.addi %select_n3A, %add3A_60 : i32
      "tpu.region"() ({
        %run_scoped3A = tpu.sem_alloc : memref<!tpu.dma_semaphore, #tpu.memory_space<semaphore_mem>>
        %dma_start3A = arith.constant 0 : i32
        %dma_start3A_68 = arith.constant 0 : i32
        %dma_start3A_69 = tpu.memref_slice %arg6[%dma_start3A, %dma_start3A_68] : memref<32x128xi32, #tpu.memory_space<vmem>> -> memref<24x128xi32, #tpu.memory_space<vmem>>
        %dma_start3A_70 = arith.constant 0 : i32
        %dma_start3A_71 = tpu.memref_slice %arg2[%add3A_61, %dma_start3A_70] : memref<2560x128xi32, #tpu.memory_space<hbm>> -> memref<24x128xi32, #tpu.memory_space<hbm>>
        %dma_start3A_72 = arith.constant 0 : i32
        %dma_start3A_73 = arith.constant 0 : i32
        %dma_start3A_74 = tpu.memref_slice %arg6[%dma_start3A_72, %dma_start3A_73] : memref<32x128xi32, #tpu.memory_space<vmem>> -> memref<24x128xi32, #tpu.memory_space<vmem>>
        %dma_start3A_75 = arith.constant 0 : i32
        %dma_start3A_76 = tpu.memref_slice %arg2[%add3A_61, %dma_start3A_75] : memref<2560x128xi32, #tpu.memory_space<hbm>> -> memref<24x128xi32, #tpu.memory_space<hbm>>
        tpu.enqueue_dma source(%dma_start3A_76 : memref<24x128xi32, #tpu.memory_space<hbm>>) target(%dma_start3A_74 : memref<24x128xi32, #tpu.memory_space<vmem>>) target_semaphore(%run_scoped3A : memref<!tpu.dma_semaphore, #tpu.memory_space<semaphore_mem>>)
        %dma_wait3A = arith.constant 0 : i32
        %dma_wait3A_77 = arith.constant 0 : i32
        %dma_wait3A_78 = tpu.memref_slice %arg6[%dma_wait3A, %dma_wait3A_77] : memref<32x128xi32, #tpu.memory_space<vmem>> -> memref<24x128xi32, #tpu.memory_space<vmem>>
        %dma_wait3A_79 = arith.constant 0 : i32
        %dma_wait3A_80 = tpu.memref_slice %arg2[%add3A_61, %dma_wait3A_79] : memref<2560x128xi32, #tpu.memory_space<hbm>> -> memref<24x128xi32, #tpu.memory_space<hbm>>
        %dma_wait3A_81 = arith.constant 0 : i32
        %dma_wait3A_82 = arith.constant 0 : i32
        %dma_wait3A_83 = tpu.memref_slice %arg6[%dma_wait3A_81, %dma_wait3A_82] : memref<32x128xi32, #tpu.memory_space<vmem>> -> memref<24x128xi32, #tpu.memory_space<vmem>>
        %dma_wait3A_84 = arith.constant 0 : i32
        %dma_wait3A_85 = tpu.memref_slice %arg2[%add3A_61, %dma_wait3A_84] : memref<2560x128xi32, #tpu.memory_space<hbm>> -> memref<24x128xi32, #tpu.memory_space<hbm>>
        tpu.wait_dma2 semaphore(%run_scoped3A : memref<!tpu.dma_semaphore, #tpu.memory_space<semaphore_mem>>) src(%dma_wait3A_85 : memref<24x128xi32, #tpu.memory_space<hbm>>) dst(%dma_wait3A_83 : memref<24x128xi32, #tpu.memory_space<vmem>>)
        tpu.yield
      }) : () -> ()
      "tpu.region"() ({
        %run_scoped3A = tpu.sem_alloc : memref<!tpu.dma_semaphore, #tpu.memory_space<semaphore_mem>>
        %dma_start3A = arith.constant 0 : i32
        %dma_start3A_68 = arith.constant 0 : i32
        %dma_start3A_69 = tpu.memref_slice %arg7[%dma_start3A, %dma_start3A_68] : memref<32x128xi32, #tpu.memory_space<vmem>> -> memref<24x128xi32, #tpu.memory_space<vmem>>
        %dma_start3A_70 = arith.constant 0 : i32
        %dma_start3A_71 = tpu.memref_slice %arg3[%add3A_61, %dma_start3A_70] : memref<2560x128xi32, #tpu.memory_space<hbm>> -> memref<24x128xi32, #tpu.memory_space<hbm>>
        %dma_start3A_72 = arith.constant 0 : i32
        %dma_start3A_73 = arith.constant 0 : i32
        %dma_start3A_74 = tpu.memref_slice %arg7[%dma_start3A_72, %dma_start3A_73] : memref<32x128xi32, #tpu.memory_space<vmem>> -> memref<24x128xi32, #tpu.memory_space<vmem>>
        %dma_start3A_75 = arith.constant 0 : i32
        %dma_start3A_76 = tpu.memref_slice %arg3[%add3A_61, %dma_start3A_75] : memref<2560x128xi32, #tpu.memory_space<hbm>> -> memref<24x128xi32, #tpu.memory_space<hbm>>
        tpu.enqueue_dma source(%dma_start3A_76 : memref<24x128xi32, #tpu.memory_space<hbm>>) target(%dma_start3A_74 : memref<24x128xi32, #tpu.memory_space<vmem>>) target_semaphore(%run_scoped3A : memref<!tpu.dma_semaphore, #tpu.memory_space<semaphore_mem>>)
        %dma_wait3A = arith.constant 0 : i32
        %dma_wait3A_77 = arith.constant 0 : i32
        %dma_wait3A_78 = tpu.memref_slice %arg7[%dma_wait3A, %dma_wait3A_77] : memref<32x128xi32, #tpu.memory_space<vmem>> -> memref<24x128xi32, #tpu.memory_space<vmem>>
        %dma_wait3A_79 = arith.constant 0 : i32
        %dma_wait3A_80 = tpu.memref_slice %arg3[%add3A_61, %dma_wait3A_79] : memref<2560x128xi32, #tpu.memory_space<hbm>> -> memref<24x128xi32, #tpu.memory_space<hbm>>
        %dma_wait3A_81 = arith.constant 0 : i32
        %dma_wait3A_82 = arith.constant 0 : i32
        %dma_wait3A_83 = tpu.memref_slice %arg7[%dma_wait3A_81, %dma_wait3A_82] : memref<32x128xi32, #tpu.memory_space<vmem>> -> memref<24x128xi32, #tpu.memory_space<vmem>>
        %dma_wait3A_84 = arith.constant 0 : i32
        %dma_wait3A_85 = tpu.memref_slice %arg3[%add3A_61, %dma_wait3A_84] : memref<2560x128xi32, #tpu.memory_space<hbm>> -> memref<24x128xi32, #tpu.memory_space<hbm>>
        tpu.wait_dma2 semaphore(%run_scoped3A : memref<!tpu.dma_semaphore, #tpu.memory_space<semaphore_mem>>) src(%dma_wait3A_85 : memref<24x128xi32, #tpu.memory_space<hbm>>) dst(%dma_wait3A_83 : memref<24x128xi32, #tpu.memory_space<vmem>>)
        tpu.yield
      }) : () -> ()
      %scan3A_62 = arith.constant 0 : i32
      %scan3A_63 = arith.constant 0 : i32
      %scan3A_64 = arith.constant 24 : i32
      %scan3A_65 = arith.addi %scan3A_63, %scan3A_64 : i32
      %scan3A_66 = arith.constant 1 : i32
      scf.for %scan3A_68 = %scan3A_63 to %scan3A_65 step %scan3A_66  : i32 {
        %get3A = arith.index_cast %scan3A_68 : i32 to index
        %get3A_69 = arith.constant 0 : index
        %get3A_70 = tpu.vector_load %arg6[%get3A, %get3A_69] {strides = array<i32>} : memref<32x128xi32, #tpu.memory_space<vmem>>, vector<16xi32>,
        tpu.vector_store_idx %arg8[%get3A_70], %broadcast_in_dim3A_15 {add = true} : memref<10240xf32, #tpu.memory_space<vmem>>[vector<16xi32>], vector<16xf32>,
        %get3A_71 = arith.index_cast %scan3A_68 : i32 to index
        %get3A_72 = arith.constant 0 : index
        %get3A_73 = tpu.vector_load %arg7[%get3A_71, %get3A_72] {strides = array<i32>} : memref<32x128xi32, #tpu.memory_space<vmem>>, vector<16xi32>,
        tpu.vector_store_idx %arg9[%get3A_73], %broadcast_in_dim3A_15 {add = true} : memref<10240xf32, #tpu.memory_space<vmem>>[vector<16xi32>], vector<16xf32>,
        %get3A_74 = arith.index_cast %scan3A_68 : i32 to index
        %get3A_75 = arith.constant 16 : index
        %get3A_76 = tpu.vector_load %arg6[%get3A_74, %get3A_75] {strides = array<i32>} : memref<32x128xi32, #tpu.memory_space<vmem>>, vector<16xi32>,
        tpu.vector_store_idx %arg8[%get3A_76], %broadcast_in_dim3A_15 {add = true} : memref<10240xf32, #tpu.memory_space<vmem>>[vector<16xi32>], vector<16xf32>,
        %get3A_77 = arith.index_cast %scan3A_68 : i32 to index
        %get3A_78 = arith.constant 16 : index
        %get3A_79 = tpu.vector_load %arg7[%get3A_77, %get3A_78] {strides = array<i32>} : memref<32x128xi32, #tpu.memory_space<vmem>>, vector<16xi32>,
        tpu.vector_store_idx %arg9[%get3A_79], %broadcast_in_dim3A_15 {add = true} : memref<10240xf32, #tpu.memory_space<vmem>>[vector<16xi32>], vector<16xf32>,
        %get3A_80 = arith.index_cast %scan3A_68 : i32 to index
        %get3A_81 = arith.constant 32 : index
        %get3A_82 = tpu.vector_load %arg6[%get3A_80, %get3A_81] {strides = array<i32>} : memref<32x128xi32, #tpu.memory_space<vmem>>, vector<16xi32>,
        tpu.vector_store_idx %arg8[%get3A_82], %broadcast_in_dim3A_15 {add = true} : memref<10240xf32, #tpu.memory_space<vmem>>[vector<16xi32>], vector<16xf32>,
        %get3A_83 = arith.index_cast %scan3A_68 : i32 to index
        %get3A_84 = arith.constant 32 : index
        %get3A_85 = tpu.vector_load %arg7[%get3A_83, %get3A_84] {strides = array<i32>} : memref<32x128xi32, #tpu.memory_space<vmem>>, vector<16xi32>,
        tpu.vector_store_idx %arg9[%get3A_85], %broadcast_in_dim3A_15 {add = true} : memref<10240xf32, #tpu.memory_space<vmem>>[vector<16xi32>], vector<16xf32>,
        %get3A_86 = arith.index_cast %scan3A_68 : i32 to index
        %get3A_87 = arith.constant 48 : index
        %get3A_88 = tpu.vector_load %arg6[%get3A_86, %get3A_87] {strides = array<i32>} : memref<32x128xi32, #tpu.memory_space<vmem>>, vector<16xi32>,
        tpu.vector_store_idx %arg8[%get3A_88], %broadcast_in_dim3A_15 {add = true} : memref<10240xf32, #tpu.memory_space<vmem>>[vector<16xi32>], vector<16xf32>,
        %get3A_89 = arith.index_cast %scan3A_68 : i32 to index
        %get3A_90 = arith.constant 48 : index
        %get3A_91 = tpu.vector_load %arg7[%get3A_89, %get3A_90] {strides = array<i32>} : memref<32x128xi32, #tpu.memory_space<vmem>>, vector<16xi32>,
        tpu.vector_store_idx %arg9[%get3A_91], %broadcast_in_dim3A_15 {add = true} : memref<10240xf32, #tpu.memory_space<vmem>>[vector<16xi32>], vector<16xf32>,
        %get3A_92 = arith.index_cast %scan3A_68 : i32 to index
        %get3A_93 = arith.constant 64 : index
        %get3A_94 = tpu.vector_load %arg6[%get3A_92, %get3A_93] {strides = array<i32>} : memref<32x128xi32, #tpu.memory_space<vmem>>, vector<16xi32>,
        tpu.vector_store_idx %arg8[%get3A_94], %broadcast_in_dim3A_15 {add = true} : memref<10240xf32, #tpu.memory_space<vmem>>[vector<16xi32>], vector<16xf32>,
        %get3A_95 = arith.index_cast %scan3A_68 : i32 to index
        %get3A_96 = arith.constant 64 : index
        %get3A_97 = tpu.vector_load %arg7[%get3A_95, %get3A_96] {strides = array<i32>} : memref<32x128xi32, #tpu.memory_space<vmem>>, vector<16xi32>,
        tpu.vector_store_idx %arg9[%get3A_97], %broadcast_in_dim3A_15 {add = true} : memref<10240xf32, #tpu.memory_space<vmem>>[vector<16xi32>], vector<16xf32>,
        %get3A_98 = arith.index_cast %scan3A_68 : i32 to index
        %get3A_99 = arith.constant 80 : index
        %get3A_100 = tpu.vector_load %arg6[%get3A_98, %get3A_99] {strides = array<i32>} : memref<32x128xi32, #tpu.memory_space<vmem>>, vector<16xi32>,
        tpu.vector_store_idx %arg8[%get3A_100], %broadcast_in_dim3A_15 {add = true} : memref<10240xf32, #tpu.memory_space<vmem>>[vector<16xi32>], vector<16xf32>,
        %get3A_101 = arith.index_cast %scan3A_68 : i32 to index
        %get3A_102 = arith.constant 80 : index
        %get3A_103 = tpu.vector_load %arg7[%get3A_101, %get3A_102] {strides = array<i32>} : memref<32x128xi32, #tpu.memory_space<vmem>>, vector<16xi32>,
        tpu.vector_store_idx %arg9[%get3A_103], %broadcast_in_dim3A_15 {add = true} : memref<10240xf32, #tpu.memory_space<vmem>>[vector<16xi32>], vector<16xf32>,
        %get3A_104 = arith.index_cast %scan3A_68 : i32 to index
        %get3A_105 = arith.constant 96 : index
        %get3A_106 = tpu.vector_load %arg6[%get3A_104, %get3A_105] {strides = array<i32>} : memref<32x128xi32, #tpu.memory_space<vmem>>, vector<16xi32>,
        tpu.vector_store_idx %arg8[%get3A_106], %broadcast_in_dim3A_15 {add = true} : memref<10240xf32, #tpu.memory_space<vmem>>[vector<16xi32>], vector<16xf32>,
        %get3A_107 = arith.index_cast %scan3A_68 : i32 to index
        %get3A_108 = arith.constant 96 : index
        %get3A_109 = tpu.vector_load %arg7[%get3A_107, %get3A_108] {strides = array<i32>} : memref<32x128xi32, #tpu.memory_space<vmem>>, vector<16xi32>,
        tpu.vector_store_idx %arg9[%get3A_109], %broadcast_in_dim3A_15 {add = true} : memref<10240xf32, #tpu.memory_space<vmem>>[vector<16xi32>], vector<16xf32>,
        %get3A_110 = arith.index_cast %scan3A_68 : i32 to index
        %get3A_111 = arith.constant 112 : index
        %get3A_112 = tpu.vector_load %arg6[%get3A_110, %get3A_111] {strides = array<i32>} : memref<32x128xi32, #tpu.memory_space<vmem>>, vector<16xi32>,
        tpu.vector_store_idx %arg8[%get3A_112], %broadcast_in_dim3A_15 {add = true} : memref<10240xf32, #tpu.memory_space<vmem>>[vector<16xi32>], vector<16xf32>,
        %get3A_113 = arith.index_cast %scan3A_68 : i32 to index
        %get3A_114 = arith.constant 112 : index
        %get3A_115 = tpu.vector_load %arg7[%get3A_113, %get3A_114] {strides = array<i32>} : memref<32x128xi32, #tpu.memory_space<vmem>>, vector<16xi32>,
        tpu.vector_store_idx %arg9[%get3A_115], %broadcast_in_dim3A_15 {add = true} : memref<10240xf32, #tpu.memory_space<vmem>>[vector<16xi32>], vector<16xf32>,
      }
      %scan3A_67 = arith.constant 24 : i32
    } else {
    }
    %eq3A_19 = arith.constant 1 : i32
    %eq3A_20 = arith.cmpi eq, %arg0, %eq3A_19 : i32
    %convert_element_type3A_21 = arith.extui %eq3A_20 : i1 to i32
    %cond3A_22 = arith.constant 0 : i32
    %cond3A_23 = arith.cmpi ne, %convert_element_type3A_21, %cond3A_22 : i32
    scf.if %cond3A_23 {
      %add3A_28 = arith.constant 0 : i32
      %add3A_29 = arith.addi %select_n3A, %add3A_28 : i32
      "tpu.region"() ({
        %run_scoped3A = tpu.sem_alloc : memref<!tpu.dma_semaphore, #tpu.memory_space<semaphore_mem>>
        %dma_start3A = arith.constant 0 : i32
        %dma_start3A_36 = arith.constant 0 : i32
        %dma_start3A_37 = tpu.memref_slice %arg6[%dma_start3A, %dma_start3A_36] : memref<32x128xi32, #tpu.memory_space<vmem>> -> memref<8x128xi32, #tpu.memory_space<vmem>>
        %dma_start3A_38 = arith.constant 0 : i32
        %dma_start3A_39 = tpu.memref_slice %arg2[%add3A_29, %dma_start3A_38] : memref<2560x128xi32, #tpu.memory_space<hbm>> -> memref<8x128xi32, #tpu.memory_space<hbm>>
        %dma_start3A_40 = arith.constant 0 : i32
        %dma_start3A_41 = arith.constant 0 : i32
        %dma_start3A_42 = tpu.memref_slice %arg6[%dma_start3A_40, %dma_start3A_41] : memref<32x128xi32, #tpu.memory_space<vmem>> -> memref<8x128xi32, #tpu.memory_space<vmem>>
        %dma_start3A_43 = arith.constant 0 : i32
        %dma_start3A_44 = tpu.memref_slice %arg2[%add3A_29, %dma_start3A_43] : memref<2560x128xi32, #tpu.memory_space<hbm>> -> memref<8x128xi32, #tpu.memory_space<hbm>>
        tpu.enqueue_dma source(%dma_start3A_44 : memref<8x128xi32, #tpu.memory_space<hbm>>) target(%dma_start3A_42 : memref<8x128xi32, #tpu.memory_space<vmem>>) target_semaphore(%run_scoped3A : memref<!tpu.dma_semaphore, #tpu.memory_space<semaphore_mem>>)
        %dma_wait3A = arith.constant 0 : i32
        %dma_wait3A_45 = arith.constant 0 : i32
        %dma_wait3A_46 = tpu.memref_slice %arg6[%dma_wait3A, %dma_wait3A_45] : memref<32x128xi32, #tpu.memory_space<vmem>> -> memref<8x128xi32, #tpu.memory_space<vmem>>
        %dma_wait3A_47 = arith.constant 0 : i32
        %dma_wait3A_48 = tpu.memref_slice %arg2[%add3A_29, %dma_wait3A_47] : memref<2560x128xi32, #tpu.memory_space<hbm>> -> memref<8x128xi32, #tpu.memory_space<hbm>>
        %dma_wait3A_49 = arith.constant 0 : i32
        %dma_wait3A_50 = arith.constant 0 : i32
        %dma_wait3A_51 = tpu.memref_slice %arg6[%dma_wait3A_49, %dma_wait3A_50] : memref<32x128xi32, #tpu.memory_space<vmem>> -> memref<8x128xi32, #tpu.memory_space<vmem>>
        %dma_wait3A_52 = arith.constant 0 : i32
        %dma_wait3A_53 = tpu.memref_slice %arg2[%add3A_29, %dma_wait3A_52] : memref<2560x128xi32, #tpu.memory_space<hbm>> -> memref<8x128xi32, #tpu.memory_space<hbm>>
        tpu.wait_dma2 semaphore(%run_scoped3A : memref<!tpu.dma_semaphore, #tpu.memory_space<semaphore_mem>>) src(%dma_wait3A_53 : memref<8x128xi32, #tpu.memory_space<hbm>>) dst(%dma_wait3A_51 : memref<8x128xi32, #tpu.memory_space<vmem>>)
        tpu.yield
      }) : () -> ()
      "tpu.region"() ({
        %run_scoped3A = tpu.sem_alloc : memref<!tpu.dma_semaphore, #tpu.memory_space<semaphore_mem>>
        %dma_start3A = arith.constant 0 : i32
        %dma_start3A_36 = arith.constant 0 : i32
        %dma_start3A_37 = tpu.memref_slice %arg7[%dma_start3A, %dma_start3A_36] : memref<32x128xi32, #tpu.memory_space<vmem>> -> memref<8x128xi32, #tpu.memory_space<vmem>>
        %dma_start3A_38 = arith.constant 0 : i32
        %dma_start3A_39 = tpu.memref_slice %arg3[%add3A_29, %dma_start3A_38] : memref<2560x128xi32, #tpu.memory_space<hbm>> -> memref<8x128xi32, #tpu.memory_space<hbm>>
        %dma_start3A_40 = arith.constant 0 : i32
        %dma_start3A_41 = arith.constant 0 : i32
        %dma_start3A_42 = tpu.memref_slice %arg7[%dma_start3A_40, %dma_start3A_41] : memref<32x128xi32, #tpu.memory_space<vmem>> -> memref<8x128xi32, #tpu.memory_space<vmem>>
        %dma_start3A_43 = arith.constant 0 : i32
        %dma_start3A_44 = tpu.memref_slice %arg3[%add3A_29, %dma_start3A_43] : memref<2560x128xi32, #tpu.memory_space<hbm>> -> memref<8x128xi32, #tpu.memory_space<hbm>>
        tpu.enqueue_dma source(%dma_start3A_44 : memref<8x128xi32, #tpu.memory_space<hbm>>) target(%dma_start3A_42 : memref<8x128xi32, #tpu.memory_space<vmem>>) target_semaphore(%run_scoped3A : memref<!tpu.dma_semaphore, #tpu.memory_space<semaphore_mem>>)
        %dma_wait3A = arith.constant 0 : i32
        %dma_wait3A_45 = arith.constant 0 : i32
        %dma_wait3A_46 = tpu.memref_slice %arg7[%dma_wait3A, %dma_wait3A_45] : memref<32x128xi32, #tpu.memory_space<vmem>> -> memref<8x128xi32, #tpu.memory_space<vmem>>
        %dma_wait3A_47 = arith.constant 0 : i32
        %dma_wait3A_48 = tpu.memref_slice %arg3[%add3A_29, %dma_wait3A_47] : memref<2560x128xi32, #tpu.memory_space<hbm>> -> memref<8x128xi32, #tpu.memory_space<hbm>>
        %dma_wait3A_49 = arith.constant 0 : i32
        %dma_wait3A_50 = arith.constant 0 : i32
        %dma_wait3A_51 = tpu.memref_slice %arg7[%dma_wait3A_49, %dma_wait3A_50] : memref<32x128xi32, #tpu.memory_space<vmem>> -> memref<8x128xi32, #tpu.memory_space<vmem>>
        %dma_wait3A_52 = arith.constant 0 : i32
        %dma_wait3A_53 = tpu.memref_slice %arg3[%add3A_29, %dma_wait3A_52] : memref<2560x128xi32, #tpu.memory_space<hbm>> -> memref<8x128xi32, #tpu.memory_space<hbm>>
        tpu.wait_dma2 semaphore(%run_scoped3A : memref<!tpu.dma_semaphore, #tpu.memory_space<semaphore_mem>>) src(%dma_wait3A_53 : memref<8x128xi32, #tpu.memory_space<hbm>>) dst(%dma_wait3A_51 : memref<8x128xi32, #tpu.memory_space<vmem>>)
        tpu.yield
      }) : () -> ()
      %scan3A_30 = arith.constant 0 : i32
      %scan3A_31 = arith.constant 0 : i32
      %scan3A_32 = arith.constant 8 : i32
      %scan3A_33 = arith.addi %scan3A_31, %scan3A_32 : i32
      %scan3A_34 = arith.constant 1 : i32
      scf.for %scan3A_36 = %scan3A_31 to %scan3A_33 step %scan3A_34  : i32 {
        %get3A = arith.index_cast %scan3A_36 : i32 to index
        %get3A_37 = arith.constant 0 : index
        %get3A_38 = tpu.vector_load %arg6[%get3A, %get3A_37] {strides = array<i32>} : memref<32x128xi32, #tpu.memory_space<vmem>>, vector<16xi32>,
        tpu.vector_store_idx %arg8[%get3A_38], %broadcast_in_dim3A_15 {add = true} : memref<10240xf32, #tpu.memory_space<vmem>>[vector<16xi32>], vector<16xf32>,
        %get3A_39 = arith.index_cast %scan3A_36 : i32 to index
        %get3A_40 = arith.constant 0 : index
        %get3A_41 = tpu.vector_load %arg7[%get3A_39, %get3A_40] {strides = array<i32>} : memref<32x128xi32, #tpu.memory_space<vmem>>, vector<16xi32>,
        tpu.vector_store_idx %arg9[%get3A_41], %broadcast_in_dim3A_15 {add = true} : memref<10240xf32, #tpu.memory_space<vmem>>[vector<16xi32>], vector<16xf32>,
        %get3A_42 = arith.index_cast %scan3A_36 : i32 to index
        %get3A_43 = arith.constant 16 : index
        %get3A_44 = tpu.vector_load %arg6[%get3A_42, %get3A_43] {strides = array<i32>} : memref<32x128xi32, #tpu.memory_space<vmem>>, vector<16xi32>,
        tpu.vector_store_idx %arg8[%get3A_44], %broadcast_in_dim3A_15 {add = true} : memref<10240xf32, #tpu.memory_space<vmem>>[vector<16xi32>], vector<16xf32>,
        %get3A_45 = arith.index_cast %scan3A_36 : i32 to index
        %get3A_46 = arith.constant 16 : index
        %get3A_47 = tpu.vector_load %arg7[%get3A_45, %get3A_46] {strides = array<i32>} : memref<32x128xi32, #tpu.memory_space<vmem>>, vector<16xi32>,
        tpu.vector_store_idx %arg9[%get3A_47], %broadcast_in_dim3A_15 {add = true} : memref<10240xf32, #tpu.memory_space<vmem>>[vector<16xi32>], vector<16xf32>,
        %get3A_48 = arith.index_cast %scan3A_36 : i32 to index
        %get3A_49 = arith.constant 32 : index
        %get3A_50 = tpu.vector_load %arg6[%get3A_48, %get3A_49] {strides = array<i32>} : memref<32x128xi32, #tpu.memory_space<vmem>>, vector<16xi32>,
        tpu.vector_store_idx %arg8[%get3A_50], %broadcast_in_dim3A_15 {add = true} : memref<10240xf32, #tpu.memory_space<vmem>>[vector<16xi32>], vector<16xf32>,
        %get3A_51 = arith.index_cast %scan3A_36 : i32 to index
        %get3A_52 = arith.constant 32 : index
        %get3A_53 = tpu.vector_load %arg7[%get3A_51, %get3A_52] {strides = array<i32>} : memref<32x128xi32, #tpu.memory_space<vmem>>, vector<16xi32>,
        tpu.vector_store_idx %arg9[%get3A_53], %broadcast_in_dim3A_15 {add = true} : memref<10240xf32, #tpu.memory_space<vmem>>[vector<16xi32>], vector<16xf32>,
        %get3A_54 = arith.index_cast %scan3A_36 : i32 to index
        %get3A_55 = arith.constant 48 : index
        %get3A_56 = tpu.vector_load %arg6[%get3A_54, %get3A_55] {strides = array<i32>} : memref<32x128xi32, #tpu.memory_space<vmem>>, vector<16xi32>,
        tpu.vector_store_idx %arg8[%get3A_56], %broadcast_in_dim3A_15 {add = true} : memref<10240xf32, #tpu.memory_space<vmem>>[vector<16xi32>], vector<16xf32>,
        %get3A_57 = arith.index_cast %scan3A_36 : i32 to index
        %get3A_58 = arith.constant 48 : index
        %get3A_59 = tpu.vector_load %arg7[%get3A_57, %get3A_58] {strides = array<i32>} : memref<32x128xi32, #tpu.memory_space<vmem>>, vector<16xi32>,
        tpu.vector_store_idx %arg9[%get3A_59], %broadcast_in_dim3A_15 {add = true} : memref<10240xf32, #tpu.memory_space<vmem>>[vector<16xi32>], vector<16xf32>,
        %get3A_60 = arith.index_cast %scan3A_36 : i32 to index
        %get3A_61 = arith.constant 64 : index
        %get3A_62 = tpu.vector_load %arg6[%get3A_60, %get3A_61] {strides = array<i32>} : memref<32x128xi32, #tpu.memory_space<vmem>>, vector<16xi32>,
        tpu.vector_store_idx %arg8[%get3A_62], %broadcast_in_dim3A_15 {add = true} : memref<10240xf32, #tpu.memory_space<vmem>>[vector<16xi32>], vector<16xf32>,
        %get3A_63 = arith.index_cast %scan3A_36 : i32 to index
        %get3A_64 = arith.constant 64 : index
        %get3A_65 = tpu.vector_load %arg7[%get3A_63, %get3A_64] {strides = array<i32>} : memref<32x128xi32, #tpu.memory_space<vmem>>, vector<16xi32>,
        tpu.vector_store_idx %arg9[%get3A_65], %broadcast_in_dim3A_15 {add = true} : memref<10240xf32, #tpu.memory_space<vmem>>[vector<16xi32>], vector<16xf32>,
        %get3A_66 = arith.index_cast %scan3A_36 : i32 to index
        %get3A_67 = arith.constant 80 : index
        %get3A_68 = tpu.vector_load %arg6[%get3A_66, %get3A_67] {strides = array<i32>} : memref<32x128xi32, #tpu.memory_space<vmem>>, vector<16xi32>,
        tpu.vector_store_idx %arg8[%get3A_68], %broadcast_in_dim3A_15 {add = true} : memref<10240xf32, #tpu.memory_space<vmem>>[vector<16xi32>], vector<16xf32>,
        %get3A_69 = arith.index_cast %scan3A_36 : i32 to index
        %get3A_70 = arith.constant 80 : index
        %get3A_71 = tpu.vector_load %arg7[%get3A_69, %get3A_70] {strides = array<i32>} : memref<32x128xi32, #tpu.memory_space<vmem>>, vector<16xi32>,
        tpu.vector_store_idx %arg9[%get3A_71], %broadcast_in_dim3A_15 {add = true} : memref<10240xf32, #tpu.memory_space<vmem>>[vector<16xi32>], vector<16xf32>,
        %get3A_72 = arith.index_cast %scan3A_36 : i32 to index
        %get3A_73 = arith.constant 96 : index
        %get3A_74 = tpu.vector_load %arg6[%get3A_72, %get3A_73] {strides = array<i32>} : memref<32x128xi32, #tpu.memory_space<vmem>>, vector<16xi32>,
        tpu.vector_store_idx %arg8[%get3A_74], %broadcast_in_dim3A_15 {add = true} : memref<10240xf32, #tpu.memory_space<vmem>>[vector<16xi32>], vector<16xf32>,
        %get3A_75 = arith.index_cast %scan3A_36 : i32 to index
        %get3A_76 = arith.constant 96 : index
        %get3A_77 = tpu.vector_load %arg7[%get3A_75, %get3A_76] {strides = array<i32>} : memref<32x128xi32, #tpu.memory_space<vmem>>, vector<16xi32>,
        tpu.vector_store_idx %arg9[%get3A_77], %broadcast_in_dim3A_15 {add = true} : memref<10240xf32, #tpu.memory_space<vmem>>[vector<16xi32>], vector<16xf32>,
        %get3A_78 = arith.index_cast %scan3A_36 : i32 to index
        %get3A_79 = arith.constant 112 : index
        %get3A_80 = tpu.vector_load %arg6[%get3A_78, %get3A_79] {strides = array<i32>} : memref<32x128xi32, #tpu.memory_space<vmem>>, vector<16xi32>,
        tpu.vector_store_idx %arg8[%get3A_80], %broadcast_in_dim3A_15 {add = true} : memref<10240xf32, #tpu.memory_space<vmem>>[vector<16xi32>], vector<16xf32>,
        %get3A_81 = arith.index_cast %scan3A_36 : i32 to index
        %get3A_82 = arith.constant 112 : index
        %get3A_83 = tpu.vector_load %arg7[%get3A_81, %get3A_82] {strides = array<i32>} : memref<32x128xi32, #tpu.memory_space<vmem>>, vector<16xi32>,
        tpu.vector_store_idx %arg9[%get3A_83], %broadcast_in_dim3A_15 {add = true} : memref<10240xf32, #tpu.memory_space<vmem>>[vector<16xi32>], vector<16xf32>,
      }
      %scan3A_35 = arith.constant 8 : i32
    } else {
    }
    %mul3A_24 = arith.constant 10240 : i32
    %mul3A_25 = arith.muli %add3A, %mul3A_24 : i32
    "tpu.region"() ({
      %run_scoped3A = tpu.sem_alloc : memref<!tpu.dma_semaphore, #tpu.memory_space<semaphore_mem>>
      %dma_start3A = tpu.memref_slice %arg4[%mul3A_25] : memref<327680xf32, #tpu.memory_space<hbm>> -> memref<10240xf32, #tpu.memory_space<hbm>>
      %dma_start3A_28 = tpu.memref_slice %arg4[%mul3A_25] : memref<327680xf32, #tpu.memory_space<hbm>> -> memref<10240xf32, #tpu.memory_space<hbm>>
      tpu.enqueue_dma source(%arg8 : memref<10240xf32, #tpu.memory_space<vmem>>) target(%dma_start3A_28 : memref<10240xf32, #tpu.memory_space<hbm>>) target_semaphore(%run_scoped3A : memref<!tpu.dma_semaphore, #tpu.memory_space<semaphore_mem>>)
      %dma_wait3A = tpu.memref_slice %arg4[%mul3A_25] : memref<327680xf32, #tpu.memory_space<hbm>> -> memref<10240xf32, #tpu.memory_space<hbm>>
      %dma_wait3A_29 = tpu.memref_slice %arg4[%mul3A_25] : memref<327680xf32, #tpu.memory_space<hbm>> -> memref<10240xf32, #tpu.memory_space<hbm>>
      tpu.wait_dma2 semaphore(%run_scoped3A : memref<!tpu.dma_semaphore, #tpu.memory_space<semaphore_mem>>) src(%arg8 : memref<10240xf32, #tpu.memory_space<vmem>>) dst(%dma_wait3A_29 : memref<10240xf32, #tpu.memory_space<hbm>>)
      tpu.yield
    }) : () -> ()
    %mul3A_26 = arith.constant 10240 : i32
    %mul3A_27 = arith.muli %add3A, %mul3A_26 : i32
    "tpu.region"() ({
      %run_scoped3A = tpu.sem_alloc : memref<!tpu.dma_semaphore, #tpu.memory_space<semaphore_mem>>
      %dma_start3A = tpu.memref_slice %arg5[%mul3A_27] : memref<327680xf32, #tpu.memory_space<hbm>> -> memref<10240xf32, #tpu.memory_space<hbm>>
      %dma_start3A_28 = tpu.memref_slice %arg5[%mul3A_27] : memref<327680xf32, #tpu.memory_space<hbm>> -> memref<10240xf32, #tpu.memory_space<hbm>>
      tpu.enqueue_dma source(%arg9 : memref<10240xf32, #tpu.memory_space<vmem>>) target(%dma_start3A_28 : memref<10240xf32, #tpu.memory_space<hbm>>) target_semaphore(%run_scoped3A : memref<!tpu.dma_semaphore, #tpu.memory_space<semaphore_mem>>)
      %dma_wait3A = tpu.memref_slice %arg5[%mul3A_27] : memref<327680xf32, #tpu.memory_space<hbm>> -> memref<10240xf32, #tpu.memory_space<hbm>>
      %dma_wait3A_29 = tpu.memref_slice %arg5[%mul3A_27] : memref<327680xf32, #tpu.memory_space<hbm>> -> memref<10240xf32, #tpu.memory_space<hbm>>
      tpu.wait_dma2 semaphore(%run_scoped3A : memref<!tpu.dma_semaphore, #tpu.memory_space<semaphore_mem>>) src(%arg9 : memref<10240xf32, #tpu.memory_space<vmem>>) dst(%dma_wait3A_29 : memref<10240xf32, #tpu.memory_space<hbm>>)
      tpu.yield
    }) : () -> ()
    return
  }
}

#map = affine_map<(d0, d1) -> (0, 0)>
#map1 = affine_map<(d0, d1) -> (0, 0, 0)>
module attributes {stable_mosaic.version = 14 : i64} {
  func.func @_spmm_kernel(%arg0: i32, %arg1: i32, %arg2: memref<10240x128xf32, #tpu.memory_space<hbm>>, %arg3: memref<2560x128xi32, #tpu.memory_space<hbm>>, %arg4: memref<2560x128xi32, #tpu.memory_space<hbm>>, %arg5: memref<2x10240x128xf32, #tpu.memory_space<hbm>>, %arg6: memref<32x128xi32, #tpu.memory_space<vmem>>, %arg7: memref<32x128xi32, #tpu.memory_space<vmem>>, %arg8: memref<128x128xf32, #tpu.memory_space<vmem>>, %arg9: memref<128x128xf32, #tpu.memory_space<vmem>>, %arg10: memref<10240x128xf32, #tpu.memory_space<vmem_shared>>, %arg11: memref<!tpu.dma_semaphore, #tpu.memory_space<semaphore_mem>>, %arg12: memref<!tpu.dma_semaphore, #tpu.memory_space<semaphore_mem>>, %arg13: memref<!tpu.dma_semaphore, #tpu.memory_space<semaphore_mem>>, %arg14: memref<!tpu.dma_semaphore, #tpu.memory_space<semaphore_mem>>) attributes {dimension_semantics = [#tpu.dimension_semantics<core_parallel>, #tpu.dimension_semantics<subcore_parallel>], iteration_bounds = array<i64: 2, 16>, scalar_prefetch = 0 : i64, scratch_operands = 9 : i64, tpu.core_type = #tpu.core_type<sc_vector_subcore>, window_params = [{transform_indices = #map}, {transform_indices = #map}, {transform_indices = #map}, {transform_indices = #map1}]} {
    %mul3A = arith.constant 640 : i32
    %mul3A_0 = arith.muli %arg1, %mul3A : i32
    %eq3A = arith.constant 0 : i32
    %eq3A_1 = arith.cmpi eq, %arg0, %eq3A : i32
    %mul3A_2 = arith.constant 152 : i32
    %mul3A_3 = arith.muli %arg1, %mul3A_2 : i32
    %mul3A_4 = arith.constant 8 : i32
    %mul3A_5 = arith.muli %arg1, %mul3A_4 : i32
    %add3A = arith.constant 2432 : i32
    %add3A_6 = arith.addi %add3A, %mul3A_5 : i32
    %select_n3A = arith.select %eq3A_1, %mul3A_3, %add3A_6 : i32
    %broadcast_in_dim3A = arith.constant 0.000000e+00 : f32
    %broadcast_in_dim3A_7 = vector.broadcast %broadcast_in_dim3A : f32 to vector<16xf32>
    %scan3A = arith.constant 0 : i32
    %scan3A_8 = arith.constant 0 : i32
    %scan3A_9 = arith.constant 128 : i32
    %scan3A_10 = arith.addi %scan3A_8, %scan3A_9 : i32
    %scan3A_11 = arith.constant 1 : i32
    scf.for %scan3A_32 = %scan3A_8 to %scan3A_10 step %scan3A_11  : i32 {
      %swap3A = arith.index_cast %scan3A_32 : i32 to index
      %swap3A_33 = arith.constant 0 : index
      %swap3A_34 = tpu.vector_load %arg8[%swap3A, %swap3A_33] {strides = array<i32>} : memref<128x128xf32, #tpu.memory_space<vmem>>, vector<16xf32>,
      tpu.vector_store %arg8[%swap3A, %swap3A_33], %broadcast_in_dim3A_7 {strides = array<i32>} : memref<128x128xf32, #tpu.memory_space<vmem>>, vector<16xf32>,
      %swap3A_35 = arith.index_cast %scan3A_32 : i32 to index
      %swap3A_36 = arith.constant 16 : index
      %swap3A_37 = tpu.vector_load %arg8[%swap3A_35, %swap3A_36] {strides = array<i32>} : memref<128x128xf32, #tpu.memory_space<vmem>>, vector<16xf32>,
      tpu.vector_store %arg8[%swap3A_35, %swap3A_36], %broadcast_in_dim3A_7 {strides = array<i32>} : memref<128x128xf32, #tpu.memory_space<vmem>>, vector<16xf32>,
      %swap3A_38 = arith.index_cast %scan3A_32 : i32 to index
      %swap3A_39 = arith.constant 32 : index
      %swap3A_40 = tpu.vector_load %arg8[%swap3A_38, %swap3A_39] {strides = array<i32>} : memref<128x128xf32, #tpu.memory_space<vmem>>, vector<16xf32>,
      tpu.vector_store %arg8[%swap3A_38, %swap3A_39], %broadcast_in_dim3A_7 {strides = array<i32>} : memref<128x128xf32, #tpu.memory_space<vmem>>, vector<16xf32>,
      %swap3A_41 = arith.index_cast %scan3A_32 : i32 to index
      %swap3A_42 = arith.constant 48 : index
      %swap3A_43 = tpu.vector_load %arg8[%swap3A_41, %swap3A_42] {strides = array<i32>} : memref<128x128xf32, #tpu.memory_space<vmem>>, vector<16xf32>,
      tpu.vector_store %arg8[%swap3A_41, %swap3A_42], %broadcast_in_dim3A_7 {strides = array<i32>} : memref<128x128xf32, #tpu.memory_space<vmem>>, vector<16xf32>,
      %swap3A_44 = arith.index_cast %scan3A_32 : i32 to index
      %swap3A_45 = arith.constant 64 : index
      %swap3A_46 = tpu.vector_load %arg8[%swap3A_44, %swap3A_45] {strides = array<i32>} : memref<128x128xf32, #tpu.memory_space<vmem>>, vector<16xf32>,
      tpu.vector_store %arg8[%swap3A_44, %swap3A_45], %broadcast_in_dim3A_7 {strides = array<i32>} : memref<128x128xf32, #tpu.memory_space<vmem>>, vector<16xf32>,
      %swap3A_47 = arith.index_cast %scan3A_32 : i32 to index
      %swap3A_48 = arith.constant 80 : index
      %swap3A_49 = tpu.vector_load %arg8[%swap3A_47, %swap3A_48] {strides = array<i32>} : memref<128x128xf32, #tpu.memory_space<vmem>>, vector<16xf32>,
      tpu.vector_store %arg8[%swap3A_47, %swap3A_48], %broadcast_in_dim3A_7 {strides = array<i32>} : memref<128x128xf32, #tpu.memory_space<vmem>>, vector<16xf32>,
      %swap3A_50 = arith.index_cast %scan3A_32 : i32 to index
      %swap3A_51 = arith.constant 96 : index
      %swap3A_52 = tpu.vector_load %arg8[%swap3A_50, %swap3A_51] {strides = array<i32>} : memref<128x128xf32, #tpu.memory_space<vmem>>, vector<16xf32>,
      tpu.vector_store %arg8[%swap3A_50, %swap3A_51], %broadcast_in_dim3A_7 {strides = array<i32>} : memref<128x128xf32, #tpu.memory_space<vmem>>, vector<16xf32>,
      %swap3A_53 = arith.index_cast %scan3A_32 : i32 to index
      %swap3A_54 = arith.constant 112 : index
      %swap3A_55 = tpu.vector_load %arg8[%swap3A_53, %swap3A_54] {strides = array<i32>} : memref<128x128xf32, #tpu.memory_space<vmem>>, vector<16xf32>,
      tpu.vector_store %arg8[%swap3A_53, %swap3A_54], %broadcast_in_dim3A_7 {strides = array<i32>} : memref<128x128xf32, #tpu.memory_space<vmem>>, vector<16xf32>,
    }
    %scan3A_12 = arith.constant 128 : i32
    %add3A_13 = arith.constant 0 : i32
    %add3A_14 = arith.addi %mul3A_0, %add3A_13 : i32
    "tpu.region"() ({
      %run_scoped3A = tpu.sem_alloc : memref<!tpu.dma_semaphore, #tpu.memory_space<semaphore_mem>>
      %dma_start3A = arith.constant 0 : i32
      %dma_start3A_32 = tpu.memref_slice %arg10[%add3A_14, %dma_start3A] : memref<10240x128xf32, #tpu.memory_space<vmem_shared>> -> memref<128x128xf32, #tpu.memory_space<vmem_shared>>
      %dma_start3A_33 = arith.constant 0 : i32
      %dma_start3A_34 = tpu.memref_slice %arg10[%add3A_14, %dma_start3A_33] : memref<10240x128xf32, #tpu.memory_space<vmem_shared>> -> memref<128x128xf32, #tpu.memory_space<vmem_shared>>
      tpu.enqueue_dma source(%arg8 : memref<128x128xf32, #tpu.memory_space<vmem>>) target(%dma_start3A_34 : memref<128x128xf32, #tpu.memory_space<vmem_shared>>) target_semaphore(%run_scoped3A : memref<!tpu.dma_semaphore, #tpu.memory_space<semaphore_mem>>)
      %dma_wait3A = arith.constant 0 : i32
      %dma_wait3A_35 = tpu.memref_slice %arg10[%add3A_14, %dma_wait3A] : memref<10240x128xf32, #tpu.memory_space<vmem_shared>> -> memref<128x128xf32, #tpu.memory_space<vmem_shared>>
      %dma_wait3A_36 = arith.constant 0 : i32
      %dma_wait3A_37 = tpu.memref_slice %arg10[%add3A_14, %dma_wait3A_36] : memref<10240x128xf32, #tpu.memory_space<vmem_shared>> -> memref<128x128xf32, #tpu.memory_space<vmem_shared>>
      tpu.wait_dma2 semaphore(%run_scoped3A : memref<!tpu.dma_semaphore, #tpu.memory_space<semaphore_mem>>) src(%arg8 : memref<128x128xf32, #tpu.memory_space<vmem>>) dst(%dma_wait3A_37 : memref<128x128xf32, #tpu.memory_space<vmem_shared>>)
      tpu.yield
    }) : () -> ()
    %add3A_15 = arith.constant 128 : i32
    %add3A_16 = arith.addi %mul3A_0, %add3A_15 : i32
    "tpu.region"() ({
      %run_scoped3A = tpu.sem_alloc : memref<!tpu.dma_semaphore, #tpu.memory_space<semaphore_mem>>
      %dma_start3A = arith.constant 0 : i32
      %dma_start3A_32 = tpu.memref_slice %arg10[%add3A_16, %dma_start3A] : memref<10240x128xf32, #tpu.memory_space<vmem_shared>> -> memref<128x128xf32, #tpu.memory_space<vmem_shared>>
      %dma_start3A_33 = arith.constant 0 : i32
      %dma_start3A_34 = tpu.memref_slice %arg10[%add3A_16, %dma_start3A_33] : memref<10240x128xf32, #tpu.memory_space<vmem_shared>> -> memref<128x128xf32, #tpu.memory_space<vmem_shared>>
      tpu.enqueue_dma source(%arg8 : memref<128x128xf32, #tpu.memory_space<vmem>>) target(%dma_start3A_34 : memref<128x128xf32, #tpu.memory_space<vmem_shared>>) target_semaphore(%run_scoped3A : memref<!tpu.dma_semaphore, #tpu.memory_space<semaphore_mem>>)
      %dma_wait3A = arith.constant 0 : i32
      %dma_wait3A_35 = tpu.memref_slice %arg10[%add3A_16, %dma_wait3A] : memref<10240x128xf32, #tpu.memory_space<vmem_shared>> -> memref<128x128xf32, #tpu.memory_space<vmem_shared>>
      %dma_wait3A_36 = arith.constant 0 : i32
      %dma_wait3A_37 = tpu.memref_slice %arg10[%add3A_16, %dma_wait3A_36] : memref<10240x128xf32, #tpu.memory_space<vmem_shared>> -> memref<128x128xf32, #tpu.memory_space<vmem_shared>>
      tpu.wait_dma2 semaphore(%run_scoped3A : memref<!tpu.dma_semaphore, #tpu.memory_space<semaphore_mem>>) src(%arg8 : memref<128x128xf32, #tpu.memory_space<vmem>>) dst(%dma_wait3A_37 : memref<128x128xf32, #tpu.memory_space<vmem_shared>>)
      tpu.yield
    }) : () -> ()
    %add3A_17 = arith.constant 256 : i32
    %add3A_18 = arith.addi %mul3A_0, %add3A_17 : i32
    "tpu.region"() ({
      %run_scoped3A = tpu.sem_alloc : memref<!tpu.dma_semaphore, #tpu.memory_space<semaphore_mem>>
      %dma_start3A = arith.constant 0 : i32
      %dma_start3A_32 = tpu.memref_slice %arg10[%add3A_18, %dma_start3A] : memref<10240x128xf32, #tpu.memory_space<vmem_shared>> -> memref<128x128xf32, #tpu.memory_space<vmem_shared>>
      %dma_start3A_33 = arith.constant 0 : i32
      %dma_start3A_34 = tpu.memref_slice %arg10[%add3A_18, %dma_start3A_33] : memref<10240x128xf32, #tpu.memory_space<vmem_shared>> -> memref<128x128xf32, #tpu.memory_space<vmem_shared>>
      tpu.enqueue_dma source(%arg8 : memref<128x128xf32, #tpu.memory_space<vmem>>) target(%dma_start3A_34 : memref<128x128xf32, #tpu.memory_space<vmem_shared>>) target_semaphore(%run_scoped3A : memref<!tpu.dma_semaphore, #tpu.memory_space<semaphore_mem>>)
      %dma_wait3A = arith.constant 0 : i32
      %dma_wait3A_35 = tpu.memref_slice %arg10[%add3A_18, %dma_wait3A] : memref<10240x128xf32, #tpu.memory_space<vmem_shared>> -> memref<128x128xf32, #tpu.memory_space<vmem_shared>>
      %dma_wait3A_36 = arith.constant 0 : i32
      %dma_wait3A_37 = tpu.memref_slice %arg10[%add3A_18, %dma_wait3A_36] : memref<10240x128xf32, #tpu.memory_space<vmem_shared>> -> memref<128x128xf32, #tpu.memory_space<vmem_shared>>
      tpu.wait_dma2 semaphore(%run_scoped3A : memref<!tpu.dma_semaphore, #tpu.memory_space<semaphore_mem>>) src(%arg8 : memref<128x128xf32, #tpu.memory_space<vmem>>) dst(%dma_wait3A_37 : memref<128x128xf32, #tpu.memory_space<vmem_shared>>)
      tpu.yield
    }) : () -> ()
    %add3A_19 = arith.constant 384 : i32
    %add3A_20 = arith.addi %mul3A_0, %add3A_19 : i32
    "tpu.region"() ({
      %run_scoped3A = tpu.sem_alloc : memref<!tpu.dma_semaphore, #tpu.memory_space<semaphore_mem>>
      %dma_start3A = arith.constant 0 : i32
      %dma_start3A_32 = tpu.memref_slice %arg10[%add3A_20, %dma_start3A] : memref<10240x128xf32, #tpu.memory_space<vmem_shared>> -> memref<128x128xf32, #tpu.memory_space<vmem_shared>>
      %dma_start3A_33 = arith.constant 0 : i32
      %dma_start3A_34 = tpu.memref_slice %arg10[%add3A_20, %dma_start3A_33] : memref<10240x128xf32, #tpu.memory_space<vmem_shared>> -> memref<128x128xf32, #tpu.memory_space<vmem_shared>>
      tpu.enqueue_dma source(%arg8 : memref<128x128xf32, #tpu.memory_space<vmem>>) target(%dma_start3A_34 : memref<128x128xf32, #tpu.memory_space<vmem_shared>>) target_semaphore(%run_scoped3A : memref<!tpu.dma_semaphore, #tpu.memory_space<semaphore_mem>>)
      %dma_wait3A = arith.constant 0 : i32
      %dma_wait3A_35 = tpu.memref_slice %arg10[%add3A_20, %dma_wait3A] : memref<10240x128xf32, #tpu.memory_space<vmem_shared>> -> memref<128x128xf32, #tpu.memory_space<vmem_shared>>
      %dma_wait3A_36 = arith.constant 0 : i32
      %dma_wait3A_37 = tpu.memref_slice %arg10[%add3A_20, %dma_wait3A_36] : memref<10240x128xf32, #tpu.memory_space<vmem_shared>> -> memref<128x128xf32, #tpu.memory_space<vmem_shared>>
      tpu.wait_dma2 semaphore(%run_scoped3A : memref<!tpu.dma_semaphore, #tpu.memory_space<semaphore_mem>>) src(%arg8 : memref<128x128xf32, #tpu.memory_space<vmem>>) dst(%dma_wait3A_37 : memref<128x128xf32, #tpu.memory_space<vmem_shared>>)
      tpu.yield
    }) : () -> ()
    %add3A_21 = arith.constant 512 : i32
    %add3A_22 = arith.addi %mul3A_0, %add3A_21 : i32
    "tpu.region"() ({
      %run_scoped3A = tpu.sem_alloc : memref<!tpu.dma_semaphore, #tpu.memory_space<semaphore_mem>>
      %dma_start3A = arith.constant 0 : i32
      %dma_start3A_32 = tpu.memref_slice %arg10[%add3A_22, %dma_start3A] : memref<10240x128xf32, #tpu.memory_space<vmem_shared>> -> memref<128x128xf32, #tpu.memory_space<vmem_shared>>
      %dma_start3A_33 = arith.constant 0 : i32
      %dma_start3A_34 = tpu.memref_slice %arg10[%add3A_22, %dma_start3A_33] : memref<10240x128xf32, #tpu.memory_space<vmem_shared>> -> memref<128x128xf32, #tpu.memory_space<vmem_shared>>
      tpu.enqueue_dma source(%arg8 : memref<128x128xf32, #tpu.memory_space<vmem>>) target(%dma_start3A_34 : memref<128x128xf32, #tpu.memory_space<vmem_shared>>) target_semaphore(%run_scoped3A : memref<!tpu.dma_semaphore, #tpu.memory_space<semaphore_mem>>)
      %dma_wait3A = arith.constant 0 : i32
      %dma_wait3A_35 = tpu.memref_slice %arg10[%add3A_22, %dma_wait3A] : memref<10240x128xf32, #tpu.memory_space<vmem_shared>> -> memref<128x128xf32, #tpu.memory_space<vmem_shared>>
      %dma_wait3A_36 = arith.constant 0 : i32
      %dma_wait3A_37 = tpu.memref_slice %arg10[%add3A_22, %dma_wait3A_36] : memref<10240x128xf32, #tpu.memory_space<vmem_shared>> -> memref<128x128xf32, #tpu.memory_space<vmem_shared>>
      tpu.wait_dma2 semaphore(%run_scoped3A : memref<!tpu.dma_semaphore, #tpu.memory_space<semaphore_mem>>) src(%arg8 : memref<128x128xf32, #tpu.memory_space<vmem>>) dst(%dma_wait3A_37 : memref<128x128xf32, #tpu.memory_space<vmem_shared>>)
      tpu.yield
    }) : () -> ()
    %barrier3A = arith.constant 0 : index
    tpu.barrier barrier_id(%barrier3A)
    %eq3A_23 = arith.constant 0 : i32
    %eq3A_24 = arith.cmpi eq, %arg0, %eq3A_23 : i32
    %convert_element_type3A = arith.extui %eq3A_24 : i1 to i32
    %cond3A = arith.constant 0 : i32
    %cond3A_25 = arith.cmpi ne, %convert_element_type3A, %cond3A : i32
    scf.if %cond3A_25 {
      %add3A_32 = arith.constant 0 : i32
      %add3A_33 = arith.addi %select_n3A, %add3A_32 : i32
      "tpu.region"() ({
        %run_scoped3A = tpu.sem_alloc : memref<!tpu.dma_semaphore, #tpu.memory_space<semaphore_mem>>
        %dma_start3A_141 = arith.constant 0 : i32
        %dma_start3A_142 = arith.constant 0 : i32
        %dma_start3A_143 = tpu.memref_slice %arg6[%dma_start3A_141, %dma_start3A_142] : memref<32x128xi32, #tpu.memory_space<vmem>> -> memref<32x128xi32, #tpu.memory_space<vmem>>
        %dma_start3A_144 = arith.constant 0 : i32
        %dma_start3A_145 = tpu.memref_slice %arg3[%add3A_33, %dma_start3A_144] : memref<2560x128xi32, #tpu.memory_space<hbm>> -> memref<32x128xi32, #tpu.memory_space<hbm>>
        %dma_start3A_146 = arith.constant 0 : i32
        %dma_start3A_147 = arith.constant 0 : i32
        %dma_start3A_148 = tpu.memref_slice %arg6[%dma_start3A_146, %dma_start3A_147] : memref<32x128xi32, #tpu.memory_space<vmem>> -> memref<32x128xi32, #tpu.memory_space<vmem>>
        %dma_start3A_149 = arith.constant 0 : i32
        %dma_start3A_150 = tpu.memref_slice %arg3[%add3A_33, %dma_start3A_149] : memref<2560x128xi32, #tpu.memory_space<hbm>> -> memref<32x128xi32, #tpu.memory_space<hbm>>
        tpu.enqueue_dma source(%dma_start3A_150 : memref<32x128xi32, #tpu.memory_space<hbm>>) target(%dma_start3A_148 : memref<32x128xi32, #tpu.memory_space<vmem>>) target_semaphore(%run_scoped3A : memref<!tpu.dma_semaphore, #tpu.memory_space<semaphore_mem>>)
        %dma_wait3A = arith.constant 0 : i32
        %dma_wait3A_151 = arith.constant 0 : i32
        %dma_wait3A_152 = tpu.memref_slice %arg6[%dma_wait3A, %dma_wait3A_151] : memref<32x128xi32, #tpu.memory_space<vmem>> -> memref<32x128xi32, #tpu.memory_space<vmem>>
        %dma_wait3A_153 = arith.constant 0 : i32
        %dma_wait3A_154 = tpu.memref_slice %arg3[%add3A_33, %dma_wait3A_153] : memref<2560x128xi32, #tpu.memory_space<hbm>> -> memref<32x128xi32, #tpu.memory_space<hbm>>
        %dma_wait3A_155 = arith.constant 0 : i32
        %dma_wait3A_156 = arith.constant 0 : i32
        %dma_wait3A_157 = tpu.memref_slice %arg6[%dma_wait3A_155, %dma_wait3A_156] : memref<32x128xi32, #tpu.memory_space<vmem>> -> memref<32x128xi32, #tpu.memory_space<vmem>>
        %dma_wait3A_158 = arith.constant 0 : i32
        %dma_wait3A_159 = tpu.memref_slice %arg3[%add3A_33, %dma_wait3A_158] : memref<2560x128xi32, #tpu.memory_space<hbm>> -> memref<32x128xi32, #tpu.memory_space<hbm>>
        tpu.wait_dma2 semaphore(%run_scoped3A : memref<!tpu.dma_semaphore, #tpu.memory_space<semaphore_mem>>) src(%dma_wait3A_159 : memref<32x128xi32, #tpu.memory_space<hbm>>) dst(%dma_wait3A_157 : memref<32x128xi32, #tpu.memory_space<vmem>>)
        tpu.yield
      }) : () -> ()
      "tpu.region"() ({
        %run_scoped3A = tpu.sem_alloc : memref<!tpu.dma_semaphore, #tpu.memory_space<semaphore_mem>>
        %dma_start3A_141 = arith.constant 0 : i32
        %dma_start3A_142 = arith.constant 0 : i32
        %dma_start3A_143 = tpu.memref_slice %arg7[%dma_start3A_141, %dma_start3A_142] : memref<32x128xi32, #tpu.memory_space<vmem>> -> memref<32x128xi32, #tpu.memory_space<vmem>>
        %dma_start3A_144 = arith.constant 0 : i32
        %dma_start3A_145 = tpu.memref_slice %arg4[%add3A_33, %dma_start3A_144] : memref<2560x128xi32, #tpu.memory_space<hbm>> -> memref<32x128xi32, #tpu.memory_space<hbm>>
        %dma_start3A_146 = arith.constant 0 : i32
        %dma_start3A_147 = arith.constant 0 : i32
        %dma_start3A_148 = tpu.memref_slice %arg7[%dma_start3A_146, %dma_start3A_147] : memref<32x128xi32, #tpu.memory_space<vmem>> -> memref<32x128xi32, #tpu.memory_space<vmem>>
        %dma_start3A_149 = arith.constant 0 : i32
        %dma_start3A_150 = tpu.memref_slice %arg4[%add3A_33, %dma_start3A_149] : memref<2560x128xi32, #tpu.memory_space<hbm>> -> memref<32x128xi32, #tpu.memory_space<hbm>>
        tpu.enqueue_dma source(%dma_start3A_150 : memref<32x128xi32, #tpu.memory_space<hbm>>) target(%dma_start3A_148 : memref<32x128xi32, #tpu.memory_space<vmem>>) target_semaphore(%run_scoped3A : memref<!tpu.dma_semaphore, #tpu.memory_space<semaphore_mem>>)
        %dma_wait3A = arith.constant 0 : i32
        %dma_wait3A_151 = arith.constant 0 : i32
        %dma_wait3A_152 = tpu.memref_slice %arg7[%dma_wait3A, %dma_wait3A_151] : memref<32x128xi32, #tpu.memory_space<vmem>> -> memref<32x128xi32, #tpu.memory_space<vmem>>
        %dma_wait3A_153 = arith.constant 0 : i32
        %dma_wait3A_154 = tpu.memref_slice %arg4[%add3A_33, %dma_wait3A_153] : memref<2560x128xi32, #tpu.memory_space<hbm>> -> memref<32x128xi32, #tpu.memory_space<hbm>>
        %dma_wait3A_155 = arith.constant 0 : i32
        %dma_wait3A_156 = arith.constant 0 : i32
        %dma_wait3A_157 = tpu.memref_slice %arg7[%dma_wait3A_155, %dma_wait3A_156] : memref<32x128xi32, #tpu.memory_space<vmem>> -> memref<32x128xi32, #tpu.memory_space<vmem>>
        %dma_wait3A_158 = arith.constant 0 : i32
        %dma_wait3A_159 = tpu.memref_slice %arg4[%add3A_33, %dma_wait3A_158] : memref<2560x128xi32, #tpu.memory_space<hbm>> -> memref<32x128xi32, #tpu.memory_space<hbm>>
        tpu.wait_dma2 semaphore(%run_scoped3A : memref<!tpu.dma_semaphore, #tpu.memory_space<semaphore_mem>>) src(%dma_wait3A_159 : memref<32x128xi32, #tpu.memory_space<hbm>>) dst(%dma_wait3A_157 : memref<32x128xi32, #tpu.memory_space<vmem>>)
        tpu.yield
      }) : () -> ()
      %dma_start3A = arith.constant 0 : i32
      %dma_start3A_34 = arith.constant 0 : i32
      %dma_start3A_35 = tpu.memref_slice %arg6[%dma_start3A, %dma_start3A_34] : memref<32x128xi32, #tpu.memory_space<vmem>> -> memref<1x128xi32, #tpu.memory_space<vmem>>
      %dma_start3A_36 = tpu.memref_squeeze %dma_start3A_35 : memref<1x128xi32, #tpu.memory_space<vmem>> -> memref<128xi32, #tpu.memory_space<vmem>>
      %dma_start3A_37 = arith.constant 0 : i32
      %dma_start3A_38 = arith.constant 0 : i32
      %dma_start3A_39 = tpu.memref_slice %arg2[%dma_start3A_37, %dma_start3A_38] : memref<10240x128xf32, #tpu.memory_space<hbm>> -> memref<10240x128xf32, #tpu.memory_space<hbm>>
      tpu.enqueue_indirect_dma source(%dma_start3A_39 : memref<10240x128xf32, #tpu.memory_space<hbm>>) target(%arg8 : memref<128x128xf32, #tpu.memory_space<vmem>>) offsets(%dma_start3A_36 : memref<128xi32, #tpu.memory_space<vmem>>) semaphore(%arg11 : memref<!tpu.dma_semaphore, #tpu.memory_space<semaphore_mem>>)
      %dma_start3A_40 = arith.constant 1 : i32
      %dma_start3A_41 = arith.constant 0 : i32
      %dma_start3A_42 = tpu.memref_slice %arg6[%dma_start3A_40, %dma_start3A_41] : memref<32x128xi32, #tpu.memory_space<vmem>> -> memref<1x128xi32, #tpu.memory_space<vmem>>
      %dma_start3A_43 = tpu.memref_squeeze %dma_start3A_42 : memref<1x128xi32, #tpu.memory_space<vmem>> -> memref<128xi32, #tpu.memory_space<vmem>>
      %dma_start3A_44 = arith.constant 0 : i32
      %dma_start3A_45 = arith.constant 0 : i32
      %dma_start3A_46 = tpu.memref_slice %arg2[%dma_start3A_44, %dma_start3A_45] : memref<10240x128xf32, #tpu.memory_space<hbm>> -> memref<10240x128xf32, #tpu.memory_space<hbm>>
      tpu.enqueue_indirect_dma source(%dma_start3A_46 : memref<10240x128xf32, #tpu.memory_space<hbm>>) target(%arg9 : memref<128x128xf32, #tpu.memory_space<vmem>>) offsets(%dma_start3A_43 : memref<128xi32, #tpu.memory_space<vmem>>) semaphore(%arg12 : memref<!tpu.dma_semaphore, #tpu.memory_space<semaphore_mem>>)
      %scan3A_47 = arith.constant 0 : i32
      %scan3A_48 = arith.constant 0 : i32
      %scan3A_49 = arith.constant 16 : i32
      %scan3A_50 = arith.addi %scan3A_48, %scan3A_49 : i32
      %scan3A_51 = arith.constant 1 : i32
      scf.for %scan3A_141 = %scan3A_48 to %scan3A_50 step %scan3A_51  : i32 {
        %mul3A_142 = arith.constant 2 : i32
        %mul3A_143 = arith.muli %mul3A_142, %scan3A_141 : i32
        %dma_wait3A = arith.constant 0 : i32
        %dma_wait3A_144 = tpu.memref_slice %arg6[%mul3A_143, %dma_wait3A] : memref<32x128xi32, #tpu.memory_space<vmem>> -> memref<1x128xi32, #tpu.memory_space<vmem>>
        %dma_wait3A_145 = tpu.memref_squeeze %dma_wait3A_144 : memref<1x128xi32, #tpu.memory_space<vmem>> -> memref<128xi32, #tpu.memory_space<vmem>>
        %dma_wait3A_146 = arith.constant 0 : i32
        %dma_wait3A_147 = arith.constant 0 : i32
        %dma_wait3A_148 = tpu.memref_slice %arg2[%dma_wait3A_146, %dma_wait3A_147] : memref<10240x128xf32, #tpu.memory_space<hbm>> -> memref<10240x128xf32, #tpu.memory_space<hbm>>
        tpu.wait_indirect_dma semaphore(%arg11 : memref<!tpu.dma_semaphore, #tpu.memory_space<semaphore_mem>>) src(%dma_wait3A_148 : memref<10240x128xf32, #tpu.memory_space<hbm>>) dst(%arg8 : memref<128x128xf32, #tpu.memory_space<vmem>>)
        %dma_start3A_149 = arith.constant 0 : i32
        %dma_start3A_150 = tpu.memref_slice %arg7[%mul3A_143, %dma_start3A_149] : memref<32x128xi32, #tpu.memory_space<vmem>> -> memref<1x128xi32, #tpu.memory_space<vmem>>
        %dma_start3A_151 = tpu.memref_squeeze %dma_start3A_150 : memref<1x128xi32, #tpu.memory_space<vmem>> -> memref<128xi32, #tpu.memory_space<vmem>>
        %dma_start3A_152 = arith.constant 0 : i32
        %dma_start3A_153 = arith.constant 0 : i32
        %dma_start3A_154 = tpu.memref_slice %arg10[%dma_start3A_152, %dma_start3A_153] : memref<10240x128xf32, #tpu.memory_space<vmem_shared>> -> memref<10240x128xf32, #tpu.memory_space<vmem_shared>>
        tpu.enqueue_indirect_dma source(%arg8 : memref<128x128xf32, #tpu.memory_space<vmem>>) target(%dma_start3A_154 : memref<10240x128xf32, #tpu.memory_space<vmem_shared>>) offsets(%dma_start3A_151 : memref<128xi32, #tpu.memory_space<vmem>>) semaphore(%arg13 : memref<!tpu.dma_semaphore, #tpu.memory_space<semaphore_mem>>) {add = true}
        %add3A_155 = arith.constant 1 : i32
        %add3A_156 = arith.addi %mul3A_143, %add3A_155 : i32
        %dma_wait3A_157 = arith.constant 0 : i32
        %dma_wait3A_158 = tpu.memref_slice %arg6[%add3A_156, %dma_wait3A_157] : memref<32x128xi32, #tpu.memory_space<vmem>> -> memref<1x128xi32, #tpu.memory_space<vmem>>
        %dma_wait3A_159 = tpu.memref_squeeze %dma_wait3A_158 : memref<1x128xi32, #tpu.memory_space<vmem>> -> memref<128xi32, #tpu.memory_space<vmem>>
        %dma_wait3A_160 = arith.constant 0 : i32
        %dma_wait3A_161 = arith.constant 0 : i32
        %dma_wait3A_162 = tpu.memref_slice %arg2[%dma_wait3A_160, %dma_wait3A_161] : memref<10240x128xf32, #tpu.memory_space<hbm>> -> memref<10240x128xf32, #tpu.memory_space<hbm>>
        tpu.wait_indirect_dma semaphore(%arg12 : memref<!tpu.dma_semaphore, #tpu.memory_space<semaphore_mem>>) src(%dma_wait3A_162 : memref<10240x128xf32, #tpu.memory_space<hbm>>) dst(%arg9 : memref<128x128xf32, #tpu.memory_space<vmem>>)
        %add3A_163 = arith.constant 1 : i32
        %add3A_164 = arith.addi %mul3A_143, %add3A_163 : i32
        %dma_start3A_165 = arith.constant 0 : i32
        %dma_start3A_166 = tpu.memref_slice %arg7[%add3A_164, %dma_start3A_165] : memref<32x128xi32, #tpu.memory_space<vmem>> -> memref<1x128xi32, #tpu.memory_space<vmem>>
        %dma_start3A_167 = tpu.memref_squeeze %dma_start3A_166 : memref<1x128xi32, #tpu.memory_space<vmem>> -> memref<128xi32, #tpu.memory_space<vmem>>
        %dma_start3A_168 = arith.constant 0 : i32
        %dma_start3A_169 = arith.constant 0 : i32
        %dma_start3A_170 = tpu.memref_slice %arg10[%dma_start3A_168, %dma_start3A_169] : memref<10240x128xf32, #tpu.memory_space<vmem_shared>> -> memref<10240x128xf32, #tpu.memory_space<vmem_shared>>
        tpu.enqueue_indirect_dma source(%arg9 : memref<128x128xf32, #tpu.memory_space<vmem>>) target(%dma_start3A_170 : memref<10240x128xf32, #tpu.memory_space<vmem_shared>>) offsets(%dma_start3A_167 : memref<128xi32, #tpu.memory_space<vmem>>) semaphore(%arg14 : memref<!tpu.dma_semaphore, #tpu.memory_space<semaphore_mem>>) {add = true}
        %dma_wait3A_171 = arith.constant 0 : i32
        %dma_wait3A_172 = tpu.memref_slice %arg7[%mul3A_143, %dma_wait3A_171] : memref<32x128xi32, #tpu.memory_space<vmem>> -> memref<1x128xi32, #tpu.memory_space<vmem>>
        %dma_wait3A_173 = tpu.memref_squeeze %dma_wait3A_172 : memref<1x128xi32, #tpu.memory_space<vmem>> -> memref<128xi32, #tpu.memory_space<vmem>>
        %dma_wait3A_174 = arith.constant 0 : i32
        %dma_wait3A_175 = arith.constant 0 : i32
        %dma_wait3A_176 = tpu.memref_slice %arg10[%dma_wait3A_174, %dma_wait3A_175] : memref<10240x128xf32, #tpu.memory_space<vmem_shared>> -> memref<10240x128xf32, #tpu.memory_space<vmem_shared>>
        tpu.wait_indirect_dma semaphore(%arg13 : memref<!tpu.dma_semaphore, #tpu.memory_space<semaphore_mem>>) src(%arg8 : memref<128x128xf32, #tpu.memory_space<vmem>>) dst(%dma_wait3A_176 : memref<10240x128xf32, #tpu.memory_space<vmem_shared>>)
        %add3A_177 = arith.constant 2 : i32
        %add3A_178 = arith.addi %mul3A_143, %add3A_177 : i32
        %lt3A = arith.constant 32 : i32
        %lt3A_179 = arith.cmpi slt, %add3A_178, %lt3A : i32
        %convert_element_type3A_180 = arith.extui %lt3A_179 : i1 to i32
        %cond3A_181 = arith.constant 0 : i32
        %cond3A_182 = arith.cmpi ne, %convert_element_type3A_180, %cond3A_181 : i32
        scf.if %cond3A_182 {
          %add3A_198 = arith.constant 2 : i32
          %add3A_199 = arith.addi %mul3A_143, %add3A_198 : i32
          %dma_start3A_200 = arith.constant 0 : i32
          %dma_start3A_201 = tpu.memref_slice %arg6[%add3A_199, %dma_start3A_200] : memref<32x128xi32, #tpu.memory_space<vmem>> -> memref<1x128xi32, #tpu.memory_space<vmem>>
          %dma_start3A_202 = tpu.memref_squeeze %dma_start3A_201 : memref<1x128xi32, #tpu.memory_space<vmem>> -> memref<128xi32, #tpu.memory_space<vmem>>
          %dma_start3A_203 = arith.constant 0 : i32
          %dma_start3A_204 = arith.constant 0 : i32
          %dma_start3A_205 = tpu.memref_slice %arg2[%dma_start3A_203, %dma_start3A_204] : memref<10240x128xf32, #tpu.memory_space<hbm>> -> memref<10240x128xf32, #tpu.memory_space<hbm>>
          tpu.enqueue_indirect_dma source(%dma_start3A_205 : memref<10240x128xf32, #tpu.memory_space<hbm>>) target(%arg8 : memref<128x128xf32, #tpu.memory_space<vmem>>) offsets(%dma_start3A_202 : memref<128xi32, #tpu.memory_space<vmem>>) semaphore(%arg11 : memref<!tpu.dma_semaphore, #tpu.memory_space<semaphore_mem>>)
        } else {
        }
        %add3A_183 = arith.constant 1 : i32
        %add3A_184 = arith.addi %mul3A_143, %add3A_183 : i32
        %dma_wait3A_185 = arith.constant 0 : i32
        %dma_wait3A_186 = tpu.memref_slice %arg7[%add3A_184, %dma_wait3A_185] : memref<32x128xi32, #tpu.memory_space<vmem>> -> memref<1x128xi32, #tpu.memory_space<vmem>>
        %dma_wait3A_187 = tpu.memref_squeeze %dma_wait3A_186 : memref<1x128xi32, #tpu.memory_space<vmem>> -> memref<128xi32, #tpu.memory_space<vmem>>
        %dma_wait3A_188 = arith.constant 0 : i32
        %dma_wait3A_189 = arith.constant 0 : i32
        %dma_wait3A_190 = tpu.memref_slice %arg10[%dma_wait3A_188, %dma_wait3A_189] : memref<10240x128xf32, #tpu.memory_space<vmem_shared>> -> memref<10240x128xf32, #tpu.memory_space<vmem_shared>>
        tpu.wait_indirect_dma semaphore(%arg14 : memref<!tpu.dma_semaphore, #tpu.memory_space<semaphore_mem>>) src(%arg9 : memref<128x128xf32, #tpu.memory_space<vmem>>) dst(%dma_wait3A_190 : memref<10240x128xf32, #tpu.memory_space<vmem_shared>>)
        %add3A_191 = arith.constant 3 : i32
        %add3A_192 = arith.addi %mul3A_143, %add3A_191 : i32
        %lt3A_193 = arith.constant 32 : i32
        %lt3A_194 = arith.cmpi slt, %add3A_192, %lt3A_193 : i32
        %convert_element_type3A_195 = arith.extui %lt3A_194 : i1 to i32
        %cond3A_196 = arith.constant 0 : i32
        %cond3A_197 = arith.cmpi ne, %convert_element_type3A_195, %cond3A_196 : i32
        scf.if %cond3A_197 {
          %add3A_198 = arith.constant 3 : i32
          %add3A_199 = arith.addi %mul3A_143, %add3A_198 : i32
          %dma_start3A_200 = arith.constant 0 : i32
          %dma_start3A_201 = tpu.memref_slice %arg6[%add3A_199, %dma_start3A_200] : memref<32x128xi32, #tpu.memory_space<vmem>> -> memref<1x128xi32, #tpu.memory_space<vmem>>
          %dma_start3A_202 = tpu.memref_squeeze %dma_start3A_201 : memref<1x128xi32, #tpu.memory_space<vmem>> -> memref<128xi32, #tpu.memory_space<vmem>>
          %dma_start3A_203 = arith.constant 0 : i32
          %dma_start3A_204 = arith.constant 0 : i32
          %dma_start3A_205 = tpu.memref_slice %arg2[%dma_start3A_203, %dma_start3A_204] : memref<10240x128xf32, #tpu.memory_space<hbm>> -> memref<10240x128xf32, #tpu.memory_space<hbm>>
          tpu.enqueue_indirect_dma source(%dma_start3A_205 : memref<10240x128xf32, #tpu.memory_space<hbm>>) target(%arg9 : memref<128x128xf32, #tpu.memory_space<vmem>>) offsets(%dma_start3A_202 : memref<128xi32, #tpu.memory_space<vmem>>) semaphore(%arg12 : memref<!tpu.dma_semaphore, #tpu.memory_space<semaphore_mem>>)
        } else {
        }
      }
      %scan3A_52 = arith.constant 16 : i32
      %add3A_53 = arith.constant 32 : i32
      %add3A_54 = arith.addi %select_n3A, %add3A_53 : i32
      "tpu.region"() ({
        %run_scoped3A = tpu.sem_alloc : memref<!tpu.dma_semaphore, #tpu.memory_space<semaphore_mem>>
        %dma_start3A_141 = arith.constant 0 : i32
        %dma_start3A_142 = arith.constant 0 : i32
        %dma_start3A_143 = tpu.memref_slice %arg6[%dma_start3A_141, %dma_start3A_142] : memref<32x128xi32, #tpu.memory_space<vmem>> -> memref<32x128xi32, #tpu.memory_space<vmem>>
        %dma_start3A_144 = arith.constant 0 : i32
        %dma_start3A_145 = tpu.memref_slice %arg3[%add3A_54, %dma_start3A_144] : memref<2560x128xi32, #tpu.memory_space<hbm>> -> memref<32x128xi32, #tpu.memory_space<hbm>>
        %dma_start3A_146 = arith.constant 0 : i32
        %dma_start3A_147 = arith.constant 0 : i32
        %dma_start3A_148 = tpu.memref_slice %arg6[%dma_start3A_146, %dma_start3A_147] : memref<32x128xi32, #tpu.memory_space<vmem>> -> memref<32x128xi32, #tpu.memory_space<vmem>>
        %dma_start3A_149 = arith.constant 0 : i32
        %dma_start3A_150 = tpu.memref_slice %arg3[%add3A_54, %dma_start3A_149] : memref<2560x128xi32, #tpu.memory_space<hbm>> -> memref<32x128xi32, #tpu.memory_space<hbm>>
        tpu.enqueue_dma source(%dma_start3A_150 : memref<32x128xi32, #tpu.memory_space<hbm>>) target(%dma_start3A_148 : memref<32x128xi32, #tpu.memory_space<vmem>>) target_semaphore(%run_scoped3A : memref<!tpu.dma_semaphore, #tpu.memory_space<semaphore_mem>>)
        %dma_wait3A = arith.constant 0 : i32
        %dma_wait3A_151 = arith.constant 0 : i32
        %dma_wait3A_152 = tpu.memref_slice %arg6[%dma_wait3A, %dma_wait3A_151] : memref<32x128xi32, #tpu.memory_space<vmem>> -> memref<32x128xi32, #tpu.memory_space<vmem>>
        %dma_wait3A_153 = arith.constant 0 : i32
        %dma_wait3A_154 = tpu.memref_slice %arg3[%add3A_54, %dma_wait3A_153] : memref<2560x128xi32, #tpu.memory_space<hbm>> -> memref<32x128xi32, #tpu.memory_space<hbm>>
        %dma_wait3A_155 = arith.constant 0 : i32
        %dma_wait3A_156 = arith.constant 0 : i32
        %dma_wait3A_157 = tpu.memref_slice %arg6[%dma_wait3A_155, %dma_wait3A_156] : memref<32x128xi32, #tpu.memory_space<vmem>> -> memref<32x128xi32, #tpu.memory_space<vmem>>
        %dma_wait3A_158 = arith.constant 0 : i32
        %dma_wait3A_159 = tpu.memref_slice %arg3[%add3A_54, %dma_wait3A_158] : memref<2560x128xi32, #tpu.memory_space<hbm>> -> memref<32x128xi32, #tpu.memory_space<hbm>>
        tpu.wait_dma2 semaphore(%run_scoped3A : memref<!tpu.dma_semaphore, #tpu.memory_space<semaphore_mem>>) src(%dma_wait3A_159 : memref<32x128xi32, #tpu.memory_space<hbm>>) dst(%dma_wait3A_157 : memref<32x128xi32, #tpu.memory_space<vmem>>)
        tpu.yield
      }) : () -> ()
      "tpu.region"() ({
        %run_scoped3A = tpu.sem_alloc : memref<!tpu.dma_semaphore, #tpu.memory_space<semaphore_mem>>
        %dma_start3A_141 = arith.constant 0 : i32
        %dma_start3A_142 = arith.constant 0 : i32
        %dma_start3A_143 = tpu.memref_slice %arg7[%dma_start3A_141, %dma_start3A_142] : memref<32x128xi32, #tpu.memory_space<vmem>> -> memref<32x128xi32, #tpu.memory_space<vmem>>
        %dma_start3A_144 = arith.constant 0 : i32
        %dma_start3A_145 = tpu.memref_slice %arg4[%add3A_54, %dma_start3A_144] : memref<2560x128xi32, #tpu.memory_space<hbm>> -> memref<32x128xi32, #tpu.memory_space<hbm>>
        %dma_start3A_146 = arith.constant 0 : i32
        %dma_start3A_147 = arith.constant 0 : i32
        %dma_start3A_148 = tpu.memref_slice %arg7[%dma_start3A_146, %dma_start3A_147] : memref<32x128xi32, #tpu.memory_space<vmem>> -> memref<32x128xi32, #tpu.memory_space<vmem>>
        %dma_start3A_149 = arith.constant 0 : i32
        %dma_start3A_150 = tpu.memref_slice %arg4[%add3A_54, %dma_start3A_149] : memref<2560x128xi32, #tpu.memory_space<hbm>> -> memref<32x128xi32, #tpu.memory_space<hbm>>
        tpu.enqueue_dma source(%dma_start3A_150 : memref<32x128xi32, #tpu.memory_space<hbm>>) target(%dma_start3A_148 : memref<32x128xi32, #tpu.memory_space<vmem>>) target_semaphore(%run_scoped3A : memref<!tpu.dma_semaphore, #tpu.memory_space<semaphore_mem>>)
        %dma_wait3A = arith.constant 0 : i32
        %dma_wait3A_151 = arith.constant 0 : i32
        %dma_wait3A_152 = tpu.memref_slice %arg7[%dma_wait3A, %dma_wait3A_151] : memref<32x128xi32, #tpu.memory_space<vmem>> -> memref<32x128xi32, #tpu.memory_space<vmem>>
        %dma_wait3A_153 = arith.constant 0 : i32
        %dma_wait3A_154 = tpu.memref_slice %arg4[%add3A_54, %dma_wait3A_153] : memref<2560x128xi32, #tpu.memory_space<hbm>> -> memref<32x128xi32, #tpu.memory_space<hbm>>
        %dma_wait3A_155 = arith.constant 0 : i32
        %dma_wait3A_156 = arith.constant 0 : i32
        %dma_wait3A_157 = tpu.memref_slice %arg7[%dma_wait3A_155, %dma_wait3A_156] : memref<32x128xi32, #tpu.memory_space<vmem>> -> memref<32x128xi32, #tpu.memory_space<vmem>>
        %dma_wait3A_158 = arith.constant 0 : i32
        %dma_wait3A_159 = tpu.memref_slice %arg4[%add3A_54, %dma_wait3A_158] : memref<2560x128xi32, #tpu.memory_space<hbm>> -> memref<32x128xi32, #tpu.memory_space<hbm>>
        tpu.wait_dma2 semaphore(%run_scoped3A : memref<!tpu.dma_semaphore, #tpu.memory_space<semaphore_mem>>) src(%dma_wait3A_159 : memref<32x128xi32, #tpu.memory_space<hbm>>) dst(%dma_wait3A_157 : memref<32x128xi32, #tpu.memory_space<vmem>>)
        tpu.yield
      }) : () -> ()
      %dma_start3A_55 = arith.constant 0 : i32
      %dma_start3A_56 = arith.constant 0 : i32
      %dma_start3A_57 = tpu.memref_slice %arg6[%dma_start3A_55, %dma_start3A_56] : memref<32x128xi32, #tpu.memory_space<vmem>> -> memref<1x128xi32, #tpu.memory_space<vmem>>
      %dma_start3A_58 = tpu.memref_squeeze %dma_start3A_57 : memref<1x128xi32, #tpu.memory_space<vmem>> -> memref<128xi32, #tpu.memory_space<vmem>>
      %dma_start3A_59 = arith.constant 0 : i32
      %dma_start3A_60 = arith.constant 0 : i32
      %dma_start3A_61 = tpu.memref_slice %arg2[%dma_start3A_59, %dma_start3A_60] : memref<10240x128xf32, #tpu.memory_space<hbm>> -> memref<10240x128xf32, #tpu.memory_space<hbm>>
      tpu.enqueue_indirect_dma source(%dma_start3A_61 : memref<10240x128xf32, #tpu.memory_space<hbm>>) target(%arg8 : memref<128x128xf32, #tpu.memory_space<vmem>>) offsets(%dma_start3A_58 : memref<128xi32, #tpu.memory_space<vmem>>) semaphore(%arg11 : memref<!tpu.dma_semaphore, #tpu.memory_space<semaphore_mem>>)
      %dma_start3A_62 = arith.constant 1 : i32
      %dma_start3A_63 = arith.constant 0 : i32
      %dma_start3A_64 = tpu.memref_slice %arg6[%dma_start3A_62, %dma_start3A_63] : memref<32x128xi32, #tpu.memory_space<vmem>> -> memref<1x128xi32, #tpu.memory_space<vmem>>
      %dma_start3A_65 = tpu.memref_squeeze %dma_start3A_64 : memref<1x128xi32, #tpu.memory_space<vmem>> -> memref<128xi32, #tpu.memory_space<vmem>>
      %dma_start3A_66 = arith.constant 0 : i32
      %dma_start3A_67 = arith.constant 0 : i32
      %dma_start3A_68 = tpu.memref_slice %arg2[%dma_start3A_66, %dma_start3A_67] : memref<10240x128xf32, #tpu.memory_space<hbm>> -> memref<10240x128xf32, #tpu.memory_space<hbm>>
      tpu.enqueue_indirect_dma source(%dma_start3A_68 : memref<10240x128xf32, #tpu.memory_space<hbm>>) target(%arg9 : memref<128x128xf32, #tpu.memory_space<vmem>>) offsets(%dma_start3A_65 : memref<128xi32, #tpu.memory_space<vmem>>) semaphore(%arg12 : memref<!tpu.dma_semaphore, #tpu.memory_space<semaphore_mem>>)
      %scan3A_69 = arith.constant 0 : i32
      %scan3A_70 = arith.constant 0 : i32
      %scan3A_71 = arith.constant 16 : i32
      %scan3A_72 = arith.addi %scan3A_70, %scan3A_71 : i32
      %scan3A_73 = arith.constant 1 : i32
      scf.for %scan3A_141 = %scan3A_70 to %scan3A_72 step %scan3A_73  : i32 {
        %mul3A_142 = arith.constant 2 : i32
        %mul3A_143 = arith.muli %mul3A_142, %scan3A_141 : i32
        %dma_wait3A = arith.constant 0 : i32
        %dma_wait3A_144 = tpu.memref_slice %arg6[%mul3A_143, %dma_wait3A] : memref<32x128xi32, #tpu.memory_space<vmem>> -> memref<1x128xi32, #tpu.memory_space<vmem>>
        %dma_wait3A_145 = tpu.memref_squeeze %dma_wait3A_144 : memref<1x128xi32, #tpu.memory_space<vmem>> -> memref<128xi32, #tpu.memory_space<vmem>>
        %dma_wait3A_146 = arith.constant 0 : i32
        %dma_wait3A_147 = arith.constant 0 : i32
        %dma_wait3A_148 = tpu.memref_slice %arg2[%dma_wait3A_146, %dma_wait3A_147] : memref<10240x128xf32, #tpu.memory_space<hbm>> -> memref<10240x128xf32, #tpu.memory_space<hbm>>
        tpu.wait_indirect_dma semaphore(%arg11 : memref<!tpu.dma_semaphore, #tpu.memory_space<semaphore_mem>>) src(%dma_wait3A_148 : memref<10240x128xf32, #tpu.memory_space<hbm>>) dst(%arg8 : memref<128x128xf32, #tpu.memory_space<vmem>>)
        %dma_start3A_149 = arith.constant 0 : i32
        %dma_start3A_150 = tpu.memref_slice %arg7[%mul3A_143, %dma_start3A_149] : memref<32x128xi32, #tpu.memory_space<vmem>> -> memref<1x128xi32, #tpu.memory_space<vmem>>
        %dma_start3A_151 = tpu.memref_squeeze %dma_start3A_150 : memref<1x128xi32, #tpu.memory_space<vmem>> -> memref<128xi32, #tpu.memory_space<vmem>>
        %dma_start3A_152 = arith.constant 0 : i32
        %dma_start3A_153 = arith.constant 0 : i32
        %dma_start3A_154 = tpu.memref_slice %arg10[%dma_start3A_152, %dma_start3A_153] : memref<10240x128xf32, #tpu.memory_space<vmem_shared>> -> memref<10240x128xf32, #tpu.memory_space<vmem_shared>>
        tpu.enqueue_indirect_dma source(%arg8 : memref<128x128xf32, #tpu.memory_space<vmem>>) target(%dma_start3A_154 : memref<10240x128xf32, #tpu.memory_space<vmem_shared>>) offsets(%dma_start3A_151 : memref<128xi32, #tpu.memory_space<vmem>>) semaphore(%arg13 : memref<!tpu.dma_semaphore, #tpu.memory_space<semaphore_mem>>) {add = true}
        %add3A_155 = arith.constant 1 : i32
        %add3A_156 = arith.addi %mul3A_143, %add3A_155 : i32
        %dma_wait3A_157 = arith.constant 0 : i32
        %dma_wait3A_158 = tpu.memref_slice %arg6[%add3A_156, %dma_wait3A_157] : memref<32x128xi32, #tpu.memory_space<vmem>> -> memref<1x128xi32, #tpu.memory_space<vmem>>
        %dma_wait3A_159 = tpu.memref_squeeze %dma_wait3A_158 : memref<1x128xi32, #tpu.memory_space<vmem>> -> memref<128xi32, #tpu.memory_space<vmem>>
        %dma_wait3A_160 = arith.constant 0 : i32
        %dma_wait3A_161 = arith.constant 0 : i32
        %dma_wait3A_162 = tpu.memref_slice %arg2[%dma_wait3A_160, %dma_wait3A_161] : memref<10240x128xf32, #tpu.memory_space<hbm>> -> memref<10240x128xf32, #tpu.memory_space<hbm>>
        tpu.wait_indirect_dma semaphore(%arg12 : memref<!tpu.dma_semaphore, #tpu.memory_space<semaphore_mem>>) src(%dma_wait3A_162 : memref<10240x128xf32, #tpu.memory_space<hbm>>) dst(%arg9 : memref<128x128xf32, #tpu.memory_space<vmem>>)
        %add3A_163 = arith.constant 1 : i32
        %add3A_164 = arith.addi %mul3A_143, %add3A_163 : i32
        %dma_start3A_165 = arith.constant 0 : i32
        %dma_start3A_166 = tpu.memref_slice %arg7[%add3A_164, %dma_start3A_165] : memref<32x128xi32, #tpu.memory_space<vmem>> -> memref<1x128xi32, #tpu.memory_space<vmem>>
        %dma_start3A_167 = tpu.memref_squeeze %dma_start3A_166 : memref<1x128xi32, #tpu.memory_space<vmem>> -> memref<128xi32, #tpu.memory_space<vmem>>
        %dma_start3A_168 = arith.constant 0 : i32
        %dma_start3A_169 = arith.constant 0 : i32
        %dma_start3A_170 = tpu.memref_slice %arg10[%dma_start3A_168, %dma_start3A_169] : memref<10240x128xf32, #tpu.memory_space<vmem_shared>> -> memref<10240x128xf32, #tpu.memory_space<vmem_shared>>
        tpu.enqueue_indirect_dma source(%arg9 : memref<128x128xf32, #tpu.memory_space<vmem>>) target(%dma_start3A_170 : memref<10240x128xf32, #tpu.memory_space<vmem_shared>>) offsets(%dma_start3A_167 : memref<128xi32, #tpu.memory_space<vmem>>) semaphore(%arg14 : memref<!tpu.dma_semaphore, #tpu.memory_space<semaphore_mem>>) {add = true}
        %dma_wait3A_171 = arith.constant 0 : i32
        %dma_wait3A_172 = tpu.memref_slice %arg7[%mul3A_143, %dma_wait3A_171] : memref<32x128xi32, #tpu.memory_space<vmem>> -> memref<1x128xi32, #tpu.memory_space<vmem>>
        %dma_wait3A_173 = tpu.memref_squeeze %dma_wait3A_172 : memref<1x128xi32, #tpu.memory_space<vmem>> -> memref<128xi32, #tpu.memory_space<vmem>>
        %dma_wait3A_174 = arith.constant 0 : i32
        %dma_wait3A_175 = arith.constant 0 : i32
        %dma_wait3A_176 = tpu.memref_slice %arg10[%dma_wait3A_174, %dma_wait3A_175] : memref<10240x128xf32, #tpu.memory_space<vmem_shared>> -> memref<10240x128xf32, #tpu.memory_space<vmem_shared>>
        tpu.wait_indirect_dma semaphore(%arg13 : memref<!tpu.dma_semaphore, #tpu.memory_space<semaphore_mem>>) src(%arg8 : memref<128x128xf32, #tpu.memory_space<vmem>>) dst(%dma_wait3A_176 : memref<10240x128xf32, #tpu.memory_space<vmem_shared>>)
        %add3A_177 = arith.constant 2 : i32
        %add3A_178 = arith.addi %mul3A_143, %add3A_177 : i32
        %lt3A = arith.constant 32 : i32
        %lt3A_179 = arith.cmpi slt, %add3A_178, %lt3A : i32
        %convert_element_type3A_180 = arith.extui %lt3A_179 : i1 to i32
        %cond3A_181 = arith.constant 0 : i32
        %cond3A_182 = arith.cmpi ne, %convert_element_type3A_180, %cond3A_181 : i32
        scf.if %cond3A_182 {
          %add3A_198 = arith.constant 2 : i32
          %add3A_199 = arith.addi %mul3A_143, %add3A_198 : i32
          %dma_start3A_200 = arith.constant 0 : i32
          %dma_start3A_201 = tpu.memref_slice %arg6[%add3A_199, %dma_start3A_200] : memref<32x128xi32, #tpu.memory_space<vmem>> -> memref<1x128xi32, #tpu.memory_space<vmem>>
          %dma_start3A_202 = tpu.memref_squeeze %dma_start3A_201 : memref<1x128xi32, #tpu.memory_space<vmem>> -> memref<128xi32, #tpu.memory_space<vmem>>
          %dma_start3A_203 = arith.constant 0 : i32
          %dma_start3A_204 = arith.constant 0 : i32
          %dma_start3A_205 = tpu.memref_slice %arg2[%dma_start3A_203, %dma_start3A_204] : memref<10240x128xf32, #tpu.memory_space<hbm>> -> memref<10240x128xf32, #tpu.memory_space<hbm>>
          tpu.enqueue_indirect_dma source(%dma_start3A_205 : memref<10240x128xf32, #tpu.memory_space<hbm>>) target(%arg8 : memref<128x128xf32, #tpu.memory_space<vmem>>) offsets(%dma_start3A_202 : memref<128xi32, #tpu.memory_space<vmem>>) semaphore(%arg11 : memref<!tpu.dma_semaphore, #tpu.memory_space<semaphore_mem>>)
        } else {
        }
        %add3A_183 = arith.constant 1 : i32
        %add3A_184 = arith.addi %mul3A_143, %add3A_183 : i32
        %dma_wait3A_185 = arith.constant 0 : i32
        %dma_wait3A_186 = tpu.memref_slice %arg7[%add3A_184, %dma_wait3A_185] : memref<32x128xi32, #tpu.memory_space<vmem>> -> memref<1x128xi32, #tpu.memory_space<vmem>>
        %dma_wait3A_187 = tpu.memref_squeeze %dma_wait3A_186 : memref<1x128xi32, #tpu.memory_space<vmem>> -> memref<128xi32, #tpu.memory_space<vmem>>
        %dma_wait3A_188 = arith.constant 0 : i32
        %dma_wait3A_189 = arith.constant 0 : i32
        %dma_wait3A_190 = tpu.memref_slice %arg10[%dma_wait3A_188, %dma_wait3A_189] : memref<10240x128xf32, #tpu.memory_space<vmem_shared>> -> memref<10240x128xf32, #tpu.memory_space<vmem_shared>>
        tpu.wait_indirect_dma semaphore(%arg14 : memref<!tpu.dma_semaphore, #tpu.memory_space<semaphore_mem>>) src(%arg9 : memref<128x128xf32, #tpu.memory_space<vmem>>) dst(%dma_wait3A_190 : memref<10240x128xf32, #tpu.memory_space<vmem_shared>>)
        %add3A_191 = arith.constant 3 : i32
        %add3A_192 = arith.addi %mul3A_143, %add3A_191 : i32
        %lt3A_193 = arith.constant 32 : i32
        %lt3A_194 = arith.cmpi slt, %add3A_192, %lt3A_193 : i32
        %convert_element_type3A_195 = arith.extui %lt3A_194 : i1 to i32
        %cond3A_196 = arith.constant 0 : i32
        %cond3A_197 = arith.cmpi ne, %convert_element_type3A_195, %cond3A_196 : i32
        scf.if %cond3A_197 {
          %add3A_198 = arith.constant 3 : i32
          %add3A_199 = arith.addi %mul3A_143, %add3A_198 : i32
          %dma_start3A_200 = arith.constant 0 : i32
          %dma_start3A_201 = tpu.memref_slice %arg6[%add3A_199, %dma_start3A_200] : memref<32x128xi32, #tpu.memory_space<vmem>> -> memref<1x128xi32, #tpu.memory_space<vmem>>
          %dma_start3A_202 = tpu.memref_squeeze %dma_start3A_201 : memref<1x128xi32, #tpu.memory_space<vmem>> -> memref<128xi32, #tpu.memory_space<vmem>>
          %dma_start3A_203 = arith.constant 0 : i32
          %dma_start3A_204 = arith.constant 0 : i32
          %dma_start3A_205 = tpu.memref_slice %arg2[%dma_start3A_203, %dma_start3A_204] : memref<10240x128xf32, #tpu.memory_space<hbm>> -> memref<10240x128xf32, #tpu.memory_space<hbm>>
          tpu.enqueue_indirect_dma source(%dma_start3A_205 : memref<10240x128xf32, #tpu.memory_space<hbm>>) target(%arg9 : memref<128x128xf32, #tpu.memory_space<vmem>>) offsets(%dma_start3A_202 : memref<128xi32, #tpu.memory_space<vmem>>) semaphore(%arg12 : memref<!tpu.dma_semaphore, #tpu.memory_space<semaphore_mem>>)
        } else {
        }
      }
      %scan3A_74 = arith.constant 16 : i32
      %add3A_75 = arith.constant 64 : i32
      %add3A_76 = arith.addi %select_n3A, %add3A_75 : i32
      "tpu.region"() ({
        %run_scoped3A = tpu.sem_alloc : memref<!tpu.dma_semaphore, #tpu.memory_space<semaphore_mem>>
        %dma_start3A_141 = arith.constant 0 : i32
        %dma_start3A_142 = arith.constant 0 : i32
        %dma_start3A_143 = tpu.memref_slice %arg6[%dma_start3A_141, %dma_start3A_142] : memref<32x128xi32, #tpu.memory_space<vmem>> -> memref<32x128xi32, #tpu.memory_space<vmem>>
        %dma_start3A_144 = arith.constant 0 : i32
        %dma_start3A_145 = tpu.memref_slice %arg3[%add3A_76, %dma_start3A_144] : memref<2560x128xi32, #tpu.memory_space<hbm>> -> memref<32x128xi32, #tpu.memory_space<hbm>>
        %dma_start3A_146 = arith.constant 0 : i32
        %dma_start3A_147 = arith.constant 0 : i32
        %dma_start3A_148 = tpu.memref_slice %arg6[%dma_start3A_146, %dma_start3A_147] : memref<32x128xi32, #tpu.memory_space<vmem>> -> memref<32x128xi32, #tpu.memory_space<vmem>>
        %dma_start3A_149 = arith.constant 0 : i32
        %dma_start3A_150 = tpu.memref_slice %arg3[%add3A_76, %dma_start3A_149] : memref<2560x128xi32, #tpu.memory_space<hbm>> -> memref<32x128xi32, #tpu.memory_space<hbm>>
        tpu.enqueue_dma source(%dma_start3A_150 : memref<32x128xi32, #tpu.memory_space<hbm>>) target(%dma_start3A_148 : memref<32x128xi32, #tpu.memory_space<vmem>>) target_semaphore(%run_scoped3A : memref<!tpu.dma_semaphore, #tpu.memory_space<semaphore_mem>>)
        %dma_wait3A = arith.constant 0 : i32
        %dma_wait3A_151 = arith.constant 0 : i32
        %dma_wait3A_152 = tpu.memref_slice %arg6[%dma_wait3A, %dma_wait3A_151] : memref<32x128xi32, #tpu.memory_space<vmem>> -> memref<32x128xi32, #tpu.memory_space<vmem>>
        %dma_wait3A_153 = arith.constant 0 : i32
        %dma_wait3A_154 = tpu.memref_slice %arg3[%add3A_76, %dma_wait3A_153] : memref<2560x128xi32, #tpu.memory_space<hbm>> -> memref<32x128xi32, #tpu.memory_space<hbm>>
        %dma_wait3A_155 = arith.constant 0 : i32
        %dma_wait3A_156 = arith.constant 0 : i32
        %dma_wait3A_157 = tpu.memref_slice %arg6[%dma_wait3A_155, %dma_wait3A_156] : memref<32x128xi32, #tpu.memory_space<vmem>> -> memref<32x128xi32, #tpu.memory_space<vmem>>
        %dma_wait3A_158 = arith.constant 0 : i32
        %dma_wait3A_159 = tpu.memref_slice %arg3[%add3A_76, %dma_wait3A_158] : memref<2560x128xi32, #tpu.memory_space<hbm>> -> memref<32x128xi32, #tpu.memory_space<hbm>>
        tpu.wait_dma2 semaphore(%run_scoped3A : memref<!tpu.dma_semaphore, #tpu.memory_space<semaphore_mem>>) src(%dma_wait3A_159 : memref<32x128xi32, #tpu.memory_space<hbm>>) dst(%dma_wait3A_157 : memref<32x128xi32, #tpu.memory_space<vmem>>)
        tpu.yield
      }) : () -> ()
      "tpu.region"() ({
        %run_scoped3A = tpu.sem_alloc : memref<!tpu.dma_semaphore, #tpu.memory_space<semaphore_mem>>
        %dma_start3A_141 = arith.constant 0 : i32
        %dma_start3A_142 = arith.constant 0 : i32
        %dma_start3A_143 = tpu.memref_slice %arg7[%dma_start3A_141, %dma_start3A_142] : memref<32x128xi32, #tpu.memory_space<vmem>> -> memref<32x128xi32, #tpu.memory_space<vmem>>
        %dma_start3A_144 = arith.constant 0 : i32
        %dma_start3A_145 = tpu.memref_slice %arg4[%add3A_76, %dma_start3A_144] : memref<2560x128xi32, #tpu.memory_space<hbm>> -> memref<32x128xi32, #tpu.memory_space<hbm>>
        %dma_start3A_146 = arith.constant 0 : i32
        %dma_start3A_147 = arith.constant 0 : i32
        %dma_start3A_148 = tpu.memref_slice %arg7[%dma_start3A_146, %dma_start3A_147] : memref<32x128xi32, #tpu.memory_space<vmem>> -> memref<32x128xi32, #tpu.memory_space<vmem>>
        %dma_start3A_149 = arith.constant 0 : i32
        %dma_start3A_150 = tpu.memref_slice %arg4[%add3A_76, %dma_start3A_149] : memref<2560x128xi32, #tpu.memory_space<hbm>> -> memref<32x128xi32, #tpu.memory_space<hbm>>
        tpu.enqueue_dma source(%dma_start3A_150 : memref<32x128xi32, #tpu.memory_space<hbm>>) target(%dma_start3A_148 : memref<32x128xi32, #tpu.memory_space<vmem>>) target_semaphore(%run_scoped3A : memref<!tpu.dma_semaphore, #tpu.memory_space<semaphore_mem>>)
        %dma_wait3A = arith.constant 0 : i32
        %dma_wait3A_151 = arith.constant 0 : i32
        %dma_wait3A_152 = tpu.memref_slice %arg7[%dma_wait3A, %dma_wait3A_151] : memref<32x128xi32, #tpu.memory_space<vmem>> -> memref<32x128xi32, #tpu.memory_space<vmem>>
        %dma_wait3A_153 = arith.constant 0 : i32
        %dma_wait3A_154 = tpu.memref_slice %arg4[%add3A_76, %dma_wait3A_153] : memref<2560x128xi32, #tpu.memory_space<hbm>> -> memref<32x128xi32, #tpu.memory_space<hbm>>
        %dma_wait3A_155 = arith.constant 0 : i32
        %dma_wait3A_156 = arith.constant 0 : i32
        %dma_wait3A_157 = tpu.memref_slice %arg7[%dma_wait3A_155, %dma_wait3A_156] : memref<32x128xi32, #tpu.memory_space<vmem>> -> memref<32x128xi32, #tpu.memory_space<vmem>>
        %dma_wait3A_158 = arith.constant 0 : i32
        %dma_wait3A_159 = tpu.memref_slice %arg4[%add3A_76, %dma_wait3A_158] : memref<2560x128xi32, #tpu.memory_space<hbm>> -> memref<32x128xi32, #tpu.memory_space<hbm>>
        tpu.wait_dma2 semaphore(%run_scoped3A : memref<!tpu.dma_semaphore, #tpu.memory_space<semaphore_mem>>) src(%dma_wait3A_159 : memref<32x128xi32, #tpu.memory_space<hbm>>) dst(%dma_wait3A_157 : memref<32x128xi32, #tpu.memory_space<vmem>>)
        tpu.yield
      }) : () -> ()
      %dma_start3A_77 = arith.constant 0 : i32
      %dma_start3A_78 = arith.constant 0 : i32
      %dma_start3A_79 = tpu.memref_slice %arg6[%dma_start3A_77, %dma_start3A_78] : memref<32x128xi32, #tpu.memory_space<vmem>> -> memref<1x128xi32, #tpu.memory_space<vmem>>
      %dma_start3A_80 = tpu.memref_squeeze %dma_start3A_79 : memref<1x128xi32, #tpu.memory_space<vmem>> -> memref<128xi32, #tpu.memory_space<vmem>>
      %dma_start3A_81 = arith.constant 0 : i32
      %dma_start3A_82 = arith.constant 0 : i32
      %dma_start3A_83 = tpu.memref_slice %arg2[%dma_start3A_81, %dma_start3A_82] : memref<10240x128xf32, #tpu.memory_space<hbm>> -> memref<10240x128xf32, #tpu.memory_space<hbm>>
      tpu.enqueue_indirect_dma source(%dma_start3A_83 : memref<10240x128xf32, #tpu.memory_space<hbm>>) target(%arg8 : memref<128x128xf32, #tpu.memory_space<vmem>>) offsets(%dma_start3A_80 : memref<128xi32, #tpu.memory_space<vmem>>) semaphore(%arg11 : memref<!tpu.dma_semaphore, #tpu.memory_space<semaphore_mem>>)
      %dma_start3A_84 = arith.constant 1 : i32
      %dma_start3A_85 = arith.constant 0 : i32
      %dma_start3A_86 = tpu.memref_slice %arg6[%dma_start3A_84, %dma_start3A_85] : memref<32x128xi32, #tpu.memory_space<vmem>> -> memref<1x128xi32, #tpu.memory_space<vmem>>
      %dma_start3A_87 = tpu.memref_squeeze %dma_start3A_86 : memref<1x128xi32, #tpu.memory_space<vmem>> -> memref<128xi32, #tpu.memory_space<vmem>>
      %dma_start3A_88 = arith.constant 0 : i32
      %dma_start3A_89 = arith.constant 0 : i32
      %dma_start3A_90 = tpu.memref_slice %arg2[%dma_start3A_88, %dma_start3A_89] : memref<10240x128xf32, #tpu.memory_space<hbm>> -> memref<10240x128xf32, #tpu.memory_space<hbm>>
      tpu.enqueue_indirect_dma source(%dma_start3A_90 : memref<10240x128xf32, #tpu.memory_space<hbm>>) target(%arg9 : memref<128x128xf32, #tpu.memory_space<vmem>>) offsets(%dma_start3A_87 : memref<128xi32, #tpu.memory_space<vmem>>) semaphore(%arg12 : memref<!tpu.dma_semaphore, #tpu.memory_space<semaphore_mem>>)
      %scan3A_91 = arith.constant 0 : i32
      %scan3A_92 = arith.constant 0 : i32
      %scan3A_93 = arith.constant 16 : i32
      %scan3A_94 = arith.addi %scan3A_92, %scan3A_93 : i32
      %scan3A_95 = arith.constant 1 : i32
      scf.for %scan3A_141 = %scan3A_92 to %scan3A_94 step %scan3A_95  : i32 {
        %mul3A_142 = arith.constant 2 : i32
        %mul3A_143 = arith.muli %mul3A_142, %scan3A_141 : i32
        %dma_wait3A = arith.constant 0 : i32
        %dma_wait3A_144 = tpu.memref_slice %arg6[%mul3A_143, %dma_wait3A] : memref<32x128xi32, #tpu.memory_space<vmem>> -> memref<1x128xi32, #tpu.memory_space<vmem>>
        %dma_wait3A_145 = tpu.memref_squeeze %dma_wait3A_144 : memref<1x128xi32, #tpu.memory_space<vmem>> -> memref<128xi32, #tpu.memory_space<vmem>>
        %dma_wait3A_146 = arith.constant 0 : i32
        %dma_wait3A_147 = arith.constant 0 : i32
        %dma_wait3A_148 = tpu.memref_slice %arg2[%dma_wait3A_146, %dma_wait3A_147] : memref<10240x128xf32, #tpu.memory_space<hbm>> -> memref<10240x128xf32, #tpu.memory_space<hbm>>
        tpu.wait_indirect_dma semaphore(%arg11 : memref<!tpu.dma_semaphore, #tpu.memory_space<semaphore_mem>>) src(%dma_wait3A_148 : memref<10240x128xf32, #tpu.memory_space<hbm>>) dst(%arg8 : memref<128x128xf32, #tpu.memory_space<vmem>>)
        %dma_start3A_149 = arith.constant 0 : i32
        %dma_start3A_150 = tpu.memref_slice %arg7[%mul3A_143, %dma_start3A_149] : memref<32x128xi32, #tpu.memory_space<vmem>> -> memref<1x128xi32, #tpu.memory_space<vmem>>
        %dma_start3A_151 = tpu.memref_squeeze %dma_start3A_150 : memref<1x128xi32, #tpu.memory_space<vmem>> -> memref<128xi32, #tpu.memory_space<vmem>>
        %dma_start3A_152 = arith.constant 0 : i32
        %dma_start3A_153 = arith.constant 0 : i32
        %dma_start3A_154 = tpu.memref_slice %arg10[%dma_start3A_152, %dma_start3A_153] : memref<10240x128xf32, #tpu.memory_space<vmem_shared>> -> memref<10240x128xf32, #tpu.memory_space<vmem_shared>>
        tpu.enqueue_indirect_dma source(%arg8 : memref<128x128xf32, #tpu.memory_space<vmem>>) target(%dma_start3A_154 : memref<10240x128xf32, #tpu.memory_space<vmem_shared>>) offsets(%dma_start3A_151 : memref<128xi32, #tpu.memory_space<vmem>>) semaphore(%arg13 : memref<!tpu.dma_semaphore, #tpu.memory_space<semaphore_mem>>) {add = true}
        %add3A_155 = arith.constant 1 : i32
        %add3A_156 = arith.addi %mul3A_143, %add3A_155 : i32
        %dma_wait3A_157 = arith.constant 0 : i32
        %dma_wait3A_158 = tpu.memref_slice %arg6[%add3A_156, %dma_wait3A_157] : memref<32x128xi32, #tpu.memory_space<vmem>> -> memref<1x128xi32, #tpu.memory_space<vmem>>
        %dma_wait3A_159 = tpu.memref_squeeze %dma_wait3A_158 : memref<1x128xi32, #tpu.memory_space<vmem>> -> memref<128xi32, #tpu.memory_space<vmem>>
        %dma_wait3A_160 = arith.constant 0 : i32
        %dma_wait3A_161 = arith.constant 0 : i32
        %dma_wait3A_162 = tpu.memref_slice %arg2[%dma_wait3A_160, %dma_wait3A_161] : memref<10240x128xf32, #tpu.memory_space<hbm>> -> memref<10240x128xf32, #tpu.memory_space<hbm>>
        tpu.wait_indirect_dma semaphore(%arg12 : memref<!tpu.dma_semaphore, #tpu.memory_space<semaphore_mem>>) src(%dma_wait3A_162 : memref<10240x128xf32, #tpu.memory_space<hbm>>) dst(%arg9 : memref<128x128xf32, #tpu.memory_space<vmem>>)
        %add3A_163 = arith.constant 1 : i32
        %add3A_164 = arith.addi %mul3A_143, %add3A_163 : i32
        %dma_start3A_165 = arith.constant 0 : i32
        %dma_start3A_166 = tpu.memref_slice %arg7[%add3A_164, %dma_start3A_165] : memref<32x128xi32, #tpu.memory_space<vmem>> -> memref<1x128xi32, #tpu.memory_space<vmem>>
        %dma_start3A_167 = tpu.memref_squeeze %dma_start3A_166 : memref<1x128xi32, #tpu.memory_space<vmem>> -> memref<128xi32, #tpu.memory_space<vmem>>
        %dma_start3A_168 = arith.constant 0 : i32
        %dma_start3A_169 = arith.constant 0 : i32
        %dma_start3A_170 = tpu.memref_slice %arg10[%dma_start3A_168, %dma_start3A_169] : memref<10240x128xf32, #tpu.memory_space<vmem_shared>> -> memref<10240x128xf32, #tpu.memory_space<vmem_shared>>
        tpu.enqueue_indirect_dma source(%arg9 : memref<128x128xf32, #tpu.memory_space<vmem>>) target(%dma_start3A_170 : memref<10240x128xf32, #tpu.memory_space<vmem_shared>>) offsets(%dma_start3A_167 : memref<128xi32, #tpu.memory_space<vmem>>) semaphore(%arg14 : memref<!tpu.dma_semaphore, #tpu.memory_space<semaphore_mem>>) {add = true}
        %dma_wait3A_171 = arith.constant 0 : i32
        %dma_wait3A_172 = tpu.memref_slice %arg7[%mul3A_143, %dma_wait3A_171] : memref<32x128xi32, #tpu.memory_space<vmem>> -> memref<1x128xi32, #tpu.memory_space<vmem>>
        %dma_wait3A_173 = tpu.memref_squeeze %dma_wait3A_172 : memref<1x128xi32, #tpu.memory_space<vmem>> -> memref<128xi32, #tpu.memory_space<vmem>>
        %dma_wait3A_174 = arith.constant 0 : i32
        %dma_wait3A_175 = arith.constant 0 : i32
        %dma_wait3A_176 = tpu.memref_slice %arg10[%dma_wait3A_174, %dma_wait3A_175] : memref<10240x128xf32, #tpu.memory_space<vmem_shared>> -> memref<10240x128xf32, #tpu.memory_space<vmem_shared>>
        tpu.wait_indirect_dma semaphore(%arg13 : memref<!tpu.dma_semaphore, #tpu.memory_space<semaphore_mem>>) src(%arg8 : memref<128x128xf32, #tpu.memory_space<vmem>>) dst(%dma_wait3A_176 : memref<10240x128xf32, #tpu.memory_space<vmem_shared>>)
        %add3A_177 = arith.constant 2 : i32
        %add3A_178 = arith.addi %mul3A_143, %add3A_177 : i32
        %lt3A = arith.constant 32 : i32
        %lt3A_179 = arith.cmpi slt, %add3A_178, %lt3A : i32
        %convert_element_type3A_180 = arith.extui %lt3A_179 : i1 to i32
        %cond3A_181 = arith.constant 0 : i32
        %cond3A_182 = arith.cmpi ne, %convert_element_type3A_180, %cond3A_181 : i32
        scf.if %cond3A_182 {
          %add3A_198 = arith.constant 2 : i32
          %add3A_199 = arith.addi %mul3A_143, %add3A_198 : i32
          %dma_start3A_200 = arith.constant 0 : i32
          %dma_start3A_201 = tpu.memref_slice %arg6[%add3A_199, %dma_start3A_200] : memref<32x128xi32, #tpu.memory_space<vmem>> -> memref<1x128xi32, #tpu.memory_space<vmem>>
          %dma_start3A_202 = tpu.memref_squeeze %dma_start3A_201 : memref<1x128xi32, #tpu.memory_space<vmem>> -> memref<128xi32, #tpu.memory_space<vmem>>
          %dma_start3A_203 = arith.constant 0 : i32
          %dma_start3A_204 = arith.constant 0 : i32
          %dma_start3A_205 = tpu.memref_slice %arg2[%dma_start3A_203, %dma_start3A_204] : memref<10240x128xf32, #tpu.memory_space<hbm>> -> memref<10240x128xf32, #tpu.memory_space<hbm>>
          tpu.enqueue_indirect_dma source(%dma_start3A_205 : memref<10240x128xf32, #tpu.memory_space<hbm>>) target(%arg8 : memref<128x128xf32, #tpu.memory_space<vmem>>) offsets(%dma_start3A_202 : memref<128xi32, #tpu.memory_space<vmem>>) semaphore(%arg11 : memref<!tpu.dma_semaphore, #tpu.memory_space<semaphore_mem>>)
        } else {
        }
        %add3A_183 = arith.constant 1 : i32
        %add3A_184 = arith.addi %mul3A_143, %add3A_183 : i32
        %dma_wait3A_185 = arith.constant 0 : i32
        %dma_wait3A_186 = tpu.memref_slice %arg7[%add3A_184, %dma_wait3A_185] : memref<32x128xi32, #tpu.memory_space<vmem>> -> memref<1x128xi32, #tpu.memory_space<vmem>>
        %dma_wait3A_187 = tpu.memref_squeeze %dma_wait3A_186 : memref<1x128xi32, #tpu.memory_space<vmem>> -> memref<128xi32, #tpu.memory_space<vmem>>
        %dma_wait3A_188 = arith.constant 0 : i32
        %dma_wait3A_189 = arith.constant 0 : i32
        %dma_wait3A_190 = tpu.memref_slice %arg10[%dma_wait3A_188, %dma_wait3A_189] : memref<10240x128xf32, #tpu.memory_space<vmem_shared>> -> memref<10240x128xf32, #tpu.memory_space<vmem_shared>>
        tpu.wait_indirect_dma semaphore(%arg14 : memref<!tpu.dma_semaphore, #tpu.memory_space<semaphore_mem>>) src(%arg9 : memref<128x128xf32, #tpu.memory_space<vmem>>) dst(%dma_wait3A_190 : memref<10240x128xf32, #tpu.memory_space<vmem_shared>>)
        %add3A_191 = arith.constant 3 : i32
        %add3A_192 = arith.addi %mul3A_143, %add3A_191 : i32
        %lt3A_193 = arith.constant 32 : i32
        %lt3A_194 = arith.cmpi slt, %add3A_192, %lt3A_193 : i32
        %convert_element_type3A_195 = arith.extui %lt3A_194 : i1 to i32
        %cond3A_196 = arith.constant 0 : i32
        %cond3A_197 = arith.cmpi ne, %convert_element_type3A_195, %cond3A_196 : i32
        scf.if %cond3A_197 {
          %add3A_198 = arith.constant 3 : i32
          %add3A_199 = arith.addi %mul3A_143, %add3A_198 : i32
          %dma_start3A_200 = arith.constant 0 : i32
          %dma_start3A_201 = tpu.memref_slice %arg6[%add3A_199, %dma_start3A_200] : memref<32x128xi32, #tpu.memory_space<vmem>> -> memref<1x128xi32, #tpu.memory_space<vmem>>
          %dma_start3A_202 = tpu.memref_squeeze %dma_start3A_201 : memref<1x128xi32, #tpu.memory_space<vmem>> -> memref<128xi32, #tpu.memory_space<vmem>>
          %dma_start3A_203 = arith.constant 0 : i32
          %dma_start3A_204 = arith.constant 0 : i32
          %dma_start3A_205 = tpu.memref_slice %arg2[%dma_start3A_203, %dma_start3A_204] : memref<10240x128xf32, #tpu.memory_space<hbm>> -> memref<10240x128xf32, #tpu.memory_space<hbm>>
          tpu.enqueue_indirect_dma source(%dma_start3A_205 : memref<10240x128xf32, #tpu.memory_space<hbm>>) target(%arg9 : memref<128x128xf32, #tpu.memory_space<vmem>>) offsets(%dma_start3A_202 : memref<128xi32, #tpu.memory_space<vmem>>) semaphore(%arg12 : memref<!tpu.dma_semaphore, #tpu.memory_space<semaphore_mem>>)
        } else {
        }
      }
      %scan3A_96 = arith.constant 16 : i32
      %add3A_97 = arith.constant 96 : i32
      %add3A_98 = arith.addi %select_n3A, %add3A_97 : i32
      "tpu.region"() ({
        %run_scoped3A = tpu.sem_alloc : memref<!tpu.dma_semaphore, #tpu.memory_space<semaphore_mem>>
        %dma_start3A_141 = arith.constant 0 : i32
        %dma_start3A_142 = arith.constant 0 : i32
        %dma_start3A_143 = tpu.memref_slice %arg6[%dma_start3A_141, %dma_start3A_142] : memref<32x128xi32, #tpu.memory_space<vmem>> -> memref<32x128xi32, #tpu.memory_space<vmem>>
        %dma_start3A_144 = arith.constant 0 : i32
        %dma_start3A_145 = tpu.memref_slice %arg3[%add3A_98, %dma_start3A_144] : memref<2560x128xi32, #tpu.memory_space<hbm>> -> memref<32x128xi32, #tpu.memory_space<hbm>>
        %dma_start3A_146 = arith.constant 0 : i32
        %dma_start3A_147 = arith.constant 0 : i32
        %dma_start3A_148 = tpu.memref_slice %arg6[%dma_start3A_146, %dma_start3A_147] : memref<32x128xi32, #tpu.memory_space<vmem>> -> memref<32x128xi32, #tpu.memory_space<vmem>>
        %dma_start3A_149 = arith.constant 0 : i32
        %dma_start3A_150 = tpu.memref_slice %arg3[%add3A_98, %dma_start3A_149] : memref<2560x128xi32, #tpu.memory_space<hbm>> -> memref<32x128xi32, #tpu.memory_space<hbm>>
        tpu.enqueue_dma source(%dma_start3A_150 : memref<32x128xi32, #tpu.memory_space<hbm>>) target(%dma_start3A_148 : memref<32x128xi32, #tpu.memory_space<vmem>>) target_semaphore(%run_scoped3A : memref<!tpu.dma_semaphore, #tpu.memory_space<semaphore_mem>>)
        %dma_wait3A = arith.constant 0 : i32
        %dma_wait3A_151 = arith.constant 0 : i32
        %dma_wait3A_152 = tpu.memref_slice %arg6[%dma_wait3A, %dma_wait3A_151] : memref<32x128xi32, #tpu.memory_space<vmem>> -> memref<32x128xi32, #tpu.memory_space<vmem>>
        %dma_wait3A_153 = arith.constant 0 : i32
        %dma_wait3A_154 = tpu.memref_slice %arg3[%add3A_98, %dma_wait3A_153] : memref<2560x128xi32, #tpu.memory_space<hbm>> -> memref<32x128xi32, #tpu.memory_space<hbm>>
        %dma_wait3A_155 = arith.constant 0 : i32
        %dma_wait3A_156 = arith.constant 0 : i32
        %dma_wait3A_157 = tpu.memref_slice %arg6[%dma_wait3A_155, %dma_wait3A_156] : memref<32x128xi32, #tpu.memory_space<vmem>> -> memref<32x128xi32, #tpu.memory_space<vmem>>
        %dma_wait3A_158 = arith.constant 0 : i32
        %dma_wait3A_159 = tpu.memref_slice %arg3[%add3A_98, %dma_wait3A_158] : memref<2560x128xi32, #tpu.memory_space<hbm>> -> memref<32x128xi32, #tpu.memory_space<hbm>>
        tpu.wait_dma2 semaphore(%run_scoped3A : memref<!tpu.dma_semaphore, #tpu.memory_space<semaphore_mem>>) src(%dma_wait3A_159 : memref<32x128xi32, #tpu.memory_space<hbm>>) dst(%dma_wait3A_157 : memref<32x128xi32, #tpu.memory_space<vmem>>)
        tpu.yield
      }) : () -> ()
      "tpu.region"() ({
        %run_scoped3A = tpu.sem_alloc : memref<!tpu.dma_semaphore, #tpu.memory_space<semaphore_mem>>
        %dma_start3A_141 = arith.constant 0 : i32
        %dma_start3A_142 = arith.constant 0 : i32
        %dma_start3A_143 = tpu.memref_slice %arg7[%dma_start3A_141, %dma_start3A_142] : memref<32x128xi32, #tpu.memory_space<vmem>> -> memref<32x128xi32, #tpu.memory_space<vmem>>
        %dma_start3A_144 = arith.constant 0 : i32
        %dma_start3A_145 = tpu.memref_slice %arg4[%add3A_98, %dma_start3A_144] : memref<2560x128xi32, #tpu.memory_space<hbm>> -> memref<32x128xi32, #tpu.memory_space<hbm>>
        %dma_start3A_146 = arith.constant 0 : i32
        %dma_start3A_147 = arith.constant 0 : i32
        %dma_start3A_148 = tpu.memref_slice %arg7[%dma_start3A_146, %dma_start3A_147] : memref<32x128xi32, #tpu.memory_space<vmem>> -> memref<32x128xi32, #tpu.memory_space<vmem>>
        %dma_start3A_149 = arith.constant 0 : i32
        %dma_start3A_150 = tpu.memref_slice %arg4[%add3A_98, %dma_start3A_149] : memref<2560x128xi32, #tpu.memory_space<hbm>> -> memref<32x128xi32, #tpu.memory_space<hbm>>
        tpu.enqueue_dma source(%dma_start3A_150 : memref<32x128xi32, #tpu.memory_space<hbm>>) target(%dma_start3A_148 : memref<32x128xi32, #tpu.memory_space<vmem>>) target_semaphore(%run_scoped3A : memref<!tpu.dma_semaphore, #tpu.memory_space<semaphore_mem>>)
        %dma_wait3A = arith.constant 0 : i32
        %dma_wait3A_151 = arith.constant 0 : i32
        %dma_wait3A_152 = tpu.memref_slice %arg7[%dma_wait3A, %dma_wait3A_151] : memref<32x128xi32, #tpu.memory_space<vmem>> -> memref<32x128xi32, #tpu.memory_space<vmem>>
        %dma_wait3A_153 = arith.constant 0 : i32
        %dma_wait3A_154 = tpu.memref_slice %arg4[%add3A_98, %dma_wait3A_153] : memref<2560x128xi32, #tpu.memory_space<hbm>> -> memref<32x128xi32, #tpu.memory_space<hbm>>
        %dma_wait3A_155 = arith.constant 0 : i32
        %dma_wait3A_156 = arith.constant 0 : i32
        %dma_wait3A_157 = tpu.memref_slice %arg7[%dma_wait3A_155, %dma_wait3A_156] : memref<32x128xi32, #tpu.memory_space<vmem>> -> memref<32x128xi32, #tpu.memory_space<vmem>>
        %dma_wait3A_158 = arith.constant 0 : i32
        %dma_wait3A_159 = tpu.memref_slice %arg4[%add3A_98, %dma_wait3A_158] : memref<2560x128xi32, #tpu.memory_space<hbm>> -> memref<32x128xi32, #tpu.memory_space<hbm>>
        tpu.wait_dma2 semaphore(%run_scoped3A : memref<!tpu.dma_semaphore, #tpu.memory_space<semaphore_mem>>) src(%dma_wait3A_159 : memref<32x128xi32, #tpu.memory_space<hbm>>) dst(%dma_wait3A_157 : memref<32x128xi32, #tpu.memory_space<vmem>>)
        tpu.yield
      }) : () -> ()
      %dma_start3A_99 = arith.constant 0 : i32
      %dma_start3A_100 = arith.constant 0 : i32
      %dma_start3A_101 = tpu.memref_slice %arg6[%dma_start3A_99, %dma_start3A_100] : memref<32x128xi32, #tpu.memory_space<vmem>> -> memref<1x128xi32, #tpu.memory_space<vmem>>
      %dma_start3A_102 = tpu.memref_squeeze %dma_start3A_101 : memref<1x128xi32, #tpu.memory_space<vmem>> -> memref<128xi32, #tpu.memory_space<vmem>>
      %dma_start3A_103 = arith.constant 0 : i32
      %dma_start3A_104 = arith.constant 0 : i32
      %dma_start3A_105 = tpu.memref_slice %arg2[%dma_start3A_103, %dma_start3A_104] : memref<10240x128xf32, #tpu.memory_space<hbm>> -> memref<10240x128xf32, #tpu.memory_space<hbm>>
      tpu.enqueue_indirect_dma source(%dma_start3A_105 : memref<10240x128xf32, #tpu.memory_space<hbm>>) target(%arg8 : memref<128x128xf32, #tpu.memory_space<vmem>>) offsets(%dma_start3A_102 : memref<128xi32, #tpu.memory_space<vmem>>) semaphore(%arg11 : memref<!tpu.dma_semaphore, #tpu.memory_space<semaphore_mem>>)
      %dma_start3A_106 = arith.constant 1 : i32
      %dma_start3A_107 = arith.constant 0 : i32
      %dma_start3A_108 = tpu.memref_slice %arg6[%dma_start3A_106, %dma_start3A_107] : memref<32x128xi32, #tpu.memory_space<vmem>> -> memref<1x128xi32, #tpu.memory_space<vmem>>
      %dma_start3A_109 = tpu.memref_squeeze %dma_start3A_108 : memref<1x128xi32, #tpu.memory_space<vmem>> -> memref<128xi32, #tpu.memory_space<vmem>>
      %dma_start3A_110 = arith.constant 0 : i32
      %dma_start3A_111 = arith.constant 0 : i32
      %dma_start3A_112 = tpu.memref_slice %arg2[%dma_start3A_110, %dma_start3A_111] : memref<10240x128xf32, #tpu.memory_space<hbm>> -> memref<10240x128xf32, #tpu.memory_space<hbm>>
      tpu.enqueue_indirect_dma source(%dma_start3A_112 : memref<10240x128xf32, #tpu.memory_space<hbm>>) target(%arg9 : memref<128x128xf32, #tpu.memory_space<vmem>>) offsets(%dma_start3A_109 : memref<128xi32, #tpu.memory_space<vmem>>) semaphore(%arg12 : memref<!tpu.dma_semaphore, #tpu.memory_space<semaphore_mem>>)
      %scan3A_113 = arith.constant 0 : i32
      %scan3A_114 = arith.constant 0 : i32
      %scan3A_115 = arith.constant 16 : i32
      %scan3A_116 = arith.addi %scan3A_114, %scan3A_115 : i32
      %scan3A_117 = arith.constant 1 : i32
      scf.for %scan3A_141 = %scan3A_114 to %scan3A_116 step %scan3A_117  : i32 {
        %mul3A_142 = arith.constant 2 : i32
        %mul3A_143 = arith.muli %mul3A_142, %scan3A_141 : i32
        %dma_wait3A = arith.constant 0 : i32
        %dma_wait3A_144 = tpu.memref_slice %arg6[%mul3A_143, %dma_wait3A] : memref<32x128xi32, #tpu.memory_space<vmem>> -> memref<1x128xi32, #tpu.memory_space<vmem>>
        %dma_wait3A_145 = tpu.memref_squeeze %dma_wait3A_144 : memref<1x128xi32, #tpu.memory_space<vmem>> -> memref<128xi32, #tpu.memory_space<vmem>>
        %dma_wait3A_146 = arith.constant 0 : i32
        %dma_wait3A_147 = arith.constant 0 : i32
        %dma_wait3A_148 = tpu.memref_slice %arg2[%dma_wait3A_146, %dma_wait3A_147] : memref<10240x128xf32, #tpu.memory_space<hbm>> -> memref<10240x128xf32, #tpu.memory_space<hbm>>
        tpu.wait_indirect_dma semaphore(%arg11 : memref<!tpu.dma_semaphore, #tpu.memory_space<semaphore_mem>>) src(%dma_wait3A_148 : memref<10240x128xf32, #tpu.memory_space<hbm>>) dst(%arg8 : memref<128x128xf32, #tpu.memory_space<vmem>>)
        %dma_start3A_149 = arith.constant 0 : i32
        %dma_start3A_150 = tpu.memref_slice %arg7[%mul3A_143, %dma_start3A_149] : memref<32x128xi32, #tpu.memory_space<vmem>> -> memref<1x128xi32, #tpu.memory_space<vmem>>
        %dma_start3A_151 = tpu.memref_squeeze %dma_start3A_150 : memref<1x128xi32, #tpu.memory_space<vmem>> -> memref<128xi32, #tpu.memory_space<vmem>>
        %dma_start3A_152 = arith.constant 0 : i32
        %dma_start3A_153 = arith.constant 0 : i32
        %dma_start3A_154 = tpu.memref_slice %arg10[%dma_start3A_152, %dma_start3A_153] : memref<10240x128xf32, #tpu.memory_space<vmem_shared>> -> memref<10240x128xf32, #tpu.memory_space<vmem_shared>>
        tpu.enqueue_indirect_dma source(%arg8 : memref<128x128xf32, #tpu.memory_space<vmem>>) target(%dma_start3A_154 : memref<10240x128xf32, #tpu.memory_space<vmem_shared>>) offsets(%dma_start3A_151 : memref<128xi32, #tpu.memory_space<vmem>>) semaphore(%arg13 : memref<!tpu.dma_semaphore, #tpu.memory_space<semaphore_mem>>) {add = true}
        %add3A_155 = arith.constant 1 : i32
        %add3A_156 = arith.addi %mul3A_143, %add3A_155 : i32
        %dma_wait3A_157 = arith.constant 0 : i32
        %dma_wait3A_158 = tpu.memref_slice %arg6[%add3A_156, %dma_wait3A_157] : memref<32x128xi32, #tpu.memory_space<vmem>> -> memref<1x128xi32, #tpu.memory_space<vmem>>
        %dma_wait3A_159 = tpu.memref_squeeze %dma_wait3A_158 : memref<1x128xi32, #tpu.memory_space<vmem>> -> memref<128xi32, #tpu.memory_space<vmem>>
        %dma_wait3A_160 = arith.constant 0 : i32
        %dma_wait3A_161 = arith.constant 0 : i32
        %dma_wait3A_162 = tpu.memref_slice %arg2[%dma_wait3A_160, %dma_wait3A_161] : memref<10240x128xf32, #tpu.memory_space<hbm>> -> memref<10240x128xf32, #tpu.memory_space<hbm>>
        tpu.wait_indirect_dma semaphore(%arg12 : memref<!tpu.dma_semaphore, #tpu.memory_space<semaphore_mem>>) src(%dma_wait3A_162 : memref<10240x128xf32, #tpu.memory_space<hbm>>) dst(%arg9 : memref<128x128xf32, #tpu.memory_space<vmem>>)
        %add3A_163 = arith.constant 1 : i32
        %add3A_164 = arith.addi %mul3A_143, %add3A_163 : i32
        %dma_start3A_165 = arith.constant 0 : i32
        %dma_start3A_166 = tpu.memref_slice %arg7[%add3A_164, %dma_start3A_165] : memref<32x128xi32, #tpu.memory_space<vmem>> -> memref<1x128xi32, #tpu.memory_space<vmem>>
        %dma_start3A_167 = tpu.memref_squeeze %dma_start3A_166 : memref<1x128xi32, #tpu.memory_space<vmem>> -> memref<128xi32, #tpu.memory_space<vmem>>
        %dma_start3A_168 = arith.constant 0 : i32
        %dma_start3A_169 = arith.constant 0 : i32
        %dma_start3A_170 = tpu.memref_slice %arg10[%dma_start3A_168, %dma_start3A_169] : memref<10240x128xf32, #tpu.memory_space<vmem_shared>> -> memref<10240x128xf32, #tpu.memory_space<vmem_shared>>
        tpu.enqueue_indirect_dma source(%arg9 : memref<128x128xf32, #tpu.memory_space<vmem>>) target(%dma_start3A_170 : memref<10240x128xf32, #tpu.memory_space<vmem_shared>>) offsets(%dma_start3A_167 : memref<128xi32, #tpu.memory_space<vmem>>) semaphore(%arg14 : memref<!tpu.dma_semaphore, #tpu.memory_space<semaphore_mem>>) {add = true}
        %dma_wait3A_171 = arith.constant 0 : i32
        %dma_wait3A_172 = tpu.memref_slice %arg7[%mul3A_143, %dma_wait3A_171] : memref<32x128xi32, #tpu.memory_space<vmem>> -> memref<1x128xi32, #tpu.memory_space<vmem>>
        %dma_wait3A_173 = tpu.memref_squeeze %dma_wait3A_172 : memref<1x128xi32, #tpu.memory_space<vmem>> -> memref<128xi32, #tpu.memory_space<vmem>>
        %dma_wait3A_174 = arith.constant 0 : i32
        %dma_wait3A_175 = arith.constant 0 : i32
        %dma_wait3A_176 = tpu.memref_slice %arg10[%dma_wait3A_174, %dma_wait3A_175] : memref<10240x128xf32, #tpu.memory_space<vmem_shared>> -> memref<10240x128xf32, #tpu.memory_space<vmem_shared>>
        tpu.wait_indirect_dma semaphore(%arg13 : memref<!tpu.dma_semaphore, #tpu.memory_space<semaphore_mem>>) src(%arg8 : memref<128x128xf32, #tpu.memory_space<vmem>>) dst(%dma_wait3A_176 : memref<10240x128xf32, #tpu.memory_space<vmem_shared>>)
        %add3A_177 = arith.constant 2 : i32
        %add3A_178 = arith.addi %mul3A_143, %add3A_177 : i32
        %lt3A = arith.constant 32 : i32
        %lt3A_179 = arith.cmpi slt, %add3A_178, %lt3A : i32
        %convert_element_type3A_180 = arith.extui %lt3A_179 : i1 to i32
        %cond3A_181 = arith.constant 0 : i32
        %cond3A_182 = arith.cmpi ne, %convert_element_type3A_180, %cond3A_181 : i32
        scf.if %cond3A_182 {
          %add3A_198 = arith.constant 2 : i32
          %add3A_199 = arith.addi %mul3A_143, %add3A_198 : i32
          %dma_start3A_200 = arith.constant 0 : i32
          %dma_start3A_201 = tpu.memref_slice %arg6[%add3A_199, %dma_start3A_200] : memref<32x128xi32, #tpu.memory_space<vmem>> -> memref<1x128xi32, #tpu.memory_space<vmem>>
          %dma_start3A_202 = tpu.memref_squeeze %dma_start3A_201 : memref<1x128xi32, #tpu.memory_space<vmem>> -> memref<128xi32, #tpu.memory_space<vmem>>
          %dma_start3A_203 = arith.constant 0 : i32
          %dma_start3A_204 = arith.constant 0 : i32
          %dma_start3A_205 = tpu.memref_slice %arg2[%dma_start3A_203, %dma_start3A_204] : memref<10240x128xf32, #tpu.memory_space<hbm>> -> memref<10240x128xf32, #tpu.memory_space<hbm>>
          tpu.enqueue_indirect_dma source(%dma_start3A_205 : memref<10240x128xf32, #tpu.memory_space<hbm>>) target(%arg8 : memref<128x128xf32, #tpu.memory_space<vmem>>) offsets(%dma_start3A_202 : memref<128xi32, #tpu.memory_space<vmem>>) semaphore(%arg11 : memref<!tpu.dma_semaphore, #tpu.memory_space<semaphore_mem>>)
        } else {
        }
        %add3A_183 = arith.constant 1 : i32
        %add3A_184 = arith.addi %mul3A_143, %add3A_183 : i32
        %dma_wait3A_185 = arith.constant 0 : i32
        %dma_wait3A_186 = tpu.memref_slice %arg7[%add3A_184, %dma_wait3A_185] : memref<32x128xi32, #tpu.memory_space<vmem>> -> memref<1x128xi32, #tpu.memory_space<vmem>>
        %dma_wait3A_187 = tpu.memref_squeeze %dma_wait3A_186 : memref<1x128xi32, #tpu.memory_space<vmem>> -> memref<128xi32, #tpu.memory_space<vmem>>
        %dma_wait3A_188 = arith.constant 0 : i32
        %dma_wait3A_189 = arith.constant 0 : i32
        %dma_wait3A_190 = tpu.memref_slice %arg10[%dma_wait3A_188, %dma_wait3A_189] : memref<10240x128xf32, #tpu.memory_space<vmem_shared>> -> memref<10240x128xf32, #tpu.memory_space<vmem_shared>>
        tpu.wait_indirect_dma semaphore(%arg14 : memref<!tpu.dma_semaphore, #tpu.memory_space<semaphore_mem>>) src(%arg9 : memref<128x128xf32, #tpu.memory_space<vmem>>) dst(%dma_wait3A_190 : memref<10240x128xf32, #tpu.memory_space<vmem_shared>>)
        %add3A_191 = arith.constant 3 : i32
        %add3A_192 = arith.addi %mul3A_143, %add3A_191 : i32
        %lt3A_193 = arith.constant 32 : i32
        %lt3A_194 = arith.cmpi slt, %add3A_192, %lt3A_193 : i32
        %convert_element_type3A_195 = arith.extui %lt3A_194 : i1 to i32
        %cond3A_196 = arith.constant 0 : i32
        %cond3A_197 = arith.cmpi ne, %convert_element_type3A_195, %cond3A_196 : i32
        scf.if %cond3A_197 {
          %add3A_198 = arith.constant 3 : i32
          %add3A_199 = arith.addi %mul3A_143, %add3A_198 : i32
          %dma_start3A_200 = arith.constant 0 : i32
          %dma_start3A_201 = tpu.memref_slice %arg6[%add3A_199, %dma_start3A_200] : memref<32x128xi32, #tpu.memory_space<vmem>> -> memref<1x128xi32, #tpu.memory_space<vmem>>
          %dma_start3A_202 = tpu.memref_squeeze %dma_start3A_201 : memref<1x128xi32, #tpu.memory_space<vmem>> -> memref<128xi32, #tpu.memory_space<vmem>>
          %dma_start3A_203 = arith.constant 0 : i32
          %dma_start3A_204 = arith.constant 0 : i32
          %dma_start3A_205 = tpu.memref_slice %arg2[%dma_start3A_203, %dma_start3A_204] : memref<10240x128xf32, #tpu.memory_space<hbm>> -> memref<10240x128xf32, #tpu.memory_space<hbm>>
          tpu.enqueue_indirect_dma source(%dma_start3A_205 : memref<10240x128xf32, #tpu.memory_space<hbm>>) target(%arg9 : memref<128x128xf32, #tpu.memory_space<vmem>>) offsets(%dma_start3A_202 : memref<128xi32, #tpu.memory_space<vmem>>) semaphore(%arg12 : memref<!tpu.dma_semaphore, #tpu.memory_space<semaphore_mem>>)
        } else {
        }
      }
      %scan3A_118 = arith.constant 16 : i32
      %add3A_119 = arith.constant 128 : i32
      %add3A_120 = arith.addi %select_n3A, %add3A_119 : i32
      "tpu.region"() ({
        %run_scoped3A = tpu.sem_alloc : memref<!tpu.dma_semaphore, #tpu.memory_space<semaphore_mem>>
        %dma_start3A_141 = arith.constant 0 : i32
        %dma_start3A_142 = arith.constant 0 : i32
        %dma_start3A_143 = tpu.memref_slice %arg6[%dma_start3A_141, %dma_start3A_142] : memref<32x128xi32, #tpu.memory_space<vmem>> -> memref<24x128xi32, #tpu.memory_space<vmem>>
        %dma_start3A_144 = arith.constant 0 : i32
        %dma_start3A_145 = tpu.memref_slice %arg3[%add3A_120, %dma_start3A_144] : memref<2560x128xi32, #tpu.memory_space<hbm>> -> memref<24x128xi32, #tpu.memory_space<hbm>>
        %dma_start3A_146 = arith.constant 0 : i32
        %dma_start3A_147 = arith.constant 0 : i32
        %dma_start3A_148 = tpu.memref_slice %arg6[%dma_start3A_146, %dma_start3A_147] : memref<32x128xi32, #tpu.memory_space<vmem>> -> memref<24x128xi32, #tpu.memory_space<vmem>>
        %dma_start3A_149 = arith.constant 0 : i32
        %dma_start3A_150 = tpu.memref_slice %arg3[%add3A_120, %dma_start3A_149] : memref<2560x128xi32, #tpu.memory_space<hbm>> -> memref<24x128xi32, #tpu.memory_space<hbm>>
        tpu.enqueue_dma source(%dma_start3A_150 : memref<24x128xi32, #tpu.memory_space<hbm>>) target(%dma_start3A_148 : memref<24x128xi32, #tpu.memory_space<vmem>>) target_semaphore(%run_scoped3A : memref<!tpu.dma_semaphore, #tpu.memory_space<semaphore_mem>>)
        %dma_wait3A = arith.constant 0 : i32
        %dma_wait3A_151 = arith.constant 0 : i32
        %dma_wait3A_152 = tpu.memref_slice %arg6[%dma_wait3A, %dma_wait3A_151] : memref<32x128xi32, #tpu.memory_space<vmem>> -> memref<24x128xi32, #tpu.memory_space<vmem>>
        %dma_wait3A_153 = arith.constant 0 : i32
        %dma_wait3A_154 = tpu.memref_slice %arg3[%add3A_120, %dma_wait3A_153] : memref<2560x128xi32, #tpu.memory_space<hbm>> -> memref<24x128xi32, #tpu.memory_space<hbm>>
        %dma_wait3A_155 = arith.constant 0 : i32
        %dma_wait3A_156 = arith.constant 0 : i32
        %dma_wait3A_157 = tpu.memref_slice %arg6[%dma_wait3A_155, %dma_wait3A_156] : memref<32x128xi32, #tpu.memory_space<vmem>> -> memref<24x128xi32, #tpu.memory_space<vmem>>
        %dma_wait3A_158 = arith.constant 0 : i32
        %dma_wait3A_159 = tpu.memref_slice %arg3[%add3A_120, %dma_wait3A_158] : memref<2560x128xi32, #tpu.memory_space<hbm>> -> memref<24x128xi32, #tpu.memory_space<hbm>>
        tpu.wait_dma2 semaphore(%run_scoped3A : memref<!tpu.dma_semaphore, #tpu.memory_space<semaphore_mem>>) src(%dma_wait3A_159 : memref<24x128xi32, #tpu.memory_space<hbm>>) dst(%dma_wait3A_157 : memref<24x128xi32, #tpu.memory_space<vmem>>)
        tpu.yield
      }) : () -> ()
      "tpu.region"() ({
        %run_scoped3A = tpu.sem_alloc : memref<!tpu.dma_semaphore, #tpu.memory_space<semaphore_mem>>
        %dma_start3A_141 = arith.constant 0 : i32
        %dma_start3A_142 = arith.constant 0 : i32
        %dma_start3A_143 = tpu.memref_slice %arg7[%dma_start3A_141, %dma_start3A_142] : memref<32x128xi32, #tpu.memory_space<vmem>> -> memref<24x128xi32, #tpu.memory_space<vmem>>
        %dma_start3A_144 = arith.constant 0 : i32
        %dma_start3A_145 = tpu.memref_slice %arg4[%add3A_120, %dma_start3A_144] : memref<2560x128xi32, #tpu.memory_space<hbm>> -> memref<24x128xi32, #tpu.memory_space<hbm>>
        %dma_start3A_146 = arith.constant 0 : i32
        %dma_start3A_147 = arith.constant 0 : i32
        %dma_start3A_148 = tpu.memref_slice %arg7[%dma_start3A_146, %dma_start3A_147] : memref<32x128xi32, #tpu.memory_space<vmem>> -> memref<24x128xi32, #tpu.memory_space<vmem>>
        %dma_start3A_149 = arith.constant 0 : i32
        %dma_start3A_150 = tpu.memref_slice %arg4[%add3A_120, %dma_start3A_149] : memref<2560x128xi32, #tpu.memory_space<hbm>> -> memref<24x128xi32, #tpu.memory_space<hbm>>
        tpu.enqueue_dma source(%dma_start3A_150 : memref<24x128xi32, #tpu.memory_space<hbm>>) target(%dma_start3A_148 : memref<24x128xi32, #tpu.memory_space<vmem>>) target_semaphore(%run_scoped3A : memref<!tpu.dma_semaphore, #tpu.memory_space<semaphore_mem>>)
        %dma_wait3A = arith.constant 0 : i32
        %dma_wait3A_151 = arith.constant 0 : i32
        %dma_wait3A_152 = tpu.memref_slice %arg7[%dma_wait3A, %dma_wait3A_151] : memref<32x128xi32, #tpu.memory_space<vmem>> -> memref<24x128xi32, #tpu.memory_space<vmem>>
        %dma_wait3A_153 = arith.constant 0 : i32
        %dma_wait3A_154 = tpu.memref_slice %arg4[%add3A_120, %dma_wait3A_153] : memref<2560x128xi32, #tpu.memory_space<hbm>> -> memref<24x128xi32, #tpu.memory_space<hbm>>
        %dma_wait3A_155 = arith.constant 0 : i32
        %dma_wait3A_156 = arith.constant 0 : i32
        %dma_wait3A_157 = tpu.memref_slice %arg7[%dma_wait3A_155, %dma_wait3A_156] : memref<32x128xi32, #tpu.memory_space<vmem>> -> memref<24x128xi32, #tpu.memory_space<vmem>>
        %dma_wait3A_158 = arith.constant 0 : i32
        %dma_wait3A_159 = tpu.memref_slice %arg4[%add3A_120, %dma_wait3A_158] : memref<2560x128xi32, #tpu.memory_space<hbm>> -> memref<24x128xi32, #tpu.memory_space<hbm>>
        tpu.wait_dma2 semaphore(%run_scoped3A : memref<!tpu.dma_semaphore, #tpu.memory_space<semaphore_mem>>) src(%dma_wait3A_159 : memref<24x128xi32, #tpu.memory_space<hbm>>) dst(%dma_wait3A_157 : memref<24x128xi32, #tpu.memory_space<vmem>>)
        tpu.yield
      }) : () -> ()
      %dma_start3A_121 = arith.constant 0 : i32
      %dma_start3A_122 = arith.constant 0 : i32
      %dma_start3A_123 = tpu.memref_slice %arg6[%dma_start3A_121, %dma_start3A_122] : memref<32x128xi32, #tpu.memory_space<vmem>> -> memref<1x128xi32, #tpu.memory_space<vmem>>
      %dma_start3A_124 = tpu.memref_squeeze %dma_start3A_123 : memref<1x128xi32, #tpu.memory_space<vmem>> -> memref<128xi32, #tpu.memory_space<vmem>>
      %dma_start3A_125 = arith.constant 0 : i32
      %dma_start3A_126 = arith.constant 0 : i32
      %dma_start3A_127 = tpu.memref_slice %arg2[%dma_start3A_125, %dma_start3A_126] : memref<10240x128xf32, #tpu.memory_space<hbm>> -> memref<10240x128xf32, #tpu.memory_space<hbm>>
      tpu.enqueue_indirect_dma source(%dma_start3A_127 : memref<10240x128xf32, #tpu.memory_space<hbm>>) target(%arg8 : memref<128x128xf32, #tpu.memory_space<vmem>>) offsets(%dma_start3A_124 : memref<128xi32, #tpu.memory_space<vmem>>) semaphore(%arg11 : memref<!tpu.dma_semaphore, #tpu.memory_space<semaphore_mem>>)
      %dma_start3A_128 = arith.constant 1 : i32
      %dma_start3A_129 = arith.constant 0 : i32
      %dma_start3A_130 = tpu.memref_slice %arg6[%dma_start3A_128, %dma_start3A_129] : memref<32x128xi32, #tpu.memory_space<vmem>> -> memref<1x128xi32, #tpu.memory_space<vmem>>
      %dma_start3A_131 = tpu.memref_squeeze %dma_start3A_130 : memref<1x128xi32, #tpu.memory_space<vmem>> -> memref<128xi32, #tpu.memory_space<vmem>>
      %dma_start3A_132 = arith.constant 0 : i32
      %dma_start3A_133 = arith.constant 0 : i32
      %dma_start3A_134 = tpu.memref_slice %arg2[%dma_start3A_132, %dma_start3A_133] : memref<10240x128xf32, #tpu.memory_space<hbm>> -> memref<10240x128xf32, #tpu.memory_space<hbm>>
      tpu.enqueue_indirect_dma source(%dma_start3A_134 : memref<10240x128xf32, #tpu.memory_space<hbm>>) target(%arg9 : memref<128x128xf32, #tpu.memory_space<vmem>>) offsets(%dma_start3A_131 : memref<128xi32, #tpu.memory_space<vmem>>) semaphore(%arg12 : memref<!tpu.dma_semaphore, #tpu.memory_space<semaphore_mem>>)
      %scan3A_135 = arith.constant 0 : i32
      %scan3A_136 = arith.constant 0 : i32
      %scan3A_137 = arith.constant 12 : i32
      %scan3A_138 = arith.addi %scan3A_136, %scan3A_137 : i32
      %scan3A_139 = arith.constant 1 : i32
      scf.for %scan3A_141 = %scan3A_136 to %scan3A_138 step %scan3A_139  : i32 {
        %mul3A_142 = arith.constant 2 : i32
        %mul3A_143 = arith.muli %mul3A_142, %scan3A_141 : i32
        %dma_wait3A = arith.constant 0 : i32
        %dma_wait3A_144 = tpu.memref_slice %arg6[%mul3A_143, %dma_wait3A] : memref<32x128xi32, #tpu.memory_space<vmem>> -> memref<1x128xi32, #tpu.memory_space<vmem>>
        %dma_wait3A_145 = tpu.memref_squeeze %dma_wait3A_144 : memref<1x128xi32, #tpu.memory_space<vmem>> -> memref<128xi32, #tpu.memory_space<vmem>>
        %dma_wait3A_146 = arith.constant 0 : i32
        %dma_wait3A_147 = arith.constant 0 : i32
        %dma_wait3A_148 = tpu.memref_slice %arg2[%dma_wait3A_146, %dma_wait3A_147] : memref<10240x128xf32, #tpu.memory_space<hbm>> -> memref<10240x128xf32, #tpu.memory_space<hbm>>
        tpu.wait_indirect_dma semaphore(%arg11 : memref<!tpu.dma_semaphore, #tpu.memory_space<semaphore_mem>>) src(%dma_wait3A_148 : memref<10240x128xf32, #tpu.memory_space<hbm>>) dst(%arg8 : memref<128x128xf32, #tpu.memory_space<vmem>>)
        %dma_start3A_149 = arith.constant 0 : i32
        %dma_start3A_150 = tpu.memref_slice %arg7[%mul3A_143, %dma_start3A_149] : memref<32x128xi32, #tpu.memory_space<vmem>> -> memref<1x128xi32, #tpu.memory_space<vmem>>
        %dma_start3A_151 = tpu.memref_squeeze %dma_start3A_150 : memref<1x128xi32, #tpu.memory_space<vmem>> -> memref<128xi32, #tpu.memory_space<vmem>>
        %dma_start3A_152 = arith.constant 0 : i32
        %dma_start3A_153 = arith.constant 0 : i32
        %dma_start3A_154 = tpu.memref_slice %arg10[%dma_start3A_152, %dma_start3A_153] : memref<10240x128xf32, #tpu.memory_space<vmem_shared>> -> memref<10240x128xf32, #tpu.memory_space<vmem_shared>>
        tpu.enqueue_indirect_dma source(%arg8 : memref<128x128xf32, #tpu.memory_space<vmem>>) target(%dma_start3A_154 : memref<10240x128xf32, #tpu.memory_space<vmem_shared>>) offsets(%dma_start3A_151 : memref<128xi32, #tpu.memory_space<vmem>>) semaphore(%arg13 : memref<!tpu.dma_semaphore, #tpu.memory_space<semaphore_mem>>) {add = true}
        %add3A_155 = arith.constant 1 : i32
        %add3A_156 = arith.addi %mul3A_143, %add3A_155 : i32
        %dma_wait3A_157 = arith.constant 0 : i32
        %dma_wait3A_158 = tpu.memref_slice %arg6[%add3A_156, %dma_wait3A_157] : memref<32x128xi32, #tpu.memory_space<vmem>> -> memref<1x128xi32, #tpu.memory_space<vmem>>
        %dma_wait3A_159 = tpu.memref_squeeze %dma_wait3A_158 : memref<1x128xi32, #tpu.memory_space<vmem>> -> memref<128xi32, #tpu.memory_space<vmem>>
        %dma_wait3A_160 = arith.constant 0 : i32
        %dma_wait3A_161 = arith.constant 0 : i32
        %dma_wait3A_162 = tpu.memref_slice %arg2[%dma_wait3A_160, %dma_wait3A_161] : memref<10240x128xf32, #tpu.memory_space<hbm>> -> memref<10240x128xf32, #tpu.memory_space<hbm>>
        tpu.wait_indirect_dma semaphore(%arg12 : memref<!tpu.dma_semaphore, #tpu.memory_space<semaphore_mem>>) src(%dma_wait3A_162 : memref<10240x128xf32, #tpu.memory_space<hbm>>) dst(%arg9 : memref<128x128xf32, #tpu.memory_space<vmem>>)
        %add3A_163 = arith.constant 1 : i32
        %add3A_164 = arith.addi %mul3A_143, %add3A_163 : i32
        %dma_start3A_165 = arith.constant 0 : i32
        %dma_start3A_166 = tpu.memref_slice %arg7[%add3A_164, %dma_start3A_165] : memref<32x128xi32, #tpu.memory_space<vmem>> -> memref<1x128xi32, #tpu.memory_space<vmem>>
        %dma_start3A_167 = tpu.memref_squeeze %dma_start3A_166 : memref<1x128xi32, #tpu.memory_space<vmem>> -> memref<128xi32, #tpu.memory_space<vmem>>
        %dma_start3A_168 = arith.constant 0 : i32
        %dma_start3A_169 = arith.constant 0 : i32
        %dma_start3A_170 = tpu.memref_slice %arg10[%dma_start3A_168, %dma_start3A_169] : memref<10240x128xf32, #tpu.memory_space<vmem_shared>> -> memref<10240x128xf32, #tpu.memory_space<vmem_shared>>
        tpu.enqueue_indirect_dma source(%arg9 : memref<128x128xf32, #tpu.memory_space<vmem>>) target(%dma_start3A_170 : memref<10240x128xf32, #tpu.memory_space<vmem_shared>>) offsets(%dma_start3A_167 : memref<128xi32, #tpu.memory_space<vmem>>) semaphore(%arg14 : memref<!tpu.dma_semaphore, #tpu.memory_space<semaphore_mem>>) {add = true}
        %dma_wait3A_171 = arith.constant 0 : i32
        %dma_wait3A_172 = tpu.memref_slice %arg7[%mul3A_143, %dma_wait3A_171] : memref<32x128xi32, #tpu.memory_space<vmem>> -> memref<1x128xi32, #tpu.memory_space<vmem>>
        %dma_wait3A_173 = tpu.memref_squeeze %dma_wait3A_172 : memref<1x128xi32, #tpu.memory_space<vmem>> -> memref<128xi32, #tpu.memory_space<vmem>>
        %dma_wait3A_174 = arith.constant 0 : i32
        %dma_wait3A_175 = arith.constant 0 : i32
        %dma_wait3A_176 = tpu.memref_slice %arg10[%dma_wait3A_174, %dma_wait3A_175] : memref<10240x128xf32, #tpu.memory_space<vmem_shared>> -> memref<10240x128xf32, #tpu.memory_space<vmem_shared>>
        tpu.wait_indirect_dma semaphore(%arg13 : memref<!tpu.dma_semaphore, #tpu.memory_space<semaphore_mem>>) src(%arg8 : memref<128x128xf32, #tpu.memory_space<vmem>>) dst(%dma_wait3A_176 : memref<10240x128xf32, #tpu.memory_space<vmem_shared>>)
        %add3A_177 = arith.constant 2 : i32
        %add3A_178 = arith.addi %mul3A_143, %add3A_177 : i32
        %lt3A = arith.constant 24 : i32
        %lt3A_179 = arith.cmpi slt, %add3A_178, %lt3A : i32
        %convert_element_type3A_180 = arith.extui %lt3A_179 : i1 to i32
        %cond3A_181 = arith.constant 0 : i32
        %cond3A_182 = arith.cmpi ne, %convert_element_type3A_180, %cond3A_181 : i32
        scf.if %cond3A_182 {
          %add3A_198 = arith.constant 2 : i32
          %add3A_199 = arith.addi %mul3A_143, %add3A_198 : i32
          %dma_start3A_200 = arith.constant 0 : i32
          %dma_start3A_201 = tpu.memref_slice %arg6[%add3A_199, %dma_start3A_200] : memref<32x128xi32, #tpu.memory_space<vmem>> -> memref<1x128xi32, #tpu.memory_space<vmem>>
          %dma_start3A_202 = tpu.memref_squeeze %dma_start3A_201 : memref<1x128xi32, #tpu.memory_space<vmem>> -> memref<128xi32, #tpu.memory_space<vmem>>
          %dma_start3A_203 = arith.constant 0 : i32
          %dma_start3A_204 = arith.constant 0 : i32
          %dma_start3A_205 = tpu.memref_slice %arg2[%dma_start3A_203, %dma_start3A_204] : memref<10240x128xf32, #tpu.memory_space<hbm>> -> memref<10240x128xf32, #tpu.memory_space<hbm>>
          tpu.enqueue_indirect_dma source(%dma_start3A_205 : memref<10240x128xf32, #tpu.memory_space<hbm>>) target(%arg8 : memref<128x128xf32, #tpu.memory_space<vmem>>) offsets(%dma_start3A_202 : memref<128xi32, #tpu.memory_space<vmem>>) semaphore(%arg11 : memref<!tpu.dma_semaphore, #tpu.memory_space<semaphore_mem>>)
        } else {
        }
        %add3A_183 = arith.constant 1 : i32
        %add3A_184 = arith.addi %mul3A_143, %add3A_183 : i32
        %dma_wait3A_185 = arith.constant 0 : i32
        %dma_wait3A_186 = tpu.memref_slice %arg7[%add3A_184, %dma_wait3A_185] : memref<32x128xi32, #tpu.memory_space<vmem>> -> memref<1x128xi32, #tpu.memory_space<vmem>>
        %dma_wait3A_187 = tpu.memref_squeeze %dma_wait3A_186 : memref<1x128xi32, #tpu.memory_space<vmem>> -> memref<128xi32, #tpu.memory_space<vmem>>
        %dma_wait3A_188 = arith.constant 0 : i32
        %dma_wait3A_189 = arith.constant 0 : i32
        %dma_wait3A_190 = tpu.memref_slice %arg10[%dma_wait3A_188, %dma_wait3A_189] : memref<10240x128xf32, #tpu.memory_space<vmem_shared>> -> memref<10240x128xf32, #tpu.memory_space<vmem_shared>>
        tpu.wait_indirect_dma semaphore(%arg14 : memref<!tpu.dma_semaphore, #tpu.memory_space<semaphore_mem>>) src(%arg9 : memref<128x128xf32, #tpu.memory_space<vmem>>) dst(%dma_wait3A_190 : memref<10240x128xf32, #tpu.memory_space<vmem_shared>>)
        %add3A_191 = arith.constant 3 : i32
        %add3A_192 = arith.addi %mul3A_143, %add3A_191 : i32
        %lt3A_193 = arith.constant 24 : i32
        %lt3A_194 = arith.cmpi slt, %add3A_192, %lt3A_193 : i32
        %convert_element_type3A_195 = arith.extui %lt3A_194 : i1 to i32
        %cond3A_196 = arith.constant 0 : i32
        %cond3A_197 = arith.cmpi ne, %convert_element_type3A_195, %cond3A_196 : i32
        scf.if %cond3A_197 {
          %add3A_198 = arith.constant 3 : i32
          %add3A_199 = arith.addi %mul3A_143, %add3A_198 : i32
          %dma_start3A_200 = arith.constant 0 : i32
          %dma_start3A_201 = tpu.memref_slice %arg6[%add3A_199, %dma_start3A_200] : memref<32x128xi32, #tpu.memory_space<vmem>> -> memref<1x128xi32, #tpu.memory_space<vmem>>
          %dma_start3A_202 = tpu.memref_squeeze %dma_start3A_201 : memref<1x128xi32, #tpu.memory_space<vmem>> -> memref<128xi32, #tpu.memory_space<vmem>>
          %dma_start3A_203 = arith.constant 0 : i32
          %dma_start3A_204 = arith.constant 0 : i32
          %dma_start3A_205 = tpu.memref_slice %arg2[%dma_start3A_203, %dma_start3A_204] : memref<10240x128xf32, #tpu.memory_space<hbm>> -> memref<10240x128xf32, #tpu.memory_space<hbm>>
          tpu.enqueue_indirect_dma source(%dma_start3A_205 : memref<10240x128xf32, #tpu.memory_space<hbm>>) target(%arg9 : memref<128x128xf32, #tpu.memory_space<vmem>>) offsets(%dma_start3A_202 : memref<128xi32, #tpu.memory_space<vmem>>) semaphore(%arg12 : memref<!tpu.dma_semaphore, #tpu.memory_space<semaphore_mem>>)
        } else {
        }
      }
      %scan3A_140 = arith.constant 12 : i32
    } else {
    }
    %eq3A_26 = arith.constant 1 : i32
    %eq3A_27 = arith.cmpi eq, %arg0, %eq3A_26 : i32
    %convert_element_type3A_28 = arith.extui %eq3A_27 : i1 to i32
    %cond3A_29 = arith.constant 0 : i32
    %cond3A_30 = arith.cmpi ne, %convert_element_type3A_28, %cond3A_29 : i32
    scf.if %cond3A_30 {
      %add3A_32 = arith.constant 0 : i32
      %add3A_33 = arith.addi %select_n3A, %add3A_32 : i32
      "tpu.region"() ({
        %run_scoped3A = tpu.sem_alloc : memref<!tpu.dma_semaphore, #tpu.memory_space<semaphore_mem>>
        %dma_start3A_53 = arith.constant 0 : i32
        %dma_start3A_54 = arith.constant 0 : i32
        %dma_start3A_55 = tpu.memref_slice %arg6[%dma_start3A_53, %dma_start3A_54] : memref<32x128xi32, #tpu.memory_space<vmem>> -> memref<8x128xi32, #tpu.memory_space<vmem>>
        %dma_start3A_56 = arith.constant 0 : i32
        %dma_start3A_57 = tpu.memref_slice %arg3[%add3A_33, %dma_start3A_56] : memref<2560x128xi32, #tpu.memory_space<hbm>> -> memref<8x128xi32, #tpu.memory_space<hbm>>
        %dma_start3A_58 = arith.constant 0 : i32
        %dma_start3A_59 = arith.constant 0 : i32
        %dma_start3A_60 = tpu.memref_slice %arg6[%dma_start3A_58, %dma_start3A_59] : memref<32x128xi32, #tpu.memory_space<vmem>> -> memref<8x128xi32, #tpu.memory_space<vmem>>
        %dma_start3A_61 = arith.constant 0 : i32
        %dma_start3A_62 = tpu.memref_slice %arg3[%add3A_33, %dma_start3A_61] : memref<2560x128xi32, #tpu.memory_space<hbm>> -> memref<8x128xi32, #tpu.memory_space<hbm>>
        tpu.enqueue_dma source(%dma_start3A_62 : memref<8x128xi32, #tpu.memory_space<hbm>>) target(%dma_start3A_60 : memref<8x128xi32, #tpu.memory_space<vmem>>) target_semaphore(%run_scoped3A : memref<!tpu.dma_semaphore, #tpu.memory_space<semaphore_mem>>)
        %dma_wait3A = arith.constant 0 : i32
        %dma_wait3A_63 = arith.constant 0 : i32
        %dma_wait3A_64 = tpu.memref_slice %arg6[%dma_wait3A, %dma_wait3A_63] : memref<32x128xi32, #tpu.memory_space<vmem>> -> memref<8x128xi32, #tpu.memory_space<vmem>>
        %dma_wait3A_65 = arith.constant 0 : i32
        %dma_wait3A_66 = tpu.memref_slice %arg3[%add3A_33, %dma_wait3A_65] : memref<2560x128xi32, #tpu.memory_space<hbm>> -> memref<8x128xi32, #tpu.memory_space<hbm>>
        %dma_wait3A_67 = arith.constant 0 : i32
        %dma_wait3A_68 = arith.constant 0 : i32
        %dma_wait3A_69 = tpu.memref_slice %arg6[%dma_wait3A_67, %dma_wait3A_68] : memref<32x128xi32, #tpu.memory_space<vmem>> -> memref<8x128xi32, #tpu.memory_space<vmem>>
        %dma_wait3A_70 = arith.constant 0 : i32
        %dma_wait3A_71 = tpu.memref_slice %arg3[%add3A_33, %dma_wait3A_70] : memref<2560x128xi32, #tpu.memory_space<hbm>> -> memref<8x128xi32, #tpu.memory_space<hbm>>
        tpu.wait_dma2 semaphore(%run_scoped3A : memref<!tpu.dma_semaphore, #tpu.memory_space<semaphore_mem>>) src(%dma_wait3A_71 : memref<8x128xi32, #tpu.memory_space<hbm>>) dst(%dma_wait3A_69 : memref<8x128xi32, #tpu.memory_space<vmem>>)
        tpu.yield
      }) : () -> ()
      "tpu.region"() ({
        %run_scoped3A = tpu.sem_alloc : memref<!tpu.dma_semaphore, #tpu.memory_space<semaphore_mem>>
        %dma_start3A_53 = arith.constant 0 : i32
        %dma_start3A_54 = arith.constant 0 : i32
        %dma_start3A_55 = tpu.memref_slice %arg7[%dma_start3A_53, %dma_start3A_54] : memref<32x128xi32, #tpu.memory_space<vmem>> -> memref<8x128xi32, #tpu.memory_space<vmem>>
        %dma_start3A_56 = arith.constant 0 : i32
        %dma_start3A_57 = tpu.memref_slice %arg4[%add3A_33, %dma_start3A_56] : memref<2560x128xi32, #tpu.memory_space<hbm>> -> memref<8x128xi32, #tpu.memory_space<hbm>>
        %dma_start3A_58 = arith.constant 0 : i32
        %dma_start3A_59 = arith.constant 0 : i32
        %dma_start3A_60 = tpu.memref_slice %arg7[%dma_start3A_58, %dma_start3A_59] : memref<32x128xi32, #tpu.memory_space<vmem>> -> memref<8x128xi32, #tpu.memory_space<vmem>>
        %dma_start3A_61 = arith.constant 0 : i32
        %dma_start3A_62 = tpu.memref_slice %arg4[%add3A_33, %dma_start3A_61] : memref<2560x128xi32, #tpu.memory_space<hbm>> -> memref<8x128xi32, #tpu.memory_space<hbm>>
        tpu.enqueue_dma source(%dma_start3A_62 : memref<8x128xi32, #tpu.memory_space<hbm>>) target(%dma_start3A_60 : memref<8x128xi32, #tpu.memory_space<vmem>>) target_semaphore(%run_scoped3A : memref<!tpu.dma_semaphore, #tpu.memory_space<semaphore_mem>>)
        %dma_wait3A = arith.constant 0 : i32
        %dma_wait3A_63 = arith.constant 0 : i32
        %dma_wait3A_64 = tpu.memref_slice %arg7[%dma_wait3A, %dma_wait3A_63] : memref<32x128xi32, #tpu.memory_space<vmem>> -> memref<8x128xi32, #tpu.memory_space<vmem>>
        %dma_wait3A_65 = arith.constant 0 : i32
        %dma_wait3A_66 = tpu.memref_slice %arg4[%add3A_33, %dma_wait3A_65] : memref<2560x128xi32, #tpu.memory_space<hbm>> -> memref<8x128xi32, #tpu.memory_space<hbm>>
        %dma_wait3A_67 = arith.constant 0 : i32
        %dma_wait3A_68 = arith.constant 0 : i32
        %dma_wait3A_69 = tpu.memref_slice %arg7[%dma_wait3A_67, %dma_wait3A_68] : memref<32x128xi32, #tpu.memory_space<vmem>> -> memref<8x128xi32, #tpu.memory_space<vmem>>
        %dma_wait3A_70 = arith.constant 0 : i32
        %dma_wait3A_71 = tpu.memref_slice %arg4[%add3A_33, %dma_wait3A_70] : memref<2560x128xi32, #tpu.memory_space<hbm>> -> memref<8x128xi32, #tpu.memory_space<hbm>>
        tpu.wait_dma2 semaphore(%run_scoped3A : memref<!tpu.dma_semaphore, #tpu.memory_space<semaphore_mem>>) src(%dma_wait3A_71 : memref<8x128xi32, #tpu.memory_space<hbm>>) dst(%dma_wait3A_69 : memref<8x128xi32, #tpu.memory_space<vmem>>)
        tpu.yield
      }) : () -> ()
      %dma_start3A = arith.constant 0 : i32
      %dma_start3A_34 = arith.constant 0 : i32
      %dma_start3A_35 = tpu.memref_slice %arg6[%dma_start3A, %dma_start3A_34] : memref<32x128xi32, #tpu.memory_space<vmem>> -> memref<1x128xi32, #tpu.memory_space<vmem>>
      %dma_start3A_36 = tpu.memref_squeeze %dma_start3A_35 : memref<1x128xi32, #tpu.memory_space<vmem>> -> memref<128xi32, #tpu.memory_space<vmem>>
      %dma_start3A_37 = arith.constant 0 : i32
      %dma_start3A_38 = arith.constant 0 : i32
      %dma_start3A_39 = tpu.memref_slice %arg2[%dma_start3A_37, %dma_start3A_38] : memref<10240x128xf32, #tpu.memory_space<hbm>> -> memref<10240x128xf32, #tpu.memory_space<hbm>>
      tpu.enqueue_indirect_dma source(%dma_start3A_39 : memref<10240x128xf32, #tpu.memory_space<hbm>>) target(%arg8 : memref<128x128xf32, #tpu.memory_space<vmem>>) offsets(%dma_start3A_36 : memref<128xi32, #tpu.memory_space<vmem>>) semaphore(%arg11 : memref<!tpu.dma_semaphore, #tpu.memory_space<semaphore_mem>>)
      %dma_start3A_40 = arith.constant 1 : i32
      %dma_start3A_41 = arith.constant 0 : i32
      %dma_start3A_42 = tpu.memref_slice %arg6[%dma_start3A_40, %dma_start3A_41] : memref<32x128xi32, #tpu.memory_space<vmem>> -> memref<1x128xi32, #tpu.memory_space<vmem>>
      %dma_start3A_43 = tpu.memref_squeeze %dma_start3A_42 : memref<1x128xi32, #tpu.memory_space<vmem>> -> memref<128xi32, #tpu.memory_space<vmem>>
      %dma_start3A_44 = arith.constant 0 : i32
      %dma_start3A_45 = arith.constant 0 : i32
      %dma_start3A_46 = tpu.memref_slice %arg2[%dma_start3A_44, %dma_start3A_45] : memref<10240x128xf32, #tpu.memory_space<hbm>> -> memref<10240x128xf32, #tpu.memory_space<hbm>>
      tpu.enqueue_indirect_dma source(%dma_start3A_46 : memref<10240x128xf32, #tpu.memory_space<hbm>>) target(%arg9 : memref<128x128xf32, #tpu.memory_space<vmem>>) offsets(%dma_start3A_43 : memref<128xi32, #tpu.memory_space<vmem>>) semaphore(%arg12 : memref<!tpu.dma_semaphore, #tpu.memory_space<semaphore_mem>>)
      %scan3A_47 = arith.constant 0 : i32
      %scan3A_48 = arith.constant 0 : i32
      %scan3A_49 = arith.constant 4 : i32
      %scan3A_50 = arith.addi %scan3A_48, %scan3A_49 : i32
      %scan3A_51 = arith.constant 1 : i32
      scf.for %scan3A_53 = %scan3A_48 to %scan3A_50 step %scan3A_51  : i32 {
        %mul3A_54 = arith.constant 2 : i32
        %mul3A_55 = arith.muli %mul3A_54, %scan3A_53 : i32
        %dma_wait3A = arith.constant 0 : i32
        %dma_wait3A_56 = tpu.memref_slice %arg6[%mul3A_55, %dma_wait3A] : memref<32x128xi32, #tpu.memory_space<vmem>> -> memref<1x128xi32, #tpu.memory_space<vmem>>
        %dma_wait3A_57 = tpu.memref_squeeze %dma_wait3A_56 : memref<1x128xi32, #tpu.memory_space<vmem>> -> memref<128xi32, #tpu.memory_space<vmem>>
        %dma_wait3A_58 = arith.constant 0 : i32
        %dma_wait3A_59 = arith.constant 0 : i32
        %dma_wait3A_60 = tpu.memref_slice %arg2[%dma_wait3A_58, %dma_wait3A_59] : memref<10240x128xf32, #tpu.memory_space<hbm>> -> memref<10240x128xf32, #tpu.memory_space<hbm>>
        tpu.wait_indirect_dma semaphore(%arg11 : memref<!tpu.dma_semaphore, #tpu.memory_space<semaphore_mem>>) src(%dma_wait3A_60 : memref<10240x128xf32, #tpu.memory_space<hbm>>) dst(%arg8 : memref<128x128xf32, #tpu.memory_space<vmem>>)
        %dma_start3A_61 = arith.constant 0 : i32
        %dma_start3A_62 = tpu.memref_slice %arg7[%mul3A_55, %dma_start3A_61] : memref<32x128xi32, #tpu.memory_space<vmem>> -> memref<1x128xi32, #tpu.memory_space<vmem>>
        %dma_start3A_63 = tpu.memref_squeeze %dma_start3A_62 : memref<1x128xi32, #tpu.memory_space<vmem>> -> memref<128xi32, #tpu.memory_space<vmem>>
        %dma_start3A_64 = arith.constant 0 : i32
        %dma_start3A_65 = arith.constant 0 : i32
        %dma_start3A_66 = tpu.memref_slice %arg10[%dma_start3A_64, %dma_start3A_65] : memref<10240x128xf32, #tpu.memory_space<vmem_shared>> -> memref<10240x128xf32, #tpu.memory_space<vmem_shared>>
        tpu.enqueue_indirect_dma source(%arg8 : memref<128x128xf32, #tpu.memory_space<vmem>>) target(%dma_start3A_66 : memref<10240x128xf32, #tpu.memory_space<vmem_shared>>) offsets(%dma_start3A_63 : memref<128xi32, #tpu.memory_space<vmem>>) semaphore(%arg13 : memref<!tpu.dma_semaphore, #tpu.memory_space<semaphore_mem>>) {add = true}
        %add3A_67 = arith.constant 1 : i32
        %add3A_68 = arith.addi %mul3A_55, %add3A_67 : i32
        %dma_wait3A_69 = arith.constant 0 : i32
        %dma_wait3A_70 = tpu.memref_slice %arg6[%add3A_68, %dma_wait3A_69] : memref<32x128xi32, #tpu.memory_space<vmem>> -> memref<1x128xi32, #tpu.memory_space<vmem>>
        %dma_wait3A_71 = tpu.memref_squeeze %dma_wait3A_70 : memref<1x128xi32, #tpu.memory_space<vmem>> -> memref<128xi32, #tpu.memory_space<vmem>>
        %dma_wait3A_72 = arith.constant 0 : i32
        %dma_wait3A_73 = arith.constant 0 : i32
        %dma_wait3A_74 = tpu.memref_slice %arg2[%dma_wait3A_72, %dma_wait3A_73] : memref<10240x128xf32, #tpu.memory_space<hbm>> -> memref<10240x128xf32, #tpu.memory_space<hbm>>
        tpu.wait_indirect_dma semaphore(%arg12 : memref<!tpu.dma_semaphore, #tpu.memory_space<semaphore_mem>>) src(%dma_wait3A_74 : memref<10240x128xf32, #tpu.memory_space<hbm>>) dst(%arg9 : memref<128x128xf32, #tpu.memory_space<vmem>>)
        %add3A_75 = arith.constant 1 : i32
        %add3A_76 = arith.addi %mul3A_55, %add3A_75 : i32
        %dma_start3A_77 = arith.constant 0 : i32
        %dma_start3A_78 = tpu.memref_slice %arg7[%add3A_76, %dma_start3A_77] : memref<32x128xi32, #tpu.memory_space<vmem>> -> memref<1x128xi32, #tpu.memory_space<vmem>>
        %dma_start3A_79 = tpu.memref_squeeze %dma_start3A_78 : memref<1x128xi32, #tpu.memory_space<vmem>> -> memref<128xi32, #tpu.memory_space<vmem>>
        %dma_start3A_80 = arith.constant 0 : i32
        %dma_start3A_81 = arith.constant 0 : i32
        %dma_start3A_82 = tpu.memref_slice %arg10[%dma_start3A_80, %dma_start3A_81] : memref<10240x128xf32, #tpu.memory_space<vmem_shared>> -> memref<10240x128xf32, #tpu.memory_space<vmem_shared>>
        tpu.enqueue_indirect_dma source(%arg9 : memref<128x128xf32, #tpu.memory_space<vmem>>) target(%dma_start3A_82 : memref<10240x128xf32, #tpu.memory_space<vmem_shared>>) offsets(%dma_start3A_79 : memref<128xi32, #tpu.memory_space<vmem>>) semaphore(%arg14 : memref<!tpu.dma_semaphore, #tpu.memory_space<semaphore_mem>>) {add = true}
        %dma_wait3A_83 = arith.constant 0 : i32
        %dma_wait3A_84 = tpu.memref_slice %arg7[%mul3A_55, %dma_wait3A_83] : memref<32x128xi32, #tpu.memory_space<vmem>> -> memref<1x128xi32, #tpu.memory_space<vmem>>
        %dma_wait3A_85 = tpu.memref_squeeze %dma_wait3A_84 : memref<1x128xi32, #tpu.memory_space<vmem>> -> memref<128xi32, #tpu.memory_space<vmem>>
        %dma_wait3A_86 = arith.constant 0 : i32
        %dma_wait3A_87 = arith.constant 0 : i32
        %dma_wait3A_88 = tpu.memref_slice %arg10[%dma_wait3A_86, %dma_wait3A_87] : memref<10240x128xf32, #tpu.memory_space<vmem_shared>> -> memref<10240x128xf32, #tpu.memory_space<vmem_shared>>
        tpu.wait_indirect_dma semaphore(%arg13 : memref<!tpu.dma_semaphore, #tpu.memory_space<semaphore_mem>>) src(%arg8 : memref<128x128xf32, #tpu.memory_space<vmem>>) dst(%dma_wait3A_88 : memref<10240x128xf32, #tpu.memory_space<vmem_shared>>)
        %add3A_89 = arith.constant 2 : i32
        %add3A_90 = arith.addi %mul3A_55, %add3A_89 : i32
        %lt3A = arith.constant 8 : i32
        %lt3A_91 = arith.cmpi slt, %add3A_90, %lt3A : i32
        %convert_element_type3A_92 = arith.extui %lt3A_91 : i1 to i32
        %cond3A_93 = arith.constant 0 : i32
        %cond3A_94 = arith.cmpi ne, %convert_element_type3A_92, %cond3A_93 : i32
        scf.if %cond3A_94 {
          %add3A_110 = arith.constant 2 : i32
          %add3A_111 = arith.addi %mul3A_55, %add3A_110 : i32
          %dma_start3A_112 = arith.constant 0 : i32
          %dma_start3A_113 = tpu.memref_slice %arg6[%add3A_111, %dma_start3A_112] : memref<32x128xi32, #tpu.memory_space<vmem>> -> memref<1x128xi32, #tpu.memory_space<vmem>>
          %dma_start3A_114 = tpu.memref_squeeze %dma_start3A_113 : memref<1x128xi32, #tpu.memory_space<vmem>> -> memref<128xi32, #tpu.memory_space<vmem>>
          %dma_start3A_115 = arith.constant 0 : i32
          %dma_start3A_116 = arith.constant 0 : i32
          %dma_start3A_117 = tpu.memref_slice %arg2[%dma_start3A_115, %dma_start3A_116] : memref<10240x128xf32, #tpu.memory_space<hbm>> -> memref<10240x128xf32, #tpu.memory_space<hbm>>
          tpu.enqueue_indirect_dma source(%dma_start3A_117 : memref<10240x128xf32, #tpu.memory_space<hbm>>) target(%arg8 : memref<128x128xf32, #tpu.memory_space<vmem>>) offsets(%dma_start3A_114 : memref<128xi32, #tpu.memory_space<vmem>>) semaphore(%arg11 : memref<!tpu.dma_semaphore, #tpu.memory_space<semaphore_mem>>)
        } else {
        }
        %add3A_95 = arith.constant 1 : i32
        %add3A_96 = arith.addi %mul3A_55, %add3A_95 : i32
        %dma_wait3A_97 = arith.constant 0 : i32
        %dma_wait3A_98 = tpu.memref_slice %arg7[%add3A_96, %dma_wait3A_97] : memref<32x128xi32, #tpu.memory_space<vmem>> -> memref<1x128xi32, #tpu.memory_space<vmem>>
        %dma_wait3A_99 = tpu.memref_squeeze %dma_wait3A_98 : memref<1x128xi32, #tpu.memory_space<vmem>> -> memref<128xi32, #tpu.memory_space<vmem>>
        %dma_wait3A_100 = arith.constant 0 : i32
        %dma_wait3A_101 = arith.constant 0 : i32
        %dma_wait3A_102 = tpu.memref_slice %arg10[%dma_wait3A_100, %dma_wait3A_101] : memref<10240x128xf32, #tpu.memory_space<vmem_shared>> -> memref<10240x128xf32, #tpu.memory_space<vmem_shared>>
        tpu.wait_indirect_dma semaphore(%arg14 : memref<!tpu.dma_semaphore, #tpu.memory_space<semaphore_mem>>) src(%arg9 : memref<128x128xf32, #tpu.memory_space<vmem>>) dst(%dma_wait3A_102 : memref<10240x128xf32, #tpu.memory_space<vmem_shared>>)
        %add3A_103 = arith.constant 3 : i32
        %add3A_104 = arith.addi %mul3A_55, %add3A_103 : i32
        %lt3A_105 = arith.constant 8 : i32
        %lt3A_106 = arith.cmpi slt, %add3A_104, %lt3A_105 : i32
        %convert_element_type3A_107 = arith.extui %lt3A_106 : i1 to i32
        %cond3A_108 = arith.constant 0 : i32
        %cond3A_109 = arith.cmpi ne, %convert_element_type3A_107, %cond3A_108 : i32
        scf.if %cond3A_109 {
          %add3A_110 = arith.constant 3 : i32
          %add3A_111 = arith.addi %mul3A_55, %add3A_110 : i32
          %dma_start3A_112 = arith.constant 0 : i32
          %dma_start3A_113 = tpu.memref_slice %arg6[%add3A_111, %dma_start3A_112] : memref<32x128xi32, #tpu.memory_space<vmem>> -> memref<1x128xi32, #tpu.memory_space<vmem>>
          %dma_start3A_114 = tpu.memref_squeeze %dma_start3A_113 : memref<1x128xi32, #tpu.memory_space<vmem>> -> memref<128xi32, #tpu.memory_space<vmem>>
          %dma_start3A_115 = arith.constant 0 : i32
          %dma_start3A_116 = arith.constant 0 : i32
          %dma_start3A_117 = tpu.memref_slice %arg2[%dma_start3A_115, %dma_start3A_116] : memref<10240x128xf32, #tpu.memory_space<hbm>> -> memref<10240x128xf32, #tpu.memory_space<hbm>>
          tpu.enqueue_indirect_dma source(%dma_start3A_117 : memref<10240x128xf32, #tpu.memory_space<hbm>>) target(%arg9 : memref<128x128xf32, #tpu.memory_space<vmem>>) offsets(%dma_start3A_114 : memref<128xi32, #tpu.memory_space<vmem>>) semaphore(%arg12 : memref<!tpu.dma_semaphore, #tpu.memory_space<semaphore_mem>>)
        } else {
        }
      }
      %scan3A_52 = arith.constant 4 : i32
    } else {
    }
    %barrier3A_31 = arith.constant 0 : index
    tpu.barrier barrier_id(%barrier3A_31)
    "tpu.region"() ({
      %run_scoped3A = tpu.sem_alloc : memref<!tpu.dma_semaphore, #tpu.memory_space<semaphore_mem>>
      %dma_start3A = arith.constant 0 : i32
      %dma_start3A_32 = tpu.memref_slice %arg5[%arg0, %mul3A_0, %dma_start3A] : memref<2x10240x128xf32, #tpu.memory_space<hbm>> -> memref<1x640x128xf32, #tpu.memory_space<hbm>>
      %dma_start3A_33 = tpu.memref_squeeze %dma_start3A_32 : memref<1x640x128xf32, #tpu.memory_space<hbm>> -> memref<640x128xf32, #tpu.memory_space<hbm>>
      %dma_start3A_34 = arith.constant 0 : i32
      %dma_start3A_35 = tpu.memref_slice %arg10[%mul3A_0, %dma_start3A_34] : memref<10240x128xf32, #tpu.memory_space<vmem_shared>> -> memref<640x128xf32, #tpu.memory_space<vmem_shared>>
      tpu.enqueue_dma source(%dma_start3A_35 : memref<640x128xf32, #tpu.memory_space<vmem_shared>>) target(%dma_start3A_33 : memref<640x128xf32, #tpu.memory_space<hbm>>) target_semaphore(%run_scoped3A : memref<!tpu.dma_semaphore, #tpu.memory_space<semaphore_mem>>)
      %dma_wait3A = arith.constant 0 : i32
      %dma_wait3A_36 = tpu.memref_slice %arg5[%arg0, %mul3A_0, %dma_wait3A] : memref<2x10240x128xf32, #tpu.memory_space<hbm>> -> memref<1x640x128xf32, #tpu.memory_space<hbm>>
      %dma_wait3A_37 = tpu.memref_squeeze %dma_wait3A_36 : memref<1x640x128xf32, #tpu.memory_space<hbm>> -> memref<640x128xf32, #tpu.memory_space<hbm>>
      %dma_wait3A_38 = arith.constant 0 : i32
      %dma_wait3A_39 = tpu.memref_slice %arg10[%mul3A_0, %dma_wait3A_38] : memref<10240x128xf32, #tpu.memory_space<vmem_shared>> -> memref<640x128xf32, #tpu.memory_space<vmem_shared>>
      tpu.wait_dma2 semaphore(%run_scoped3A : memref<!tpu.dma_semaphore, #tpu.memory_space<semaphore_mem>>) src(%dma_wait3A_39 : memref<640x128xf32, #tpu.memory_space<vmem_shared>>) dst(%dma_wait3A_37 : memref<640x128xf32, #tpu.memory_space<hbm>>)
      tpu.yield
    }) : () -> ()
    return
  }
}

module attributes {stable_mosaic.version = 14 : i64} {
  func.func @_layer1_body(%arg0: i32, %arg1: memref<2048x128xf32, #tpu.memory_space<vmem>>, %arg2: memref<32x2048xf32, #tpu.memory_space<vmem>>, %arg3: memref<2048x1xf32, #tpu.memory_space<vmem>>, %arg4: memref<128x128xf32, #tpu.memory_space<vmem>>, %arg5: memref<2048x128xf32, #tpu.memory_space<vmem>>) attributes {dimension_semantics = [#tpu.dimension_semantics<arbitrary>], iteration_bounds = array<i64: 5>, scalar_prefetch = 0 : i64, scratch_operands = 0 : i64, tpu.core_type = #tpu.core_type<tc>, window_params = [{transform_indices = @transform_0, window_bounds = array<i64: 2048, 128>}, {transform_indices = @transform_1, window_bounds = array<i64: 32, 2048>}, {transform_indices = @transform_2, window_bounds = array<i64: 2048, 1>}, {pipeline_mode = #tpu.pipeline_mode<synchronous>, transform_indices = @transform_3, window_bounds = array<i64: 128, 128>}, {transform_indices = @transform_4, window_bounds = array<i64: 2048, 128>}]} {
    %get3A = arith.constant 0 : index
    %get3A_0 = arith.constant 0 : index
    %get3A_1 = vector.load %arg2[%get3A, %get3A_0] : memref<32x2048xf32, #tpu.memory_space<vmem>>, vector<32x2048xf32>
    %reduce_sum3A = arith.constant dense<0.000000e+00> : vector<2048xf32>
    %reduce_sum3A_2 = vector.multi_reduction <add>, %get3A_1, %reduce_sum3A [0] : vector<32x2048xf32> to vector<2048xf32>
    %broadcast_in_dim3A = vector.shape_cast %reduce_sum3A_2 : vector<2048xf32> to vector<1x2048xf32>
    %transpose3A = tpu.transpose %broadcast_in_dim3A, [1, 0] : vector<1x2048xf32> -> vector<2048x1xf32>
    %max3A = arith.constant 1.000000e+00 : f32
    %max3A_3 = vector.broadcast %max3A : f32 to vector<2048x1xf32>
    %max3A_4 = arith.maximumf %transpose3A, %max3A_3 : vector<2048x1xf32>
    %rsqrt3A = math.rsqrt %max3A_4 : vector<2048x1xf32>
    %get3A_5 = arith.constant 0 : index
    %get3A_6 = arith.constant 0 : index
    %get3A_7 = vector.load %arg3[%get3A_5, %get3A_6] : memref<2048x1xf32, #tpu.memory_space<vmem>>, vector<2048x1xf32>
    %mul3A = arith.mulf %rsqrt3A, %get3A_7 : vector<2048x1xf32>
    %get3A_8 = arith.constant 0 : index
    %get3A_9 = arith.constant 0 : index
    %get3A_10 = vector.load %arg1[%get3A_8, %get3A_9] : memref<2048x128xf32, #tpu.memory_space<vmem>>, vector<2048x128xf32>
    %mul3A_11 = vector.broadcast %mul3A : vector<2048x1xf32> to vector<2048x128xf32>
    %mul3A_12 = arith.mulf %get3A_10, %mul3A_11 : vector<2048x128xf32>
    %get3A_13 = arith.constant 0 : index
    %get3A_14 = arith.constant 0 : index
    %get3A_15 = vector.load %arg4[%get3A_13, %get3A_14] : memref<128x128xf32, #tpu.memory_space<vmem>>, vector<128x128xf32>
    %dot_general3A = arith.constant dense<0.000000e+00> : vector<2048x128xf32>
    %dot_general3A_16 = tpu.matmul %mul3A_12, %get3A_15, %dot_general3A {dimension_numbers = #tpu.dot_dimension_numbers<[1], [0], [0], [1], [0, 0, 1, 1], [], []>, transpose_lhs_hint = false} : vector<2048x128xf32>, vector<128x128xf32>, vector<2048x128xf32> -> vector<2048x128xf32>
    %swap3A = arith.constant 0 : index
    %swap3A_17 = arith.constant 0 : index
    %swap3A_18 = vector.load %arg5[%swap3A, %swap3A_17] : memref<2048x128xf32, #tpu.memory_space<vmem>>, vector<2048x128xf32>
    tpu.vector_store %arg5[%swap3A, %swap3A_17], %dot_general3A_16 {strides = array<i32>} : memref<2048x128xf32, #tpu.memory_space<vmem>>, vector<2048x128xf32>,
    return
  }
  func.func @transform_0(%arg0: i32) -> (i32, i32) {
    %c0_i32 = arith.constant 0 : i32
    %c0_i32_0 = arith.constant 0 : i32
    return %arg0, %c0_i32 : i32, i32
  }
  func.func @transform_1(%arg0: i32) -> (i32, i32) {
    %c0_i32 = arith.constant 0 : i32
    %c0_i32_0 = arith.constant 0 : i32
    return %c0_i32, %arg0 : i32, i32
  }
  func.func @transform_2(%arg0: i32) -> (i32, i32) {
    %c0_i32 = arith.constant 0 : i32
    %c0_i32_0 = arith.constant 0 : i32
    return %arg0, %c0_i32 : i32, i32
  }
  func.func @transform_3(%arg0: i32) -> (i32, i32) {
    %c0_i32 = arith.constant 0 : i32
    %c0_i32_0 = arith.constant 0 : i32
    %c0_i32_1 = arith.constant 0 : i32
    return %c0_i32, %c0_i32_0 : i32, i32
  }
  func.func @transform_4(%arg0: i32) -> (i32, i32) {
    %c0_i32 = arith.constant 0 : i32
    %c0_i32_0 = arith.constant 0 : i32
    return %arg0, %c0_i32 : i32, i32
  }
}

module attributes {stable_mosaic.version = 14 : i64} {
  func.func @_layer2_body(%arg0: i32, %arg1: memref<2x2048x128xf32, #tpu.memory_space<vmem>>, %arg2: memref<32x2048xf32, #tpu.memory_space<vmem>>, %arg3: memref<32x2048xf32, #tpu.memory_space<vmem>>, %arg4: memref<2048x1xf32, #tpu.memory_space<vmem>>, %arg5: memref<1x128xf32, #tpu.memory_space<vmem>>, %arg6: memref<128x128xf32, #tpu.memory_space<vmem>>, %arg7: memref<2048x128xf32, #tpu.memory_space<vmem>>) attributes {dimension_semantics = [#tpu.dimension_semantics<arbitrary>], iteration_bounds = array<i64: 5>, scalar_prefetch = 0 : i64, scratch_operands = 0 : i64, tpu.core_type = #tpu.core_type<tc>, window_params = [{transform_indices = @transform_0, window_bounds = array<i64: 2, 2048, 128>}, {transform_indices = @transform_1, window_bounds = array<i64: 32, 2048>}, {transform_indices = @transform_2, window_bounds = array<i64: 32, 2048>}, {transform_indices = @transform_3, window_bounds = array<i64: 2048, 1>}, {pipeline_mode = #tpu.pipeline_mode<synchronous>, transform_indices = @transform_4, window_bounds = array<i64: 1, 128>}, {pipeline_mode = #tpu.pipeline_mode<synchronous>, transform_indices = @transform_5, window_bounds = array<i64: 128, 128>}, {transform_indices = @transform_6, window_bounds = array<i64: 2048, 128>}]} {
    %get3A = arith.constant 0 : index
    %get3A_0 = arith.constant 0 : index
    %get3A_1 = arith.constant 0 : index
    %get3A_2 = vector.load %arg1[%get3A, %get3A_0, %get3A_1] : memref<2x2048x128xf32, #tpu.memory_space<vmem>>, vector<1x2048x128xf32>
    %get3A_3 = vector.shape_cast %get3A_2 : vector<1x2048x128xf32> to vector<2048x128xf32>
    %get3A_4 = arith.constant 1 : index
    %get3A_5 = arith.constant 0 : index
    %get3A_6 = arith.constant 0 : index
    %get3A_7 = vector.load %arg1[%get3A_4, %get3A_5, %get3A_6] : memref<2x2048x128xf32, #tpu.memory_space<vmem>>, vector<1x2048x128xf32>
    %get3A_8 = vector.shape_cast %get3A_7 : vector<1x2048x128xf32> to vector<2048x128xf32>
    %add3A = arith.addf %get3A_3, %get3A_8 : vector<2048x128xf32>
    %get3A_9 = arith.constant 0 : index
    %get3A_10 = arith.constant 0 : index
    %get3A_11 = vector.load %arg3[%get3A_9, %get3A_10] : memref<32x2048xf32, #tpu.memory_space<vmem>>, vector<32x2048xf32>
    %reduce_sum3A = arith.constant dense<0.000000e+00> : vector<2048xf32>
    %reduce_sum3A_12 = vector.multi_reduction <add>, %get3A_11, %reduce_sum3A [0] : vector<32x2048xf32> to vector<2048xf32>
    %broadcast_in_dim3A = vector.shape_cast %reduce_sum3A_12 : vector<2048xf32> to vector<1x2048xf32>
    %transpose3A = tpu.transpose %broadcast_in_dim3A, [1, 0] : vector<1x2048xf32> -> vector<2048x1xf32>
    %max3A = arith.constant 1.000000e+00 : f32
    %max3A_13 = vector.broadcast %max3A : f32 to vector<2048x1xf32>
    %max3A_14 = arith.maximumf %transpose3A, %max3A_13 : vector<2048x1xf32>
    %rsqrt3A = math.rsqrt %max3A_14 : vector<2048x1xf32>
    %mul3A = vector.broadcast %rsqrt3A : vector<2048x1xf32> to vector<2048x128xf32>
    %mul3A_15 = arith.mulf %add3A, %mul3A : vector<2048x128xf32>
    %get3A_16 = arith.constant 0 : index
    %get3A_17 = arith.constant 0 : index
    %get3A_18 = vector.load %arg5[%get3A_16, %get3A_17] : memref<1x128xf32, #tpu.memory_space<vmem>>, vector<1x128xf32>
    %add3A_19 = vector.broadcast %get3A_18 : vector<1x128xf32> to vector<2048x128xf32>
    %add3A_20 = arith.addf %mul3A_15, %add3A_19 : vector<2048x128xf32>
    %max3A_21 = arith.constant 0.000000e+00 : f32
    %max3A_22 = vector.broadcast %max3A_21 : f32 to vector<2048x128xf32>
    %max3A_23 = arith.maximumf %add3A_20, %max3A_22 : vector<2048x128xf32>
    %get3A_24 = arith.constant 0 : index
    %get3A_25 = arith.constant 0 : index
    %get3A_26 = vector.load %arg2[%get3A_24, %get3A_25] : memref<32x2048xf32, #tpu.memory_space<vmem>>, vector<32x2048xf32>
    %reduce_sum3A_27 = arith.constant dense<0.000000e+00> : vector<2048xf32>
    %reduce_sum3A_28 = vector.multi_reduction <add>, %get3A_26, %reduce_sum3A_27 [0] : vector<32x2048xf32> to vector<2048xf32>
    %broadcast_in_dim3A_29 = vector.shape_cast %reduce_sum3A_28 : vector<2048xf32> to vector<1x2048xf32>
    %transpose3A_30 = tpu.transpose %broadcast_in_dim3A_29, [1, 0] : vector<1x2048xf32> -> vector<2048x1xf32>
    %max3A_31 = arith.constant 1.000000e+00 : f32
    %max3A_32 = vector.broadcast %max3A_31 : f32 to vector<2048x1xf32>
    %max3A_33 = arith.maximumf %transpose3A_30, %max3A_32 : vector<2048x1xf32>
    %rsqrt3A_34 = math.rsqrt %max3A_33 : vector<2048x1xf32>
    %get3A_35 = arith.constant 0 : index
    %get3A_36 = arith.constant 0 : index
    %get3A_37 = vector.load %arg4[%get3A_35, %get3A_36] : memref<2048x1xf32, #tpu.memory_space<vmem>>, vector<2048x1xf32>
    %mul3A_38 = arith.mulf %rsqrt3A_34, %get3A_37 : vector<2048x1xf32>
    %mul3A_39 = vector.broadcast %mul3A_38 : vector<2048x1xf32> to vector<2048x128xf32>
    %mul3A_40 = arith.mulf %max3A_23, %mul3A_39 : vector<2048x128xf32>
    %get3A_41 = arith.constant 0 : index
    %get3A_42 = arith.constant 0 : index
    %get3A_43 = vector.load %arg6[%get3A_41, %get3A_42] : memref<128x128xf32, #tpu.memory_space<vmem>>, vector<128x128xf32>
    %dot_general3A = arith.constant dense<0.000000e+00> : vector<2048x128xf32>
    %dot_general3A_44 = tpu.matmul %mul3A_40, %get3A_43, %dot_general3A {dimension_numbers = #tpu.dot_dimension_numbers<[1], [0], [0], [1], [0, 0, 1, 1], [], []>, transpose_lhs_hint = false} : vector<2048x128xf32>, vector<128x128xf32>, vector<2048x128xf32> -> vector<2048x128xf32>
    %swap3A = arith.constant 0 : index
    %swap3A_45 = arith.constant 0 : index
    %swap3A_46 = vector.load %arg7[%swap3A, %swap3A_45] : memref<2048x128xf32, #tpu.memory_space<vmem>>, vector<2048x128xf32>
    tpu.vector_store %arg7[%swap3A, %swap3A_45], %dot_general3A_44 {strides = array<i32>} : memref<2048x128xf32, #tpu.memory_space<vmem>>, vector<2048x128xf32>,
    return
  }
  func.func @transform_0(%arg0: i32) -> (i32, i32, i32) {
    %c0_i32 = arith.constant 0 : i32
    %c0_i32_0 = arith.constant 0 : i32
    %c0_i32_1 = arith.constant 0 : i32
    return %c0_i32, %arg0, %c0_i32_0 : i32, i32, i32
  }
  func.func @transform_1(%arg0: i32) -> (i32, i32) {
    %c0_i32 = arith.constant 0 : i32
    %c0_i32_0 = arith.constant 0 : i32
    return %c0_i32, %arg0 : i32, i32
  }
  func.func @transform_2(%arg0: i32) -> (i32, i32) {
    %c0_i32 = arith.constant 0 : i32
    %c0_i32_0 = arith.constant 0 : i32
    return %c0_i32, %arg0 : i32, i32
  }
  func.func @transform_3(%arg0: i32) -> (i32, i32) {
    %c0_i32 = arith.constant 0 : i32
    %c0_i32_0 = arith.constant 0 : i32
    return %arg0, %c0_i32 : i32, i32
  }
  func.func @transform_4(%arg0: i32) -> (i32, i32) {
    %c0_i32 = arith.constant 0 : i32
    %c0_i32_0 = arith.constant 0 : i32
    %c0_i32_1 = arith.constant 0 : i32
    return %c0_i32, %c0_i32_0 : i32, i32
  }
  func.func @transform_5(%arg0: i32) -> (i32, i32) {
    %c0_i32 = arith.constant 0 : i32
    %c0_i32_0 = arith.constant 0 : i32
    %c0_i32_1 = arith.constant 0 : i32
    return %c0_i32, %c0_i32_0 : i32, i32
  }
  func.func @transform_6(%arg0: i32) -> (i32, i32) {
    %c0_i32 = arith.constant 0 : i32
    %c0_i32_0 = arith.constant 0 : i32
    return %arg0, %c0_i32 : i32, i32
  }
}

module attributes {stable_mosaic.version = 14 : i64} {
  func.func @_head_body(%arg0: i32, %arg1: memref<2x2048x128xf32, #tpu.memory_space<vmem>>, %arg2: memref<32x2048xf32, #tpu.memory_space<vmem>>, %arg3: memref<2048x1xf32, #tpu.memory_space<vmem>>, %arg4: memref<1x128xf32, #tpu.memory_space<vmem>>, %arg5: memref<1x128xf32, #tpu.memory_space<vmem>>, %arg6: memref<1x1xf32, #tpu.memory_space<vmem>>, %arg7: memref<1x1xf32, #tpu.memory_space<vmem>>, %arg8: memref<1x128xf32, #tpu.memory_space<vmem>>) attributes {dimension_semantics = [#tpu.dimension_semantics<arbitrary>], iteration_bounds = array<i64: 5>, scalar_prefetch = 0 : i64, scratch_operands = 1 : i64, tpu.core_type = #tpu.core_type<tc>, window_params = [{transform_indices = @transform_0, window_bounds = array<i64: 2, 2048, 128>}, {transform_indices = @transform_1, window_bounds = array<i64: 32, 2048>}, {transform_indices = @transform_2, window_bounds = array<i64: 2048, 1>}, {pipeline_mode = #tpu.pipeline_mode<synchronous>, transform_indices = @transform_3, window_bounds = array<i64: 1, 128>}, {pipeline_mode = #tpu.pipeline_mode<synchronous>, transform_indices = @transform_4, window_bounds = array<i64: 1, 128>}, {pipeline_mode = #tpu.pipeline_mode<synchronous>, transform_indices = @transform_5, window_bounds = array<i64: 1, 1>}, {pipeline_mode = #tpu.pipeline_mode<synchronous>, transform_indices = @transform_6, window_bounds = array<i64: 1, 1>}]} {
    %eq3A = arith.constant 0 : i32
    %eq3A_0 = arith.cmpi eq, %arg0, %eq3A : i32
    %convert_element_type3A = arith.extui %eq3A_0 : i1 to i32
    %cond3A = arith.constant 0 : i32
    %cond3A_1 = arith.cmpi ne, %convert_element_type3A, %cond3A : i32
    scf.if %cond3A_1 {
      %broadcast_in_dim3A_45 = arith.constant 0.000000e+00 : f32
      %broadcast_in_dim3A_46 = vector.broadcast %broadcast_in_dim3A_45 : f32 to vector<1x128xf32>
      %swap3A_47 = arith.constant 0 : index
      %swap3A_48 = arith.constant 0 : index
      %swap3A_49 = vector.load %arg8[%swap3A_47, %swap3A_48] : memref<1x128xf32, #tpu.memory_space<vmem>>, vector<1x128xf32>
      tpu.vector_store %arg8[%swap3A_47, %swap3A_48], %broadcast_in_dim3A_46 {strides = array<i32>} : memref<1x128xf32, #tpu.memory_space<vmem>>, vector<1x128xf32>,
    } else {
    }
    %get3A = arith.constant 0 : index
    %get3A_2 = arith.constant 0 : index
    %get3A_3 = arith.constant 0 : index
    %get3A_4 = vector.load %arg1[%get3A, %get3A_2, %get3A_3] : memref<2x2048x128xf32, #tpu.memory_space<vmem>>, vector<1x2048x128xf32>
    %get3A_5 = vector.shape_cast %get3A_4 : vector<1x2048x128xf32> to vector<2048x128xf32>
    %get3A_6 = arith.constant 1 : index
    %get3A_7 = arith.constant 0 : index
    %get3A_8 = arith.constant 0 : index
    %get3A_9 = vector.load %arg1[%get3A_6, %get3A_7, %get3A_8] : memref<2x2048x128xf32, #tpu.memory_space<vmem>>, vector<1x2048x128xf32>
    %get3A_10 = vector.shape_cast %get3A_9 : vector<1x2048x128xf32> to vector<2048x128xf32>
    %add3A = arith.addf %get3A_5, %get3A_10 : vector<2048x128xf32>
    %get3A_11 = arith.constant 0 : index
    %get3A_12 = arith.constant 0 : index
    %get3A_13 = vector.load %arg2[%get3A_11, %get3A_12] : memref<32x2048xf32, #tpu.memory_space<vmem>>, vector<32x2048xf32>
    %reduce_sum3A = arith.constant dense<0.000000e+00> : vector<2048xf32>
    %reduce_sum3A_14 = vector.multi_reduction <add>, %get3A_13, %reduce_sum3A [0] : vector<32x2048xf32> to vector<2048xf32>
    %broadcast_in_dim3A = vector.shape_cast %reduce_sum3A_14 : vector<2048xf32> to vector<1x2048xf32>
    %transpose3A = tpu.transpose %broadcast_in_dim3A, [1, 0] : vector<1x2048xf32> -> vector<2048x1xf32>
    %max3A = arith.constant 1.000000e+00 : f32
    %max3A_15 = vector.broadcast %max3A : f32 to vector<2048x1xf32>
    %max3A_16 = arith.maximumf %transpose3A, %max3A_15 : vector<2048x1xf32>
    %rsqrt3A = math.rsqrt %max3A_16 : vector<2048x1xf32>
    %mul3A = vector.broadcast %rsqrt3A : vector<2048x1xf32> to vector<2048x128xf32>
    %mul3A_17 = arith.mulf %add3A, %mul3A : vector<2048x128xf32>
    %get3A_18 = arith.constant 0 : index
    %get3A_19 = arith.constant 0 : index
    %get3A_20 = vector.load %arg4[%get3A_18, %get3A_19] : memref<1x128xf32, #tpu.memory_space<vmem>>, vector<1x128xf32>
    %add3A_21 = vector.broadcast %get3A_20 : vector<1x128xf32> to vector<2048x128xf32>
    %add3A_22 = arith.addf %mul3A_17, %add3A_21 : vector<2048x128xf32>
    %max3A_23 = arith.constant 0.000000e+00 : f32
    %max3A_24 = vector.broadcast %max3A_23 : f32 to vector<2048x128xf32>
    %max3A_25 = arith.maximumf %add3A_22, %max3A_24 : vector<2048x128xf32>
    %get3A_26 = arith.constant 0 : index
    %get3A_27 = arith.constant 0 : index
    %get3A_28 = vector.load %arg3[%get3A_26, %get3A_27] : memref<2048x1xf32, #tpu.memory_space<vmem>>, vector<2048x1xf32>
    %mul3A_29 = vector.broadcast %get3A_28 : vector<2048x1xf32> to vector<2048x128xf32>
    %mul3A_30 = arith.mulf %max3A_25, %mul3A_29 : vector<2048x128xf32>
    %get3A_31 = arith.constant 0 : index
    %get3A_32 = arith.constant 0 : index
    %get3A_33 = vector.load %arg8[%get3A_31, %get3A_32] : memref<1x128xf32, #tpu.memory_space<vmem>>, vector<1x128xf32>
    %reduce_sum3A_34 = arith.constant dense<0.000000e+00> : vector<128xf32>
    %reduce_sum3A_35 = vector.multi_reduction <add>, %mul3A_30, %reduce_sum3A_34 [0] : vector<2048x128xf32> to vector<128xf32>
    %broadcast_in_dim3A_36 = vector.shape_cast %reduce_sum3A_35 : vector<128xf32> to vector<1x128xf32>
    %add3A_37 = arith.addf %get3A_33, %broadcast_in_dim3A_36 : vector<1x128xf32>
    %swap3A = arith.constant 0 : index
    %swap3A_38 = arith.constant 0 : index
    %swap3A_39 = vector.load %arg8[%swap3A, %swap3A_38] : memref<1x128xf32, #tpu.memory_space<vmem>>, vector<1x128xf32>
    tpu.vector_store %arg8[%swap3A, %swap3A_38], %add3A_37 {strides = array<i32>} : memref<1x128xf32, #tpu.memory_space<vmem>>, vector<1x128xf32>,
    %eq3A_40 = arith.constant 4 : i32
    %eq3A_41 = arith.cmpi eq, %arg0, %eq3A_40 : i32
    %convert_element_type3A_42 = arith.extui %eq3A_41 : i1 to i32
    %cond3A_43 = arith.constant 0 : i32
    %cond3A_44 = arith.cmpi ne, %convert_element_type3A_42, %cond3A_43 : i32
    scf.if %cond3A_44 {
      %get3A_45 = arith.constant 0 : index
      %get3A_46 = arith.constant 0 : index
      %get3A_47 = vector.load %arg8[%get3A_45, %get3A_46] : memref<1x128xf32, #tpu.memory_space<vmem>>, vector<1x128xf32>
      %mul3A_48 = arith.constant 9.99999974E-5 : f32
      %mul3A_49 = vector.broadcast %mul3A_48 : f32 to vector<1x128xf32>
      %mul3A_50 = arith.mulf %get3A_47, %mul3A_49 : vector<1x128xf32>
      %get3A_51 = arith.constant 0 : index
      %get3A_52 = arith.constant 0 : index
      %get3A_53 = vector.load %arg5[%get3A_51, %get3A_52] : memref<1x128xf32, #tpu.memory_space<vmem>>, vector<1x128xf32>
      %mul3A_54 = arith.mulf %mul3A_50, %get3A_53 : vector<1x128xf32>
      %reduce_sum3A_55 = arith.constant dense<0.000000e+00> : vector<1xf32>
      %reduce_sum3A_56 = vector.multi_reduction <add>, %mul3A_54, %reduce_sum3A_55 [1] : vector<1x128xf32> to vector<1xf32>
      %broadcast_in_dim3A_57 = vector.shape_cast %reduce_sum3A_56 : vector<1xf32> to vector<1x1xf32>
      %get3A_58 = arith.constant 0 : index
      %get3A_59 = arith.constant 0 : index
      %get3A_60 = vector.load %arg6[%get3A_58, %get3A_59] : memref<1x1xf32, #tpu.memory_space<vmem>>, vector<1x1xf32>
      %add3A_61 = arith.addf %broadcast_in_dim3A_57, %get3A_60 : vector<1x1xf32>
      %swap3A_62 = arith.constant 0 : index
      %swap3A_63 = arith.constant 0 : index
      %swap3A_64 = vector.load %arg7[%swap3A_62, %swap3A_63] : memref<1x1xf32, #tpu.memory_space<vmem>>, vector<1x1xf32>
      tpu.vector_store %arg7[%swap3A_62, %swap3A_63], %add3A_61 {strides = array<i32>} : memref<1x1xf32, #tpu.memory_space<vmem>>, vector<1x1xf32>,
    } else {
    }
    return
  }
  func.func @transform_0(%arg0: i32) -> (i32, i32, i32) {
    %c0_i32 = arith.constant 0 : i32
    %c0_i32_0 = arith.constant 0 : i32
    %c0_i32_1 = arith.constant 0 : i32
    return %c0_i32, %arg0, %c0_i32_0 : i32, i32, i32
  }
  func.func @transform_1(%arg0: i32) -> (i32, i32) {
    %c0_i32 = arith.constant 0 : i32
    %c0_i32_0 = arith.constant 0 : i32
    return %c0_i32, %arg0 : i32, i32
  }
  func.func @transform_2(%arg0: i32) -> (i32, i32) {
    %c0_i32 = arith.constant 0 : i32
    %c0_i32_0 = arith.constant 0 : i32
    return %arg0, %c0_i32 : i32, i32
  }
  func.func @transform_3(%arg0: i32) -> (i32, i32) {
    %c0_i32 = arith.constant 0 : i32
    %c0_i32_0 = arith.constant 0 : i32
    %c0_i32_1 = arith.constant 0 : i32
    return %c0_i32, %c0_i32_0 : i32, i32
  }
  func.func @transform_4(%arg0: i32) -> (i32, i32) {
    %c0_i32 = arith.constant 0 : i32
    %c0_i32_0 = arith.constant 0 : i32
    %c0_i32_1 = arith.constant 0 : i32
    return %c0_i32, %c0_i32_0 : i32, i32
  }
  func.func @transform_5(%arg0: i32) -> (i32, i32) {
    %c0_i32 = arith.constant 0 : i32
    %c0_i32_0 = arith.constant 0 : i32
    %c0_i32_1 = arith.constant 0 : i32
    return %c0_i32, %c0_i32_0 : i32, i32
  }
  func.func @transform_6(%arg0: i32) -> (i32, i32) {
    %c0_i32 = arith.constant 0 : i32
    %c0_i32_0 = arith.constant 0 : i32
    %c0_i32_1 = arith.constant 0 : i32
    return %c0_i32, %c0_i32_0 : i32, i32
  }
}

</mosaic_0001>

<sc_bundles>
// kernel: kernel.11.cloned.1.call-start
scs
__scs_entry_jumppad:
0x0: {  	(pc) =	sbr.rel $0x88, $3  }
0x1: {  	(tag) =	ssettag $0x0;
	lr =	simm.s32 $0x1  }
0x2: {  	[smem:$0x3F99] =	sst lr;
	_ =	strace $0xD0000000  }
0x3: {  	_ = 	snop  }
0x4: {  	_ = 	snop  }
0x5: {  	_ = 	snop  }
0x6: {  	_ = 	snop  }
0x7: {  	_ = 	snop  }
__scs_overlays_trampoline_lowered:
0x8: {  	[smem:$0x3FA8] =	sst s0  }
0x9: {  	[smem:$0x3FA9] =	sst s1  }
0xa: {  	[smem:$0x3FAA] =	sst s2  }
0xb: {  	[smem:$0x3FAB] =	sst s3  }
0xc: {  	[smem:$0x3FAC] =	sst s4  }
0xd: {  	[smem:$0x3FAD] =	sst s5  }
0xe: {  	[smem:$0x3FAE] =	sst s6  }
0xf: {  	[smem:$0x3FAF] =	sst s7  }
0x10: {  	[smem:$0x3FB0] =	sst s8  }
0x11: {  	[smem:$0x3FB1] =	sst s9;
	s0 =	simm.s32 @!p0 $0x0  }
0x12: {  	s1 =	sld [smem:$0x3F97];
	s0 =	simm.s32 @p0 $0x1  }
0x13: {  	[smem:$0x3FB2] =	sst s0;
	s0 =	simm.s32 @!p1 $0x0  }
0x14: {  	s2 =	sld [smem:$0x3F96];
	s0 =	simm.s32 @p1 $0x1  }
0x15: {  	[smem:$0x3FB3] =	sst s0;
	s0 =	simm.s32 @!p2 $0x0  }
0x16: {  	s3 =	sld [smem:$0x3FDB];
	s0 =	simm.s32 @p2 $0x1  }
0x17: {  	s4 =	simm.s32 $0x1BF5;
	[smem:$0x3FB5] =	sst s0  }
0x18: {  	s0 =	sld [smem:$0x3F98];
	_ =	swait.ge [sflag:s4], $0x0  }
0x19: {  	s7 =	sld [smem:$0x3F99]  }
0x1a: {  	s8 =	sadd.s32 $0xFFFFE003, lr  }
0x1b: {  	s9 =	sadd.s32 $0xFFFFFEF7, lr;
	s5 =	simm.s32 $0xFFFFFFFF;
	p2 =	slt.u32 s8, $0xFFFFF086  }
0x1c: {  	p1 =	slt.u32 s9, $0xF7A;
	s5 =	simm.s32 @!p2 $0x0  }
0x1d: {  	s5 =	simm.s32 @p1 $0x1;
	p0 =	seq.s32 s7, s2  }
0x1e: {  	s7 =	smul.u32 @!p0 $0xF7A, s2;
	p2 =	seq.s32 @!p0 s5, $0x0  }
0x1f: {  	s9 =	smul.u32 $0xF7A, s1;
	s8 =	simm.s32 @!p0 $0x1BF5;
	p2 =	por !p2, p0  }
0x20: {  	[sflag:s8] =	ssyncset.s32 @!p0 $0xFFFFF086;
	s6 =	sadd.s32 @!p0 s3, s7;
	s7 =	simm.s32 @!p0 $0x108  }
0x21: {  	s3 =	sadd.s32 s3, s9;
	s6 =	sadd.s32 @!p0 $0x88, s6;
	s7 =	simm.s32 @p2 $0x1082  }
0x22: {  	[simem:s7], [sflag:s8] =	dma.local @!p0 [hbm:s6], $0xF7A  }
0x23: {  	s9 =	sor.u32 $0xD0000000, s2;
	s6 =	simm.s32 $0x108;
	_ =	swait.ge @!p0 [sflag:s8], $0x0  }
0x24: {  	s3 =	sadd.s32 $0x88, s3;
	s6 =	simm.s32 @!p1 $0x1082;
	[sflag:s4] =	ssyncset.s32 $0xFFFFF086  }
0x25: {  	[simem:s6], [sflag:s4] =	dma.local [hbm:s3], $0xF7A  }
0x26: {  	[smem:$0x3F99] =	sst s1;
	(tag) =	ssettag s2;
	_ =	strace s9  }
0x27: {  	s1 =	sld [smem:$0x3FA9]  }
0x28: {  	s2 =	sld [smem:$0x3FAA]  }
0x29: {  	s4 =	sld [smem:$0x3FAC]  }
0x2a: {  	p0 =	seq.s32 s5, $0x0;
	s5 =	sld [smem:$0x3FAD]  }
0x2b: {  	s6 =	sld [smem:$0x3FAE]  }
0x2c: {  	s7 =	sld [smem:$0x3FAF]  }
0x2d: {  	s3 =	simm.s32 $0x108;
	s8 =	sld [smem:$0x3FB0]  }
0x2e: {  	s3 =	simm.s32 @!p0 $0x1082;
	s9 =	sld [smem:$0x3FB1]  }
0x2f: {  	lr =	sadd.s32 s0, s3;
	s0 =	sld [smem:$0x3FA8]  }
0x30: {  	s3 =	sld [smem:$0x3FAB]  }
0x31: {  	[smem:$0x3FB4] =	sst s10  }
0x32: {  	s10 =	sld [smem:$0x3FB2];
	_ =	sdelay $0x3  }
0x33: {  	p0 =	seq.s32 s10, $0x1;
	s10 =	sld [smem:$0x3FB4];
	_ =	sdelay $0x3  }
0x34: {  	[smem:$0x3FB4] =	sst s10  }
0x35: {  	s10 =	sld [smem:$0x3FB3];
	_ =	sdelay $0x3  }
0x36: {  	p1 =	seq.s32 s10, $0x1;
	s10 =	sld [smem:$0x3FB4];
	_ =	sdelay $0x3  }
0x37: {  	[smem:$0x3FB4] =	sst s10  }
0x38: {  	s10 =	sld [smem:$0x3FB5]  }
0x39: {  	_ = 	snop;
	(pc) =	sbr.ind lr, $3  }
0x3a: {  	_ = 	snop  }
0x3b: {  	_ = 	snop  }
0x3c: {  	p2 =	seq.s32 s10, $0x1;
	s10 =	sld [smem:$0x3FB4]  }
0x3d: {  	_ =	shalt  }
0x3e: {  	_ =	shalt  }
0x3f: {  	_ =	shalt  }
0x40: {  	_ =	shalt  }
0x41: {  	_ =	shalt  }
0x42: {  	_ =	shalt  }
0x43: {  	_ =	shalt  }
0x44: {  	_ =	shalt  }
0x45: {  	_ =	shalt  }
0x46: {  	_ =	shalt  }
0x47: {  	_ =	shalt  }
0x48: {  	_ =	shalt  }
0x49: {  	_ =	shalt  }
0x4a: {  	_ =	shalt  }
0x4b: {  	_ =	shalt  }
0x4c: {  	_ =	shalt  }
0x4d: {  	_ =	shalt  }
0x4e: {  	_ =	shalt  }
0x4f: {  	_ =	shalt  }
0x50: {  	_ =	shalt  }
0x51: {  	_ =	shalt  }
0x52: {  	_ =	shalt  }
0x53: {  	_ =	shalt  }
0x54: {  	_ =	shalt  }
0x55: {  	_ =	shalt  }
0x56: {  	_ =	shalt  }
0x57: {  	_ =	shalt  }
0x58: {  	_ =	shalt  }
0x59: {  	_ =	shalt  }
0x5a: {  	_ =	shalt  }
0x5b: {  	_ =	shalt  }
0x5c: {  	_ =	shalt  }
0x5d: {  	_ =	shalt  }
0x5e: {  	_ =	shalt  }
0x5f: {  	_ =	shalt  }
0x60: {  	_ =	shalt  }
0x61: {  	_ =	shalt  }
0x62: {  	_ =	shalt  }
0x63: {  	_ =	shalt  }
0x64: {  	_ =	shalt  }
0x65: {  	_ =	shalt  }
0x66: {  	_ =	shalt  }
0x67: {  	_ =	shalt  }
0x68: {  	_ =	shalt  }
0x69: {  	_ =	shalt  }
0x6a: {  	_ =	shalt  }
0x6b: {  	_ =	shalt  }
0x6c: {  	_ =	shalt  }
0x6d: {  	_ =	shalt  }
0x6e: {  	_ =	shalt  }
0x6f: {  	_ =	shalt  }
0x70: {  	_ =	shalt  }
0x71: {  	_ =	shalt  }
0x72: {  	_ =	shalt  }
0x73: {  	_ =	shalt  }
0x74: {  	_ =	shalt  }
0x75: {  	_ =	shalt  }
0x76: {  	_ =	shalt  }
0x77: {  	_ =	shalt  }
0x78: {  	_ =	shalt  }
0x79: {  	_ =	shalt  }
0x7a: {  	_ =	shalt  }
0x7b: {  	_ =	shalt  }
0x7c: {  	_ =	shalt  }
0x7d: {  	_ =	shalt  }
0x7e: {  	_ =	shalt  }
0x7f: {  	_ =	shalt  }
0x80: {  	_ =	shalt  }
0x81: {  	_ =	shalt  }
0x82: {  	_ =	shalt  }
0x83: {  	_ =	shalt  }
0x84: {  	_ =	shalt  }
0x85: {  	_ =	shalt  }
0x86: {  	_ =	shalt  }
0x87: {  	_ =	shalt  }
.Lfunc_end0:
.L_simem_size_0:
called_computation.1_lowered:
.L_overlay_start_0:
0x88: {  	s2 =	sld [smem:$0x3FD9]  }
0x89: {  	s3 =	sld [smem:$0x3FFE];
	_ =	sdelay $0x1  }
0x8a: {  	s1 =	srdreg.scid  }
0x8b: {  	s0 =	sand.u32 $0x1, s1  }
0x8c: {  	s16 =	sshll.u32 s0, $0xA;
	s2 =	sadd.s32 s3, s2  }
0x8d: {  	s2 =	sadd.s32 s2, s16  }
0x8e: {  	[smem:$0x3FC0] =	sst s2  }
0x8f: {  	_ = 	snop  }
0x90: {  	(tm) =	ssettm $0x1  }
0x91: {  	s17 =	sld [smem:$0x3FFB];
	_ =	sdelay $0x3  }
0x92: {  	_ =	strace s17  }
0x93: {  	s2 =	sld [smem:$0x3FFC];
	_ =	sdelay $0x3  }
0x94: {  	_ =	strace s2  }
0x95: {  	s2 =	sld [smem:$0x3FFD];
	_ =	sdelay $0x3  }
0x96: {  	_ =	strace s2  }
0x97: {  	_ =	strace $0x8FFFFFFF  }
0x98: {  	s18 =	sld [smem:$0x3FDB];
	_ =	sdelay $0x1  }
0x99: {  	s19 =	simm.s32 $_scs_section_size  }
0x9a: {  	s4 =	simm.s32 $_size__tile_overlayer_lowered;
	s5 =	simm.s32 $_tile_overlayer_lowered  }
0x9b: {  	s22 =	simm.s32 $0x1BFF;
	s21 =	sshll.u32 s5, $0x1;
	s2 =	sadd.s32 s19, s18  }
0x9c: {  	s6 =	simm.s32 $0x0;
	s20 =	sshll.u32 s4, $0x1;
	s4 =	sadd.s32 s21, s2  }
0x9d: {  	[timem:s6], [sflag:s22] =	dma.local [hbm:s4], s20  }
0x9e: {  	_ =	swait.ge [sflag:s22], s20  }
0x9f: {  	s3 =	ssub.s32 $0x0, s20;
	[sflag:s22] =	ssyncset.done $0x0  }
0xa0: {  	[sflag:s22] =	ssyncadd.s32 s3;
	_ =	sdelay $0x1  }
0xa1: {  	s23 =	simm.s32 $0x1B8B  }
0xa2: {  	_ =	swait.ge [sflag:s23], $0x1  }
0xa3: {  	[sflag:s23] =	ssyncset.done $0x0  }
0xa4: {  	s25 =	simm.s32 $0x1B8E;
	s24 =	sld [smem:$0x3FFE];
	[sflag:s23] =	ssyncadd.s32 $0xFFFFFFFF  }
0xa5: {  	s26 =	simm.s32 $execute0_lowered;
	[smem:$0x3FD2] =	sst s25  }
0xa6: {  	s4 =	sshll.u32 s26, $0x1;
	_ =	strace $0x80000049;
	[dreg:$0x1] =	wrdreg $0xFFFFFFFF  }
0xa7: {  	s28 =	simm.s32 $_size_execute0_lowered;
	s2 =	sadd.s32 s2, s4;
	[dreg:$0x0] =	wrdreg $0x0  }
0xa8: {  	s4 =	sshll.u32 s28, $0x1;
	[dreg:$0x2] =	wrdreg s2  }
0xa9: {  	[dreg:$0x3] =	wrdreg s4  }
0xaa: {  	[dreg:$0x4] =	wrdreg $0xC0  }
0xab: {  	_ =	task [dreg:s6], $0x5FFFF  }
0xac: {  	[dreg:$0x1] =	wrdreg $0xFFFFFFFF  }
0xad: {  	[dreg:$0x0] =	wrdreg $0x60  }
0xae: {  	[dreg:$0x2] =	wrdreg s24  }
0xaf: {  	[dreg:$0x3] =	wrdreg $0xA0000  }
0xb0: {  	[dreg:$0x4] =	wrdreg $0x9  }
0xb1: {  	_ =	task.clear_ibuf [dreg:s6], $0x5FFFF;
	_ =	strace $0x90000049  }
0xb2: {  	s29 =	simm.s32 $0x9;
	_ =	strace $0x8000004B  }
0xb3: {  	_ =	swait.ge [sflag:s29], $0x1  }
0xb4: {  	[sflag:s29] =	ssyncadd.s32 $0xFFFFFFFF  }
0xb5: {  	_ =	strace $0x9000004B  }
0xb6: {  	_ =	sfence  }
0xb7: {  	s30 =	sld [smem:$0x0];
	_ =	sdelay $0x2  }
0xb8: {  	s31 =	sshll.u32 s1, $0xD;
	s1 =	sshrl.u32 s1, $0x2  }
0xb9: {  	s3 =	sand.u32 $0x4000, s31;
	s1 =	sadd.s32 s1, s30  }
0xba: {  	s0 =	sor.u32 s3, s0;
	s1 =	sshll.u32 s1, $0x11  }
0xbb: {  	s0 =	sor.u32 s1, s0  }
0xbc: {  	s0 =	sadd.s32 $0x8F2B, s0  }
0xbd: {  	[sflag:s0] =	ssyncadd.remote.s32 $0x1  }
0xbe: {  	_ =	sfence.sel $0xFFFF  }
0xbf: {  	[dreg:$0x0] =	wrdreg $0xFFFFFFFF;
	(pc) =	sbr.abs _section_cstart, $3  }
0xc0: {  	[dreg:$0x1] =	wrdreg $0xFFFFFFFF  }
0xc1: {  	_ =	task.clear_ibuf [dreg:s6], $0x2FFFF;
	_ =	strace $0x9FFFFFFF  }
0xc2: {  	(tm) =	ssettm $0x7FFFFFFF  }
0xc3: {  	_ =	shalt  }
tec
execute0_lowered:
.L_overlay_start_1:
0x0: {  	(tag) =	ssettag $0x1  }
0x1: {  	s0 =	rddreg [dreg:$0x0]  }
0x2: {  	s1 =	rddreg [dreg:$0x1];
	s2 =	srdreg.scid;
	s3 =	simm.s32 $0x0  }
0x3: {  	s28 =	simm.s32 $0x80;
	s29 =	simm.s32 $0x6000;
	s30 =	simm.s32 $0x1  }
0x4: {  	s31 =	simm.s32 $0x2;
	s10 =	sand.u32 $0x1, s2;
	s2 =	stileid.u32  }
0x5: {  	[smem:$0x7FF] =	sst s3;
	s4 =	sadd.s32 $0x2A400, s0;
	s5 =	smul.u32 $0x140000, s10  }
0x6: {  	s11 =	sadd.s32 $0xC400, s0;
	s12 =	sadd.s32 $0x2400, s0;
	s6 =	smul.u32 $0x14000, s2  }
0x7: {  	_ =	strace $0x8000004A;
	s22 =	ssub.s32 $0x2, s10;
	s7 =	smul.u32 $0x50000, s2  }
0x8: {  	p0 =	seq.s32 s10, $0x0;
	s14 =	smul.u32 $0x98, s2;
	s25 =	sshll.u32 s2, $0x3  }
0x9: {  	s17 =	smul.u32 $0x980, s2;
	s23 =	sshrl.u32 s22, $0x1;
	s15 =	sor.u32 $0x980, s25  }
0xa: {  	s5 =	sadd.s32 s6, s5;
	s13 =	ssub.s32 s22, s23;
	s24 =	sshrl.u32 s7, $0x2  }
0xb: {  	s16 =	sshll.u32 s15, $0x4;
	s15 =	smov.u32 @p0 s14;
	s19 =	sadd.s32 s11, s17  }
0xc: {  	s21 =	sadd.s32 s12, s17;
	p0 =	sne.s32 s10, $0x0;
	s10 =	simm.s32 $0x4  }
0xd: {  	s5 =	sshrl.u32 s5, $0x3;
	s26 =	sadd.s32 s11, s16;
	[dreg:$0x5] =	wrdreg s19  }
0xe: {  	s18 =	sadd.s32 s12, s16;
	s20 =	sshll.u32 s15, $0x4;
	[dreg:$0x6] =	wrdreg s21  }
0xf: {  	s0 =	sadd.s32 s5, s0;
	s5 =	sadd.s32 s24, s1;
	[dreg:$0x3] =	wrdreg s26  }
0x10: {  	[dreg:$0x4] =	wrdreg s18;
	s22 =	sadd.s32 $0x200, s20;
	s23 =	sadd.s32 $0x400, s20  }
0x11: {  	s26 =	sadd.s32 $0x600, s20;
	s14 =	sadd.s32 $0x800, s20;
	s6 =	sadd.s32 $0x4000, s5  }
0x12: {  	s7 =	sadd.s32 $0x8000, s5;
	s8 =	sadd.s32 $0xC000, s5;
	s9 =	sadd.s32 $0x10000, s5  }
0x13: {  	s24 =	sadd.s32 s11, s22;
	s15 =	sadd.s32 s12, s22;
	s25 =	sadd.s32 s11, s23  }
0x14: {  	s17 =	sadd.s32 s12, s23;
	s18 =	sadd.s32 s11, s26;
	s19 =	sadd.s32 s12, s26  }
.Ltmp0:
0x15: {  	s20 =	sadd.s32 s11, s14;
	s21 =	sadd.s32 s12, s14;
	(pc) =	sbr.rel .LBB2_1-.Ltmp0, $4  }
0x16: {  	s22 =	sadd.s32 $0x52400, s0;
	s23 =	smax.u32 s13, $0x1;
	s26 =	simm.s32 $0x1000  }
0x17: {  	s0 =	simm.s32 $0x3;
	s11 =	simm.s32 $0x1F00;
	[dreg:$0x7] =	wrdreg s24  }
0x18: {  	s12 =	simm.s32 $0x1F80;
	s13 =	simm.s32 $0x0;
	[dreg:$0x8] =	wrdreg s15  }
0x19: {  	v0 =	vimm.f32 $0.0e+00;
	[dreg:$0x9] =	wrdreg s25;
	s24 =	simm.s32 $0x2000;
	s25 =	simm.s32 $0x5  }
.LBB2_15:
0x1a: {  	s14 =	rddreg [dreg:$0x3]  }
0x1b: {  	[tilespmem:s3], [sflag:$0x5] =	stream.linear.gather [hbm4b:s14+s3], $0x400, $0x38;
	[tilespmem:$0x1E000] =	vst v63  }
0x1c: {  	_ =	swait.ge [sflag:s25], $0x400  }
0x1d: {  	[sflag:s25] =	ssyncset.done $0x0  }
0x1e: {  	s15 =	rddreg [dreg:$0x4];
	[sflag:s25] =	ssyncadd.s32 $0xFFFFFC00  }
0x1f: {  	[tilespmem:s26], [sflag:$0x5] =	stream.linear.gather [hbm4b:s15+s3], $0x400, $0x38;
	[tilespmem:$0x1E000] =	vst v63  }
0x20: {  	_ =	swait.ge [sflag:s25], $0x400  }
0x21: {  	[sflag:s25] =	ssyncset.done $0x0  }
0x22: {  	[sflag:s25] =	ssyncadd.s32 $0xFFFFFC00  }
0x23: {  	[tilespmem:s24], [sflag:$0x1] =	stream.indirect.gather [hbm4b:s4+s28], $0x80, s3, s28, $0xb8;
	[tilespmem:$0x1E000] =	vst v63  }
0x24: {  	_ = 	snop  }
0x25: {  	[tilespmem:s29], [sflag:$0x2] =	stream.indirect.gather [hbm4b:s4+s28], $0x80, s28, s28, $0xb8;
	[tilespmem:$0x1E000] =	vst v63  }
0x26: {  	_ =	swait.ge [sflag:s30], $0x4000  }
0x27: {  	[sflag:s30] =	ssyncset.done $0x0  }
0x28: {  	[sflag:s30] =	ssyncadd.s32 $0xFFFFC000  }
0x29: {  	[spmem:s1] =	stream.indirect.scatter.add.f32 [tilespmem:s24], [sflag:$0x3], $0x80, s26, s28, $0xb8;
	[tilespmem:$0x1E000] =	vst v63  }
0x2a: {  	_ =	swait.ge [sflag:s31], $0x4000  }
0x2b: {  	[sflag:s31] =	ssyncset.done $0x0  }
0x2c: {  	s16 =	simm.s32 $0x1080;
	[sflag:s31] =	ssyncadd.s32 $0xFFFFC000  }
0x2d: {  	[spmem:s1] =	stream.indirect.scatter.add.f32 [tilespmem:s29], [sflag:$0x4], $0x80, s16, s28, $0xb8;
	[tilespmem:$0x1E000] =	vst v63  }
0x2e: {  	_ =	swait.ge [sflag:s0], $0x4000  }
0x2f: {  	[sflag:s0] =	ssyncset.done $0x0  }
0x30: {  	s15 =	simm.s32 $0x100;
	[sflag:s0] =	ssyncadd.s32 $0xFFFFC000  }
0x31: {  	[tilespmem:s24], [sflag:$0x1] =	stream.indirect.gather [hbm4b:s4+s28], $0x80, s15, s28, $0xb8;
	[tilespmem:$0x1E000] =	vst v63  }
0x32: {  	_ =	swait.ge [sflag:s10], $0x4000  }
0x33: {  	[sflag:s10] =	ssyncset.done $0x0  }
0x34: {  	s16 =	simm.s32 $0x180;
	[sflag:s10] =	ssyncadd.s32 $0xFFFFC000  }
0x35: {  	[tilespmem:s29], [sflag:$0x2] =	stream.indirect.gather [hbm4b:s4+s28], $0x80, s16, s28, $0xb8;
	[tilespmem:$0x1E000] =	vst v63  }
0x36: {  	_ =	swait.ge [sflag:s30], $0x4000  }
0x37: {  	[sflag:s30] =	ssyncset.done $0x0  }
0x38: {  	s15 =	simm.s32 $0x1100;
	[sflag:s30] =	ssyncadd.s32 $0xFFFFC000  }
0x39: {  	[spmem:s1] =	stream.indirect.scatter.add.f32 [tilespmem:s24], [sflag:$0x3], $0x80, s15, s28, $0xb8;
	[tilespmem:$0x1E000] =	vst v63  }
0x3a: {  	_ =	swait.ge [sflag:s31], $0x4000  }
0x3b: {  	[sflag:s31] =	ssyncset.done $0x0  }
0x3c: {  	s16 =	simm.s32 $0x1180;
	[sflag:s31] =	ssyncadd.s32 $0xFFFFC000  }
0x3d: {  	[spmem:s1] =	stream.indirect.scatter.add.f32 [tilespmem:s29], [sflag:$0x4], $0x80, s16, s28, $0xb8;
	[tilespmem:$0x1E000] =	vst v63  }
0x3e: {  	_ =	swait.ge [sflag:s0], $0x4000  }
0x3f: {  	[sflag:s0] =	ssyncset.done $0x0  }
0x40: {  	s15 =	simm.s32 $0x200;
	[sflag:s0] =	ssyncadd.s32 $0xFFFFC000  }
0x41: {  	[tilespmem:s24], [sflag:$0x1] =	stream.indirect.gather [hbm4b:s4+s28], $0x80, s15, s28, $0xb8;
	[tilespmem:$0x1E000] =	vst v63  }
0x42: {  	_ =	swait.ge [sflag:s10], $0x4000  }
0x43: {  	[sflag:s10] =	ssyncset.done $0x0  }
0x44: {  	s16 =	simm.s32 $0x280;
	[sflag:s10] =	ssyncadd.s32 $0xFFFFC000  }
0x45: {  	[tilespmem:s29], [sflag:$0x2] =	stream.indirect.gather [hbm4b:s4+s28], $0x80, s16, s28, $0xb8;
	[tilespmem:$0x1E000] =	vst v63  }
0x46: {  	_ =	swait.ge [sflag:s30], $0x4000  }
0x47: {  	[sflag:s30] =	ssyncset.done $0x0  }
0x48: {  	s15 =	simm.s32 $0x1200;
	[sflag:s30] =	ssyncadd.s32 $0xFFFFC000  }
0x49: {  	[spmem:s1] =	stream.indirect.scatter.add.f32 [tilespmem:s24], [sflag:$0x3], $0x80, s15, s28, $0xb8;
	[tilespmem:$0x1E000] =	vst v63  }
0x4a: {  	_ =	swait.ge [sflag:s31], $0x4000  }
0x4b: {  	[sflag:s31] =	ssyncset.done $0x0  }
0x4c: {  	s16 =	simm.s32 $0x1280;
	[sflag:s31] =	ssyncadd.s32 $0xFFFFC000  }
0x4d: {  	[spmem:s1] =	stream.indirect.scatter.add.f32 [tilespmem:s29], [sflag:$0x4], $0x80, s16, s28, $0xb8;
	[tilespmem:$0x1E000] =	vst v63  }
0x4e: {  	_ =	swait.ge [sflag:s0], $0x4000  }
0x4f: {  	[sflag:s0] =	ssyncset.done $0x0  }
0x50: {  	s15 =	simm.s32 $0x300;
	[sflag:s0] =	ssyncadd.s32 $0xFFFFC000  }
0x51: {  	[tilespmem:s24], [sflag:$0x1] =	stream.indirect.gather [hbm4b:s4+s28], $0x80, s15, s28, $0xb8;
	[tilespmem:$0x1E000] =	vst v63  }
0x52: {  	_ =	swait.ge [sflag:s10], $0x4000  }
0x53: {  	s14 =	simm.s32 $0x1380;
	[sflag:s10] =	ssyncset.done $0x0  }
0x54: {  	s16 =	simm.s32 $0x380;
	s15 =	simm.s32 $0x1300;
	[sflag:s10] =	ssyncadd.s32 $0xFFFFC000  }
0x55: {  	[tilespmem:s29], [sflag:$0x2] =	stream.indirect.gather [hbm4b:s4+s28], $0x80, s16, s28, $0xb8;
	[tilespmem:$0x1E000] =	vst v63  }
.LBB2_16:
0x56: {  	_ =	swait.ge [sflag:s30], $0x4000  }
0x57: {  	[sflag:s30] =	ssyncset.done $0x0  }
0x58: {  	[sflag:s30] =	ssyncadd.s32 $0xFFFFC000  }
0x59: {  	[spmem:s1] =	stream.indirect.scatter.add.f32 [tilespmem:s24], [sflag:$0x3], $0x80, s15, s28, $0xb8;
	[tilespmem:$0x1E000] =	vst v63  }
0x5a: {  	_ =	swait.ge [sflag:s31], $0x4000  }
0x5b: {  	[sflag:s31] =	ssyncset.done $0x0  }
0x5c: {  	[sflag:s31] =	ssyncadd.s32 $0xFFFFC000  }
0x5d: {  	[spmem:s1] =	stream.indirect.scatter.add.f32 [tilespmem:s29], [sflag:$0x4], $0x80, s14, s28, $0xb8;
	[tilespmem:$0x1E000] =	vst v63  }
0x5e: {  	_ =	swait.ge [sflag:s0], $0x4000  }
0x5f: {  	[sflag:s0] =	ssyncset.done $0x0  }
0x60: {  	[sflag:s0] =	ssyncadd.s32 $0xFFFFC000  }
0x61: {  	_ =	swait.ge [sflag:s10], $0x4000  }
0x62: {  	s16 =	sshrl.u32 s5, $0x3;
	s13 =	sadd.s32 $0x1, s13;
	[sflag:s10] =	ssyncset.done $0x0  }
0x63: {  	p1 =	sne.s32 s13, s23;
	s15 =	sshll.u32 s2, $0x6;
	[sflag:s10] =	ssyncadd.s32 $0xFFFFC000  }
.Ltmp1:
0x64: {  	s14 =	sor.u32 $0x1C05, s15;
	[bflag:$0x0] =	sbarrier.arrive $0xFFFF;
	(pc) =	sbr.rel @!p1 .LBB2_17-.Ltmp1, $4  }
0x65: {  	[hbm:s22], [sflag:s14] =	dma.local [spmem:s16], $0x2800  }
0x66: {  	_ =	swait.ge [sflag:s25], $0x2800  }
0x67: {  	[sflag:s25] =	ssyncset.done $0x0  }
0x68: {  	[sflag:s25] =	ssyncadd.s32 $0xFFFFD800  }
.LBB2_1:
0x69: {  	s14 =	simm.s32 $0x0;
	s15 =	simm.s32 $0x200  }
.LBB2_2:
0x6a: {  	p1 =	sne.s32 s15, $0xFE00;
	[tilespmem:s14+$0x2070] =	vst v0  }
0x6b: {  	[tilespmem:s14+$0x2000] =	vst v0  }
0x6c: {  	[tilespmem:s14+$0x2010] =	vst v0  }
.Ltmp2:
0x6d: {  	[tilespmem:s14+$0x2020] =	vst v0;
	(pc) =	sbr.rel @p1 .LBB2_2-.Ltmp2, $4  }
0x6e: {  	[tilespmem:s14+$0x2030] =	vst v0  }
0x6f: {  	[tilespmem:s14+$0x2040] =	vst v0  }
0x70: {  	[tilespmem:s14+$0x2050] =	vst v0  }
0x71: {  	[tilespmem:s14+$0x2060] =	vst v0;
	s14 =	sshra.s32 s15, $0x2;
	s15 =	sadd.s32 $0x200, s15  }
0x72: {  	[tilespmem:s14+$0x2070] =	vst v0  }
0x73: {  	[tilespmem:s14+$0x2000] =	vst v0  }
0x74: {  	[tilespmem:s14+$0x2010] =	vst v0  }
0x75: {  	[tilespmem:s14+$0x2020] =	vst v0  }
0x76: {  	[tilespmem:s14+$0x2030] =	vst v0  }
0x77: {  	[tilespmem:s14+$0x2040] =	vst v0  }
0x78: {  	[tilespmem:s14+$0x2050] =	vst v0  }
0x79: {  	[tilespmem:s14+$0x2060] =	vst v0  }
0x7a: {  	[spmem:s5] =	stream.linear.scatter [tilespmem:s24], [sflag:$0x5], $0x4000, $0x38;
	[tilespmem:$0x1E000] =	vst v63  }
0x7b: {  	_ =	swait.ge [sflag:s25], $0x4000  }
0x7c: {  	[sflag:s25] =	ssyncset.done $0x0  }
0x7d: {  	[sflag:s25] =	ssyncadd.s32 $0xFFFFC000  }
0x7e: {  	[spmem:s6] =	stream.linear.scatter [tilespmem:s24], [sflag:$0x5], $0x4000, $0x38;
	[tilespmem:$0x1E000] =	vst v63  }
0x7f: {  	_ =	swait.ge [sflag:s25], $0x4000  }
0x80: {  	[sflag:s25] =	ssyncset.done $0x0  }
0x81: {  	[sflag:s25] =	ssyncadd.s32 $0xFFFFC000  }
0x82: {  	[spmem:s7] =	stream.linear.scatter [tilespmem:s24], [sflag:$0x5], $0x4000, $0x38;
	[tilespmem:$0x1E000] =	vst v63  }
0x83: {  	_ =	swait.ge [sflag:s25], $0x4000  }
0x84: {  	[sflag:s25] =	ssyncset.done $0x0  }
0x85: {  	[sflag:s25] =	ssyncadd.s32 $0xFFFFC000  }
0x86: {  	[spmem:s8] =	stream.linear.scatter [tilespmem:s24], [sflag:$0x5], $0x4000, $0x38;
	[tilespmem:$0x1E000] =	vst v63  }
0x87: {  	_ =	swait.ge [sflag:s25], $0x4000  }
0x88: {  	[sflag:s25] =	ssyncset.done $0x0  }
0x89: {  	[sflag:s25] =	ssyncadd.s32 $0xFFFFC000  }
0x8a: {  	[spmem:s9] =	stream.linear.scatter [tilespmem:s24], [sflag:$0x5], $0x4000, $0x38;
	[tilespmem:$0x1E000] =	vst v63  }
.Ltmp3:
0x8b: {  	_ =	swait.ge [sflag:s25], $0x4000;
	(pc) =	sbr.rel @p0 .LBB2_15-.Ltmp3, $3  }
0x8c: {  	[sflag:s25] =	ssyncset.done $0x0  }
0x8d: {  	[sflag:s25] =	ssyncadd.s32 $0xFFFFC000  }
0x8e: {  	[bflag:$0x0] =	sbarrier.arrive $0xFFFF;
	_ =	sdelay $0x1  }
0x8f: {  	s14 =	simm.s32 $0x0;
	s15 =	rddreg [dreg:$0x5]  }
0x90: {  	[tilespmem:s14], [sflag:$0x5] =	stream.linear.gather [hbm4b:s15+s14], $0x1000, $0x38;
	[tilespmem:$0x1E000] =	vst v63  }
0x91: {  	_ =	swait.ge [sflag:s25], $0x1000  }
0x92: {  	[sflag:s25] =	ssyncset.done $0x0  }
0x93: {  	s16 =	rddreg [dreg:$0x6];
	[sflag:s25] =	ssyncadd.s32 $0xFFFFF000  }
0x94: {  	[tilespmem:s26], [sflag:$0x5] =	stream.linear.gather [hbm4b:s16+s14], $0x1000, $0x38;
	[tilespmem:$0x1E000] =	vst v63  }
0x95: {  	_ =	swait.ge [sflag:s25], $0x1000  }
0x96: {  	[sflag:s25] =	ssyncset.done $0x0  }
0x97: {  	[sflag:s25] =	ssyncadd.s32 $0xFFFFF000  }
0x98: {  	[tilespmem:s24], [sflag:$0x1] =	stream.indirect.gather [hbm4b:s4+s28], $0x80, s14, s28, $0xb8;
	[tilespmem:$0x1E000] =	vst v63  }
0x99: {  	_ = 	snop  }
0x9a: {  	[tilespmem:s29], [sflag:$0x2] =	stream.indirect.gather [hbm4b:s4+s28], $0x80, s28, s28, $0xb8;
	[tilespmem:$0x1E000] =	vst v63  }
0x9b: {  	_ =	swait.ge [sflag:s30], $0x4000  }
0x9c: {  	[sflag:s30] =	ssyncset.done $0x0  }
0x9d: {  	s16 =	simm.s32 $0x1000;
	[sflag:s30] =	ssyncadd.s32 $0xFFFFC000  }
0x9e: {  	[spmem:s1] =	stream.indirect.scatter.add.f32 [tilespmem:s24], [sflag:$0x3], $0x80, s16, s28, $0xb8;
	[tilespmem:$0x1E000] =	vst v63  }
0x9f: {  	_ =	swait.ge [sflag:s31], $0x4000  }
0xa0: {  	[sflag:s31] =	ssyncset.done $0x0  }
0xa1: {  	s15 =	simm.s32 $0x1080;
	[sflag:s31] =	ssyncadd.s32 $0xFFFFC000  }
0xa2: {  	[spmem:s1] =	stream.indirect.scatter.add.f32 [tilespmem:s29], [sflag:$0x4], $0x80, s15, s28, $0xb8;
	[tilespmem:$0x1E000] =	vst v63  }
0xa3: {  	_ =	swait.ge [sflag:s0], $0x4000  }
0xa4: {  	[sflag:s0] =	ssyncset.done $0x0  }
0xa5: {  	s16 =	simm.s32 $0x100;
	[sflag:s0] =	ssyncadd.s32 $0xFFFFC000  }
0xa6: {  	[tilespmem:s24], [sflag:$0x1] =	stream.indirect.gather [hbm4b:s4+s28], $0x80, s16, s28, $0xb8;
	[tilespmem:$0x1E000] =	vst v63  }
0xa7: {  	_ =	swait.ge [sflag:s10], $0x4000  }
0xa8: {  	[sflag:s10] =	ssyncset.done $0x0  }
0xa9: {  	s14 =	simm.s32 $0x400;
	s15 =	simm.s32 $0x180;
	[sflag:s10] =	ssyncadd.s32 $0xFFFFC000  }
.LBB2_5:
0xaa: {  	[tilespmem:s29], [sflag:$0x2] =	stream.indirect.gather [hbm4b:s4+s28], $0x80, s15, s28, $0xb8;
	[tilespmem:$0x1E000] =	vst v63  }
0xab: {  	s15 =	smov.u32 s14  }
0xac: {  	p1 =	sne.s32 s14, $0x3800;
	s14 =	sadd.s32 $0x400, s14;
	_ =	swait.ge [sflag:s30], $0x4000  }
0xad: {  	s15 =	sshra.s32 s15, $0x2;
	[sflag:s30] =	ssyncset.done $0x0  }
0xae: {  	s16 =	sadd.s32 $0x1000, s15;
	[sflag:s30] =	ssyncadd.s32 $0xFFFFC000  }
0xaf: {  	[spmem:s1] =	stream.indirect.scatter.add.f32 [tilespmem:s24], [sflag:$0x3], $0x80, s16, s28, $0xb8;
	[tilespmem:$0x1E000] =	vst v63  }
0xb0: {  	_ =	swait.ge [sflag:s31], $0x4000  }
0xb1: {  	[sflag:s31] =	ssyncset.done $0x0  }
0xb2: {  	s16 =	sadd.s32 $0x1080, s15;
	[sflag:s31] =	ssyncadd.s32 $0xFFFFC000  }
0xb3: {  	[spmem:s1] =	stream.indirect.scatter.add.f32 [tilespmem:s29], [sflag:$0x4], $0x80, s16, s28, $0xb8;
	[tilespmem:$0x1E000] =	vst v63  }
0xb4: {  	_ =	swait.ge [sflag:s0], $0x4000  }
0xb5: {  	[sflag:s0] =	ssyncset.done $0x0  }
.Ltmp4:
0xb6: {  	s16 =	sadd.s32 $0x100, s15;
	[sflag:s0] =	ssyncadd.s32 $0xFFFFC000;
	(pc) =	sbr.rel @p1 .LBB2_5-.Ltmp4, $4  }
0xb7: {  	[tilespmem:s24], [sflag:$0x1] =	stream.indirect.gather [hbm4b:s4+s28], $0x80, s16, s28, $0xb8;
	[tilespmem:$0x1E000] =	vst v63  }
0xb8: {  	_ =	swait.ge [sflag:s10], $0x4000  }
0xb9: {  	[sflag:s10] =	ssyncset.done $0x0  }
0xba: {  	s15 =	sadd.s32 $0x180, s15;
	[sflag:s10] =	ssyncadd.s32 $0xFFFFC000  }
0xbb: {  	[tilespmem:s29], [sflag:$0x2] =	stream.indirect.gather [hbm4b:s4+s28], $0x80, s15, s28, $0xb8;
	[tilespmem:$0x1E000] =	vst v63  }
0xbc: {  	_ =	swait.ge [sflag:s30], $0x4000  }
0xbd: {  	[sflag:s30] =	ssyncset.done $0x0  }
0xbe: {  	[sflag:s30] =	ssyncadd.s32 $0xFFFFC000  }
0xbf: {  	[spmem:s1] =	stream.indirect.scatter.add.f32 [tilespmem:s24], [sflag:$0x3], $0x80, s11, s28, $0xb8;
	[tilespmem:$0x1E000] =	vst v63  }
0xc0: {  	_ =	swait.ge [sflag:s31], $0x4000  }
0xc1: {  	[sflag:s31] =	ssyncset.done $0x0  }
0xc2: {  	[sflag:s31] =	ssyncadd.s32 $0xFFFFC000  }
0xc3: {  	[spmem:s1] =	stream.indirect.scatter.add.f32 [tilespmem:s29], [sflag:$0x4], $0x80, s12, s28, $0xb8;
	[tilespmem:$0x1E000] =	vst v63  }
0xc4: {  	_ =	swait.ge [sflag:s0], $0x4000  }
0xc5: {  	[sflag:s0] =	ssyncset.done $0x0  }
0xc6: {  	[sflag:s0] =	ssyncadd.s32 $0xFFFFC000  }
0xc7: {  	_ =	swait.ge [sflag:s10], $0x4000  }
0xc8: {  	[sflag:s10] =	ssyncset.done $0x0  }
0xc9: {  	s14 =	simm.s32 $0x0;
	s16 =	rddreg [dreg:$0x7];
	[sflag:s10] =	ssyncadd.s32 $0xFFFFC000  }
0xca: {  	[tilespmem:s14], [sflag:$0x5] =	stream.linear.gather [hbm4b:s16+s14], $0x1000, $0x38;
	[tilespmem:$0x1E000] =	vst v63  }
0xcb: {  	_ =	swait.ge [sflag:s25], $0x1000  }
0xcc: {  	[sflag:s25] =	ssyncset.done $0x0  }
0xcd: {  	s16 =	rddreg [dreg:$0x8];
	[sflag:s25] =	ssyncadd.s32 $0xFFFFF000  }
0xce: {  	[tilespmem:s26], [sflag:$0x5] =	stream.linear.gather [hbm4b:s16+s14], $0x1000, $0x38;
	[tilespmem:$0x1E000] =	vst v63  }
0xcf: {  	_ =	swait.ge [sflag:s25], $0x1000  }
0xd0: {  	[sflag:s25] =	ssyncset.done $0x0  }
0xd1: {  	[sflag:s25] =	ssyncadd.s32 $0xFFFFF000  }
0xd2: {  	[tilespmem:s24], [sflag:$0x1] =	stream.indirect.gather [hbm4b:s4+s28], $0x80, s14, s28, $0xb8;
	[tilespmem:$0x1E000] =	vst v63  }
0xd3: {  	_ = 	snop  }
0xd4: {  	[tilespmem:s29], [sflag:$0x2] =	stream.indirect.gather [hbm4b:s4+s28], $0x80, s28, s28, $0xb8;
	[tilespmem:$0x1E000] =	vst v63  }
0xd5: {  	_ =	swait.ge [sflag:s30], $0x4000  }
0xd6: {  	[sflag:s30] =	ssyncset.done $0x0  }
0xd7: {  	s16 =	simm.s32 $0x1000;
	[sflag:s30] =	ssyncadd.s32 $0xFFFFC000  }
0xd8: {  	[spmem:s1] =	stream.indirect.scatter.add.f32 [tilespmem:s24], [sflag:$0x3], $0x80, s16, s28, $0xb8;
	[tilespmem:$0x1E000] =	vst v63  }
0xd9: {  	_ =	swait.ge [sflag:s31], $0x4000  }
0xda: {  	[sflag:s31] =	ssyncset.done $0x0  }
0xdb: {  	s15 =	simm.s32 $0x1080;
	[sflag:s31] =	ssyncadd.s32 $0xFFFFC000  }
0xdc: {  	[spmem:s1] =	stream.indirect.scatter.add.f32 [tilespmem:s29], [sflag:$0x4], $0x80, s15, s28, $0xb8;
	[tilespmem:$0x1E000] =	vst v63  }
0xdd: {  	_ =	swait.ge [sflag:s0], $0x4000  }
0xde: {  	[sflag:s0] =	ssyncset.done $0x0  }
0xdf: {  	s16 =	simm.s32 $0x100;
	[sflag:s0] =	ssyncadd.s32 $0xFFFFC000  }
0xe0: {  	[tilespmem:s24], [sflag:$0x1] =	stream.indirect.gather [hbm4b:s4+s28], $0x80, s16, s28, $0xb8;
	[tilespmem:$0x1E000] =	vst v63  }
0xe1: {  	_ =	swait.ge [sflag:s10], $0x4000  }
0xe2: {  	[sflag:s10] =	ssyncset.done $0x0  }
0xe3: {  	s14 =	simm.s32 $0x400;
	s15 =	simm.s32 $0x180;
	[sflag:s10] =	ssyncadd.s32 $0xFFFFC000  }
.LBB2_7:
0xe4: {  	[tilespmem:s29], [sflag:$0x2] =	stream.indirect.gather [hbm4b:s4+s28], $0x80, s15, s28, $0xb8;
	[tilespmem:$0x1E000] =	vst v63  }
0xe5: {  	s15 =	smov.u32 s14  }
0xe6: {  	p1 =	sne.s32 s14, $0x3800;
	s14 =	sadd.s32 $0x400, s14;
	_ =	swait.ge [sflag:s30], $0x4000  }
0xe7: {  	s15 =	sshra.s32 s15, $0x2;
	[sflag:s30] =	ssyncset.done $0x0  }
0xe8: {  	s16 =	sadd.s32 $0x1000, s15;
	[sflag:s30] =	ssyncadd.s32 $0xFFFFC000  }
0xe9: {  	[spmem:s1] =	stream.indirect.scatter.add.f32 [tilespmem:s24], [sflag:$0x3], $0x80, s16, s28, $0xb8;
	[tilespmem:$0x1E000] =	vst v63  }
0xea: {  	_ =	swait.ge [sflag:s31], $0x4000  }
0xeb: {  	[sflag:s31] =	ssyncset.done $0x0  }
0xec: {  	s16 =	sadd.s32 $0x1080, s15;
	[sflag:s31] =	ssyncadd.s32 $0xFFFFC000  }
0xed: {  	[spmem:s1] =	stream.indirect.scatter.add.f32 [tilespmem:s29], [sflag:$0x4], $0x80, s16, s28, $0xb8;
	[tilespmem:$0x1E000] =	vst v63  }
0xee: {  	_ =	swait.ge [sflag:s0], $0x4000  }
0xef: {  	[sflag:s0] =	ssyncset.done $0x0  }
.Ltmp5:
0xf0: {  	s16 =	sadd.s32 $0x100, s15;
	[sflag:s0] =	ssyncadd.s32 $0xFFFFC000;
	(pc) =	sbr.rel @p1 .LBB2_7-.Ltmp5, $4  }
0xf1: {  	[tilespmem:s24], [sflag:$0x1] =	stream.indirect.gather [hbm4b:s4+s28], $0x80, s16, s28, $0xb8;
	[tilespmem:$0x1E000] =	vst v63  }
0xf2: {  	_ =	swait.ge [sflag:s10], $0x4000  }
0xf3: {  	[sflag:s10] =	ssyncset.done $0x0  }
0xf4: {  	s15 =	sadd.s32 $0x180, s15;
	[sflag:s10] =	ssyncadd.s32 $0xFFFFC000  }
0xf5: {  	[tilespmem:s29], [sflag:$0x2] =	stream.indirect.gather [hbm4b:s4+s28], $0x80, s15, s28, $0xb8;
	[tilespmem:$0x1E000] =	vst v63  }
0xf6: {  	_ =	swait.ge [sflag:s30], $0x4000  }
0xf7: {  	[sflag:s30] =	ssyncset.done $0x0  }
0xf8: {  	[sflag:s30] =	ssyncadd.s32 $0xFFFFC000  }
0xf9: {  	[spmem:s1] =	stream.indirect.scatter.add.f32 [tilespmem:s24], [sflag:$0x3], $0x80, s11, s28, $0xb8;
	[tilespmem:$0x1E000] =	vst v63  }
0xfa: {  	_ =	swait.ge [sflag:s31], $0x4000  }
0xfb: {  	[sflag:s31] =	ssyncset.done $0x0  }
0xfc: {  	[sflag:s31] =	ssyncadd.s32 $0xFFFFC000  }
0xfd: {  	[spmem:s1] =	stream.indirect.scatter.add.f32 [tilespmem:s29], [sflag:$0x4], $0x80, s12, s28, $0xb8;
	[tilespmem:$0x1E000] =	vst v63  }
0xfe: {  	_ =	swait.ge [sflag:s0], $0x4000  }
0xff: {  	[sflag:s0] =	ssyncset.done $0x0  }
0x100: {  	[sflag:s0] =	ssyncadd.s32 $0xFFFFC000  }
0x101: {  	_ =	swait.ge [sflag:s10], $0x4000  }
0x102: {  	[sflag:s10] =	ssyncset.done $0x0  }
0x103: {  	s14 =	simm.s32 $0x0;
	s16 =	rddreg [dreg:$0x9];
	[sflag:s10] =	ssyncadd.s32 $0xFFFFC000  }
0x104: {  	[tilespmem:s14], [sflag:$0x5] =	stream.linear.gather [hbm4b:s16+s14], $0x1000, $0x38;
	[tilespmem:$0x1E000] =	vst v63  }
0x105: {  	_ =	swait.ge [sflag:s25], $0x1000  }
0x106: {  	[sflag:s25] =	ssyncset.done $0x0  }
0x107: {  	[sflag:s25] =	ssyncadd.s32 $0xFFFFF000  }
0x108: {  	[tilespmem:s26], [sflag:$0x5] =	stream.linear.gather [hbm4b:s17+s14], $0x1000, $0x38;
	[tilespmem:$0x1E000] =	vst v63  }
0x109: {  	_ =	swait.ge [sflag:s25], $0x1000  }
0x10a: {  	[sflag:s25] =	ssyncset.done $0x0  }
0x10b: {  	[sflag:s25] =	ssyncadd.s32 $0xFFFFF000  }
0x10c: {  	[tilespmem:s24], [sflag:$0x1] =	stream.indirect.gather [hbm4b:s4+s28], $0x80, s14, s28, $0xb8;
	[tilespmem:$0x1E000] =	vst v63  }
0x10d: {  	_ = 	snop  }
0x10e: {  	[tilespmem:s29], [sflag:$0x2] =	stream.indirect.gather [hbm4b:s4+s28], $0x80, s28, s28, $0xb8;
	[tilespmem:$0x1E000] =	vst v63  }
0x10f: {  	_ =	swait.ge [sflag:s30], $0x4000  }
0x110: {  	[sflag:s30] =	ssyncset.done $0x0  }
0x111: {  	s16 =	simm.s32 $0x1000;
	[sflag:s30] =	ssyncadd.s32 $0xFFFFC000  }
0x112: {  	[spmem:s1] =	stream.indirect.scatter.add.f32 [tilespmem:s24], [sflag:$0x3], $0x80, s16, s28, $0xb8;
	[tilespmem:$0x1E000] =	vst v63  }
0x113: {  	_ =	swait.ge [sflag:s31], $0x4000  }
0x114: {  	[sflag:s31] =	ssyncset.done $0x0  }
0x115: {  	s15 =	simm.s32 $0x1080;
	[sflag:s31] =	ssyncadd.s32 $0xFFFFC000  }
0x116: {  	[spmem:s1] =	stream.indirect.scatter.add.f32 [tilespmem:s29], [sflag:$0x4], $0x80, s15, s28, $0xb8;
	[tilespmem:$0x1E000] =	vst v63  }
0x117: {  	_ =	swait.ge [sflag:s0], $0x4000  }
0x118: {  	[sflag:s0] =	ssyncset.done $0x0  }
0x119: {  	s16 =	simm.s32 $0x100;
	[sflag:s0] =	ssyncadd.s32 $0xFFFFC000  }
0x11a: {  	[tilespmem:s24], [sflag:$0x1] =	stream.indirect.gather [hbm4b:s4+s28], $0x80, s16, s28, $0xb8;
	[tilespmem:$0x1E000] =	vst v63  }
0x11b: {  	_ =	swait.ge [sflag:s10], $0x4000  }
0x11c: {  	[sflag:s10] =	ssyncset.done $0x0  }
0x11d: {  	s14 =	simm.s32 $0x400;
	s15 =	simm.s32 $0x180;
	[sflag:s10] =	ssyncadd.s32 $0xFFFFC000  }
.LBB2_9:
0x11e: {  	[tilespmem:s29], [sflag:$0x2] =	stream.indirect.gather [hbm4b:s4+s28], $0x80, s15, s28, $0xb8;
	[tilespmem:$0x1E000] =	vst v63  }
0x11f: {  	s15 =	smov.u32 s14  }
0x120: {  	p1 =	sne.s32 s14, $0x3800;
	s14 =	sadd.s32 $0x400, s14;
	_ =	swait.ge [sflag:s30], $0x4000  }
0x121: {  	s15 =	sshra.s32 s15, $0x2;
	[sflag:s30] =	ssyncset.done $0x0  }
0x122: {  	s16 =	sadd.s32 $0x1000, s15;
	[sflag:s30] =	ssyncadd.s32 $0xFFFFC000  }
0x123: {  	[spmem:s1] =	stream.indirect.scatter.add.f32 [tilespmem:s24], [sflag:$0x3], $0x80, s16, s28, $0xb8;
	[tilespmem:$0x1E000] =	vst v63  }
0x124: {  	_ =	swait.ge [sflag:s31], $0x4000  }
0x125: {  	[sflag:s31] =	ssyncset.done $0x0  }
0x126: {  	s16 =	sadd.s32 $0x1080, s15;
	[sflag:s31] =	ssyncadd.s32 $0xFFFFC000  }
0x127: {  	[spmem:s1] =	stream.indirect.scatter.add.f32 [tilespmem:s29], [sflag:$0x4], $0x80, s16, s28, $0xb8;
	[tilespmem:$0x1E000] =	vst v63  }
0x128: {  	_ =	swait.ge [sflag:s0], $0x4000  }
0x129: {  	[sflag:s0] =	ssyncset.done $0x0  }
.Ltmp6:
0x12a: {  	s16 =	sadd.s32 $0x100, s15;
	[sflag:s0] =	ssyncadd.s32 $0xFFFFC000;
	(pc) =	sbr.rel @p1 .LBB2_9-.Ltmp6, $4  }
0x12b: {  	[tilespmem:s24], [sflag:$0x1] =	stream.indirect.gather [hbm4b:s4+s28], $0x80, s16, s28, $0xb8;
	[tilespmem:$0x1E000] =	vst v63  }
0x12c: {  	_ =	swait.ge [sflag:s10], $0x4000  }
0x12d: {  	[sflag:s10] =	ssyncset.done $0x0  }
0x12e: {  	s15 =	sadd.s32 $0x180, s15;
	[sflag:s10] =	ssyncadd.s32 $0xFFFFC000  }
0x12f: {  	[tilespmem:s29], [sflag:$0x2] =	stream.indirect.gather [hbm4b:s4+s28], $0x80, s15, s28, $0xb8;
	[tilespmem:$0x1E000] =	vst v63  }
0x130: {  	_ =	swait.ge [sflag:s30], $0x4000  }
0x131: {  	[sflag:s30] =	ssyncset.done $0x0  }
0x132: {  	[sflag:s30] =	ssyncadd.s32 $0xFFFFC000  }
0x133: {  	[spmem:s1] =	stream.indirect.scatter.add.f32 [tilespmem:s24], [sflag:$0x3], $0x80, s11, s28, $0xb8;
	[tilespmem:$0x1E000] =	vst v63  }
0x134: {  	_ =	swait.ge [sflag:s31], $0x4000  }
0x135: {  	[sflag:s31] =	ssyncset.done $0x0  }
0x136: {  	[sflag:s31] =	ssyncadd.s32 $0xFFFFC000  }
0x137: {  	[spmem:s1] =	stream.indirect.scatter.add.f32 [tilespmem:s29], [sflag:$0x4], $0x80, s12, s28, $0xb8;
	[tilespmem:$0x1E000] =	vst v63  }
0x138: {  	_ =	swait.ge [sflag:s0], $0x4000  }
0x139: {  	[sflag:s0] =	ssyncset.done $0x0  }
0x13a: {  	[sflag:s0] =	ssyncadd.s32 $0xFFFFC000  }
0x13b: {  	_ =	swait.ge [sflag:s10], $0x4000  }
0x13c: {  	[sflag:s10] =	ssyncset.done $0x0  }
0x13d: {  	s14 =	simm.s32 $0x0;
	[sflag:s10] =	ssyncadd.s32 $0xFFFFC000  }
0x13e: {  	[tilespmem:s14], [sflag:$0x5] =	stream.linear.gather [hbm4b:s18+s14], $0x1000, $0x38;
	[tilespmem:$0x1E000] =	vst v63  }
0x13f: {  	_ =	swait.ge [sflag:s25], $0x1000  }
0x140: {  	[sflag:s25] =	ssyncset.done $0x0  }
0x141: {  	[sflag:s25] =	ssyncadd.s32 $0xFFFFF000  }
0x142: {  	[tilespmem:s26], [sflag:$0x5] =	stream.linear.gather [hbm4b:s19+s14], $0x1000, $0x38;
	[tilespmem:$0x1E000] =	vst v63  }
0x143: {  	_ =	swait.ge [sflag:s25], $0x1000  }
0x144: {  	[sflag:s25] =	ssyncset.done $0x0  }
0x145: {  	[sflag:s25] =	ssyncadd.s32 $0xFFFFF000  }
0x146: {  	[tilespmem:s24], [sflag:$0x1] =	stream.indirect.gather [hbm4b:s4+s28], $0x80, s14, s28, $0xb8;
	[tilespmem:$0x1E000] =	vst v63  }
0x147: {  	_ = 	snop  }
0x148: {  	[tilespmem:s29], [sflag:$0x2] =	stream.indirect.gather [hbm4b:s4+s28], $0x80, s28, s28, $0xb8;
	[tilespmem:$0x1E000] =	vst v63  }
0x149: {  	_ =	swait.ge [sflag:s30], $0x4000  }
0x14a: {  	[sflag:s30] =	ssyncset.done $0x0  }
0x14b: {  	s16 =	simm.s32 $0x1000;
	[sflag:s30] =	ssyncadd.s32 $0xFFFFC000  }
0x14c: {  	[spmem:s1] =	stream.indirect.scatter.add.f32 [tilespmem:s24], [sflag:$0x3], $0x80, s16, s28, $0xb8;
	[tilespmem:$0x1E000] =	vst v63  }
0x14d: {  	_ =	swait.ge [sflag:s31], $0x4000  }
0x14e: {  	[sflag:s31] =	ssyncset.done $0x0  }
0x14f: {  	s15 =	simm.s32 $0x1080;
	[sflag:s31] =	ssyncadd.s32 $0xFFFFC000  }
0x150: {  	[spmem:s1] =	stream.indirect.scatter.add.f32 [tilespmem:s29], [sflag:$0x4], $0x80, s15, s28, $0xb8;
	[tilespmem:$0x1E000] =	vst v63  }
0x151: {  	_ =	swait.ge [sflag:s0], $0x4000  }
0x152: {  	[sflag:s0] =	ssyncset.done $0x0  }
0x153: {  	s16 =	simm.s32 $0x100;
	[sflag:s0] =	ssyncadd.s32 $0xFFFFC000  }
0x154: {  	[tilespmem:s24], [sflag:$0x1] =	stream.indirect.gather [hbm4b:s4+s28], $0x80, s16, s28, $0xb8;
	[tilespmem:$0x1E000] =	vst v63  }
0x155: {  	_ =	swait.ge [sflag:s10], $0x4000  }
0x156: {  	[sflag:s10] =	ssyncset.done $0x0  }
0x157: {  	s14 =	simm.s32 $0x400;
	s15 =	simm.s32 $0x180;
	[sflag:s10] =	ssyncadd.s32 $0xFFFFC000  }
.LBB2_11:
0x158: {  	[tilespmem:s29], [sflag:$0x2] =	stream.indirect.gather [hbm4b:s4+s28], $0x80, s15, s28, $0xb8;
	[tilespmem:$0x1E000] =	vst v63  }
0x159: {  	s15 =	smov.u32 s14  }
0x15a: {  	p1 =	sne.s32 s14, $0x3800;
	s14 =	sadd.s32 $0x400, s14;
	_ =	swait.ge [sflag:s30], $0x4000  }
0x15b: {  	s15 =	sshra.s32 s15, $0x2;
	[sflag:s30] =	ssyncset.done $0x0  }
0x15c: {  	s16 =	sadd.s32 $0x1000, s15;
	[sflag:s30] =	ssyncadd.s32 $0xFFFFC000  }
0x15d: {  	[spmem:s1] =	stream.indirect.scatter.add.f32 [tilespmem:s24], [sflag:$0x3], $0x80, s16, s28, $0xb8;
	[tilespmem:$0x1E000] =	vst v63  }
0x15e: {  	_ =	swait.ge [sflag:s31], $0x4000  }
0x15f: {  	[sflag:s31] =	ssyncset.done $0x0  }
0x160: {  	s16 =	sadd.s32 $0x1080, s15;
	[sflag:s31] =	ssyncadd.s32 $0xFFFFC000  }
0x161: {  	[spmem:s1] =	stream.indirect.scatter.add.f32 [tilespmem:s29], [sflag:$0x4], $0x80, s16, s28, $0xb8;
	[tilespmem:$0x1E000] =	vst v63  }
0x162: {  	_ =	swait.ge [sflag:s0], $0x4000  }
0x163: {  	[sflag:s0] =	ssyncset.done $0x0  }
.Ltmp7:
0x164: {  	s16 =	sadd.s32 $0x100, s15;
	[sflag:s0] =	ssyncadd.s32 $0xFFFFC000;
	(pc) =	sbr.rel @p1 .LBB2_11-.Ltmp7, $4  }
0x165: {  	[tilespmem:s24], [sflag:$0x1] =	stream.indirect.gather [hbm4b:s4+s28], $0x80, s16, s28, $0xb8;
	[tilespmem:$0x1E000] =	vst v63  }
0x166: {  	_ =	swait.ge [sflag:s10], $0x4000  }
0x167: {  	[sflag:s10] =	ssyncset.done $0x0  }
0x168: {  	s15 =	sadd.s32 $0x180, s15;
	[sflag:s10] =	ssyncadd.s32 $0xFFFFC000  }
0x169: {  	[tilespmem:s29], [sflag:$0x2] =	stream.indirect.gather [hbm4b:s4+s28], $0x80, s15, s28, $0xb8;
	[tilespmem:$0x1E000] =	vst v63  }
0x16a: {  	_ =	swait.ge [sflag:s30], $0x4000  }
0x16b: {  	[sflag:s30] =	ssyncset.done $0x0  }
0x16c: {  	[sflag:s30] =	ssyncadd.s32 $0xFFFFC000  }
0x16d: {  	[spmem:s1] =	stream.indirect.scatter.add.f32 [tilespmem:s24], [sflag:$0x3], $0x80, s11, s28, $0xb8;
	[tilespmem:$0x1E000] =	vst v63  }
0x16e: {  	_ =	swait.ge [sflag:s31], $0x4000  }
0x16f: {  	[sflag:s31] =	ssyncset.done $0x0  }
0x170: {  	[sflag:s31] =	ssyncadd.s32 $0xFFFFC000  }
0x171: {  	[spmem:s1] =	stream.indirect.scatter.add.f32 [tilespmem:s29], [sflag:$0x4], $0x80, s12, s28, $0xb8;
	[tilespmem:$0x1E000] =	vst v63  }
0x172: {  	_ =	swait.ge [sflag:s0], $0x4000  }
0x173: {  	[sflag:s0] =	ssyncset.done $0x0  }
0x174: {  	[sflag:s0] =	ssyncadd.s32 $0xFFFFC000  }
0x175: {  	_ =	swait.ge [sflag:s10], $0x4000  }
0x176: {  	[sflag:s10] =	ssyncset.done $0x0  }
0x177: {  	s14 =	simm.s32 $0x0;
	[sflag:s10] =	ssyncadd.s32 $0xFFFFC000  }
0x178: {  	[tilespmem:s14], [sflag:$0x5] =	stream.linear.gather [hbm4b:s20+s14], $0xC00, $0x38;
	[tilespmem:$0x1E000] =	vst v63  }
0x179: {  	_ =	swait.ge [sflag:s25], $0xC00  }
0x17a: {  	[sflag:s25] =	ssyncset.done $0x0  }
0x17b: {  	[sflag:s25] =	ssyncadd.s32 $0xFFFFF400  }
0x17c: {  	[tilespmem:s26], [sflag:$0x5] =	stream.linear.gather [hbm4b:s21+s14], $0xC00, $0x38;
	[tilespmem:$0x1E000] =	vst v63  }
0x17d: {  	_ =	swait.ge [sflag:s25], $0xC00  }
0x17e: {  	[sflag:s25] =	ssyncset.done $0x0  }
0x17f: {  	[sflag:s25] =	ssyncadd.s32 $0xFFFFF400  }
0x180: {  	[tilespmem:s24], [sflag:$0x1] =	stream.indirect.gather [hbm4b:s4+s28], $0x80, s14, s28, $0xb8;
	[tilespmem:$0x1E000] =	vst v63  }
0x181: {  	_ = 	snop  }
0x182: {  	[tilespmem:s29], [sflag:$0x2] =	stream.indirect.gather [hbm4b:s4+s28], $0x80, s28, s28, $0xb8;
	[tilespmem:$0x1E000] =	vst v63  }
0x183: {  	_ =	swait.ge [sflag:s30], $0x4000  }
0x184: {  	[sflag:s30] =	ssyncset.done $0x0  }
0x185: {  	s16 =	simm.s32 $0x1000;
	[sflag:s30] =	ssyncadd.s32 $0xFFFFC000  }
0x186: {  	[spmem:s1] =	stream.indirect.scatter.add.f32 [tilespmem:s24], [sflag:$0x3], $0x80, s16, s28, $0xb8;
	[tilespmem:$0x1E000] =	vst v63  }
0x187: {  	_ =	swait.ge [sflag:s31], $0x4000  }
0x188: {  	[sflag:s31] =	ssyncset.done $0x0  }
0x189: {  	s15 =	simm.s32 $0x1080;
	[sflag:s31] =	ssyncadd.s32 $0xFFFFC000  }
0x18a: {  	[spmem:s1] =	stream.indirect.scatter.add.f32 [tilespmem:s29], [sflag:$0x4], $0x80, s15, s28, $0xb8;
	[tilespmem:$0x1E000] =	vst v63  }
0x18b: {  	_ =	swait.ge [sflag:s0], $0x4000  }
0x18c: {  	p1 =	por $0x0, $0x0;
	[sflag:s0] =	ssyncset.done $0x0  }
.Ltmp8:
0x18d: {  	s16 =	simm.s32 $0x100;
	[sflag:s0] =	ssyncadd.s32 $0xFFFFC000;
	(pc) =	sbr.rel @p1 .LBB2_14-.Ltmp8, $4  }
0x18e: {  	[tilespmem:s24], [sflag:$0x1] =	stream.indirect.gather [hbm4b:s4+s28], $0x80, s16, s28, $0xb8;
	[tilespmem:$0x1E000] =	vst v63  }
0x18f: {  	_ =	swait.ge [sflag:s10], $0x4000  }
0x190: {  	[sflag:s10] =	ssyncset.done $0x0  }
0x191: {  	s14 =	simm.s32 $0x400;
	s15 =	simm.s32 $0x180;
	[sflag:s10] =	ssyncadd.s32 $0xFFFFC000  }
.LBB2_13:
0x192: {  	[tilespmem:s29], [sflag:$0x2] =	stream.indirect.gather [hbm4b:s4+s28], $0x80, s15, s28, $0xb8;
	[tilespmem:$0x1E000] =	vst v63  }
0x193: {  	s15 =	smov.u32 s14  }
0x194: {  	p1 =	seq.s32 s14, $0x2800;
	s14 =	sadd.s32 $0x400, s14;
	_ =	swait.ge [sflag:s30], $0x4000  }
0x195: {  	s15 =	sshra.s32 s15, $0x2;
	[sflag:s30] =	ssyncset.done $0x0  }
0x196: {  	s16 =	sadd.s32 $0x1000, s15;
	[sflag:s30] =	ssyncadd.s32 $0xFFFFC000  }
0x197: {  	[spmem:s1] =	stream.indirect.scatter.add.f32 [tilespmem:s24], [sflag:$0x3], $0x80, s16, s28, $0xb8;
	[tilespmem:$0x1E000] =	vst v63  }
0x198: {  	_ =	swait.ge [sflag:s31], $0x4000  }
0x199: {  	[sflag:s31] =	ssyncset.done $0x0  }
0x19a: {  	s16 =	sadd.s32 $0x1080, s15;
	[sflag:s31] =	ssyncadd.s32 $0xFFFFC000  }
0x19b: {  	[spmem:s1] =	stream.indirect.scatter.add.f32 [tilespmem:s29], [sflag:$0x4], $0x80, s16, s28, $0xb8;
	[tilespmem:$0x1E000] =	vst v63  }
0x19c: {  	_ =	swait.ge [sflag:s0], $0x4000  }
0x19d: {  	[sflag:s0] =	ssyncset.done $0x0  }
.Ltmp9:
0x19e: {  	s16 =	sadd.s32 $0x100, s15;
	[sflag:s0] =	ssyncadd.s32 $0xFFFFC000;
	(pc) =	sbr.rel @!p1 .LBB2_13-.Ltmp9, $4  }
0x19f: {  	[tilespmem:s24], [sflag:$0x1] =	stream.indirect.gather [hbm4b:s4+s28], $0x80, s16, s28, $0xb8;
	[tilespmem:$0x1E000] =	vst v63  }
0x1a0: {  	_ =	swait.ge [sflag:s10], $0x4000  }
0x1a1: {  	[sflag:s10] =	ssyncset.done $0x0  }
0x1a2: {  	s15 =	sadd.s32 $0x180, s15;
	[sflag:s10] =	ssyncadd.s32 $0xFFFFC000  }
.LBB2_14:
.Ltmp10:
0x1a3: {  	(pc) =	sbr.rel .LBB2_16-.Ltmp10, $3  }
0x1a4: {  	_ =	sdelay $0x1  }
0x1a5: {  	[tilespmem:s29], [sflag:$0x2] =	stream.indirect.gather [hbm4b:s4+s28], $0x80, s15, s28, $0xb8;
	[tilespmem:$0x1E000] =	vst v63  }
0x1a6: {  	s14 =	simm.s32 $0x1B80;
	s15 =	simm.s32 $0x1B00  }
.LBB2_17:
0x1a7: {  	_ =	sfence.sel $0x180000  }
0x1a8: {  	[bflag:$0x0] =	sbarrier.arrive $0xFFFF  }
0x1a9: {  	_ =	strace $0x9000004A  }
0x1aa: {  	[bflag:$0x2] =	sbarrier.arrive $0xFFFF  }
0x1ab: {  	p0 =	sne.s32 s2, $0x0;
	s0 =	rddreg [dreg:$0x2]  }
0x1ac: {  	s0 =	sadd.s32 @!p0 $0x100000, s0  }
0x1ad: {  	[sflag:s0] =	ssyncadd.tile.s32 @!p0 $0x1;
	_ =	shalt  }
.Lfunc_end2:
_tile_overlayer_lowered:
.L_overlay_start_2:
0x1ae: {  	(tag) =	ssettag $0x2  }
0x1af: {  	s0 =	rddreg [dreg:$0x0];
	s2 =	stileid.u32  }
0x1b0: {  	s1 =	rddreg [dreg:$0x1];
	p0 =	sne.s32 s2, $0x0  }
0x1b1: {  	s3 =	rddreg [dreg:$0x2];
	[bflag:$0x3] =	sbarrier.arrive $0xFFFF;
	s2 =	simm.s32 @!p0 $0x1C05  }
0x1b2: {  	[timem:s3], [sflag:s2] =	dma.local @!p0 [hbm:s0], s1  }
0x1b3: {  	s0 =	simm.s32 @!p0 $0x5  }
0x1b4: {  	_ =	swait.ge @!p0 [sflag:s0], s1  }
0x1b5: {  	s1 =	ssub.s32 @!p0 $0x0, s1;
	[sflag:s0] =	ssyncset.done @!p0 $0x0  }
0x1b6: {  	[sflag:s0] =	ssyncadd.s32 @!p0 s1  }
0x1b7: {  	[bflag:$0x3] =	sbarrier.arrive $0xFFFF  }
0x1b8: {  	_ =	shalt  }

// kernel: kernel.14.cloned.1.call-start
scs
__scs_entry_jumppad:
0x0: {  	(pc) =	sbr.rel $0x88, $3  }
0x1: {  	(tag) =	ssettag $0x0;
	lr =	simm.s32 $0x1  }
0x2: {  	[smem:$0x3F99] =	sst lr;
	_ =	strace $0xD0000000  }
0x3: {  	_ = 	snop  }
0x4: {  	_ = 	snop  }
0x5: {  	_ = 	snop  }
0x6: {  	_ = 	snop  }
0x7: {  	_ = 	snop  }
__scs_overlays_trampoline_lowered:
0x8: {  	[smem:$0x3FA8] =	sst s0  }
0x9: {  	[smem:$0x3FA9] =	sst s1  }
0xa: {  	[smem:$0x3FAA] =	sst s2  }
0xb: {  	[smem:$0x3FAB] =	sst s3  }
0xc: {  	[smem:$0x3FAC] =	sst s4  }
0xd: {  	[smem:$0x3FAD] =	sst s5  }
0xe: {  	[smem:$0x3FAE] =	sst s6  }
0xf: {  	[smem:$0x3FAF] =	sst s7  }
0x10: {  	[smem:$0x3FB0] =	sst s8  }
0x11: {  	[smem:$0x3FB1] =	sst s9;
	s0 =	simm.s32 @!p0 $0x0  }
0x12: {  	s1 =	sld [smem:$0x3F97];
	s0 =	simm.s32 @p0 $0x1  }
0x13: {  	[smem:$0x3FB2] =	sst s0;
	s0 =	simm.s32 @!p1 $0x0  }
0x14: {  	s2 =	sld [smem:$0x3F96];
	s0 =	simm.s32 @p1 $0x1  }
0x15: {  	[smem:$0x3FB3] =	sst s0;
	s0 =	simm.s32 @!p2 $0x0  }
0x16: {  	s3 =	sld [smem:$0x3FDB];
	s0 =	simm.s32 @p2 $0x1  }
0x17: {  	s4 =	simm.s32 $0x1BF5;
	[smem:$0x3FB5] =	sst s0  }
0x18: {  	s0 =	sld [smem:$0x3F98];
	_ =	swait.ge [sflag:s4], $0x0  }
0x19: {  	s7 =	sld [smem:$0x3F99]  }
0x1a: {  	s8 =	sadd.s32 $0xFFFFE003, lr  }
0x1b: {  	s9 =	sadd.s32 $0xFFFFFEF7, lr;
	s5 =	simm.s32 $0xFFFFFFFF;
	p2 =	slt.u32 s8, $0xFFFFF086  }
0x1c: {  	p1 =	slt.u32 s9, $0xF7A;
	s5 =	simm.s32 @!p2 $0x0  }
0x1d: {  	s5 =	simm.s32 @p1 $0x1;
	p0 =	seq.s32 s7, s2  }
0x1e: {  	s7 =	smul.u32 @!p0 $0xF7A, s2;
	p2 =	seq.s32 @!p0 s5, $0x0  }
0x1f: {  	s9 =	smul.u32 $0xF7A, s1;
	s8 =	simm.s32 @!p0 $0x1BF5;
	p2 =	por !p2, p0  }
0x20: {  	[sflag:s8] =	ssyncset.s32 @!p0 $0xFFFFF086;
	s6 =	sadd.s32 @!p0 s3, s7;
	s7 =	simm.s32 @!p0 $0x108  }
0x21: {  	s3 =	sadd.s32 s3, s9;
	s6 =	sadd.s32 @!p0 $0x88, s6;
	s7 =	simm.s32 @p2 $0x1082  }
0x22: {  	[simem:s7], [sflag:s8] =	dma.local @!p0 [hbm:s6], $0xF7A  }
0x23: {  	s9 =	sor.u32 $0xD0000000, s2;
	s6 =	simm.s32 $0x108;
	_ =	swait.ge @!p0 [sflag:s8], $0x0  }
0x24: {  	s3 =	sadd.s32 $0x88, s3;
	s6 =	simm.s32 @!p1 $0x1082;
	[sflag:s4] =	ssyncset.s32 $0xFFFFF086  }
0x25: {  	[simem:s6], [sflag:s4] =	dma.local [hbm:s3], $0xF7A  }
0x26: {  	[smem:$0x3F99] =	sst s1;
	(tag) =	ssettag s2;
	_ =	strace s9  }
0x27: {  	s1 =	sld [smem:$0x3FA9]  }
0x28: {  	s2 =	sld [smem:$0x3FAA]  }
0x29: {  	s4 =	sld [smem:$0x3FAC]  }
0x2a: {  	p0 =	seq.s32 s5, $0x0;
	s5 =	sld [smem:$0x3FAD]  }
0x2b: {  	s6 =	sld [smem:$0x3FAE]  }
0x2c: {  	s7 =	sld [smem:$0x3FAF]  }
0x2d: {  	s3 =	simm.s32 $0x108;
	s8 =	sld [smem:$0x3FB0]  }
0x2e: {  	s3 =	simm.s32 @!p0 $0x1082;
	s9 =	sld [smem:$0x3FB1]  }
0x2f: {  	lr =	sadd.s32 s0, s3;
	s0 =	sld [smem:$0x3FA8]  }
0x30: {  	s3 =	sld [smem:$0x3FAB]  }
0x31: {  	[smem:$0x3FB4] =	sst s10  }
0x32: {  	s10 =	sld [smem:$0x3FB2];
	_ =	sdelay $0x3  }
0x33: {  	p0 =	seq.s32 s10, $0x1;
	s10 =	sld [smem:$0x3FB4];
	_ =	sdelay $0x3  }
0x34: {  	[smem:$0x3FB4] =	sst s10  }
0x35: {  	s10 =	sld [smem:$0x3FB3];
	_ =	sdelay $0x3  }
0x36: {  	p1 =	seq.s32 s10, $0x1;
	s10 =	sld [smem:$0x3FB4];
	_ =	sdelay $0x3  }
0x37: {  	[smem:$0x3FB4] =	sst s10  }
0x38: {  	s10 =	sld [smem:$0x3FB5]  }
0x39: {  	_ = 	snop;
	(pc) =	sbr.ind lr, $3  }
0x3a: {  	_ = 	snop  }
0x3b: {  	_ = 	snop  }
0x3c: {  	p2 =	seq.s32 s10, $0x1;
	s10 =	sld [smem:$0x3FB4]  }
0x3d: {  	_ =	shalt  }
0x3e: {  	_ =	shalt  }
0x3f: {  	_ =	shalt  }
0x40: {  	_ =	shalt  }
0x41: {  	_ =	shalt  }
0x42: {  	_ =	shalt  }
0x43: {  	_ =	shalt  }
0x44: {  	_ =	shalt  }
0x45: {  	_ =	shalt  }
0x46: {  	_ =	shalt  }
0x47: {  	_ =	shalt  }
0x48: {  	_ =	shalt  }
0x49: {  	_ =	shalt  }
0x4a: {  	_ =	shalt  }
0x4b: {  	_ =	shalt  }
0x4c: {  	_ =	shalt  }
0x4d: {  	_ =	shalt  }
0x4e: {  	_ =	shalt  }
0x4f: {  	_ =	shalt  }
0x50: {  	_ =	shalt  }
0x51: {  	_ =	shalt  }
0x52: {  	_ =	shalt  }
0x53: {  	_ =	shalt  }
0x54: {  	_ =	shalt  }
0x55: {  	_ =	shalt  }
0x56: {  	_ =	shalt  }
0x57: {  	_ =	shalt  }
0x58: {  	_ =	shalt  }
0x59: {  	_ =	shalt  }
0x5a: {  	_ =	shalt  }
0x5b: {  	_ =	shalt  }
0x5c: {  	_ =	shalt  }
0x5d: {  	_ =	shalt  }
0x5e: {  	_ =	shalt  }
0x5f: {  	_ =	shalt  }
0x60: {  	_ =	shalt  }
0x61: {  	_ =	shalt  }
0x62: {  	_ =	shalt  }
0x63: {  	_ =	shalt  }
0x64: {  	_ =	shalt  }
0x65: {  	_ =	shalt  }
0x66: {  	_ =	shalt  }
0x67: {  	_ =	shalt  }
0x68: {  	_ =	shalt  }
0x69: {  	_ =	shalt  }
0x6a: {  	_ =	shalt  }
0x6b: {  	_ =	shalt  }
0x6c: {  	_ =	shalt  }
0x6d: {  	_ =	shalt  }
0x6e: {  	_ =	shalt  }
0x6f: {  	_ =	shalt  }
0x70: {  	_ =	shalt  }
0x71: {  	_ =	shalt  }
0x72: {  	_ =	shalt  }
0x73: {  	_ =	shalt  }
0x74: {  	_ =	shalt  }
0x75: {  	_ =	shalt  }
0x76: {  	_ =	shalt  }
0x77: {  	_ =	shalt  }
0x78: {  	_ =	shalt  }
0x79: {  	_ =	shalt  }
0x7a: {  	_ =	shalt  }
0x7b: {  	_ =	shalt  }
0x7c: {  	_ =	shalt  }
0x7d: {  	_ =	shalt  }
0x7e: {  	_ =	shalt  }
0x7f: {  	_ =	shalt  }
0x80: {  	_ =	shalt  }
0x81: {  	_ =	shalt  }
0x82: {  	_ =	shalt  }
0x83: {  	_ =	shalt  }
0x84: {  	_ =	shalt  }
0x85: {  	_ =	shalt  }
0x86: {  	_ =	shalt  }
0x87: {  	_ =	shalt  }
.Lfunc_end0:
.L_simem_size_0:
called_computation.2_lowered:
.L_overlay_start_0:
0x88: {  	s2 =	sld [smem:$0x3FD9]  }
0x89: {  	s3 =	sld [smem:$0x3FFE];
	_ =	sdelay $0x1  }
0x8a: {  	s1 =	srdreg.scid  }
0x8b: {  	s0 =	sand.u32 $0x1, s1  }
0x8c: {  	s16 =	sshll.u32 s0, $0xA;
	s2 =	sadd.s32 s3, s2  }
0x8d: {  	s2 =	sadd.s32 s2, s16  }
0x8e: {  	[smem:$0x3FC0] =	sst s2  }
0x8f: {  	_ = 	snop  }
0x90: {  	(tm) =	ssettm $0x1  }
0x91: {  	s17 =	sld [smem:$0x3FFB];
	_ =	sdelay $0x3  }
0x92: {  	_ =	strace s17  }
0x93: {  	s2 =	sld [smem:$0x3FFC];
	_ =	sdelay $0x3  }
0x94: {  	_ =	strace s2  }
0x95: {  	s2 =	sld [smem:$0x3FFD];
	_ =	sdelay $0x3  }
0x96: {  	_ =	strace s2  }
0x97: {  	_ =	strace $0x8FFFFFFF  }
0x98: {  	s18 =	sld [smem:$0x3FDB];
	_ =	sdelay $0x1  }
0x99: {  	s19 =	simm.s32 $_scs_section_size  }
0x9a: {  	s4 =	simm.s32 $_size__tile_overlayer_lowered;
	s5 =	simm.s32 $_tile_overlayer_lowered  }
0x9b: {  	s22 =	simm.s32 $0x1BFF;
	s21 =	sshll.u32 s5, $0x1;
	s2 =	sadd.s32 s19, s18  }
0x9c: {  	s6 =	simm.s32 $0x0;
	s20 =	sshll.u32 s4, $0x1;
	s4 =	sadd.s32 s21, s2  }
0x9d: {  	[timem:s6], [sflag:s22] =	dma.local [hbm:s4], s20  }
0x9e: {  	_ =	swait.ge [sflag:s22], s20  }
0x9f: {  	s3 =	ssub.s32 $0x0, s20;
	[sflag:s22] =	ssyncset.done $0x0  }
0xa0: {  	[sflag:s22] =	ssyncadd.s32 s3;
	_ =	sdelay $0x1  }
0xa1: {  	s23 =	simm.s32 $0x1B8B  }
0xa2: {  	_ =	swait.ge [sflag:s23], $0x1  }
0xa3: {  	[sflag:s23] =	ssyncset.done $0x0  }
0xa4: {  	s25 =	simm.s32 $0x1B8E;
	s24 =	sld [smem:$0x3FFE];
	[sflag:s23] =	ssyncadd.s32 $0xFFFFFFFF  }
0xa5: {  	s26 =	simm.s32 $execute0_lowered;
	[smem:$0x3FD2] =	sst s25  }
0xa6: {  	s4 =	sshll.u32 s26, $0x1;
	_ =	strace $0x8000004C;
	[dreg:$0x1] =	wrdreg $0xFFFFFFFF  }
0xa7: {  	s28 =	simm.s32 $_size_execute0_lowered;
	s2 =	sadd.s32 s2, s4;
	[dreg:$0x0] =	wrdreg $0x0  }
0xa8: {  	s4 =	sshll.u32 s28, $0x1;
	[dreg:$0x2] =	wrdreg s2  }
0xa9: {  	[dreg:$0x3] =	wrdreg s4  }
0xaa: {  	[dreg:$0x4] =	wrdreg $0xC0  }
0xab: {  	_ =	task [dreg:s6], $0x5FFFF  }
0xac: {  	[dreg:$0x1] =	wrdreg $0xFFFFFFFF  }
0xad: {  	[dreg:$0x0] =	wrdreg $0x60  }
0xae: {  	[dreg:$0x2] =	wrdreg s24  }
0xaf: {  	[dreg:$0x3] =	wrdreg $0xA0000  }
0xb0: {  	[dreg:$0x4] =	wrdreg $0x9  }
0xb1: {  	_ =	task.clear_ibuf [dreg:s6], $0x5FFFF;
	_ =	strace $0x9000004C  }
0xb2: {  	s29 =	simm.s32 $0x9;
	_ =	strace $0x8000004E  }
0xb3: {  	_ =	swait.ge [sflag:s29], $0x1  }
0xb4: {  	[sflag:s29] =	ssyncadd.s32 $0xFFFFFFFF  }
0xb5: {  	_ =	strace $0x9000004E  }
0xb6: {  	_ =	sfence  }
0xb7: {  	s30 =	sld [smem:$0x0];
	_ =	sdelay $0x2  }
0xb8: {  	s31 =	sshll.u32 s1, $0xD;
	s1 =	sshrl.u32 s1, $0x2  }
0xb9: {  	s3 =	sand.u32 $0x4000, s31;
	s1 =	sadd.s32 s1, s30  }
0xba: {  	s0 =	sor.u32 s3, s0;
	s1 =	sshll.u32 s1, $0x11  }
0xbb: {  	s0 =	sor.u32 s1, s0  }
0xbc: {  	s0 =	sadd.s32 $0x8F2B, s0  }
0xbd: {  	[sflag:s0] =	ssyncadd.remote.s32 $0x1  }
0xbe: {  	_ =	sfence.sel $0xFFFF  }
0xbf: {  	[dreg:$0x0] =	wrdreg $0xFFFFFFFF;
	(pc) =	sbr.abs _section_cstart, $3  }
0xc0: {  	[dreg:$0x1] =	wrdreg $0xFFFFFFFF  }
0xc1: {  	_ =	task.clear_ibuf [dreg:s6], $0x2FFFF;
	_ =	strace $0x9FFFFFFF  }
0xc2: {  	(tm) =	ssettm $0x7FFFFFFF  }
0xc3: {  	_ =	shalt  }
tec
execute0_lowered:
.L_overlay_start_1:
0x0: {  	(tag) =	ssettag $0x1  }
0x1: {  	s0 =	rddreg [dreg:$0x0]  }
0x2: {  	s1 =	rddreg [dreg:$0x1];
	s2 =	srdreg.scid;
	s3 =	simm.s32 $0x0  }
0x3: {  	s28 =	simm.s32 $0x80;
	s29 =	simm.s32 $0x6000;
	s30 =	simm.s32 $0x1  }
0x4: {  	s31 =	simm.s32 $0x2;
	s10 =	sand.u32 $0x1, s2;
	s2 =	stileid.u32  }
0x5: {  	[smem:$0x7FF] =	sst s3;
	s4 =	sadd.s32 $0x16400, s0;
	s5 =	smul.u32 $0x140000, s10  }
0x6: {  	s11 =	sadd.s32 $0xC400, s0;
	s12 =	sadd.s32 $0x2400, s0;
	s6 =	smul.u32 $0x14000, s2  }
0x7: {  	_ =	strace $0x8000004D;
	s22 =	ssub.s32 $0x2, s10;
	s7 =	smul.u32 $0x50000, s2  }
0x8: {  	p0 =	seq.s32 s10, $0x0;
	s14 =	smul.u32 $0x98, s2;
	s25 =	sshll.u32 s2, $0x3  }
0x9: {  	s17 =	smul.u32 $0x980, s2;
	s23 =	sshrl.u32 s22, $0x1;
	s15 =	sor.u32 $0x980, s25  }
0xa: {  	s5 =	sadd.s32 s6, s5;
	s13 =	ssub.s32 s22, s23;
	s24 =	sshrl.u32 s7, $0x2  }
0xb: {  	s16 =	sshll.u32 s15, $0x4;
	s15 =	smov.u32 @p0 s14;
	s19 =	sadd.s32 s11, s17  }
0xc: {  	s21 =	sadd.s32 s12, s17;
	p0 =	sne.s32 s10, $0x0;
	s10 =	simm.s32 $0x4  }
0xd: {  	s5 =	sshrl.u32 s5, $0x3;
	s26 =	sadd.s32 s11, s16;
	[dreg:$0x5] =	wrdreg s19  }
0xe: {  	s18 =	sadd.s32 s12, s16;
	s20 =	sshll.u32 s15, $0x4;
	[dreg:$0x6] =	wrdreg s21  }
0xf: {  	s0 =	sadd.s32 s5, s0;
	s5 =	sadd.s32 s24, s1;
	[dreg:$0x3] =	wrdreg s26  }
0x10: {  	[dreg:$0x4] =	wrdreg s18;
	s22 =	sadd.s32 $0x200, s20;
	s23 =	sadd.s32 $0x400, s20  }
0x11: {  	s26 =	sadd.s32 $0x600, s20;
	s14 =	sadd.s32 $0x800, s20;
	s6 =	sadd.s32 $0x4000, s5  }
0x12: {  	s7 =	sadd.s32 $0x8000, s5;
	s8 =	sadd.s32 $0xC000, s5;
	s9 =	sadd.s32 $0x10000, s5  }
0x13: {  	s24 =	sadd.s32 s11, s22;
	s15 =	sadd.s32 s12, s22;
	s25 =	sadd.s32 s11, s23  }
0x14: {  	s17 =	sadd.s32 s12, s23;
	s18 =	sadd.s32 s11, s26;
	s19 =	sadd.s32 s12, s26  }
.Ltmp0:
0x15: {  	s20 =	sadd.s32 s11, s14;
	s21 =	sadd.s32 s12, s14;
	(pc) =	sbr.rel .LBB2_1-.Ltmp0, $4  }
0x16: {  	s22 =	sadd.s32 $0x3E400, s0;
	s23 =	smax.u32 s13, $0x1;
	s26 =	simm.s32 $0x1000  }
0x17: {  	s0 =	simm.s32 $0x3;
	s11 =	simm.s32 $0x1F00;
	[dreg:$0x7] =	wrdreg s24  }
0x18: {  	s12 =	simm.s32 $0x1F80;
	s13 =	simm.s32 $0x0;
	[dreg:$0x8] =	wrdreg s15  }
0x19: {  	v0 =	vimm.f32 $0.0e+00;
	[dreg:$0x9] =	wrdreg s25;
	s24 =	simm.s32 $0x2000;
	s25 =	simm.s32 $0x5  }
.LBB2_15:
0x1a: {  	s14 =	rddreg [dreg:$0x3]  }
0x1b: {  	[tilespmem:s3], [sflag:$0x5] =	stream.linear.gather [hbm4b:s14+s3], $0x400, $0x38;
	[tilespmem:$0x1E000] =	vst v63  }
0x1c: {  	_ =	swait.ge [sflag:s25], $0x400  }
0x1d: {  	[sflag:s25] =	ssyncset.done $0x0  }
0x1e: {  	s15 =	rddreg [dreg:$0x4];
	[sflag:s25] =	ssyncadd.s32 $0xFFFFFC00  }
0x1f: {  	[tilespmem:s26], [sflag:$0x5] =	stream.linear.gather [hbm4b:s15+s3], $0x400, $0x38;
	[tilespmem:$0x1E000] =	vst v63  }
0x20: {  	_ =	swait.ge [sflag:s25], $0x400  }
0x21: {  	[sflag:s25] =	ssyncset.done $0x0  }
0x22: {  	[sflag:s25] =	ssyncadd.s32 $0xFFFFFC00  }
0x23: {  	[tilespmem:s24], [sflag:$0x1] =	stream.indirect.gather [hbm4b:s4+s28], $0x80, s3, s28, $0xb8;
	[tilespmem:$0x1E000] =	vst v63  }
0x24: {  	_ = 	snop  }
0x25: {  	[tilespmem:s29], [sflag:$0x2] =	stream.indirect.gather [hbm4b:s4+s28], $0x80, s28, s28, $0xb8;
	[tilespmem:$0x1E000] =	vst v63  }
0x26: {  	_ =	swait.ge [sflag:s30], $0x4000  }
0x27: {  	[sflag:s30] =	ssyncset.done $0x0  }
0x28: {  	[sflag:s30] =	ssyncadd.s32 $0xFFFFC000  }
0x29: {  	[spmem:s1] =	stream.indirect.scatter.add.f32 [tilespmem:s24], [sflag:$0x3], $0x80, s26, s28, $0xb8;
	[tilespmem:$0x1E000] =	vst v63  }
0x2a: {  	_ =	swait.ge [sflag:s31], $0x4000  }
0x2b: {  	[sflag:s31] =	ssyncset.done $0x0  }
0x2c: {  	s16 =	simm.s32 $0x1080;
	[sflag:s31] =	ssyncadd.s32 $0xFFFFC000  }
0x2d: {  	[spmem:s1] =	stream.indirect.scatter.add.f32 [tilespmem:s29], [sflag:$0x4], $0x80, s16, s28, $0xb8;
	[tilespmem:$0x1E000] =	vst v63  }
0x2e: {  	_ =	swait.ge [sflag:s0], $0x4000  }
0x2f: {  	[sflag:s0] =	ssyncset.done $0x0  }
0x30: {  	s15 =	simm.s32 $0x100;
	[sflag:s0] =	ssyncadd.s32 $0xFFFFC000  }
0x31: {  	[tilespmem:s24], [sflag:$0x1] =	stream.indirect.gather [hbm4b:s4+s28], $0x80, s15, s28, $0xb8;
	[tilespmem:$0x1E000] =	vst v63  }
0x32: {  	_ =	swait.ge [sflag:s10], $0x4000  }
0x33: {  	[sflag:s10] =	ssyncset.done $0x0  }
0x34: {  	s16 =	simm.s32 $0x180;
	[sflag:s10] =	ssyncadd.s32 $0xFFFFC000  }
0x35: {  	[tilespmem:s29], [sflag:$0x2] =	stream.indirect.gather [hbm4b:s4+s28], $0x80, s16, s28, $0xb8;
	[tilespmem:$0x1E000] =	vst v63  }
0x36: {  	_ =	swait.ge [sflag:s30], $0x4000  }
0x37: {  	[sflag:s30] =	ssyncset.done $0x0  }
0x38: {  	s15 =	simm.s32 $0x1100;
	[sflag:s30] =	ssyncadd.s32 $0xFFFFC000  }
0x39: {  	[spmem:s1] =	stream.indirect.scatter.add.f32 [tilespmem:s24], [sflag:$0x3], $0x80, s15, s28, $0xb8;
	[tilespmem:$0x1E000] =	vst v63  }
0x3a: {  	_ =	swait.ge [sflag:s31], $0x4000  }
0x3b: {  	[sflag:s31] =	ssyncset.done $0x0  }
0x3c: {  	s16 =	simm.s32 $0x1180;
	[sflag:s31] =	ssyncadd.s32 $0xFFFFC000  }
0x3d: {  	[spmem:s1] =	stream.indirect.scatter.add.f32 [tilespmem:s29], [sflag:$0x4], $0x80, s16, s28, $0xb8;
	[tilespmem:$0x1E000] =	vst v63  }
0x3e: {  	_ =	swait.ge [sflag:s0], $0x4000  }
0x3f: {  	[sflag:s0] =	ssyncset.done $0x0  }
0x40: {  	s15 =	simm.s32 $0x200;
	[sflag:s0] =	ssyncadd.s32 $0xFFFFC000  }
0x41: {  	[tilespmem:s24], [sflag:$0x1] =	stream.indirect.gather [hbm4b:s4+s28], $0x80, s15, s28, $0xb8;
	[tilespmem:$0x1E000] =	vst v63  }
0x42: {  	_ =	swait.ge [sflag:s10], $0x4000  }
0x43: {  	[sflag:s10] =	ssyncset.done $0x0  }
0x44: {  	s16 =	simm.s32 $0x280;
	[sflag:s10] =	ssyncadd.s32 $0xFFFFC000  }
0x45: {  	[tilespmem:s29], [sflag:$0x2] =	stream.indirect.gather [hbm4b:s4+s28], $0x80, s16, s28, $0xb8;
	[tilespmem:$0x1E000] =	vst v63  }
0x46: {  	_ =	swait.ge [sflag:s30], $0x4000  }
0x47: {  	[sflag:s30] =	ssyncset.done $0x0  }
0x48: {  	s15 =	simm.s32 $0x1200;
	[sflag:s30] =	ssyncadd.s32 $0xFFFFC000  }
0x49: {  	[spmem:s1] =	stream.indirect.scatter.add.f32 [tilespmem:s24], [sflag:$0x3], $0x80, s15, s28, $0xb8;
	[tilespmem:$0x1E000] =	vst v63  }
0x4a: {  	_ =	swait.ge [sflag:s31], $0x4000  }
0x4b: {  	[sflag:s31] =	ssyncset.done $0x0  }
0x4c: {  	s16 =	simm.s32 $0x1280;
	[sflag:s31] =	ssyncadd.s32 $0xFFFFC000  }
0x4d: {  	[spmem:s1] =	stream.indirect.scatter.add.f32 [tilespmem:s29], [sflag:$0x4], $0x80, s16, s28, $0xb8;
	[tilespmem:$0x1E000] =	vst v63  }
0x4e: {  	_ =	swait.ge [sflag:s0], $0x4000  }
0x4f: {  	[sflag:s0] =	ssyncset.done $0x0  }
0x50: {  	s15 =	simm.s32 $0x300;
	[sflag:s0] =	ssyncadd.s32 $0xFFFFC000  }
0x51: {  	[tilespmem:s24], [sflag:$0x1] =	stream.indirect.gather [hbm4b:s4+s28], $0x80, s15, s28, $0xb8;
	[tilespmem:$0x1E000] =	vst v63  }
0x52: {  	_ =	swait.ge [sflag:s10], $0x4000  }
0x53: {  	s14 =	simm.s32 $0x1380;
	[sflag:s10] =	ssyncset.done $0x0  }
0x54: {  	s16 =	simm.s32 $0x380;
	s15 =	simm.s32 $0x1300;
	[sflag:s10] =	ssyncadd.s32 $0xFFFFC000  }
0x55: {  	[tilespmem:s29], [sflag:$0x2] =	stream.indirect.gather [hbm4b:s4+s28], $0x80, s16, s28, $0xb8;
	[tilespmem:$0x1E000] =	vst v63  }
.LBB2_16:
0x56: {  	_ =	swait.ge [sflag:s30], $0x4000  }
0x57: {  	[sflag:s30] =	ssyncset.done $0x0  }
0x58: {  	[sflag:s30] =	ssyncadd.s32 $0xFFFFC000  }
0x59: {  	[spmem:s1] =	stream.indirect.scatter.add.f32 [tilespmem:s24], [sflag:$0x3], $0x80, s15, s28, $0xb8;
	[tilespmem:$0x1E000] =	vst v63  }
0x5a: {  	_ =	swait.ge [sflag:s31], $0x4000  }
0x5b: {  	[sflag:s31] =	ssyncset.done $0x0  }
0x5c: {  	[sflag:s31] =	ssyncadd.s32 $0xFFFFC000  }
0x5d: {  	[spmem:s1] =	stream.indirect.scatter.add.f32 [tilespmem:s29], [sflag:$0x4], $0x80, s14, s28, $0xb8;
	[tilespmem:$0x1E000] =	vst v63  }
0x5e: {  	_ =	swait.ge [sflag:s0], $0x4000  }
0x5f: {  	[sflag:s0] =	ssyncset.done $0x0  }
0x60: {  	[sflag:s0] =	ssyncadd.s32 $0xFFFFC000  }
0x61: {  	_ =	swait.ge [sflag:s10], $0x4000  }
0x62: {  	s16 =	sshrl.u32 s5, $0x3;
	s13 =	sadd.s32 $0x1, s13;
	[sflag:s10] =	ssyncset.done $0x0  }
0x63: {  	p1 =	sne.s32 s13, s23;
	s15 =	sshll.u32 s2, $0x6;
	[sflag:s10] =	ssyncadd.s32 $0xFFFFC000  }
.Ltmp1:
0x64: {  	s14 =	sor.u32 $0x1C05, s15;
	[bflag:$0x0] =	sbarrier.arrive $0xFFFF;
	(pc) =	sbr.rel @!p1 .LBB2_17-.Ltmp1, $4  }
0x65: {  	[hbm:s22], [sflag:s14] =	dma.local [spmem:s16], $0x2800  }
0x66: {  	_ =	swait.ge [sflag:s25], $0x2800  }
0x67: {  	[sflag:s25] =	ssyncset.done $0x0  }
0x68: {  	[sflag:s25] =	ssyncadd.s32 $0xFFFFD800  }
.LBB2_1:
0x69: {  	s14 =	simm.s32 $0x0;
	s15 =	simm.s32 $0x200  }
.LBB2_2:
0x6a: {  	p1 =	sne.s32 s15, $0xFE00;
	[tilespmem:s14+$0x2070] =	vst v0  }
0x6b: {  	[tilespmem:s14+$0x2000] =	vst v0  }
0x6c: {  	[tilespmem:s14+$0x2010] =	vst v0  }
.Ltmp2:
0x6d: {  	[tilespmem:s14+$0x2020] =	vst v0;
	(pc) =	sbr.rel @p1 .LBB2_2-.Ltmp2, $4  }
0x6e: {  	[tilespmem:s14+$0x2030] =	vst v0  }
0x6f: {  	[tilespmem:s14+$0x2040] =	vst v0  }
0x70: {  	[tilespmem:s14+$0x2050] =	vst v0  }
0x71: {  	[tilespmem:s14+$0x2060] =	vst v0;
	s14 =	sshra.s32 s15, $0x2;
	s15 =	sadd.s32 $0x200, s15  }
0x72: {  	[tilespmem:s14+$0x2070] =	vst v0  }
0x73: {  	[tilespmem:s14+$0x2000] =	vst v0  }
0x74: {  	[tilespmem:s14+$0x2010] =	vst v0  }
0x75: {  	[tilespmem:s14+$0x2020] =	vst v0  }
0x76: {  	[tilespmem:s14+$0x2030] =	vst v0  }
0x77: {  	[tilespmem:s14+$0x2040] =	vst v0  }
0x78: {  	[tilespmem:s14+$0x2050] =	vst v0  }
0x79: {  	[tilespmem:s14+$0x2060] =	vst v0  }
0x7a: {  	[spmem:s5] =	stream.linear.scatter [tilespmem:s24], [sflag:$0x5], $0x4000, $0x38;
	[tilespmem:$0x1E000] =	vst v63  }
0x7b: {  	_ =	swait.ge [sflag:s25], $0x4000  }
0x7c: {  	[sflag:s25] =	ssyncset.done $0x0  }
0x7d: {  	[sflag:s25] =	ssyncadd.s32 $0xFFFFC000  }
0x7e: {  	[spmem:s6] =	stream.linear.scatter [tilespmem:s24], [sflag:$0x5], $0x4000, $0x38;
	[tilespmem:$0x1E000] =	vst v63  }
0x7f: {  	_ =	swait.ge [sflag:s25], $0x4000  }
0x80: {  	[sflag:s25] =	ssyncset.done $0x0  }
0x81: {  	[sflag:s25] =	ssyncadd.s32 $0xFFFFC000  }
0x82: {  	[spmem:s7] =	stream.linear.scatter [tilespmem:s24], [sflag:$0x5], $0x4000, $0x38;
	[tilespmem:$0x1E000] =	vst v63  }
0x83: {  	_ =	swait.ge [sflag:s25], $0x4000  }
0x84: {  	[sflag:s25] =	ssyncset.done $0x0  }
0x85: {  	[sflag:s25] =	ssyncadd.s32 $0xFFFFC000  }
0x86: {  	[spmem:s8] =	stream.linear.scatter [tilespmem:s24], [sflag:$0x5], $0x4000, $0x38;
	[tilespmem:$0x1E000] =	vst v63  }
0x87: {  	_ =	swait.ge [sflag:s25], $0x4000  }
0x88: {  	[sflag:s25] =	ssyncset.done $0x0  }
0x89: {  	[sflag:s25] =	ssyncadd.s32 $0xFFFFC000  }
0x8a: {  	[spmem:s9] =	stream.linear.scatter [tilespmem:s24], [sflag:$0x5], $0x4000, $0x38;
	[tilespmem:$0x1E000] =	vst v63  }
.Ltmp3:
0x8b: {  	_ =	swait.ge [sflag:s25], $0x4000;
	(pc) =	sbr.rel @p0 .LBB2_15-.Ltmp3, $3  }
0x8c: {  	[sflag:s25] =	ssyncset.done $0x0  }
0x8d: {  	[sflag:s25] =	ssyncadd.s32 $0xFFFFC000  }
0x8e: {  	[bflag:$0x0] =	sbarrier.arrive $0xFFFF;
	_ =	sdelay $0x1  }
0x8f: {  	s14 =	simm.s32 $0x0;
	s15 =	rddreg [dreg:$0x5]  }
0x90: {  	[tilespmem:s14], [sflag:$0x5] =	stream.linear.gather [hbm4b:s15+s14], $0x1000, $0x38;
	[tilespmem:$0x1E000] =	vst v63  }
0x91: {  	_ =	swait.ge [sflag:s25], $0x1000  }
0x92: {  	[sflag:s25] =	ssyncset.done $0x0  }
0x93: {  	s16 =	rddreg [dreg:$0x6];
	[sflag:s25] =	ssyncadd.s32 $0xFFFFF000  }
0x94: {  	[tilespmem:s26], [sflag:$0x5] =	stream.linear.gather [hbm4b:s16+s14], $0x1000, $0x38;
	[tilespmem:$0x1E000] =	vst v63  }
0x95: {  	_ =	swait.ge [sflag:s25], $0x1000  }
0x96: {  	[sflag:s25] =	ssyncset.done $0x0  }
0x97: {  	[sflag:s25] =	ssyncadd.s32 $0xFFFFF000  }
0x98: {  	[tilespmem:s24], [sflag:$0x1] =	stream.indirect.gather [hbm4b:s4+s28], $0x80, s14, s28, $0xb8;
	[tilespmem:$0x1E000] =	vst v63  }
0x99: {  	_ = 	snop  }
0x9a: {  	[tilespmem:s29], [sflag:$0x2] =	stream.indirect.gather [hbm4b:s4+s28], $0x80, s28, s28, $0xb8;
	[tilespmem:$0x1E000] =	vst v63  }
0x9b: {  	_ =	swait.ge [sflag:s30], $0x4000  }
0x9c: {  	[sflag:s30] =	ssyncset.done $0x0  }
0x9d: {  	s16 =	simm.s32 $0x1000;
	[sflag:s30] =	ssyncadd.s32 $0xFFFFC000  }
0x9e: {  	[spmem:s1] =	stream.indirect.scatter.add.f32 [tilespmem:s24], [sflag:$0x3], $0x80, s16, s28, $0xb8;
	[tilespmem:$0x1E000] =	vst v63  }
0x9f: {  	_ =	swait.ge [sflag:s31], $0x4000  }
0xa0: {  	[sflag:s31] =	ssyncset.done $0x0  }
0xa1: {  	s15 =	simm.s32 $0x1080;
	[sflag:s31] =	ssyncadd.s32 $0xFFFFC000  }
0xa2: {  	[spmem:s1] =	stream.indirect.scatter.add.f32 [tilespmem:s29], [sflag:$0x4], $0x80, s15, s28, $0xb8;
	[tilespmem:$0x1E000] =	vst v63  }
0xa3: {  	_ =	swait.ge [sflag:s0], $0x4000  }
0xa4: {  	[sflag:s0] =	ssyncset.done $0x0  }
0xa5: {  	s16 =	simm.s32 $0x100;
	[sflag:s0] =	ssyncadd.s32 $0xFFFFC000  }
0xa6: {  	[tilespmem:s24], [sflag:$0x1] =	stream.indirect.gather [hbm4b:s4+s28], $0x80, s16, s28, $0xb8;
	[tilespmem:$0x1E000] =	vst v63  }
0xa7: {  	_ =	swait.ge [sflag:s10], $0x4000  }
0xa8: {  	[sflag:s10] =	ssyncset.done $0x0  }
0xa9: {  	s14 =	simm.s32 $0x400;
	s15 =	simm.s32 $0x180;
	[sflag:s10] =	ssyncadd.s32 $0xFFFFC000  }
.LBB2_5:
0xaa: {  	[tilespmem:s29], [sflag:$0x2] =	stream.indirect.gather [hbm4b:s4+s28], $0x80, s15, s28, $0xb8;
	[tilespmem:$0x1E000] =	vst v63  }
0xab: {  	s15 =	smov.u32 s14  }
0xac: {  	p1 =	sne.s32 s14, $0x3800;
	s14 =	sadd.s32 $0x400, s14;
	_ =	swait.ge [sflag:s30], $0x4000  }
0xad: {  	s15 =	sshra.s32 s15, $0x2;
	[sflag:s30] =	ssyncset.done $0x0  }
0xae: {  	s16 =	sadd.s32 $0x1000, s15;
	[sflag:s30] =	ssyncadd.s32 $0xFFFFC000  }
0xaf: {  	[spmem:s1] =	stream.indirect.scatter.add.f32 [tilespmem:s24], [sflag:$0x3], $0x80, s16, s28, $0xb8;
	[tilespmem:$0x1E000] =	vst v63  }
0xb0: {  	_ =	swait.ge [sflag:s31], $0x4000  }
0xb1: {  	[sflag:s31] =	ssyncset.done $0x0  }
0xb2: {  	s16 =	sadd.s32 $0x1080, s15;
	[sflag:s31] =	ssyncadd.s32 $0xFFFFC000  }
0xb3: {  	[spmem:s1] =	stream.indirect.scatter.add.f32 [tilespmem:s29], [sflag:$0x4], $0x80, s16, s28, $0xb8;
	[tilespmem:$0x1E000] =	vst v63  }
0xb4: {  	_ =	swait.ge [sflag:s0], $0x4000  }
0xb5: {  	[sflag:s0] =	ssyncset.done $0x0  }
.Ltmp4:
0xb6: {  	s16 =	sadd.s32 $0x100, s15;
	[sflag:s0] =	ssyncadd.s32 $0xFFFFC000;
	(pc) =	sbr.rel @p1 .LBB2_5-.Ltmp4, $4  }
0xb7: {  	[tilespmem:s24], [sflag:$0x1] =	stream.indirect.gather [hbm4b:s4+s28], $0x80, s16, s28, $0xb8;
	[tilespmem:$0x1E000] =	vst v63  }
0xb8: {  	_ =	swait.ge [sflag:s10], $0x4000  }
0xb9: {  	[sflag:s10] =	ssyncset.done $0x0  }
0xba: {  	s15 =	sadd.s32 $0x180, s15;
	[sflag:s10] =	ssyncadd.s32 $0xFFFFC000  }
0xbb: {  	[tilespmem:s29], [sflag:$0x2] =	stream.indirect.gather [hbm4b:s4+s28], $0x80, s15, s28, $0xb8;
	[tilespmem:$0x1E000] =	vst v63  }
0xbc: {  	_ =	swait.ge [sflag:s30], $0x4000  }
0xbd: {  	[sflag:s30] =	ssyncset.done $0x0  }
0xbe: {  	[sflag:s30] =	ssyncadd.s32 $0xFFFFC000  }
0xbf: {  	[spmem:s1] =	stream.indirect.scatter.add.f32 [tilespmem:s24], [sflag:$0x3], $0x80, s11, s28, $0xb8;
	[tilespmem:$0x1E000] =	vst v63  }
0xc0: {  	_ =	swait.ge [sflag:s31], $0x4000  }
0xc1: {  	[sflag:s31] =	ssyncset.done $0x0  }
0xc2: {  	[sflag:s31] =	ssyncadd.s32 $0xFFFFC000  }
0xc3: {  	[spmem:s1] =	stream.indirect.scatter.add.f32 [tilespmem:s29], [sflag:$0x4], $0x80, s12, s28, $0xb8;
	[tilespmem:$0x1E000] =	vst v63  }
0xc4: {  	_ =	swait.ge [sflag:s0], $0x4000  }
0xc5: {  	[sflag:s0] =	ssyncset.done $0x0  }
0xc6: {  	[sflag:s0] =	ssyncadd.s32 $0xFFFFC000  }
0xc7: {  	_ =	swait.ge [sflag:s10], $0x4000  }
0xc8: {  	[sflag:s10] =	ssyncset.done $0x0  }
0xc9: {  	s14 =	simm.s32 $0x0;
	s16 =	rddreg [dreg:$0x7];
	[sflag:s10] =	ssyncadd.s32 $0xFFFFC000  }
0xca: {  	[tilespmem:s14], [sflag:$0x5] =	stream.linear.gather [hbm4b:s16+s14], $0x1000, $0x38;
	[tilespmem:$0x1E000] =	vst v63  }
0xcb: {  	_ =	swait.ge [sflag:s25], $0x1000  }
0xcc: {  	[sflag:s25] =	ssyncset.done $0x0  }
0xcd: {  	s16 =	rddreg [dreg:$0x8];
	[sflag:s25] =	ssyncadd.s32 $0xFFFFF000  }
0xce: {  	[tilespmem:s26], [sflag:$0x5] =	stream.linear.gather [hbm4b:s16+s14], $0x1000, $0x38;
	[tilespmem:$0x1E000] =	vst v63  }
0xcf: {  	_ =	swait.ge [sflag:s25], $0x1000  }
0xd0: {  	[sflag:s25] =	ssyncset.done $0x0  }
0xd1: {  	[sflag:s25] =	ssyncadd.s32 $0xFFFFF000  }
0xd2: {  	[tilespmem:s24], [sflag:$0x1] =	stream.indirect.gather [hbm4b:s4+s28], $0x80, s14, s28, $0xb8;
	[tilespmem:$0x1E000] =	vst v63  }
0xd3: {  	_ = 	snop  }
0xd4: {  	[tilespmem:s29], [sflag:$0x2] =	stream.indirect.gather [hbm4b:s4+s28], $0x80, s28, s28, $0xb8;
	[tilespmem:$0x1E000] =	vst v63  }
0xd5: {  	_ =	swait.ge [sflag:s30], $0x4000  }
0xd6: {  	[sflag:s30] =	ssyncset.done $0x0  }
0xd7: {  	s16 =	simm.s32 $0x1000;
	[sflag:s30] =	ssyncadd.s32 $0xFFFFC000  }
0xd8: {  	[spmem:s1] =	stream.indirect.scatter.add.f32 [tilespmem:s24], [sflag:$0x3], $0x80, s16, s28, $0xb8;
	[tilespmem:$0x1E000] =	vst v63  }
0xd9: {  	_ =	swait.ge [sflag:s31], $0x4000  }
0xda: {  	[sflag:s31] =	ssyncset.done $0x0  }
0xdb: {  	s15 =	simm.s32 $0x1080;
	[sflag:s31] =	ssyncadd.s32 $0xFFFFC000  }
0xdc: {  	[spmem:s1] =	stream.indirect.scatter.add.f32 [tilespmem:s29], [sflag:$0x4], $0x80, s15, s28, $0xb8;
	[tilespmem:$0x1E000] =	vst v63  }
0xdd: {  	_ =	swait.ge [sflag:s0], $0x4000  }
0xde: {  	[sflag:s0] =	ssyncset.done $0x0  }
0xdf: {  	s16 =	simm.s32 $0x100;
	[sflag:s0] =	ssyncadd.s32 $0xFFFFC000  }
0xe0: {  	[tilespmem:s24], [sflag:$0x1] =	stream.indirect.gather [hbm4b:s4+s28], $0x80, s16, s28, $0xb8;
	[tilespmem:$0x1E000] =	vst v63  }
0xe1: {  	_ =	swait.ge [sflag:s10], $0x4000  }
0xe2: {  	[sflag:s10] =	ssyncset.done $0x0  }
0xe3: {  	s14 =	simm.s32 $0x400;
	s15 =	simm.s32 $0x180;
	[sflag:s10] =	ssyncadd.s32 $0xFFFFC000  }
.LBB2_7:
0xe4: {  	[tilespmem:s29], [sflag:$0x2] =	stream.indirect.gather [hbm4b:s4+s28], $0x80, s15, s28, $0xb8;
	[tilespmem:$0x1E000] =	vst v63  }
0xe5: {  	s15 =	smov.u32 s14  }
0xe6: {  	p1 =	sne.s32 s14, $0x3800;
	s14 =	sadd.s32 $0x400, s14;
	_ =	swait.ge [sflag:s30], $0x4000  }
0xe7: {  	s15 =	sshra.s32 s15, $0x2;
	[sflag:s30] =	ssyncset.done $0x0  }
0xe8: {  	s16 =	sadd.s32 $0x1000, s15;
	[sflag:s30] =	ssyncadd.s32 $0xFFFFC000  }
0xe9: {  	[spmem:s1] =	stream.indirect.scatter.add.f32 [tilespmem:s24], [sflag:$0x3], $0x80, s16, s28, $0xb8;
	[tilespmem:$0x1E000] =	vst v63  }
0xea: {  	_ =	swait.ge [sflag:s31], $0x4000  }
0xeb: {  	[sflag:s31] =	ssyncset.done $0x0  }
0xec: {  	s16 =	sadd.s32 $0x1080, s15;
	[sflag:s31] =	ssyncadd.s32 $0xFFFFC000  }
0xed: {  	[spmem:s1] =	stream.indirect.scatter.add.f32 [tilespmem:s29], [sflag:$0x4], $0x80, s16, s28, $0xb8;
	[tilespmem:$0x1E000] =	vst v63  }
0xee: {  	_ =	swait.ge [sflag:s0], $0x4000  }
0xef: {  	[sflag:s0] =	ssyncset.done $0x0  }
.Ltmp5:
0xf0: {  	s16 =	sadd.s32 $0x100, s15;
	[sflag:s0] =	ssyncadd.s32 $0xFFFFC000;
	(pc) =	sbr.rel @p1 .LBB2_7-.Ltmp5, $4  }
0xf1: {  	[tilespmem:s24], [sflag:$0x1] =	stream.indirect.gather [hbm4b:s4+s28], $0x80, s16, s28, $0xb8;
	[tilespmem:$0x1E000] =	vst v63  }
0xf2: {  	_ =	swait.ge [sflag:s10], $0x4000  }
0xf3: {  	[sflag:s10] =	ssyncset.done $0x0  }
0xf4: {  	s15 =	sadd.s32 $0x180, s15;
	[sflag:s10] =	ssyncadd.s32 $0xFFFFC000  }
0xf5: {  	[tilespmem:s29], [sflag:$0x2] =	stream.indirect.gather [hbm4b:s4+s28], $0x80, s15, s28, $0xb8;
	[tilespmem:$0x1E000] =	vst v63  }
0xf6: {  	_ =	swait.ge [sflag:s30], $0x4000  }
0xf7: {  	[sflag:s30] =	ssyncset.done $0x0  }
0xf8: {  	[sflag:s30] =	ssyncadd.s32 $0xFFFFC000  }
0xf9: {  	[spmem:s1] =	stream.indirect.scatter.add.f32 [tilespmem:s24], [sflag:$0x3], $0x80, s11, s28, $0xb8;
	[tilespmem:$0x1E000] =	vst v63  }
0xfa: {  	_ =	swait.ge [sflag:s31], $0x4000  }
0xfb: {  	[sflag:s31] =	ssyncset.done $0x0  }
0xfc: {  	[sflag:s31] =	ssyncadd.s32 $0xFFFFC000  }
0xfd: {  	[spmem:s1] =	stream.indirect.scatter.add.f32 [tilespmem:s29], [sflag:$0x4], $0x80, s12, s28, $0xb8;
	[tilespmem:$0x1E000] =	vst v63  }
0xfe: {  	_ =	swait.ge [sflag:s0], $0x4000  }
0xff: {  	[sflag:s0] =	ssyncset.done $0x0  }
0x100: {  	[sflag:s0] =	ssyncadd.s32 $0xFFFFC000  }
0x101: {  	_ =	swait.ge [sflag:s10], $0x4000  }
0x102: {  	[sflag:s10] =	ssyncset.done $0x0  }
0x103: {  	s14 =	simm.s32 $0x0;
	s16 =	rddreg [dreg:$0x9];
	[sflag:s10] =	ssyncadd.s32 $0xFFFFC000  }
0x104: {  	[tilespmem:s14], [sflag:$0x5] =	stream.linear.gather [hbm4b:s16+s14], $0x1000, $0x38;
	[tilespmem:$0x1E000] =	vst v63  }
0x105: {  	_ =	swait.ge [sflag:s25], $0x1000  }
0x106: {  	[sflag:s25] =	ssyncset.done $0x0  }
0x107: {  	[sflag:s25] =	ssyncadd.s32 $0xFFFFF000  }
0x108: {  	[tilespmem:s26], [sflag:$0x5] =	stream.linear.gather [hbm4b:s17+s14], $0x1000, $0x38;
	[tilespmem:$0x1E000] =	vst v63  }
0x109: {  	_ =	swait.ge [sflag:s25], $0x1000  }
0x10a: {  	[sflag:s25] =	ssyncset.done $0x0  }
0x10b: {  	[sflag:s25] =	ssyncadd.s32 $0xFFFFF000  }
0x10c: {  	[tilespmem:s24], [sflag:$0x1] =	stream.indirect.gather [hbm4b:s4+s28], $0x80, s14, s28, $0xb8;
	[tilespmem:$0x1E000] =	vst v63  }
0x10d: {  	_ = 	snop  }
0x10e: {  	[tilespmem:s29], [sflag:$0x2] =	stream.indirect.gather [hbm4b:s4+s28], $0x80, s28, s28, $0xb8;
	[tilespmem:$0x1E000] =	vst v63  }
0x10f: {  	_ =	swait.ge [sflag:s30], $0x4000  }
0x110: {  	[sflag:s30] =	ssyncset.done $0x0  }
0x111: {  	s16 =	simm.s32 $0x1000;
	[sflag:s30] =	ssyncadd.s32 $0xFFFFC000  }
0x112: {  	[spmem:s1] =	stream.indirect.scatter.add.f32 [tilespmem:s24], [sflag:$0x3], $0x80, s16, s28, $0xb8;
	[tilespmem:$0x1E000] =	vst v63  }
0x113: {  	_ =	swait.ge [sflag:s31], $0x4000  }
0x114: {  	[sflag:s31] =	ssyncset.done $0x0  }
0x115: {  	s15 =	simm.s32 $0x1080;
	[sflag:s31] =	ssyncadd.s32 $0xFFFFC000  }
0x116: {  	[spmem:s1] =	stream.indirect.scatter.add.f32 [tilespmem:s29], [sflag:$0x4], $0x80, s15, s28, $0xb8;
	[tilespmem:$0x1E000] =	vst v63  }
0x117: {  	_ =	swait.ge [sflag:s0], $0x4000  }
0x118: {  	[sflag:s0] =	ssyncset.done $0x0  }
0x119: {  	s16 =	simm.s32 $0x100;
	[sflag:s0] =	ssyncadd.s32 $0xFFFFC000  }
0x11a: {  	[tilespmem:s24], [sflag:$0x1] =	stream.indirect.gather [hbm4b:s4+s28], $0x80, s16, s28, $0xb8;
	[tilespmem:$0x1E000] =	vst v63  }
0x11b: {  	_ =	swait.ge [sflag:s10], $0x4000  }
0x11c: {  	[sflag:s10] =	ssyncset.done $0x0  }
0x11d: {  	s14 =	simm.s32 $0x400;
	s15 =	simm.s32 $0x180;
	[sflag:s10] =	ssyncadd.s32 $0xFFFFC000  }
.LBB2_9:
0x11e: {  	[tilespmem:s29], [sflag:$0x2] =	stream.indirect.gather [hbm4b:s4+s28], $0x80, s15, s28, $0xb8;
	[tilespmem:$0x1E000] =	vst v63  }
0x11f: {  	s15 =	smov.u32 s14  }
0x120: {  	p1 =	sne.s32 s14, $0x3800;
	s14 =	sadd.s32 $0x400, s14;
	_ =	swait.ge [sflag:s30], $0x4000  }
0x121: {  	s15 =	sshra.s32 s15, $0x2;
	[sflag:s30] =	ssyncset.done $0x0  }
0x122: {  	s16 =	sadd.s32 $0x1000, s15;
	[sflag:s30] =	ssyncadd.s32 $0xFFFFC000  }
0x123: {  	[spmem:s1] =	stream.indirect.scatter.add.f32 [tilespmem:s24], [sflag:$0x3], $0x80, s16, s28, $0xb8;
	[tilespmem:$0x1E000] =	vst v63  }
0x124: {  	_ =	swait.ge [sflag:s31], $0x4000  }
0x125: {  	[sflag:s31] =	ssyncset.done $0x0  }
0x126: {  	s16 =	sadd.s32 $0x1080, s15;
	[sflag:s31] =	ssyncadd.s32 $0xFFFFC000  }
0x127: {  	[spmem:s1] =	stream.indirect.scatter.add.f32 [tilespmem:s29], [sflag:$0x4], $0x80, s16, s28, $0xb8;
	[tilespmem:$0x1E000] =	vst v63  }
0x128: {  	_ =	swait.ge [sflag:s0], $0x4000  }
0x129: {  	[sflag:s0] =	ssyncset.done $0x0  }
.Ltmp6:
0x12a: {  	s16 =	sadd.s32 $0x100, s15;
	[sflag:s0] =	ssyncadd.s32 $0xFFFFC000;
	(pc) =	sbr.rel @p1 .LBB2_9-.Ltmp6, $4  }
0x12b: {  	[tilespmem:s24], [sflag:$0x1] =	stream.indirect.gather [hbm4b:s4+s28], $0x80, s16, s28, $0xb8;
	[tilespmem:$0x1E000] =	vst v63  }
0x12c: {  	_ =	swait.ge [sflag:s10], $0x4000  }
0x12d: {  	[sflag:s10] =	ssyncset.done $0x0  }
0x12e: {  	s15 =	sadd.s32 $0x180, s15;
	[sflag:s10] =	ssyncadd.s32 $0xFFFFC000  }
0x12f: {  	[tilespmem:s29], [sflag:$0x2] =	stream.indirect.gather [hbm4b:s4+s28], $0x80, s15, s28, $0xb8;
	[tilespmem:$0x1E000] =	vst v63  }
0x130: {  	_ =	swait.ge [sflag:s30], $0x4000  }
0x131: {  	[sflag:s30] =	ssyncset.done $0x0  }
0x132: {  	[sflag:s30] =	ssyncadd.s32 $0xFFFFC000  }
0x133: {  	[spmem:s1] =	stream.indirect.scatter.add.f32 [tilespmem:s24], [sflag:$0x3], $0x80, s11, s28, $0xb8;
	[tilespmem:$0x1E000] =	vst v63  }
0x134: {  	_ =	swait.ge [sflag:s31], $0x4000  }
0x135: {  	[sflag:s31] =	ssyncset.done $0x0  }
0x136: {  	[sflag:s31] =	ssyncadd.s32 $0xFFFFC000  }
0x137: {  	[spmem:s1] =	stream.indirect.scatter.add.f32 [tilespmem:s29], [sflag:$0x4], $0x80, s12, s28, $0xb8;
	[tilespmem:$0x1E000] =	vst v63  }
0x138: {  	_ =	swait.ge [sflag:s0], $0x4000  }
0x139: {  	[sflag:s0] =	ssyncset.done $0x0  }
0x13a: {  	[sflag:s0] =	ssyncadd.s32 $0xFFFFC000  }
0x13b: {  	_ =	swait.ge [sflag:s10], $0x4000  }
0x13c: {  	[sflag:s10] =	ssyncset.done $0x0  }
0x13d: {  	s14 =	simm.s32 $0x0;
	[sflag:s10] =	ssyncadd.s32 $0xFFFFC000  }
0x13e: {  	[tilespmem:s14], [sflag:$0x5] =	stream.linear.gather [hbm4b:s18+s14], $0x1000, $0x38;
	[tilespmem:$0x1E000] =	vst v63  }
0x13f: {  	_ =	swait.ge [sflag:s25], $0x1000  }
0x140: {  	[sflag:s25] =	ssyncset.done $0x0  }
0x141: {  	[sflag:s25] =	ssyncadd.s32 $0xFFFFF000  }
0x142: {  	[tilespmem:s26], [sflag:$0x5] =	stream.linear.gather [hbm4b:s19+s14], $0x1000, $0x38;
	[tilespmem:$0x1E000] =	vst v63  }
0x143: {  	_ =	swait.ge [sflag:s25], $0x1000  }
0x144: {  	[sflag:s25] =	ssyncset.done $0x0  }
0x145: {  	[sflag:s25] =	ssyncadd.s32 $0xFFFFF000  }
0x146: {  	[tilespmem:s24], [sflag:$0x1] =	stream.indirect.gather [hbm4b:s4+s28], $0x80, s14, s28, $0xb8;
	[tilespmem:$0x1E000] =	vst v63  }
0x147: {  	_ = 	snop  }
0x148: {  	[tilespmem:s29], [sflag:$0x2] =	stream.indirect.gather [hbm4b:s4+s28], $0x80, s28, s28, $0xb8;
	[tilespmem:$0x1E000] =	vst v63  }
0x149: {  	_ =	swait.ge [sflag:s30], $0x4000  }
0x14a: {  	[sflag:s30] =	ssyncset.done $0x0  }
0x14b: {  	s16 =	simm.s32 $0x1000;
	[sflag:s30] =	ssyncadd.s32 $0xFFFFC000  }
0x14c: {  	[spmem:s1] =	stream.indirect.scatter.add.f32 [tilespmem:s24], [sflag:$0x3], $0x80, s16, s28, $0xb8;
	[tilespmem:$0x1E000] =	vst v63  }
0x14d: {  	_ =	swait.ge [sflag:s31], $0x4000  }
0x14e: {  	[sflag:s31] =	ssyncset.done $0x0  }
0x14f: {  	s15 =	simm.s32 $0x1080;
	[sflag:s31] =	ssyncadd.s32 $0xFFFFC000  }
0x150: {  	[spmem:s1] =	stream.indirect.scatter.add.f32 [tilespmem:s29], [sflag:$0x4], $0x80, s15, s28, $0xb8;
	[tilespmem:$0x1E000] =	vst v63  }
0x151: {  	_ =	swait.ge [sflag:s0], $0x4000  }
0x152: {  	[sflag:s0] =	ssyncset.done $0x0  }
0x153: {  	s16 =	simm.s32 $0x100;
	[sflag:s0] =	ssyncadd.s32 $0xFFFFC000  }
0x154: {  	[tilespmem:s24], [sflag:$0x1] =	stream.indirect.gather [hbm4b:s4+s28], $0x80, s16, s28, $0xb8;
	[tilespmem:$0x1E000] =	vst v63  }
0x155: {  	_ =	swait.ge [sflag:s10], $0x4000  }
0x156: {  	[sflag:s10] =	ssyncset.done $0x0  }
0x157: {  	s14 =	simm.s32 $0x400;
	s15 =	simm.s32 $0x180;
	[sflag:s10] =	ssyncadd.s32 $0xFFFFC000  }
.LBB2_11:
0x158: {  	[tilespmem:s29], [sflag:$0x2] =	stream.indirect.gather [hbm4b:s4+s28], $0x80, s15, s28, $0xb8;
	[tilespmem:$0x1E000] =	vst v63  }
0x159: {  	s15 =	smov.u32 s14  }
0x15a: {  	p1 =	sne.s32 s14, $0x3800;
	s14 =	sadd.s32 $0x400, s14;
	_ =	swait.ge [sflag:s30], $0x4000  }
0x15b: {  	s15 =	sshra.s32 s15, $0x2;
	[sflag:s30] =	ssyncset.done $0x0  }
0x15c: {  	s16 =	sadd.s32 $0x1000, s15;
	[sflag:s30] =	ssyncadd.s32 $0xFFFFC000  }
0x15d: {  	[spmem:s1] =	stream.indirect.scatter.add.f32 [tilespmem:s24], [sflag:$0x3], $0x80, s16, s28, $0xb8;
	[tilespmem:$0x1E000] =	vst v63  }
0x15e: {  	_ =	swait.ge [sflag:s31], $0x4000  }
0x15f: {  	[sflag:s31] =	ssyncset.done $0x0  }
0x160: {  	s16 =	sadd.s32 $0x1080, s15;
	[sflag:s31] =	ssyncadd.s32 $0xFFFFC000  }
0x161: {  	[spmem:s1] =	stream.indirect.scatter.add.f32 [tilespmem:s29], [sflag:$0x4], $0x80, s16, s28, $0xb8;
	[tilespmem:$0x1E000] =	vst v63  }
0x162: {  	_ =	swait.ge [sflag:s0], $0x4000  }
0x163: {  	[sflag:s0] =	ssyncset.done $0x0  }
.Ltmp7:
0x164: {  	s16 =	sadd.s32 $0x100, s15;
	[sflag:s0] =	ssyncadd.s32 $0xFFFFC000;
	(pc) =	sbr.rel @p1 .LBB2_11-.Ltmp7, $4  }
0x165: {  	[tilespmem:s24], [sflag:$0x1] =	stream.indirect.gather [hbm4b:s4+s28], $0x80, s16, s28, $0xb8;
	[tilespmem:$0x1E000] =	vst v63  }
0x166: {  	_ =	swait.ge [sflag:s10], $0x4000  }
0x167: {  	[sflag:s10] =	ssyncset.done $0x0  }
0x168: {  	s15 =	sadd.s32 $0x180, s15;
	[sflag:s10] =	ssyncadd.s32 $0xFFFFC000  }
0x169: {  	[tilespmem:s29], [sflag:$0x2] =	stream.indirect.gather [hbm4b:s4+s28], $0x80, s15, s28, $0xb8;
	[tilespmem:$0x1E000] =	vst v63  }
0x16a: {  	_ =	swait.ge [sflag:s30], $0x4000  }
0x16b: {  	[sflag:s30] =	ssyncset.done $0x0  }
0x16c: {  	[sflag:s30] =	ssyncadd.s32 $0xFFFFC000  }
0x16d: {  	[spmem:s1] =	stream.indirect.scatter.add.f32 [tilespmem:s24], [sflag:$0x3], $0x80, s11, s28, $0xb8;
	[tilespmem:$0x1E000] =	vst v63  }
0x16e: {  	_ =	swait.ge [sflag:s31], $0x4000  }
0x16f: {  	[sflag:s31] =	ssyncset.done $0x0  }
0x170: {  	[sflag:s31] =	ssyncadd.s32 $0xFFFFC000  }
0x171: {  	[spmem:s1] =	stream.indirect.scatter.add.f32 [tilespmem:s29], [sflag:$0x4], $0x80, s12, s28, $0xb8;
	[tilespmem:$0x1E000] =	vst v63  }
0x172: {  	_ =	swait.ge [sflag:s0], $0x4000  }
0x173: {  	[sflag:s0] =	ssyncset.done $0x0  }
0x174: {  	[sflag:s0] =	ssyncadd.s32 $0xFFFFC000  }
0x175: {  	_ =	swait.ge [sflag:s10], $0x4000  }
0x176: {  	[sflag:s10] =	ssyncset.done $0x0  }
0x177: {  	s14 =	simm.s32 $0x0;
	[sflag:s10] =	ssyncadd.s32 $0xFFFFC000  }
0x178: {  	[tilespmem:s14], [sflag:$0x5] =	stream.linear.gather [hbm4b:s20+s14], $0xC00, $0x38;
	[tilespmem:$0x1E000] =	vst v63  }
0x179: {  	_ =	swait.ge [sflag:s25], $0xC00  }
0x17a: {  	[sflag:s25] =	ssyncset.done $0x0  }
0x17b: {  	[sflag:s25] =	ssyncadd.s32 $0xFFFFF400  }
0x17c: {  	[tilespmem:s26], [sflag:$0x5] =	stream.linear.gather [hbm4b:s21+s14], $0xC00, $0x38;
	[tilespmem:$0x1E000] =	vst v63  }
0x17d: {  	_ =	swait.ge [sflag:s25], $0xC00  }
0x17e: {  	[sflag:s25] =	ssyncset.done $0x0  }
0x17f: {  	[sflag:s25] =	ssyncadd.s32 $0xFFFFF400  }
0x180: {  	[tilespmem:s24], [sflag:$0x1] =	stream.indirect.gather [hbm4b:s4+s28], $0x80, s14, s28, $0xb8;
	[tilespmem:$0x1E000] =	vst v63  }
0x181: {  	_ = 	snop  }
0x182: {  	[tilespmem:s29], [sflag:$0x2] =	stream.indirect.gather [hbm4b:s4+s28], $0x80, s28, s28, $0xb8;
	[tilespmem:$0x1E000] =	vst v63  }
0x183: {  	_ =	swait.ge [sflag:s30], $0x4000  }
0x184: {  	[sflag:s30] =	ssyncset.done $0x0  }
0x185: {  	s16 =	simm.s32 $0x1000;
	[sflag:s30] =	ssyncadd.s32 $0xFFFFC000  }
0x186: {  	[spmem:s1] =	stream.indirect.scatter.add.f32 [tilespmem:s24], [sflag:$0x3], $0x80, s16, s28, $0xb8;
	[tilespmem:$0x1E000] =	vst v63  }
0x187: {  	_ =	swait.ge [sflag:s31], $0x4000  }
0x188: {  	[sflag:s31] =	ssyncset.done $0x0  }
0x189: {  	s15 =	simm.s32 $0x1080;
	[sflag:s31] =	ssyncadd.s32 $0xFFFFC000  }
0x18a: {  	[spmem:s1] =	stream.indirect.scatter.add.f32 [tilespmem:s29], [sflag:$0x4], $0x80, s15, s28, $0xb8;
	[tilespmem:$0x1E000] =	vst v63  }
0x18b: {  	_ =	swait.ge [sflag:s0], $0x4000  }
0x18c: {  	p1 =	por $0x0, $0x0;
	[sflag:s0] =	ssyncset.done $0x0  }
.Ltmp8:
0x18d: {  	s16 =	simm.s32 $0x100;
	[sflag:s0] =	ssyncadd.s32 $0xFFFFC000;
	(pc) =	sbr.rel @p1 .LBB2_14-.Ltmp8, $4  }
0x18e: {  	[tilespmem:s24], [sflag:$0x1] =	stream.indirect.gather [hbm4b:s4+s28], $0x80, s16, s28, $0xb8;
	[tilespmem:$0x1E000] =	vst v63  }
0x18f: {  	_ =	swait.ge [sflag:s10], $0x4000  }
0x190: {  	[sflag:s10] =	ssyncset.done $0x0  }
0x191: {  	s14 =	simm.s32 $0x400;
	s15 =	simm.s32 $0x180;
	[sflag:s10] =	ssyncadd.s32 $0xFFFFC000  }
.LBB2_13:
0x192: {  	[tilespmem:s29], [sflag:$0x2] =	stream.indirect.gather [hbm4b:s4+s28], $0x80, s15, s28, $0xb8;
	[tilespmem:$0x1E000] =	vst v63  }
0x193: {  	s15 =	smov.u32 s14  }
0x194: {  	p1 =	seq.s32 s14, $0x2800;
	s14 =	sadd.s32 $0x400, s14;
	_ =	swait.ge [sflag:s30], $0x4000  }
0x195: {  	s15 =	sshra.s32 s15, $0x2;
	[sflag:s30] =	ssyncset.done $0x0  }
0x196: {  	s16 =	sadd.s32 $0x1000, s15;
	[sflag:s30] =	ssyncadd.s32 $0xFFFFC000  }
0x197: {  	[spmem:s1] =	stream.indirect.scatter.add.f32 [tilespmem:s24], [sflag:$0x3], $0x80, s16, s28, $0xb8;
	[tilespmem:$0x1E000] =	vst v63  }
0x198: {  	_ =	swait.ge [sflag:s31], $0x4000  }
0x199: {  	[sflag:s31] =	ssyncset.done $0x0  }
0x19a: {  	s16 =	sadd.s32 $0x1080, s15;
	[sflag:s31] =	ssyncadd.s32 $0xFFFFC000  }
0x19b: {  	[spmem:s1] =	stream.indirect.scatter.add.f32 [tilespmem:s29], [sflag:$0x4], $0x80, s16, s28, $0xb8;
	[tilespmem:$0x1E000] =	vst v63  }
0x19c: {  	_ =	swait.ge [sflag:s0], $0x4000  }
0x19d: {  	[sflag:s0] =	ssyncset.done $0x0  }
.Ltmp9:
0x19e: {  	s16 =	sadd.s32 $0x100, s15;
	[sflag:s0] =	ssyncadd.s32 $0xFFFFC000;
	(pc) =	sbr.rel @!p1 .LBB2_13-.Ltmp9, $4  }
0x19f: {  	[tilespmem:s24], [sflag:$0x1] =	stream.indirect.gather [hbm4b:s4+s28], $0x80, s16, s28, $0xb8;
	[tilespmem:$0x1E000] =	vst v63  }
0x1a0: {  	_ =	swait.ge [sflag:s10], $0x4000  }
0x1a1: {  	[sflag:s10] =	ssyncset.done $0x0  }
0x1a2: {  	s15 =	sadd.s32 $0x180, s15;
	[sflag:s10] =	ssyncadd.s32 $0xFFFFC000  }
.LBB2_14:
.Ltmp10:
0x1a3: {  	(pc) =	sbr.rel .LBB2_16-.Ltmp10, $3  }
0x1a4: {  	_ =	sdelay $0x1  }
0x1a5: {  	[tilespmem:s29], [sflag:$0x2] =	stream.indirect.gather [hbm4b:s4+s28], $0x80, s15, s28, $0xb8;
	[tilespmem:$0x1E000] =	vst v63  }
0x1a6: {  	s14 =	simm.s32 $0x1B80;
	s15 =	simm.s32 $0x1B00  }
.LBB2_17:
0x1a7: {  	_ =	sfence.sel $0x180000  }
0x1a8: {  	[bflag:$0x0] =	sbarrier.arrive $0xFFFF  }
0x1a9: {  	_ =	strace $0x9000004D  }
0x1aa: {  	[bflag:$0x2] =	sbarrier.arrive $0xFFFF  }
0x1ab: {  	p0 =	sne.s32 s2, $0x0;
	s0 =	rddreg [dreg:$0x2]  }
0x1ac: {  	s0 =	sadd.s32 @!p0 $0x100000, s0  }
0x1ad: {  	[sflag:s0] =	ssyncadd.tile.s32 @!p0 $0x1;
	_ =	shalt  }
.Lfunc_end2:
_tile_overlayer_lowered:
.L_overlay_start_2:
0x1ae: {  	(tag) =	ssettag $0x2  }
0x1af: {  	s0 =	rddreg [dreg:$0x0];
	s2 =	stileid.u32  }
0x1b0: {  	s1 =	rddreg [dreg:$0x1];
	p0 =	sne.s32 s2, $0x0  }
0x1b1: {  	s3 =	rddreg [dreg:$0x2];
	[bflag:$0x3] =	sbarrier.arrive $0xFFFF;
	s2 =	simm.s32 @!p0 $0x1C05  }
0x1b2: {  	[timem:s3], [sflag:s2] =	dma.local @!p0 [hbm:s0], s1  }
0x1b3: {  	s0 =	simm.s32 @!p0 $0x5  }
0x1b4: {  	_ =	swait.ge @!p0 [sflag:s0], s1  }
0x1b5: {  	s1 =	ssub.s32 @!p0 $0x0, s1;
	[sflag:s0] =	ssyncset.done @!p0 $0x0  }
0x1b6: {  	[sflag:s0] =	ssyncadd.s32 @!p0 s1  }
0x1b7: {  	[bflag:$0x3] =	sbarrier.arrive $0xFFFF  }
0x1b8: {  	_ =	shalt  }

// kernel: kernel.8.cloned.1.call-start
scs
__scs_entry_jumppad:
0x0: {  	(pc) =	sbr.rel $0x88, $3  }
0x1: {  	(tag) =	ssettag $0x0;
	lr =	simm.s32 $0x1  }
0x2: {  	[smem:$0x3F99] =	sst lr;
	_ =	strace $0xD0000000  }
0x3: {  	_ = 	snop  }
0x4: {  	_ = 	snop  }
0x5: {  	_ = 	snop  }
0x6: {  	_ = 	snop  }
0x7: {  	_ = 	snop  }
__scs_overlays_trampoline_lowered:
0x8: {  	[smem:$0x3FA8] =	sst s0  }
0x9: {  	[smem:$0x3FA9] =	sst s1  }
0xa: {  	[smem:$0x3FAA] =	sst s2  }
0xb: {  	[smem:$0x3FAB] =	sst s3  }
0xc: {  	[smem:$0x3FAC] =	sst s4  }
0xd: {  	[smem:$0x3FAD] =	sst s5  }
0xe: {  	[smem:$0x3FAE] =	sst s6  }
0xf: {  	[smem:$0x3FAF] =	sst s7  }
0x10: {  	[smem:$0x3FB0] =	sst s8  }
0x11: {  	[smem:$0x3FB1] =	sst s9;
	s0 =	simm.s32 @!p0 $0x0  }
0x12: {  	s1 =	sld [smem:$0x3F97];
	s0 =	simm.s32 @p0 $0x1  }
0x13: {  	[smem:$0x3FB2] =	sst s0;
	s0 =	simm.s32 @!p1 $0x0  }
0x14: {  	s2 =	sld [smem:$0x3F96];
	s0 =	simm.s32 @p1 $0x1  }
0x15: {  	[smem:$0x3FB3] =	sst s0;
	s0 =	simm.s32 @!p2 $0x0  }
0x16: {  	s3 =	sld [smem:$0x3FDB];
	s0 =	simm.s32 @p2 $0x1  }
0x17: {  	s4 =	simm.s32 $0x1BF5;
	[smem:$0x3FB5] =	sst s0  }
0x18: {  	s0 =	sld [smem:$0x3F98];
	_ =	swait.ge [sflag:s4], $0x0  }
0x19: {  	s7 =	sld [smem:$0x3F99]  }
0x1a: {  	s8 =	sadd.s32 $0xFFFFE003, lr  }
0x1b: {  	s9 =	sadd.s32 $0xFFFFFEF7, lr;
	s5 =	simm.s32 $0xFFFFFFFF;
	p2 =	slt.u32 s8, $0xFFFFF086  }
0x1c: {  	p1 =	slt.u32 s9, $0xF7A;
	s5 =	simm.s32 @!p2 $0x0  }
0x1d: {  	s5 =	simm.s32 @p1 $0x1;
	p0 =	seq.s32 s7, s2  }
0x1e: {  	s7 =	smul.u32 @!p0 $0xF7A, s2;
	p2 =	seq.s32 @!p0 s5, $0x0  }
0x1f: {  	s9 =	smul.u32 $0xF7A, s1;
	s8 =	simm.s32 @!p0 $0x1BF5;
	p2 =	por !p2, p0  }
0x20: {  	[sflag:s8] =	ssyncset.s32 @!p0 $0xFFFFF086;
	s6 =	sadd.s32 @!p0 s3, s7;
	s7 =	simm.s32 @!p0 $0x108  }
0x21: {  	s3 =	sadd.s32 s3, s9;
	s6 =	sadd.s32 @!p0 $0x88, s6;
	s7 =	simm.s32 @p2 $0x1082  }
0x22: {  	[simem:s7], [sflag:s8] =	dma.local @!p0 [hbm:s6], $0xF7A  }
0x23: {  	s9 =	sor.u32 $0xD0000000, s2;
	s6 =	simm.s32 $0x108;
	_ =	swait.ge @!p0 [sflag:s8], $0x0  }
0x24: {  	s3 =	sadd.s32 $0x88, s3;
	s6 =	simm.s32 @!p1 $0x1082;
	[sflag:s4] =	ssyncset.s32 $0xFFFFF086  }
0x25: {  	[simem:s6], [sflag:s4] =	dma.local [hbm:s3], $0xF7A  }
0x26: {  	[smem:$0x3F99] =	sst s1;
	(tag) =	ssettag s2;
	_ =	strace s9  }
0x27: {  	s1 =	sld [smem:$0x3FA9]  }
0x28: {  	s2 =	sld [smem:$0x3FAA]  }
0x29: {  	s4 =	sld [smem:$0x3FAC]  }
0x2a: {  	p0 =	seq.s32 s5, $0x0;
	s5 =	sld [smem:$0x3FAD]  }
0x2b: {  	s6 =	sld [smem:$0x3FAE]  }
0x2c: {  	s7 =	sld [smem:$0x3FAF]  }
0x2d: {  	s3 =	simm.s32 $0x108;
	s8 =	sld [smem:$0x3FB0]  }
0x2e: {  	s3 =	simm.s32 @!p0 $0x1082;
	s9 =	sld [smem:$0x3FB1]  }
0x2f: {  	lr =	sadd.s32 s0, s3;
	s0 =	sld [smem:$0x3FA8]  }
0x30: {  	s3 =	sld [smem:$0x3FAB]  }
0x31: {  	[smem:$0x3FB4] =	sst s10  }
0x32: {  	s10 =	sld [smem:$0x3FB2];
	_ =	sdelay $0x3  }
0x33: {  	p0 =	seq.s32 s10, $0x1;
	s10 =	sld [smem:$0x3FB4];
	_ =	sdelay $0x3  }
0x34: {  	[smem:$0x3FB4] =	sst s10  }
0x35: {  	s10 =	sld [smem:$0x3FB3];
	_ =	sdelay $0x3  }
0x36: {  	p1 =	seq.s32 s10, $0x1;
	s10 =	sld [smem:$0x3FB4];
	_ =	sdelay $0x3  }
0x37: {  	[smem:$0x3FB4] =	sst s10  }
0x38: {  	s10 =	sld [smem:$0x3FB5]  }
0x39: {  	_ = 	snop;
	(pc) =	sbr.ind lr, $3  }
0x3a: {  	_ = 	snop  }
0x3b: {  	_ = 	snop  }
0x3c: {  	p2 =	seq.s32 s10, $0x1;
	s10 =	sld [smem:$0x3FB4]  }
0x3d: {  	_ =	shalt  }
0x3e: {  	_ =	shalt  }
0x3f: {  	_ =	shalt  }
0x40: {  	_ =	shalt  }
0x41: {  	_ =	shalt  }
0x42: {  	_ =	shalt  }
0x43: {  	_ =	shalt  }
0x44: {  	_ =	shalt  }
0x45: {  	_ =	shalt  }
0x46: {  	_ =	shalt  }
0x47: {  	_ =	shalt  }
0x48: {  	_ =	shalt  }
0x49: {  	_ =	shalt  }
0x4a: {  	_ =	shalt  }
0x4b: {  	_ =	shalt  }
0x4c: {  	_ =	shalt  }
0x4d: {  	_ =	shalt  }
0x4e: {  	_ =	shalt  }
0x4f: {  	_ =	shalt  }
0x50: {  	_ =	shalt  }
0x51: {  	_ =	shalt  }
0x52: {  	_ =	shalt  }
0x53: {  	_ =	shalt  }
0x54: {  	_ =	shalt  }
0x55: {  	_ =	shalt  }
0x56: {  	_ =	shalt  }
0x57: {  	_ =	shalt  }
0x58: {  	_ =	shalt  }
0x59: {  	_ =	shalt  }
0x5a: {  	_ =	shalt  }
0x5b: {  	_ =	shalt  }
0x5c: {  	_ =	shalt  }
0x5d: {  	_ =	shalt  }
0x5e: {  	_ =	shalt  }
0x5f: {  	_ =	shalt  }
0x60: {  	_ =	shalt  }
0x61: {  	_ =	shalt  }
0x62: {  	_ =	shalt  }
0x63: {  	_ =	shalt  }
0x64: {  	_ =	shalt  }
0x65: {  	_ =	shalt  }
0x66: {  	_ =	shalt  }
0x67: {  	_ =	shalt  }
0x68: {  	_ =	shalt  }
0x69: {  	_ =	shalt  }
0x6a: {  	_ =	shalt  }
0x6b: {  	_ =	shalt  }
0x6c: {  	_ =	shalt  }
0x6d: {  	_ =	shalt  }
0x6e: {  	_ =	shalt  }
0x6f: {  	_ =	shalt  }
0x70: {  	_ =	shalt  }
0x71: {  	_ =	shalt  }
0x72: {  	_ =	shalt  }
0x73: {  	_ =	shalt  }
0x74: {  	_ =	shalt  }
0x75: {  	_ =	shalt  }
0x76: {  	_ =	shalt  }
0x77: {  	_ =	shalt  }
0x78: {  	_ =	shalt  }
0x79: {  	_ =	shalt  }
0x7a: {  	_ =	shalt  }
0x7b: {  	_ =	shalt  }
0x7c: {  	_ =	shalt  }
0x7d: {  	_ =	shalt  }
0x7e: {  	_ =	shalt  }
0x7f: {  	_ =	shalt  }
0x80: {  	_ =	shalt  }
0x81: {  	_ =	shalt  }
0x82: {  	_ =	shalt  }
0x83: {  	_ =	shalt  }
0x84: {  	_ =	shalt  }
0x85: {  	_ =	shalt  }
0x86: {  	_ =	shalt  }
0x87: {  	_ =	shalt  }
.Lfunc_end0:
.L_simem_size_0:
called_computation_lowered:
.L_overlay_start_0:
0x88: {  	s2 =	sld [smem:$0x3FD9]  }
0x89: {  	s3 =	sld [smem:$0x3FFE];
	_ =	sdelay $0x1  }
0x8a: {  	s1 =	srdreg.scid  }
0x8b: {  	s0 =	sand.u32 $0x1, s1  }
0x8c: {  	s16 =	sshll.u32 s0, $0xA;
	s2 =	sadd.s32 s3, s2  }
0x8d: {  	s2 =	sadd.s32 s2, s16  }
0x8e: {  	[smem:$0x3FC0] =	sst s2  }
0x8f: {  	_ = 	snop  }
0x90: {  	(tm) =	ssettm $0x1  }
0x91: {  	s17 =	sld [smem:$0x3FFB];
	_ =	sdelay $0x3  }
0x92: {  	_ =	strace s17  }
0x93: {  	s2 =	sld [smem:$0x3FFC];
	_ =	sdelay $0x3  }
0x94: {  	_ =	strace s2  }
0x95: {  	s2 =	sld [smem:$0x3FFD];
	_ =	sdelay $0x3  }
0x96: {  	_ =	strace s2  }
0x97: {  	_ =	strace $0x8FFFFFFF  }
0x98: {  	s18 =	sld [smem:$0x3FDB];
	_ =	sdelay $0x1  }
0x99: {  	s19 =	simm.s32 $_scs_section_size  }
0x9a: {  	s4 =	simm.s32 $_size__tile_overlayer_lowered;
	s5 =	simm.s32 $_tile_overlayer_lowered  }
0x9b: {  	s22 =	simm.s32 $0x1BFF;
	s21 =	sshll.u32 s5, $0x1;
	s2 =	sadd.s32 s19, s18  }
0x9c: {  	s6 =	simm.s32 $0x0;
	s20 =	sshll.u32 s4, $0x1;
	s4 =	sadd.s32 s21, s2  }
0x9d: {  	[timem:s6], [sflag:s22] =	dma.local [hbm:s4], s20  }
0x9e: {  	_ =	swait.ge [sflag:s22], s20  }
0x9f: {  	s3 =	ssub.s32 $0x0, s20;
	[sflag:s22] =	ssyncset.done $0x0  }
0xa0: {  	[sflag:s22] =	ssyncadd.s32 s3;
	_ =	sdelay $0x1  }
0xa1: {  	s23 =	simm.s32 $0x1B8B  }
0xa2: {  	_ =	swait.ge [sflag:s23], $0x1  }
0xa3: {  	[sflag:s23] =	ssyncset.done $0x0  }
0xa4: {  	s25 =	simm.s32 $0x1B8E;
	s24 =	sld [smem:$0x3FFE];
	[sflag:s23] =	ssyncadd.s32 $0xFFFFFFFF  }
0xa5: {  	s26 =	simm.s32 $execute0_lowered;
	[smem:$0x3FD2] =	sst s25  }
0xa6: {  	s4 =	sshll.u32 s26, $0x1;
	_ =	strace $0x80000046;
	[dreg:$0x1] =	wrdreg $0xFFFFFFFF  }
0xa7: {  	s28 =	simm.s32 $_size_execute0_lowered;
	s2 =	sadd.s32 s2, s4;
	[dreg:$0x0] =	wrdreg $0x0  }
0xa8: {  	s4 =	sshll.u32 s28, $0x1;
	[dreg:$0x2] =	wrdreg s2  }
0xa9: {  	[dreg:$0x3] =	wrdreg s4  }
0xaa: {  	[dreg:$0x4] =	wrdreg $0xC0  }
0xab: {  	_ =	task [dreg:s6], $0x5FFFF  }
0xac: {  	[dreg:$0x1] =	wrdreg $0xFFFFFFFF  }
0xad: {  	[dreg:$0x0] =	wrdreg $0x60  }
0xae: {  	[dreg:$0x2] =	wrdreg s24  }
0xaf: {  	[dreg:$0x3] =	wrdreg $0x9  }
0xb0: {  	_ =	task.clear_ibuf [dreg:s6], $0x4FFFF;
	_ =	strace $0x90000046  }
0xb1: {  	s29 =	simm.s32 $0x9;
	_ =	strace $0x80000048  }
0xb2: {  	_ =	swait.ge [sflag:s29], $0x1  }
0xb3: {  	[sflag:s29] =	ssyncadd.s32 $0xFFFFFFFF  }
0xb4: {  	_ =	strace $0x90000048  }
0xb5: {  	_ =	sfence  }
0xb6: {  	s30 =	sld [smem:$0x0];
	_ =	sdelay $0x2  }
0xb7: {  	s31 =	sshll.u32 s1, $0xD;
	s1 =	sshrl.u32 s1, $0x2  }
0xb8: {  	s3 =	sand.u32 $0x4000, s31;
	s1 =	sadd.s32 s1, s30  }
0xb9: {  	s0 =	sor.u32 s3, s0;
	s1 =	sshll.u32 s1, $0x11  }
0xba: {  	s0 =	sor.u32 s1, s0  }
0xbb: {  	s0 =	sadd.s32 $0x8F2B, s0  }
0xbc: {  	[sflag:s0] =	ssyncadd.remote.s32 $0x1  }
0xbd: {  	_ =	sfence.sel $0xFFFF  }
0xbe: {  	[dreg:$0x0] =	wrdreg $0xFFFFFFFF;
	(pc) =	sbr.abs _section_cstart, $3  }
0xbf: {  	[dreg:$0x1] =	wrdreg $0xFFFFFFFF  }
0xc0: {  	_ =	task.clear_ibuf [dreg:s6], $0x2FFFF;
	_ =	strace $0x9FFFFFFF  }
0xc1: {  	(tm) =	ssettm $0x7FFFFFFF  }
tec
execute0_lowered:
.L_overlay_start_1:
0x0: {  	(tag) =	ssettag $0x1  }
0x1: {  	s3 =	rddreg [dreg:$0x0]  }
0x2: {  	s1 =	srdreg.scid;
	s0 =	rddreg [dreg:$0x1]  }
0x3: {  	s2 =	simm.s32 $0x0;
	s20 =	simm.s32 $0x2000;
	s21 =	simm.s32 $0x4800  }
0x4: {  	s22 =	simm.s32 $0x0;
	s18 =	sand.u32 $0x1, s1;
	s1 =	stileid.u32  }
0x5: {  	[smem:$0x7FF] =	sst s2;
	s13 =	sadd.s32 $0xC400, s3;
	s4 =	sshll.u32 s18, $0x4  }
0x6: {  	s14 =	sadd.s32 $0x2400, s3;
	s31 =	ssub.s32 $0x2, s18;
	s4 =	sor.u32 s1, s4  }
0x7: {  	_ =	strace $0x80000047;
	s7 =	sshrl.u32 s31, $0x1;
	s4 =	smul.u32 $0x500, s4  }
0x8: {  	s5 =	sshll.u32 s1, $0x3;
	s8 =	smul.u32 $0x980, s1;
	s17 =	ssub.s32 s31, s7  }
0x9: {  	s16 =	sadd.s32 s4, s3;
	s3 =	smul.u32 $0x98, s1;
	s4 =	sor.u32 $0x980, s5  }
0xa: {  	p0 =	seq.s32 s18, $0x0;
	s17 =	smax.u32 s17, $0x1;
	s6 =	sshll.u32 s4, $0x4  }
0xb: {  	s5 =	sadd.s32 s13, s8;
	s4 =	smov.u32 @p0 s3;
	s3 =	sadd.s32 s13, s6  }
0xc: {  	p0 =	sne.s32 s18, $0x0;
	s18 =	simm.s32 $0x1;
	s12 =	sshll.u32 s4, $0x4  }
0xd: {  	s4 =	sadd.s32 s14, s6;
	s6 =	sadd.s32 s14, s8;
	s9 =	sadd.s32 $0x200, s12  }
.Ltmp0:
0xe: {  	s10 =	sadd.s32 $0x400, s12;
	s15 =	sadd.s32 $0x600, s12;
	(pc) =	sbr.rel .LBB2_1-.Ltmp0, $4  }
0xf: {  	s19 =	sadd.s32 $0x800, s12;
	s7 =	sadd.s32 s13, s9;
	s8 =	sadd.s32 s14, s9  }
0x10: {  	s9 =	sadd.s32 s13, s10;
	s10 =	sadd.s32 s14, s10;
	s11 =	sadd.s32 s13, s15  }
0x11: {  	s12 =	sadd.s32 s14, s15;
	s13 =	sadd.s32 s13, s19;
	s14 =	sadd.s32 s14, s19  }
0x12: {  	v0 =	vimm.f32 $0.0e+00;
	v1 =	vimm.f32 $1.000000000e+00;
	s15 =	sadd.s32 $0x16400, s16;
	s16 =	sadd.s32 $0x20400, s16;
	s19 =	simm.s32 $0x1000  }
.LBB2_14:
0x13: {  	[tilespmem:s2], [sflag:$0x1] =	stream.linear.gather [hbm4b:s3+s2], $0x400, $0x38;
	[tilespmem:$0x7000] =	vst v63  }
0x14: {  	_ =	swait.ge [sflag:s18], $0x400  }
0x15: {  	[sflag:s18] =	ssyncset.done $0x0  }
0x16: {  	[sflag:s18] =	ssyncadd.s32 $0xFFFFFC00  }
0x17: {  	[tilespmem:s19], [sflag:$0x1] =	stream.linear.gather [hbm4b:s4+s2], $0x400, $0x38;
	[tilespmem:$0x7000] =	vst v63  }
0x18: {  	_ =	swait.ge [sflag:s18], $0x400  }
0x19: {  	[sflag:s18] =	ssyncset.done $0x0  }
0x1a: {  	[sflag:s18] =	ssyncadd.s32 $0xFFFFFC00  }
0x1b: {  	v2 =	vld [tilespmem:$0x0];
	_ =	sdelay $0x7  }
0x1c: {  	[tilespmem:v2+s20+$0x0] =	vst.idx.add.f32.msk $0xffff, v1  }
0x1d: {  	v2 =	vld [tilespmem:$0x1000];
	_ =	sdelay $0x7  }
0x1e: {  	[tilespmem:v2+s21+$0x0] =	vst.idx.add.f32.msk $0xffff, v1  }
0x1f: {  	v2 =	vld [tilespmem:$0x10];
	_ =	sdelay $0x7  }
0x20: {  	[tilespmem:v2+s20+$0x0] =	vst.idx.add.f32.msk $0xffff, v1  }
0x21: {  	v2 =	vld [tilespmem:$0x1010];
	_ =	sdelay $0x7  }
0x22: {  	[tilespmem:v2+s21+$0x0] =	vst.idx.add.f32.msk $0xffff, v1  }
0x23: {  	v2 =	vld [tilespmem:$0x20];
	_ =	sdelay $0x7  }
0x24: {  	[tilespmem:v2+s20+$0x0] =	vst.idx.add.f32.msk $0xffff, v1  }
0x25: {  	v2 =	vld [tilespmem:$0x1020];
	_ =	sdelay $0x7  }
0x26: {  	[tilespmem:v2+s21+$0x0] =	vst.idx.add.f32.msk $0xffff, v1  }
0x27: {  	v2 =	vld [tilespmem:$0x30];
	_ =	sdelay $0x7  }
0x28: {  	[tilespmem:v2+s20+$0x0] =	vst.idx.add.f32.msk $0xffff, v1  }
0x29: {  	v2 =	vld [tilespmem:$0x1030];
	_ =	sdelay $0x7  }
0x2a: {  	[tilespmem:v2+s21+$0x0] =	vst.idx.add.f32.msk $0xffff, v1  }
0x2b: {  	v2 =	vld [tilespmem:$0x40];
	_ =	sdelay $0x7  }
0x2c: {  	[tilespmem:v2+s20+$0x0] =	vst.idx.add.f32.msk $0xffff, v1  }
0x2d: {  	v2 =	vld [tilespmem:$0x1040];
	_ =	sdelay $0x7  }
0x2e: {  	[tilespmem:v2+s21+$0x0] =	vst.idx.add.f32.msk $0xffff, v1  }
0x2f: {  	v2 =	vld [tilespmem:$0x50];
	_ =	sdelay $0x7  }
0x30: {  	[tilespmem:v2+s20+$0x0] =	vst.idx.add.f32.msk $0xffff, v1  }
0x31: {  	v2 =	vld [tilespmem:$0x1050];
	_ =	sdelay $0x7  }
0x32: {  	[tilespmem:v2+s21+$0x0] =	vst.idx.add.f32.msk $0xffff, v1  }
0x33: {  	v2 =	vld [tilespmem:$0x60];
	_ =	sdelay $0x7  }
0x34: {  	[tilespmem:v2+s20+$0x0] =	vst.idx.add.f32.msk $0xffff, v1  }
0x35: {  	v2 =	vld [tilespmem:$0x1060];
	_ =	sdelay $0x7  }
0x36: {  	[tilespmem:v2+s21+$0x0] =	vst.idx.add.f32.msk $0xffff, v1  }
0x37: {  	v2 =	vld [tilespmem:$0x70];
	_ =	sdelay $0x7  }
0x38: {  	[tilespmem:v2+s20+$0x0] =	vst.idx.add.f32.msk $0xffff, v1  }
0x39: {  	v2 =	vld [tilespmem:$0x1070];
	_ =	sdelay $0x7  }
0x3a: {  	[tilespmem:v2+s21+$0x0] =	vst.idx.add.f32.msk $0xffff, v1  }
0x3b: {  	v2 =	vld [tilespmem:$0x80];
	_ =	sdelay $0x7  }
0x3c: {  	[tilespmem:v2+s20+$0x0] =	vst.idx.add.f32.msk $0xffff, v1  }
0x3d: {  	v2 =	vld [tilespmem:$0x1080];
	_ =	sdelay $0x7  }
0x3e: {  	[tilespmem:v2+s21+$0x0] =	vst.idx.add.f32.msk $0xffff, v1  }
0x3f: {  	v2 =	vld [tilespmem:$0x90];
	_ =	sdelay $0x7  }
0x40: {  	[tilespmem:v2+s20+$0x0] =	vst.idx.add.f32.msk $0xffff, v1  }
0x41: {  	v2 =	vld [tilespmem:$0x1090];
	_ =	sdelay $0x7  }
0x42: {  	[tilespmem:v2+s21+$0x0] =	vst.idx.add.f32.msk $0xffff, v1  }
0x43: {  	v2 =	vld [tilespmem:$0xA0];
	_ =	sdelay $0x7  }
0x44: {  	[tilespmem:v2+s20+$0x0] =	vst.idx.add.f32.msk $0xffff, v1  }
0x45: {  	v2 =	vld [tilespmem:$0x10A0];
	_ =	sdelay $0x7  }
0x46: {  	[tilespmem:v2+s21+$0x0] =	vst.idx.add.f32.msk $0xffff, v1  }
0x47: {  	v2 =	vld [tilespmem:$0xB0];
	_ =	sdelay $0x7  }
0x48: {  	[tilespmem:v2+s20+$0x0] =	vst.idx.add.f32.msk $0xffff, v1  }
0x49: {  	v2 =	vld [tilespmem:$0x10B0];
	_ =	sdelay $0x7  }
0x4a: {  	[tilespmem:v2+s21+$0x0] =	vst.idx.add.f32.msk $0xffff, v1  }
0x4b: {  	v2 =	vld [tilespmem:$0xC0];
	_ =	sdelay $0x7  }
0x4c: {  	[tilespmem:v2+s20+$0x0] =	vst.idx.add.f32.msk $0xffff, v1  }
0x4d: {  	v2 =	vld [tilespmem:$0x10C0];
	_ =	sdelay $0x7  }
0x4e: {  	[tilespmem:v2+s21+$0x0] =	vst.idx.add.f32.msk $0xffff, v1  }
0x4f: {  	v2 =	vld [tilespmem:$0xD0];
	_ =	sdelay $0x7  }
0x50: {  	[tilespmem:v2+s20+$0x0] =	vst.idx.add.f32.msk $0xffff, v1  }
0x51: {  	v2 =	vld [tilespmem:$0x10D0];
	_ =	sdelay $0x7  }
0x52: {  	[tilespmem:v2+s21+$0x0] =	vst.idx.add.f32.msk $0xffff, v1  }
0x53: {  	v2 =	vld [tilespmem:$0xE0];
	_ =	sdelay $0x7  }
0x54: {  	[tilespmem:v2+s20+$0x0] =	vst.idx.add.f32.msk $0xffff, v1  }
0x55: {  	v2 =	vld [tilespmem:$0x10E0];
	_ =	sdelay $0x7  }
0x56: {  	[tilespmem:v2+s21+$0x0] =	vst.idx.add.f32.msk $0xffff, v1  }
0x57: {  	v2 =	vld [tilespmem:$0xF0];
	_ =	sdelay $0x7  }
0x58: {  	[tilespmem:v2+s20+$0x0] =	vst.idx.add.f32.msk $0xffff, v1  }
0x59: {  	v2 =	vld [tilespmem:$0x10F0];
	_ =	sdelay $0x7  }
0x5a: {  	[tilespmem:v2+s21+$0x0] =	vst.idx.add.f32.msk $0xffff, v1  }
0x5b: {  	v2 =	vld [tilespmem:$0x100];
	_ =	sdelay $0x7  }
0x5c: {  	[tilespmem:v2+s20+$0x0] =	vst.idx.add.f32.msk $0xffff, v1  }
0x5d: {  	v2 =	vld [tilespmem:$0x1100];
	_ =	sdelay $0x7  }
0x5e: {  	[tilespmem:v2+s21+$0x0] =	vst.idx.add.f32.msk $0xffff, v1  }
0x5f: {  	v2 =	vld [tilespmem:$0x110];
	_ =	sdelay $0x7  }
0x60: {  	[tilespmem:v2+s20+$0x0] =	vst.idx.add.f32.msk $0xffff, v1  }
0x61: {  	v2 =	vld [tilespmem:$0x1110];
	_ =	sdelay $0x7  }
0x62: {  	[tilespmem:v2+s21+$0x0] =	vst.idx.add.f32.msk $0xffff, v1  }
0x63: {  	v2 =	vld [tilespmem:$0x120];
	_ =	sdelay $0x7  }
0x64: {  	[tilespmem:v2+s20+$0x0] =	vst.idx.add.f32.msk $0xffff, v1  }
0x65: {  	v2 =	vld [tilespmem:$0x1120];
	_ =	sdelay $0x7  }
0x66: {  	[tilespmem:v2+s21+$0x0] =	vst.idx.add.f32.msk $0xffff, v1  }
0x67: {  	v2 =	vld [tilespmem:$0x130];
	_ =	sdelay $0x7  }
0x68: {  	[tilespmem:v2+s20+$0x0] =	vst.idx.add.f32.msk $0xffff, v1  }
0x69: {  	v2 =	vld [tilespmem:$0x1130];
	_ =	sdelay $0x7  }
0x6a: {  	[tilespmem:v2+s21+$0x0] =	vst.idx.add.f32.msk $0xffff, v1  }
0x6b: {  	v2 =	vld [tilespmem:$0x140];
	_ =	sdelay $0x7  }
0x6c: {  	[tilespmem:v2+s20+$0x0] =	vst.idx.add.f32.msk $0xffff, v1  }
0x6d: {  	v2 =	vld [tilespmem:$0x1140];
	_ =	sdelay $0x7  }
0x6e: {  	[tilespmem:v2+s21+$0x0] =	vst.idx.add.f32.msk $0xffff, v1  }
0x6f: {  	v2 =	vld [tilespmem:$0x150];
	_ =	sdelay $0x7  }
0x70: {  	[tilespmem:v2+s20+$0x0] =	vst.idx.add.f32.msk $0xffff, v1  }
0x71: {  	v2 =	vld [tilespmem:$0x1150];
	_ =	sdelay $0x7  }
0x72: {  	[tilespmem:v2+s21+$0x0] =	vst.idx.add.f32.msk $0xffff, v1  }
0x73: {  	v2 =	vld [tilespmem:$0x160];
	_ =	sdelay $0x7  }
0x74: {  	[tilespmem:v2+s20+$0x0] =	vst.idx.add.f32.msk $0xffff, v1  }
0x75: {  	v2 =	vld [tilespmem:$0x1160];
	_ =	sdelay $0x7  }
0x76: {  	[tilespmem:v2+s21+$0x0] =	vst.idx.add.f32.msk $0xffff, v1  }
0x77: {  	v2 =	vld [tilespmem:$0x170];
	_ =	sdelay $0x7  }
0x78: {  	[tilespmem:v2+s20+$0x0] =	vst.idx.add.f32.msk $0xffff, v1  }
0x79: {  	v2 =	vld [tilespmem:$0x1170];
	_ =	sdelay $0x7  }
0x7a: {  	[tilespmem:v2+s21+$0x0] =	vst.idx.add.f32.msk $0xffff, v1  }
0x7b: {  	v2 =	vld [tilespmem:$0x180];
	_ =	sdelay $0x7  }
0x7c: {  	[tilespmem:v2+s20+$0x0] =	vst.idx.add.f32.msk $0xffff, v1  }
0x7d: {  	v2 =	vld [tilespmem:$0x1180];
	_ =	sdelay $0x7  }
0x7e: {  	[tilespmem:v2+s21+$0x0] =	vst.idx.add.f32.msk $0xffff, v1  }
0x7f: {  	v2 =	vld [tilespmem:$0x190];
	_ =	sdelay $0x7  }
0x80: {  	[tilespmem:v2+s20+$0x0] =	vst.idx.add.f32.msk $0xffff, v1  }
0x81: {  	v2 =	vld [tilespmem:$0x1190];
	_ =	sdelay $0x7  }
0x82: {  	[tilespmem:v2+s21+$0x0] =	vst.idx.add.f32.msk $0xffff, v1  }
0x83: {  	v2 =	vld [tilespmem:$0x1A0];
	_ =	sdelay $0x7  }
0x84: {  	[tilespmem:v2+s20+$0x0] =	vst.idx.add.f32.msk $0xffff, v1  }
0x85: {  	v2 =	vld [tilespmem:$0x11A0];
	_ =	sdelay $0x7  }
0x86: {  	[tilespmem:v2+s21+$0x0] =	vst.idx.add.f32.msk $0xffff, v1  }
0x87: {  	v2 =	vld [tilespmem:$0x1B0];
	_ =	sdelay $0x7  }
0x88: {  	[tilespmem:v2+s20+$0x0] =	vst.idx.add.f32.msk $0xffff, v1  }
0x89: {  	v2 =	vld [tilespmem:$0x11B0];
	_ =	sdelay $0x7  }
0x8a: {  	[tilespmem:v2+s21+$0x0] =	vst.idx.add.f32.msk $0xffff, v1  }
0x8b: {  	v2 =	vld [tilespmem:$0x1C0];
	_ =	sdelay $0x7  }
0x8c: {  	[tilespmem:v2+s20+$0x0] =	vst.idx.add.f32.msk $0xffff, v1  }
0x8d: {  	v2 =	vld [tilespmem:$0x11C0];
	_ =	sdelay $0x7  }
0x8e: {  	[tilespmem:v2+s21+$0x0] =	vst.idx.add.f32.msk $0xffff, v1  }
0x8f: {  	v2 =	vld [tilespmem:$0x1D0];
	_ =	sdelay $0x7  }
0x90: {  	[tilespmem:v2+s20+$0x0] =	vst.idx.add.f32.msk $0xffff, v1  }
0x91: {  	v2 =	vld [tilespmem:$0x11D0];
	_ =	sdelay $0x7  }
0x92: {  	[tilespmem:v2+s21+$0x0] =	vst.idx.add.f32.msk $0xffff, v1  }
0x93: {  	v2 =	vld [tilespmem:$0x1E0];
	_ =	sdelay $0x7  }
0x94: {  	[tilespmem:v2+s20+$0x0] =	vst.idx.add.f32.msk $0xffff, v1  }
0x95: {  	v2 =	vld [tilespmem:$0x11E0];
	_ =	sdelay $0x7  }
0x96: {  	[tilespmem:v2+s21+$0x0] =	vst.idx.add.f32.msk $0xffff, v1  }
0x97: {  	v2 =	vld [tilespmem:$0x1F0];
	_ =	sdelay $0x7  }
0x98: {  	[tilespmem:v2+s20+$0x0] =	vst.idx.add.f32.msk $0xffff, v1  }
0x99: {  	v2 =	vld [tilespmem:$0x11F0];
	_ =	sdelay $0x7  }
0x9a: {  	[tilespmem:v2+s21+$0x0] =	vst.idx.add.f32.msk $0xffff, v1  }
0x9b: {  	v2 =	vld [tilespmem:$0x200];
	_ =	sdelay $0x7  }
0x9c: {  	[tilespmem:v2+s20+$0x0] =	vst.idx.add.f32.msk $0xffff, v1  }
0x9d: {  	v2 =	vld [tilespmem:$0x1200];
	_ =	sdelay $0x7  }
0x9e: {  	[tilespmem:v2+s21+$0x0] =	vst.idx.add.f32.msk $0xffff, v1  }
0x9f: {  	v2 =	vld [tilespmem:$0x210];
	_ =	sdelay $0x7  }
0xa0: {  	[tilespmem:v2+s20+$0x0] =	vst.idx.add.f32.msk $0xffff, v1  }
0xa1: {  	v2 =	vld [tilespmem:$0x1210];
	_ =	sdelay $0x7  }
0xa2: {  	[tilespmem:v2+s21+$0x0] =	vst.idx.add.f32.msk $0xffff, v1  }
0xa3: {  	v2 =	vld [tilespmem:$0x220];
	_ =	sdelay $0x7  }
0xa4: {  	[tilespmem:v2+s20+$0x0] =	vst.idx.add.f32.msk $0xffff, v1  }
0xa5: {  	v2 =	vld [tilespmem:$0x1220];
	_ =	sdelay $0x7  }
0xa6: {  	[tilespmem:v2+s21+$0x0] =	vst.idx.add.f32.msk $0xffff, v1  }
0xa7: {  	v2 =	vld [tilespmem:$0x230];
	_ =	sdelay $0x7  }
0xa8: {  	[tilespmem:v2+s20+$0x0] =	vst.idx.add.f32.msk $0xffff, v1  }
0xa9: {  	v2 =	vld [tilespmem:$0x1230];
	_ =	sdelay $0x7  }
0xaa: {  	[tilespmem:v2+s21+$0x0] =	vst.idx.add.f32.msk $0xffff, v1  }
0xab: {  	v2 =	vld [tilespmem:$0x240];
	_ =	sdelay $0x7  }
0xac: {  	[tilespmem:v2+s20+$0x0] =	vst.idx.add.f32.msk $0xffff, v1  }
0xad: {  	v2 =	vld [tilespmem:$0x1240];
	_ =	sdelay $0x7  }
0xae: {  	[tilespmem:v2+s21+$0x0] =	vst.idx.add.f32.msk $0xffff, v1  }
0xaf: {  	v2 =	vld [tilespmem:$0x250];
	_ =	sdelay $0x7  }
0xb0: {  	[tilespmem:v2+s20+$0x0] =	vst.idx.add.f32.msk $0xffff, v1  }
0xb1: {  	v2 =	vld [tilespmem:$0x1250];
	_ =	sdelay $0x7  }
0xb2: {  	[tilespmem:v2+s21+$0x0] =	vst.idx.add.f32.msk $0xffff, v1  }
0xb3: {  	v2 =	vld [tilespmem:$0x260];
	_ =	sdelay $0x7  }
0xb4: {  	[tilespmem:v2+s20+$0x0] =	vst.idx.add.f32.msk $0xffff, v1  }
0xb5: {  	v2 =	vld [tilespmem:$0x1260];
	_ =	sdelay $0x7  }
0xb6: {  	[tilespmem:v2+s21+$0x0] =	vst.idx.add.f32.msk $0xffff, v1  }
0xb7: {  	v2 =	vld [tilespmem:$0x270];
	_ =	sdelay $0x7  }
0xb8: {  	[tilespmem:v2+s20+$0x0] =	vst.idx.add.f32.msk $0xffff, v1  }
0xb9: {  	v2 =	vld [tilespmem:$0x1270];
	_ =	sdelay $0x7  }
0xba: {  	[tilespmem:v2+s21+$0x0] =	vst.idx.add.f32.msk $0xffff, v1  }
0xbb: {  	v2 =	vld [tilespmem:$0x280];
	_ =	sdelay $0x7  }
0xbc: {  	[tilespmem:v2+s20+$0x0] =	vst.idx.add.f32.msk $0xffff, v1  }
0xbd: {  	v2 =	vld [tilespmem:$0x1280];
	_ =	sdelay $0x7  }
0xbe: {  	[tilespmem:v2+s21+$0x0] =	vst.idx.add.f32.msk $0xffff, v1  }
0xbf: {  	v2 =	vld [tilespmem:$0x290];
	_ =	sdelay $0x7  }
0xc0: {  	[tilespmem:v2+s20+$0x0] =	vst.idx.add.f32.msk $0xffff, v1  }
0xc1: {  	v2 =	vld [tilespmem:$0x1290];
	_ =	sdelay $0x7  }
0xc2: {  	[tilespmem:v2+s21+$0x0] =	vst.idx.add.f32.msk $0xffff, v1  }
0xc3: {  	v2 =	vld [tilespmem:$0x2A0];
	_ =	sdelay $0x7  }
0xc4: {  	[tilespmem:v2+s20+$0x0] =	vst.idx.add.f32.msk $0xffff, v1  }
0xc5: {  	v2 =	vld [tilespmem:$0x12A0];
	_ =	sdelay $0x7  }
0xc6: {  	[tilespmem:v2+s21+$0x0] =	vst.idx.add.f32.msk $0xffff, v1  }
0xc7: {  	v2 =	vld [tilespmem:$0x2B0];
	_ =	sdelay $0x7  }
0xc8: {  	[tilespmem:v2+s20+$0x0] =	vst.idx.add.f32.msk $0xffff, v1  }
0xc9: {  	v2 =	vld [tilespmem:$0x12B0];
	_ =	sdelay $0x7  }
0xca: {  	[tilespmem:v2+s21+$0x0] =	vst.idx.add.f32.msk $0xffff, v1  }
0xcb: {  	v2 =	vld [tilespmem:$0x2C0];
	_ =	sdelay $0x7  }
0xcc: {  	[tilespmem:v2+s20+$0x0] =	vst.idx.add.f32.msk $0xffff, v1  }
0xcd: {  	v2 =	vld [tilespmem:$0x12C0];
	_ =	sdelay $0x7  }
0xce: {  	[tilespmem:v2+s21+$0x0] =	vst.idx.add.f32.msk $0xffff, v1  }
0xcf: {  	v2 =	vld [tilespmem:$0x2D0];
	_ =	sdelay $0x7  }
0xd0: {  	[tilespmem:v2+s20+$0x0] =	vst.idx.add.f32.msk $0xffff, v1  }
0xd1: {  	v2 =	vld [tilespmem:$0x12D0];
	_ =	sdelay $0x7  }
0xd2: {  	[tilespmem:v2+s21+$0x0] =	vst.idx.add.f32.msk $0xffff, v1  }
0xd3: {  	v2 =	vld [tilespmem:$0x2E0];
	_ =	sdelay $0x7  }
0xd4: {  	[tilespmem:v2+s20+$0x0] =	vst.idx.add.f32.msk $0xffff, v1  }
0xd5: {  	v2 =	vld [tilespmem:$0x12E0];
	_ =	sdelay $0x7  }
0xd6: {  	[tilespmem:v2+s21+$0x0] =	vst.idx.add.f32.msk $0xffff, v1  }
0xd7: {  	v2 =	vld [tilespmem:$0x2F0];
	_ =	sdelay $0x7  }
0xd8: {  	[tilespmem:v2+s20+$0x0] =	vst.idx.add.f32.msk $0xffff, v1  }
0xd9: {  	v2 =	vld [tilespmem:$0x12F0];
	_ =	sdelay $0x7  }
0xda: {  	[tilespmem:v2+s21+$0x0] =	vst.idx.add.f32.msk $0xffff, v1  }
0xdb: {  	v2 =	vld [tilespmem:$0x300];
	_ =	sdelay $0x7  }
0xdc: {  	[tilespmem:v2+s20+$0x0] =	vst.idx.add.f32.msk $0xffff, v1  }
0xdd: {  	v2 =	vld [tilespmem:$0x1300];
	_ =	sdelay $0x7  }
0xde: {  	[tilespmem:v2+s21+$0x0] =	vst.idx.add.f32.msk $0xffff, v1  }
0xdf: {  	v2 =	vld [tilespmem:$0x310];
	_ =	sdelay $0x7  }
0xe0: {  	[tilespmem:v2+s20+$0x0] =	vst.idx.add.f32.msk $0xffff, v1  }
0xe1: {  	v2 =	vld [tilespmem:$0x1310];
	_ =	sdelay $0x7  }
0xe2: {  	[tilespmem:v2+s21+$0x0] =	vst.idx.add.f32.msk $0xffff, v1  }
0xe3: {  	v2 =	vld [tilespmem:$0x320];
	_ =	sdelay $0x7  }
0xe4: {  	[tilespmem:v2+s20+$0x0] =	vst.idx.add.f32.msk $0xffff, v1  }
0xe5: {  	v2 =	vld [tilespmem:$0x1320];
	_ =	sdelay $0x7  }
0xe6: {  	[tilespmem:v2+s21+$0x0] =	vst.idx.add.f32.msk $0xffff, v1  }
0xe7: {  	v2 =	vld [tilespmem:$0x330];
	_ =	sdelay $0x7  }
0xe8: {  	[tilespmem:v2+s20+$0x0] =	vst.idx.add.f32.msk $0xffff, v1  }
0xe9: {  	v2 =	vld [tilespmem:$0x1330];
	_ =	sdelay $0x7  }
0xea: {  	[tilespmem:v2+s21+$0x0] =	vst.idx.add.f32.msk $0xffff, v1  }
0xeb: {  	v2 =	vld [tilespmem:$0x340];
	_ =	sdelay $0x7  }
0xec: {  	[tilespmem:v2+s20+$0x0] =	vst.idx.add.f32.msk $0xffff, v1  }
0xed: {  	v2 =	vld [tilespmem:$0x1340];
	_ =	sdelay $0x7  }
0xee: {  	[tilespmem:v2+s21+$0x0] =	vst.idx.add.f32.msk $0xffff, v1  }
0xef: {  	v2 =	vld [tilespmem:$0x350];
	_ =	sdelay $0x7  }
0xf0: {  	[tilespmem:v2+s20+$0x0] =	vst.idx.add.f32.msk $0xffff, v1  }
0xf1: {  	v2 =	vld [tilespmem:$0x1350];
	_ =	sdelay $0x7  }
0xf2: {  	[tilespmem:v2+s21+$0x0] =	vst.idx.add.f32.msk $0xffff, v1  }
0xf3: {  	v2 =	vld [tilespmem:$0x360];
	_ =	sdelay $0x7  }
0xf4: {  	[tilespmem:v2+s20+$0x0] =	vst.idx.add.f32.msk $0xffff, v1  }
0xf5: {  	v2 =	vld [tilespmem:$0x1360];
	_ =	sdelay $0x7  }
0xf6: {  	[tilespmem:v2+s21+$0x0] =	vst.idx.add.f32.msk $0xffff, v1  }
0xf7: {  	v2 =	vld [tilespmem:$0x370];
	_ =	sdelay $0x7  }
0xf8: {  	[tilespmem:v2+s20+$0x0] =	vst.idx.add.f32.msk $0xffff, v1  }
0xf9: {  	v2 =	vld [tilespmem:$0x1370];
	_ =	sdelay $0x7  }
0xfa: {  	[tilespmem:v2+s21+$0x0] =	vst.idx.add.f32.msk $0xffff, v1  }
0xfb: {  	v2 =	vld [tilespmem:$0x380];
	_ =	sdelay $0x7  }
0xfc: {  	[tilespmem:v2+s20+$0x0] =	vst.idx.add.f32.msk $0xffff, v1  }
0xfd: {  	v2 =	vld [tilespmem:$0x1380];
	_ =	sdelay $0x7  }
0xfe: {  	[tilespmem:v2+s21+$0x0] =	vst.idx.add.f32.msk $0xffff, v1  }
0xff: {  	v2 =	vld [tilespmem:$0x390];
	_ =	sdelay $0x7  }
0x100: {  	[tilespmem:v2+s20+$0x0] =	vst.idx.add.f32.msk $0xffff, v1  }
0x101: {  	v2 =	vld [tilespmem:$0x1390];
	_ =	sdelay $0x7  }
0x102: {  	[tilespmem:v2+s21+$0x0] =	vst.idx.add.f32.msk $0xffff, v1  }
0x103: {  	v2 =	vld [tilespmem:$0x3A0];
	_ =	sdelay $0x7  }
0x104: {  	[tilespmem:v2+s20+$0x0] =	vst.idx.add.f32.msk $0xffff, v1  }
0x105: {  	v2 =	vld [tilespmem:$0x13A0];
	_ =	sdelay $0x7  }
0x106: {  	[tilespmem:v2+s21+$0x0] =	vst.idx.add.f32.msk $0xffff, v1  }
0x107: {  	v2 =	vld [tilespmem:$0x3B0];
	_ =	sdelay $0x7  }
0x108: {  	[tilespmem:v2+s20+$0x0] =	vst.idx.add.f32.msk $0xffff, v1  }
0x109: {  	v2 =	vld [tilespmem:$0x13B0];
	_ =	sdelay $0x7  }
0x10a: {  	[tilespmem:v2+s21+$0x0] =	vst.idx.add.f32.msk $0xffff, v1  }
0x10b: {  	v2 =	vld [tilespmem:$0x3C0];
	_ =	sdelay $0x7  }
0x10c: {  	[tilespmem:v2+s20+$0x0] =	vst.idx.add.f32.msk $0xffff, v1  }
0x10d: {  	v2 =	vld [tilespmem:$0x13C0];
	_ =	sdelay $0x7  }
0x10e: {  	[tilespmem:v2+s21+$0x0] =	vst.idx.add.f32.msk $0xffff, v1  }
0x10f: {  	v2 =	vld [tilespmem:$0x3D0];
	_ =	sdelay $0x7  }
0x110: {  	[tilespmem:v2+s20+$0x0] =	vst.idx.add.f32.msk $0xffff, v1  }
0x111: {  	v2 =	vld [tilespmem:$0x13D0];
	_ =	sdelay $0x7  }
0x112: {  	[tilespmem:v2+s21+$0x0] =	vst.idx.add.f32.msk $0xffff, v1  }
0x113: {  	v2 =	vld [tilespmem:$0x3E0];
	_ =	sdelay $0x7  }
0x114: {  	[tilespmem:v2+s20+$0x0] =	vst.idx.add.f32.msk $0xffff, v1  }
0x115: {  	v2 =	vld [tilespmem:$0x13E0];
	_ =	sdelay $0x7  }
0x116: {  	[tilespmem:v2+s21+$0x0] =	vst.idx.add.f32.msk $0xffff, v1  }
0x117: {  	v2 =	vld [tilespmem:$0x3F0];
	_ =	sdelay $0x7  }
0x118: {  	[tilespmem:v2+s20+$0x0] =	vst.idx.add.f32.msk $0xffff, v1  }
0x119: {  	v2 =	vld [tilespmem:$0x13F0];
	_ =	sdelay $0x7  }
0x11a: {  	[tilespmem:v2+s21+$0x0] =	vst.idx.add.f32.msk $0xffff, v1  }
.LBB2_15:
0x11b: {  	[hbm4b:s15+s2] =	stream.linear.scatter [tilespmem:s20], [sflag:$0x1], $0x2800, $0x38;
	[tilespmem:$0x7000] =	vst v63  }
0x11c: {  	s22 =	sadd.s32 $0x1, s22;
	_ =	swait.ge [sflag:s18], $0x2800  }
0x11d: {  	p1 =	sne.s32 s22, s17;
	[sflag:s18] =	ssyncset.done $0x0  }
.Ltmp1:
0x11e: {  	[sflag:s18] =	ssyncadd.s32 $0xFFFFD800;
	(pc) =	sbr.rel @!p1 .LBB2_16-.Ltmp1, $4  }
0x11f: {  	[hbm4b:s16+s2] =	stream.linear.scatter [tilespmem:s21], [sflag:$0x1], $0x2800, $0x38;
	[tilespmem:$0x7000] =	vst v63  }
0x120: {  	_ =	swait.ge [sflag:s18], $0x2800  }
0x121: {  	[sflag:s18] =	ssyncset.done $0x0  }
0x122: {  	[sflag:s18] =	ssyncadd.s32 $0xFFFFD800  }
.LBB2_1:
0x123: {  	s23 =	simm.s32 $0x40;
	s24 =	simm.s32 $0x0  }
.LBB2_2:
0x124: {  	p1 =	sne.s32 s23, $0x9FC0;
	[tilespmem:s24+$0x2000] =	vst v0;
	s25 =	smov.u32 s23;
	s23 =	sadd.s32 $0x40, s23  }
.Ltmp2:
0x125: {  	[tilespmem:s24+$0x4800] =	vst v0;
	(pc) =	sbr.rel @p1 .LBB2_2-.Ltmp2, $2  }
0x126: {  	_ =	sdelay $0x2  }
0x127: {  	s24 =	sshra.s32 s25, $0x2  }
.Ltmp3:
0x128: {  	(pc) =	sbr.rel @p0 .LBB2_14-.Ltmp3, $3  }
0x129: {  	_ =	sdelay $0x1  }
0x12a: {  	[tilespmem:s24+$0x2000] =	vst v0  }
0x12b: {  	[tilespmem:s24+$0x4800] =	vst v0  }
0x12c: {  	s23 =	simm.s32 $0x0  }
0x12d: {  	[tilespmem:s23], [sflag:$0x1] =	stream.linear.gather [hbm4b:s5+s23], $0x1000, $0x38;
	[tilespmem:$0x7000] =	vst v63  }
0x12e: {  	_ =	swait.ge [sflag:s18], $0x1000  }
0x12f: {  	[sflag:s18] =	ssyncset.done $0x0  }
0x130: {  	[sflag:s18] =	ssyncadd.s32 $0xFFFFF000  }
0x131: {  	[tilespmem:s19], [sflag:$0x1] =	stream.linear.gather [hbm4b:s6+s23], $0x1000, $0x38;
	[tilespmem:$0x7000] =	vst v63  }
0x132: {  	_ =	swait.ge [sflag:s18], $0x1000  }
0x133: {  	[sflag:s18] =	ssyncset.done $0x0  }
0x134: {  	[sflag:s18] =	ssyncadd.s32 $0xFFFFF000  }
.LBB2_5:
0x135: {  	s24 =	sshra.s32 s23, $0x2  }
0x136: {  	v2 =	vld [tilespmem:s24+$0x0];
	_ =	sdelay $0x7  }
0x137: {  	[tilespmem:v2+s20+$0x0] =	vst.idx.add.f32.msk $0xffff, v1  }
0x138: {  	v2 =	vld [tilespmem:s24+$0x1000];
	_ =	sdelay $0x7  }
0x139: {  	[tilespmem:v2+s21+$0x0] =	vst.idx.add.f32.msk $0xffff, v1  }
0x13a: {  	v2 =	vld [tilespmem:s24+$0x10];
	_ =	sdelay $0x7  }
0x13b: {  	[tilespmem:v2+s20+$0x0] =	vst.idx.add.f32.msk $0xffff, v1  }
0x13c: {  	v2 =	vld [tilespmem:s24+$0x1010];
	_ =	sdelay $0x7  }
0x13d: {  	[tilespmem:v2+s21+$0x0] =	vst.idx.add.f32.msk $0xffff, v1  }
0x13e: {  	v2 =	vld [tilespmem:s24+$0x20];
	_ =	sdelay $0x7  }
0x13f: {  	[tilespmem:v2+s20+$0x0] =	vst.idx.add.f32.msk $0xffff, v1  }
0x140: {  	v2 =	vld [tilespmem:s24+$0x1020];
	_ =	sdelay $0x7  }
0x141: {  	[tilespmem:v2+s21+$0x0] =	vst.idx.add.f32.msk $0xffff, v1  }
0x142: {  	v2 =	vld [tilespmem:s24+$0x30];
	_ =	sdelay $0x7  }
0x143: {  	[tilespmem:v2+s20+$0x0] =	vst.idx.add.f32.msk $0xffff, v1  }
0x144: {  	v2 =	vld [tilespmem:s24+$0x1030];
	_ =	sdelay $0x7  }
0x145: {  	[tilespmem:v2+s21+$0x0] =	vst.idx.add.f32.msk $0xffff, v1  }
0x146: {  	v2 =	vld [tilespmem:s24+$0x40];
	_ =	sdelay $0x7  }
0x147: {  	[tilespmem:v2+s20+$0x0] =	vst.idx.add.f32.msk $0xffff, v1  }
0x148: {  	v2 =	vld [tilespmem:s24+$0x1040];
	_ =	sdelay $0x7  }
0x149: {  	[tilespmem:v2+s21+$0x0] =	vst.idx.add.f32.msk $0xffff, v1  }
0x14a: {  	v2 =	vld [tilespmem:s24+$0x50];
	_ =	sdelay $0x7  }
0x14b: {  	[tilespmem:v2+s20+$0x0] =	vst.idx.add.f32.msk $0xffff, v1  }
0x14c: {  	v2 =	vld [tilespmem:s24+$0x1050];
	_ =	sdelay $0x7  }
0x14d: {  	[tilespmem:v2+s21+$0x0] =	vst.idx.add.f32.msk $0xffff, v1  }
0x14e: {  	v2 =	vld [tilespmem:s24+$0x60];
	_ =	sdelay $0x7  }
0x14f: {  	[tilespmem:v2+s20+$0x0] =	vst.idx.add.f32.msk $0xffff, v1  }
0x150: {  	v2 =	vld [tilespmem:s24+$0x1060];
	_ =	sdelay $0x7  }
0x151: {  	[tilespmem:v2+s21+$0x0] =	vst.idx.add.f32.msk $0xffff, v1  }
0x152: {  	v2 =	vld [tilespmem:s24+$0x70];
	_ =	sdelay $0x7  }
0x153: {  	[tilespmem:v2+s20+$0x0] =	vst.idx.add.f32.msk $0xffff, v1  }
0x154: {  	v2 =	vld [tilespmem:s24+$0x1070];
	_ =	sdelay $0x2  }
0x155: {  	p1 =	sne.s32 s23, $0x3E00  }
.Ltmp4:
0x156: {  	_ = 	snop;
	(pc) =	sbr.rel @p1 .LBB2_5-.Ltmp4, $2  }
0x157: {  	_ =	sdelay $0x2  }
0x158: {  	s23 =	sadd.s32 $0x200, s23;
	[tilespmem:v2+s21+$0x0] =	vst.idx.add.f32.msk $0xffff, v1  }
0x159: {  	s23 =	simm.s32 $0x0  }
0x15a: {  	[tilespmem:s23], [sflag:$0x1] =	stream.linear.gather [hbm4b:s7+s23], $0x1000, $0x38;
	[tilespmem:$0x7000] =	vst v63  }
0x15b: {  	_ =	swait.ge [sflag:s18], $0x1000  }
0x15c: {  	[sflag:s18] =	ssyncset.done $0x0  }
0x15d: {  	[sflag:s18] =	ssyncadd.s32 $0xFFFFF000  }
0x15e: {  	[tilespmem:s19], [sflag:$0x1] =	stream.linear.gather [hbm4b:s8+s23], $0x1000, $0x38;
	[tilespmem:$0x7000] =	vst v63  }
0x15f: {  	_ =	swait.ge [sflag:s18], $0x1000  }
0x160: {  	[sflag:s18] =	ssyncset.done $0x0  }
0x161: {  	[sflag:s18] =	ssyncadd.s32 $0xFFFFF000  }
.LBB2_7:
0x162: {  	s24 =	sshra.s32 s23, $0x2  }
0x163: {  	v2 =	vld [tilespmem:s24+$0x0];
	_ =	sdelay $0x7  }
0x164: {  	[tilespmem:v2+s20+$0x0] =	vst.idx.add.f32.msk $0xffff, v1  }
0x165: {  	v2 =	vld [tilespmem:s24+$0x1000];
	_ =	sdelay $0x7  }
0x166: {  	[tilespmem:v2+s21+$0x0] =	vst.idx.add.f32.msk $0xffff, v1  }
0x167: {  	v2 =	vld [tilespmem:s24+$0x10];
	_ =	sdelay $0x7  }
0x168: {  	[tilespmem:v2+s20+$0x0] =	vst.idx.add.f32.msk $0xffff, v1  }
0x169: {  	v2 =	vld [tilespmem:s24+$0x1010];
	_ =	sdelay $0x7  }
0x16a: {  	[tilespmem:v2+s21+$0x0] =	vst.idx.add.f32.msk $0xffff, v1  }
0x16b: {  	v2 =	vld [tilespmem:s24+$0x20];
	_ =	sdelay $0x7  }
0x16c: {  	[tilespmem:v2+s20+$0x0] =	vst.idx.add.f32.msk $0xffff, v1  }
0x16d: {  	v2 =	vld [tilespmem:s24+$0x1020];
	_ =	sdelay $0x7  }
0x16e: {  	[tilespmem:v2+s21+$0x0] =	vst.idx.add.f32.msk $0xffff, v1  }
0x16f: {  	v2 =	vld [tilespmem:s24+$0x30];
	_ =	sdelay $0x7  }
0x170: {  	[tilespmem:v2+s20+$0x0] =	vst.idx.add.f32.msk $0xffff, v1  }
0x171: {  	v2 =	vld [tilespmem:s24+$0x1030];
	_ =	sdelay $0x7  }
0x172: {  	[tilespmem:v2+s21+$0x0] =	vst.idx.add.f32.msk $0xffff, v1  }
0x173: {  	v2 =	vld [tilespmem:s24+$0x40];
	_ =	sdelay $0x7  }
0x174: {  	[tilespmem:v2+s20+$0x0] =	vst.idx.add.f32.msk $0xffff, v1  }
0x175: {  	v2 =	vld [tilespmem:s24+$0x1040];
	_ =	sdelay $0x7  }
0x176: {  	[tilespmem:v2+s21+$0x0] =	vst.idx.add.f32.msk $0xffff, v1  }
0x177: {  	v2 =	vld [tilespmem:s24+$0x50];
	_ =	sdelay $0x7  }
0x178: {  	[tilespmem:v2+s20+$0x0] =	vst.idx.add.f32.msk $0xffff, v1  }
0x179: {  	v2 =	vld [tilespmem:s24+$0x1050];
	_ =	sdelay $0x7  }
0x17a: {  	[tilespmem:v2+s21+$0x0] =	vst.idx.add.f32.msk $0xffff, v1  }
0x17b: {  	v2 =	vld [tilespmem:s24+$0x60];
	_ =	sdelay $0x7  }
0x17c: {  	[tilespmem:v2+s20+$0x0] =	vst.idx.add.f32.msk $0xffff, v1  }
0x17d: {  	v2 =	vld [tilespmem:s24+$0x1060];
	_ =	sdelay $0x7  }
0x17e: {  	[tilespmem:v2+s21+$0x0] =	vst.idx.add.f32.msk $0xffff, v1  }
0x17f: {  	v2 =	vld [tilespmem:s24+$0x70];
	_ =	sdelay $0x7  }
0x180: {  	[tilespmem:v2+s20+$0x0] =	vst.idx.add.f32.msk $0xffff, v1  }
0x181: {  	v2 =	vld [tilespmem:s24+$0x1070];
	_ =	sdelay $0x2  }
0x182: {  	p1 =	sne.s32 s23, $0x3E00  }
.Ltmp5:
0x183: {  	_ = 	snop;
	(pc) =	sbr.rel @p1 .LBB2_7-.Ltmp5, $2  }
0x184: {  	_ =	sdelay $0x2  }
0x185: {  	s23 =	sadd.s32 $0x200, s23;
	[tilespmem:v2+s21+$0x0] =	vst.idx.add.f32.msk $0xffff, v1  }
0x186: {  	s23 =	simm.s32 $0x0  }
0x187: {  	[tilespmem:s23], [sflag:$0x1] =	stream.linear.gather [hbm4b:s9+s23], $0x1000, $0x38;
	[tilespmem:$0x7000] =	vst v63  }
0x188: {  	_ =	swait.ge [sflag:s18], $0x1000  }
0x189: {  	[sflag:s18] =	ssyncset.done $0x0  }
0x18a: {  	[sflag:s18] =	ssyncadd.s32 $0xFFFFF000  }
0x18b: {  	[tilespmem:s19], [sflag:$0x1] =	stream.linear.gather [hbm4b:s10+s23], $0x1000, $0x38;
	[tilespmem:$0x7000] =	vst v63  }
0x18c: {  	_ =	swait.ge [sflag:s18], $0x1000  }
0x18d: {  	[sflag:s18] =	ssyncset.done $0x0  }
0x18e: {  	[sflag:s18] =	ssyncadd.s32 $0xFFFFF000  }
.LBB2_9:
0x18f: {  	s24 =	sshra.s32 s23, $0x2  }
0x190: {  	v2 =	vld [tilespmem:s24+$0x0];
	_ =	sdelay $0x7  }
0x191: {  	[tilespmem:v2+s20+$0x0] =	vst.idx.add.f32.msk $0xffff, v1  }
0x192: {  	v2 =	vld [tilespmem:s24+$0x1000];
	_ =	sdelay $0x7  }
0x193: {  	[tilespmem:v2+s21+$0x0] =	vst.idx.add.f32.msk $0xffff, v1  }
0x194: {  	v2 =	vld [tilespmem:s24+$0x10];
	_ =	sdelay $0x7  }
0x195: {  	[tilespmem:v2+s20+$0x0] =	vst.idx.add.f32.msk $0xffff, v1  }
0x196: {  	v2 =	vld [tilespmem:s24+$0x1010];
	_ =	sdelay $0x7  }
0x197: {  	[tilespmem:v2+s21+$0x0] =	vst.idx.add.f32.msk $0xffff, v1  }
0x198: {  	v2 =	vld [tilespmem:s24+$0x20];
	_ =	sdelay $0x7  }
0x199: {  	[tilespmem:v2+s20+$0x0] =	vst.idx.add.f32.msk $0xffff, v1  }
0x19a: {  	v2 =	vld [tilespmem:s24+$0x1020];
	_ =	sdelay $0x7  }
0x19b: {  	[tilespmem:v2+s21+$0x0] =	vst.idx.add.f32.msk $0xffff, v1  }
0x19c: {  	v2 =	vld [tilespmem:s24+$0x30];
	_ =	sdelay $0x7  }
0x19d: {  	[tilespmem:v2+s20+$0x0] =	vst.idx.add.f32.msk $0xffff, v1  }
0x19e: {  	v2 =	vld [tilespmem:s24+$0x1030];
	_ =	sdelay $0x7  }
0x19f: {  	[tilespmem:v2+s21+$0x0] =	vst.idx.add.f32.msk $0xffff, v1  }
0x1a0: {  	v2 =	vld [tilespmem:s24+$0x40];
	_ =	sdelay $0x7  }
0x1a1: {  	[tilespmem:v2+s20+$0x0] =	vst.idx.add.f32.msk $0xffff, v1  }
0x1a2: {  	v2 =	vld [tilespmem:s24+$0x1040];
	_ =	sdelay $0x7  }
0x1a3: {  	[tilespmem:v2+s21+$0x0] =	vst.idx.add.f32.msk $0xffff, v1  }
0x1a4: {  	v2 =	vld [tilespmem:s24+$0x50];
	_ =	sdelay $0x7  }
0x1a5: {  	[tilespmem:v2+s20+$0x0] =	vst.idx.add.f32.msk $0xffff, v1  }
0x1a6: {  	v2 =	vld [tilespmem:s24+$0x1050];
	_ =	sdelay $0x7  }
0x1a7: {  	[tilespmem:v2+s21+$0x0] =	vst.idx.add.f32.msk $0xffff, v1  }
0x1a8: {  	v2 =	vld [tilespmem:s24+$0x60];
	_ =	sdelay $0x7  }
0x1a9: {  	[tilespmem:v2+s20+$0x0] =	vst.idx.add.f32.msk $0xffff, v1  }
0x1aa: {  	v2 =	vld [tilespmem:s24+$0x1060];
	_ =	sdelay $0x7  }
0x1ab: {  	[tilespmem:v2+s21+$0x0] =	vst.idx.add.f32.msk $0xffff, v1  }
0x1ac: {  	v2 =	vld [tilespmem:s24+$0x70];
	_ =	sdelay $0x7  }
0x1ad: {  	[tilespmem:v2+s20+$0x0] =	vst.idx.add.f32.msk $0xffff, v1  }
0x1ae: {  	v2 =	vld [tilespmem:s24+$0x1070];
	_ =	sdelay $0x2  }
0x1af: {  	p1 =	sne.s32 s23, $0x3E00  }
.Ltmp6:
0x1b0: {  	_ = 	snop;
	(pc) =	sbr.rel @p1 .LBB2_9-.Ltmp6, $2  }
0x1b1: {  	_ =	sdelay $0x2  }
0x1b2: {  	s23 =	sadd.s32 $0x200, s23;
	[tilespmem:v2+s21+$0x0] =	vst.idx.add.f32.msk $0xffff, v1  }
0x1b3: {  	s23 =	simm.s32 $0x0  }
0x1b4: {  	[tilespmem:s23], [sflag:$0x1] =	stream.linear.gather [hbm4b:s11+s23], $0x1000, $0x38;
	[tilespmem:$0x7000] =	vst v63  }
0x1b5: {  	_ =	swait.ge [sflag:s18], $0x1000  }
0x1b6: {  	[sflag:s18] =	ssyncset.done $0x0  }
0x1b7: {  	[sflag:s18] =	ssyncadd.s32 $0xFFFFF000  }
0x1b8: {  	[tilespmem:s19], [sflag:$0x1] =	stream.linear.gather [hbm4b:s12+s23], $0x1000, $0x38;
	[tilespmem:$0x7000] =	vst v63  }
0x1b9: {  	_ =	swait.ge [sflag:s18], $0x1000  }
0x1ba: {  	[sflag:s18] =	ssyncset.done $0x0  }
0x1bb: {  	[sflag:s18] =	ssyncadd.s32 $0xFFFFF000  }
.LBB2_11:
0x1bc: {  	s24 =	sshra.s32 s23, $0x2  }
0x1bd: {  	v2 =	vld [tilespmem:s24+$0x0];
	_ =	sdelay $0x7  }
0x1be: {  	[tilespmem:v2+s20+$0x0] =	vst.idx.add.f32.msk $0xffff, v1  }
0x1bf: {  	v2 =	vld [tilespmem:s24+$0x1000];
	_ =	sdelay $0x7  }
0x1c0: {  	[tilespmem:v2+s21+$0x0] =	vst.idx.add.f32.msk $0xffff, v1  }
0x1c1: {  	v2 =	vld [tilespmem:s24+$0x10];
	_ =	sdelay $0x7  }
0x1c2: {  	[tilespmem:v2+s20+$0x0] =	vst.idx.add.f32.msk $0xffff, v1  }
0x1c3: {  	v2 =	vld [tilespmem:s24+$0x1010];
	_ =	sdelay $0x7  }
0x1c4: {  	[tilespmem:v2+s21+$0x0] =	vst.idx.add.f32.msk $0xffff, v1  }
0x1c5: {  	v2 =	vld [tilespmem:s24+$0x20];
	_ =	sdelay $0x7  }
0x1c6: {  	[tilespmem:v2+s20+$0x0] =	vst.idx.add.f32.msk $0xffff, v1  }
0x1c7: {  	v2 =	vld [tilespmem:s24+$0x1020];
	_ =	sdelay $0x7  }
0x1c8: {  	[tilespmem:v2+s21+$0x0] =	vst.idx.add.f32.msk $0xffff, v1  }
0x1c9: {  	v2 =	vld [tilespmem:s24+$0x30];
	_ =	sdelay $0x7  }
0x1ca: {  	[tilespmem:v2+s20+$0x0] =	vst.idx.add.f32.msk $0xffff, v1  }
0x1cb: {  	v2 =	vld [tilespmem:s24+$0x1030];
	_ =	sdelay $0x7  }
0x1cc: {  	[tilespmem:v2+s21+$0x0] =	vst.idx.add.f32.msk $0xffff, v1  }
0x1cd: {  	v2 =	vld [tilespmem:s24+$0x40];
	_ =	sdelay $0x7  }
0x1ce: {  	[tilespmem:v2+s20+$0x0] =	vst.idx.add.f32.msk $0xffff, v1  }
0x1cf: {  	v2 =	vld [tilespmem:s24+$0x1040];
	_ =	sdelay $0x7  }
0x1d0: {  	[tilespmem:v2+s21+$0x0] =	vst.idx.add.f32.msk $0xffff, v1  }
0x1d1: {  	v2 =	vld [tilespmem:s24+$0x50];
	_ =	sdelay $0x7  }
0x1d2: {  	[tilespmem:v2+s20+$0x0] =	vst.idx.add.f32.msk $0xffff, v1  }
0x1d3: {  	v2 =	vld [tilespmem:s24+$0x1050];
	_ =	sdelay $0x7  }
0x1d4: {  	[tilespmem:v2+s21+$0x0] =	vst.idx.add.f32.msk $0xffff, v1  }
0x1d5: {  	v2 =	vld [tilespmem:s24+$0x60];
	_ =	sdelay $0x7  }
0x1d6: {  	[tilespmem:v2+s20+$0x0] =	vst.idx.add.f32.msk $0xffff, v1  }
0x1d7: {  	v2 =	vld [tilespmem:s24+$0x1060];
	_ =	sdelay $0x7  }
0x1d8: {  	[tilespmem:v2+s21+$0x0] =	vst.idx.add.f32.msk $0xffff, v1  }
0x1d9: {  	v2 =	vld [tilespmem:s24+$0x70];
	_ =	sdelay $0x7  }
0x1da: {  	[tilespmem:v2+s20+$0x0] =	vst.idx.add.f32.msk $0xffff, v1  }
0x1db: {  	v2 =	vld [tilespmem:s24+$0x1070];
	_ =	sdelay $0x2  }
0x1dc: {  	p1 =	sne.s32 s23, $0x3E00  }
.Ltmp7:
0x1dd: {  	_ = 	snop;
	(pc) =	sbr.rel @p1 .LBB2_11-.Ltmp7, $2  }
0x1de: {  	_ =	sdelay $0x2  }
0x1df: {  	s23 =	sadd.s32 $0x200, s23;
	[tilespmem:v2+s21+$0x0] =	vst.idx.add.f32.msk $0xffff, v1  }
0x1e0: {  	s23 =	simm.s32 $0x0  }
0x1e1: {  	[tilespmem:s23], [sflag:$0x1] =	stream.linear.gather [hbm4b:s13+s23], $0xC00, $0x38;
	[tilespmem:$0x7000] =	vst v63  }
0x1e2: {  	_ =	swait.ge [sflag:s18], $0xC00  }
0x1e3: {  	[sflag:s18] =	ssyncset.done $0x0  }
0x1e4: {  	[sflag:s18] =	ssyncadd.s32 $0xFFFFF400  }
0x1e5: {  	[tilespmem:s19], [sflag:$0x1] =	stream.linear.gather [hbm4b:s14+s23], $0xC00, $0x38;
	[tilespmem:$0x7000] =	vst v63  }
0x1e6: {  	_ =	swait.ge [sflag:s18], $0xC00  }
0x1e7: {  	[sflag:s18] =	ssyncset.done $0x0  }
0x1e8: {  	[sflag:s18] =	ssyncadd.s32 $0xFFFFF400  }
.LBB2_13:
0x1e9: {  	s24 =	sshra.s32 s23, $0x2  }
0x1ea: {  	v2 =	vld [tilespmem:s24+$0x0];
	_ =	sdelay $0x7  }
0x1eb: {  	[tilespmem:v2+s20+$0x0] =	vst.idx.add.f32.msk $0xffff, v1  }
0x1ec: {  	v2 =	vld [tilespmem:s24+$0x1000];
	_ =	sdelay $0x7  }
0x1ed: {  	[tilespmem:v2+s21+$0x0] =	vst.idx.add.f32.msk $0xffff, v1  }
0x1ee: {  	v2 =	vld [tilespmem:s24+$0x10];
	_ =	sdelay $0x7  }
0x1ef: {  	[tilespmem:v2+s20+$0x0] =	vst.idx.add.f32.msk $0xffff, v1  }
0x1f0: {  	v2 =	vld [tilespmem:s24+$0x1010];
	_ =	sdelay $0x7  }
0x1f1: {  	[tilespmem:v2+s21+$0x0] =	vst.idx.add.f32.msk $0xffff, v1  }
0x1f2: {  	v2 =	vld [tilespmem:s24+$0x20];
	_ =	sdelay $0x7  }
0x1f3: {  	[tilespmem:v2+s20+$0x0] =	vst.idx.add.f32.msk $0xffff, v1  }
0x1f4: {  	v2 =	vld [tilespmem:s24+$0x1020];
	_ =	sdelay $0x7  }
0x1f5: {  	[tilespmem:v2+s21+$0x0] =	vst.idx.add.f32.msk $0xffff, v1  }
0x1f6: {  	v2 =	vld [tilespmem:s24+$0x30];
	_ =	sdelay $0x7  }
0x1f7: {  	[tilespmem:v2+s20+$0x0] =	vst.idx.add.f32.msk $0xffff, v1  }
0x1f8: {  	v2 =	vld [tilespmem:s24+$0x1030];
	_ =	sdelay $0x7  }
0x1f9: {  	[tilespmem:v2+s21+$0x0] =	vst.idx.add.f32.msk $0xffff, v1  }
0x1fa: {  	v2 =	vld [tilespmem:s24+$0x40];
	_ =	sdelay $0x7  }
0x1fb: {  	[tilespmem:v2+s20+$0x0] =	vst.idx.add.f32.msk $0xffff, v1  }
0x1fc: {  	v2 =	vld [tilespmem:s24+$0x1040];
	_ =	sdelay $0x7  }
0x1fd: {  	[tilespmem:v2+s21+$0x0] =	vst.idx.add.f32.msk $0xffff, v1  }
0x1fe: {  	v2 =	vld [tilespmem:s24+$0x50];
	_ =	sdelay $0x7  }
0x1ff: {  	[tilespmem:v2+s20+$0x0] =	vst.idx.add.f32.msk $0xffff, v1  }
0x200: {  	v2 =	vld [tilespmem:s24+$0x1050];
	_ =	sdelay $0x7  }
0x201: {  	[tilespmem:v2+s21+$0x0] =	vst.idx.add.f32.msk $0xffff, v1  }
0x202: {  	v2 =	vld [tilespmem:s24+$0x60];
	_ =	sdelay $0x7  }
0x203: {  	[tilespmem:v2+s20+$0x0] =	vst.idx.add.f32.msk $0xffff, v1  }
0x204: {  	v2 =	vld [tilespmem:s24+$0x1060];
	_ =	sdelay $0x7  }
0x205: {  	[tilespmem:v2+s21+$0x0] =	vst.idx.add.f32.msk $0xffff, v1  }
0x206: {  	v2 =	vld [tilespmem:s24+$0x70];
	_ =	sdelay $0x7  }
0x207: {  	[tilespmem:v2+s20+$0x0] =	vst.idx.add.f32.msk $0xffff, v1  }
0x208: {  	v2 =	vld [tilespmem:s24+$0x1070];
	_ =	sdelay $0x2  }
0x209: {  	p1 =	seq.s32 s23, $0x2E00  }
.Ltmp8:
0x20a: {  	_ = 	snop;
	(pc) =	sbr.rel @!p1 .LBB2_13-.Ltmp8, $2  }
0x20b: {  	_ =	sdelay $0x2  }
0x20c: {  	s23 =	sadd.s32 $0x200, s23;
	[tilespmem:v2+s21+$0x0] =	vst.idx.add.f32.msk $0xffff, v1  }
.Ltmp9:
0x20d: {  	_ = 	snop;
	(pc) =	sbr.rel .LBB2_15-.Ltmp9, $1  }
0x20e: {  	_ =	sdelay $0x3  }
.LBB2_16:
0x20f: {  	_ =	sfence.sel $0x180000  }
0x210: {  	[bflag:$0x0] =	sbarrier.arrive $0xFFFF  }
0x211: {  	p0 =	sne.s32 s1, $0x0;
	_ =	strace $0x90000047  }
0x212: {  	s0 =	sadd.s32 @!p0 $0x100000, s0;
	[bflag:$0x2] =	sbarrier.arrive $0xFFFF  }
0x213: {  	[sflag:s0] =	ssyncadd.tile.s32 @!p0 $0x1;
	_ =	shalt  }
.Lfunc_end2:
_tile_overlayer_lowered:
.L_overlay_start_2:
0x214: {  	(tag) =	ssettag $0x2  }
0x215: {  	s0 =	rddreg [dreg:$0x0];
	s2 =	stileid.u32  }
0x216: {  	s1 =	rddreg [dreg:$0x1];
	p0 =	sne.s32 s2, $0x0  }
0x217: {  	s3 =	rddreg [dreg:$0x2];
	[bflag:$0x3] =	sbarrier.arrive $0xFFFF;
	s2 =	simm.s32 @!p0 $0x1C01  }
0x218: {  	[timem:s3], [sflag:s2] =	dma.local @!p0 [hbm:s0], s1  }
0x219: {  	s0 =	simm.s32 @!p0 $0x1  }
0x21a: {  	_ =	swait.ge @!p0 [sflag:s0], s1  }
0x21b: {  	s1 =	ssub.s32 @!p0 $0x0, s1;
	[sflag:s0] =	ssyncset.done @!p0 $0x0  }
0x21c: {  	[sflag:s0] =	ssyncadd.s32 @!p0 s1  }
0x21d: {  	[bflag:$0x3] =	sbarrier.arrive $0xFFFF  }
0x21e: {  	_ =	shalt  }

</sc_bundles>
